<compile_context>
chip_gen: v7x
topology: tpu7x:2x2x1
jax: 0.10.2.dev20260603
libtpu: 0.0.44.dev20260713+nightly
codegen_flags: <defaults>
</compile_context>

<pallas_src>
import functools

import jax
import jax.numpy as jnp
from jax import lax
from jax.experimental import pallas as pl
from jax.experimental.pallas import tpu as pltpu
from jax.experimental.pallas import tpu_sc as plsc

N = 100000
E = 6400000
B = 4096

NC = 2
NS = 16
NW = NC * NS

GW = 128
CHUNK_E = 2048
TOTAL_CHUNKS = E // CHUNK_E
FB = 12
LAG = 6
PBUF = CHUNK_E + GW
ACC_STRIPE = 6272
ACC_PAD = ACC_STRIPE * NS
DEAD = N

_mesh = plsc.VectorSubcoreMesh(core_axis_name="c", subcore_axis_name="s")


@functools.partial(
    pl.kernel,
    out_type=[
        jax.ShapeDtypeStruct((NC, B), jnp.float32),
        jax.ShapeDtypeStruct((NC, B), jnp.float32),
        jax.ShapeDtypeStruct((B,), jnp.float32),
        jax.ShapeDtypeStruct((B,), jnp.float32),
    ],
    mesh=_mesh,
    compiler_params=pltpu.CompilerParams(needs_layout_passes=False),
    scratch_types=[
        pltpu.VMEM((N,), jnp.int32),
        pltpu.VMEM((3 * CHUNK_E,), jnp.int32),
        pltpu.VMEM((3 * CHUNK_E,), jnp.int32),
        pltpu.VMEM((PBUF,), jnp.int32),
        pltpu.VMEM((PBUF,), jnp.int32),
        pltpu.VMEM((FB, GW), jnp.int32),
        pltpu.VMEM((FB, GW), jnp.int32),
        pltpu.VMEM((FB, GW), jnp.float32),
        pltpu.VMEM((128,), jnp.int32),
        pltpu.VMEM((128,), jnp.float32),
        pltpu.VMEM((128,), jnp.float32),
        pltpu.VMEM((128,), jnp.float32),
        pltpu.VMEM((128,), jnp.float32),
        pltpu.VMEM_SHARED((ACC_PAD,), jnp.float32),
        pltpu.SemaphoreType.DMA((3,)),
        pltpu.SemaphoreType.DMA((FB,)),
        pltpu.SemaphoreType.DMA((FB,)),
    ],
)
def _sc_pagerank(e2, x_hbm, nw_hbm, home_hbm, away_hbm, zeros_f, zeros_i,
                 out_acc_h, out_acc_a, out_xnw_h, out_xnw_a,
                 flag_v, rows_v, cols_v, rbuf, cbuf, rfire, cfire, vfire,
                 idx_v, nw_v, g_v, xg_v, xnw_v, acc_sh,
                 sem_in, sem_g, sem_s):
    cid = lax.axis_index("c")
    sid = lax.axis_index("s")
    wid = cid * NS + sid

    pltpu.sync_copy(zeros_i, flag_v)
    pltpu.sync_copy(home_hbm, rows_v.at[pl.ds(0, B)])
    pltpu.sync_copy(away_hbm, cols_v.at[pl.ds(0, B)])
    ones16 = jnp.ones((16,), jnp.int32)

    def set_body(i, _):
        plsc.store_scatter(flag_v, [rows_v[pl.ds(16 * i, 16)]], ones16)
        plsc.store_scatter(flag_v, [cols_v[pl.ds(16 * i, 16)]], ones16)
        return 0

    lax.fori_loop(0, B // 16, set_body, 0)

    z0 = sid * ACC_STRIPE
    pltpu.sync_copy(zeros_f.at[pl.ds(z0, ACC_STRIPE)],
                    acc_sh.at[pl.ds(z0, ACC_STRIPE)])
    plsc.subcore_barrier()

    n_chunks = 97 + jnp.where(wid < TOTAL_CHUNKS - 97 * NW, 1, 0)

    def load_chunk(c, slot):
        r0 = (c * NW + wid) * CHUNK_E
        b0 = slot * CHUNK_E
        pltpu.async_copy(e2.at[0, pl.ds(r0, CHUNK_E)],
                         rows_v.at[pl.ds(b0, CHUNK_E)], sem_in.at[slot])
        pltpu.async_copy(e2.at[1, pl.ds(r0, CHUNK_E)],
                         cols_v.at[pl.ds(b0, CHUNK_E)], sem_in.at[slot])

    def wait_chunk(c, slot):
        r0 = (c * NW + wid) * CHUNK_E
        b0 = slot * CHUNK_E
        pltpu.make_async_copy(e2.at[0, pl.ds(r0, CHUNK_E)],
                              rows_v.at[pl.ds(b0, CHUNK_E)],
                              sem_in.at[slot]).wait()
        pltpu.make_async_copy(e2.at[1, pl.ds(r0, CHUNK_E)],
                              cols_v.at[pl.ds(b0, CHUNK_E)],
                              sem_in.at[slot]).wait()

    def gather_wait(slot):
        pltpu.make_async_copy(x_hbm.at[rfire.at[slot]], vfire.at[slot],
                              sem_g.at[slot]).wait()

    def scatter_wait(slot):
        pltpu.make_async_copy(vfire.at[slot], acc_sh.at[cfire.at[slot]],
                              sem_s.at[slot]).wait()

    def chain_scatter(t):
        @pl.when(t >= LAG)
        def _():
            pslot = lax.rem(t - LAG, FB)
            gather_wait(pslot)
            pltpu.async_copy(vfire.at[pslot], acc_sh.at[cfire.at[pslot]],
                             sem_s.at[pslot], add=True)

    def flush(pcnt, t):
        nfull = pcnt // GW

        def fbody(j, t):
            slot = lax.rem(t, FB)

            @pl.when(t >= FB)
            def _():
                scatter_wait(slot)
            chain_scatter(t)
            for k in range(GW // 16):
                rfire.at[slot][pl.ds(16 * k, 16)] = (
                    rbuf[pl.ds(j * GW + 16 * k, 16)])
                cfire.at[slot][pl.ds(16 * k, 16)] = (
                    cbuf[pl.ds(j * GW + 16 * k, 16)])
            pltpu.async_copy(x_hbm.at[rfire.at[slot]], vfire.at[slot],
                             sem_g.at[slot])
            return t + 1

        t = lax.fori_loop(0, nfull, fbody, t)
        rem = pcnt - nfull * GW

        @pl.when(nfull > 0)
        def _():
            def mv(k, _):
                rbuf[pl.ds(16 * k, 16)] = rbuf[pl.ds(nfull * GW + 16 * k, 16)]
                cbuf[pl.ds(16 * k, 16)] = cbuf[pl.ds(nfull * GW + 16 * k, 16)]
                return 0
            lax.fori_loop(0, (rem + 15) // 16, mv, 0)

        return rem, t

    load_chunk(0, 0)

    def chunk_body(c, carry):
        pcnt, t = carry
        m = lax.rem(c, 3)
        wait_chunk(c, m)

        @pl.when(c + 1 < n_chunks)
        def _():
            load_chunk(c + 1, lax.rem(c + 1, 3))

        b0 = m * CHUNK_E

        @plsc.parallel_loop(0, CHUNK_E // 16, unroll=16, carry=pcnt)
        def pcnt(i, pcnt):
            o = b0 + 16 * i
            row = rows_v[pl.ds(o, 16)]
            col = cols_v[pl.ds(o, 16)]
            fl = plsc.load_gather(flag_v, [col])
            msk = fl > 0
            plsc.store_compressed(rbuf.at[pl.ds(pcnt, 16)], row, mask=msk)
            plsc.store_compressed(cbuf.at[pl.ds(pcnt, 16)], col, mask=msk)
            pcv = plsc.all_reduce_population_count(msk)
            return pcnt + pcv[0]

        pcnt, t = flush(pcnt, t)
        return (pcnt, t)

    pcnt, t = lax.fori_loop(0, n_chunks, chunk_body,
                            (jnp.int32(0), jnp.int32(0)))

    lane = lax.iota(jnp.int32, 16)
    rem16 = lax.rem(pcnt, 16)
    a0 = pcnt - rem16
    keep = lane < rem16
    rbuf[pl.ds(a0, 16)] = jnp.where(keep, rbuf[pl.ds(a0, 16)], 0)
    cbuf[pl.ds(a0, 16)] = jnp.where(keep, cbuf[pl.ds(a0, 16)], DEAD)
    for k in range(1, GW // 16 + 1):
        rbuf[pl.ds(a0 + 16 * k, 16)] = jnp.zeros((16,), jnp.int32)
        cbuf[pl.ds(a0 + 16 * k, 16)] = jnp.full((16,), DEAD, jnp.int32)
    _, t = flush(jnp.where(pcnt > 0, GW, 0), t)

    for d in range(LAG):
        chain_scatter(t + d)
    for s in range(FB):
        @pl.when(s < t)
        def _():
            scatter_wait(jnp.int32(s))
    plsc.subcore_barrier()

    for role_hbm, out_acc, out_xnw in (
        (home_hbm, out_acc_h, out_xnw_h),
        (away_hbm, out_acc_a, out_xnw_a),
    ):
        for q in range(2):
            base = sid * 256 + q * 128
            pltpu.sync_copy(role_hbm.at[pl.ds(base, 128)], idx_v)
            pltpu.sync_copy(acc_sh.at[idx_v], g_v)
            pltpu.sync_copy(g_v, out_acc.at[cid, pl.ds(base, 128)])

            @pl.when(cid == 0)
            def _():
                pltpu.sync_copy(nw_hbm.at[idx_v], nw_v)
                pltpu.sync_copy(x_hbm.at[idx_v], xg_v)
                for k in range(8):
                    xnw_v[pl.ds(16 * k, 16)] = (
                        xg_v[pl.ds(16 * k, 16)] * nw_v[pl.ds(16 * k, 16)])
                pltpu.sync_copy(xnw_v, out_xnw.at[pl.ds(base, 128)])


def kernel(x, node_weight, edge_index, home, away, W, b):
    x_flat = x.reshape(N)
    nw_flat = node_weight.reshape(N)
    zeros_f = jnp.zeros((ACC_PAD,), jnp.float32)
    zeros_i = jnp.zeros((N,), jnp.int32)

    acc_h, acc_a, xnw_h, xnw_a = _sc_pagerank(
        edge_index, x_flat, nw_flat, home, away, zeros_f, zeros_i)

    w00 = W[0, 0]
    th = xnw_h + (acc_h[0] + acc_h[1]) * w00 + b[0]
    ta = xnw_a + (acc_a[0] + acc_a[1]) * w00 + b[0]
    out = jnp.sign(jax.nn.sigmoid(th) - jax.nn.sigmoid(ta))
    return out.reshape(B, 1)

# --- scband reference (transcript-rebuilt; emitter-appended) ---
"""Pipeline reference for scband-page-rank-63934883169038 (READ-ONLY COPY).

The authoritative reference and input builder live on the scoring server;
editing this copy changes nothing except your own understanding.
"""

import jax, jax.numpy as jnp
import numpy as np

N = 100000
E = 6400000
B = 4096

def setup_inputs(seed: int = 0) -> dict:
    key = jax.random.key(seed)
    k1, k2, k3, k4, k5 = jax.random.split(key, 5)
    x = jax.random.normal(k1, (N, 1), dtype=jnp.float32)
    node_weight = jax.random.uniform(k2, (N, 1), dtype=jnp.float32)
    edge_index = jax.random.randint(k3, (2, E), 0, N, dtype=jnp.int32)
    home = jax.random.randint(k4, (B,), 0, N, dtype=jnp.int32)
    away = jax.random.randint(k5, (B,), 0, N, dtype=jnp.int32)
    # Learned params: module forces conv.weight = ones(1,1); GCNConv bias init = zeros(1)
    W = jnp.ones((1, 1), dtype=jnp.float32)
    b = jnp.zeros((1,), dtype=jnp.float32)
    return {"x": x, "node_weight": node_weight, "edge_index": edge_index, "home": home, "away": away, "W": W, "b": b}

def reference(x, node_weight, edge_index, home, away, W, b):
    # training=True branch of PageRank.forward
    xr = x.reshape(-1, 1)
    row, col = edge_index[0], edge_index[1]
    # Manually-set cache = [edge_index, ones(E)] bypasses gcn_norm, so
    # edge_weight is all-ones and no degree normalization is applied.
    edge_weight = jnp.ones((edge_index.shape[1],), dtype=xr.dtype)
    h = xr @ W  # linear transform (weight forced to 1)
    msg = h[row] * edge_weight[:, None]           # gather + per-edge weight
    agg = jnp.zeros_like(h).at[col].add(msg)      # scatter-add to dst nodes
    conv_out = agg + b
    new_x = x * node_weight + conv_out            # data.x *= node_weight; data.x += x
    new_x = jax.nn.sigmoid(new_x)                 # act
    output = new_x[home] - new_x[away]
    return jnp.sign(output)

if __name__ == "__main__":
    import jax
    _d = setup_inputs()
    print(jax.jit(kernel)(*tuple(_d.values())))

</pallas_src>

<mosaic_0001>
#map = affine_map<(d0, d1) -> (0, 0)>
#map1 = affine_map<(d0, d1) -> (0)>
module attributes {stable_mosaic.version = 14 : i64} {
  func.func @_sc_pagerank(%arg0: i32, %arg1: i32, %arg2: memref<2x6400000xi32, #tpu.memory_space<hbm>>, %arg3: memref<100000xf32, #tpu.memory_space<hbm>>, %arg4: memref<100000xf32, #tpu.memory_space<hbm>>, %arg5: memref<4096xi32, #tpu.memory_space<hbm>>, %arg6: memref<4096xi32, #tpu.memory_space<hbm>>, %arg7: memref<100352xf32, #tpu.memory_space<hbm>>, %arg8: memref<100000xi32, #tpu.memory_space<hbm>>, %arg9: memref<2x4096xf32, #tpu.memory_space<hbm>>, %arg10: memref<2x4096xf32, #tpu.memory_space<hbm>>, %arg11: memref<4096xf32, #tpu.memory_space<hbm>>, %arg12: memref<4096xf32, #tpu.memory_space<hbm>>, %arg13: memref<100000xi32, #tpu.memory_space<vmem>>, %arg14: memref<6144xi32, #tpu.memory_space<vmem>>, %arg15: memref<6144xi32, #tpu.memory_space<vmem>>, %arg16: memref<2176xi32, #tpu.memory_space<vmem>>, %arg17: memref<2176xi32, #tpu.memory_space<vmem>>, %arg18: memref<12x128xi32, #tpu.memory_space<vmem>>, %arg19: memref<12x128xi32, #tpu.memory_space<vmem>>, %arg20: memref<12x128xf32, #tpu.memory_space<vmem>>, %arg21: memref<128xi32, #tpu.memory_space<vmem>>, %arg22: memref<128xf32, #tpu.memory_space<vmem>>, %arg23: memref<128xf32, #tpu.memory_space<vmem>>, %arg24: memref<128xf32, #tpu.memory_space<vmem>>, %arg25: memref<128xf32, #tpu.memory_space<vmem>>, %arg26: memref<100352xf32, #tpu.memory_space<vmem_shared>>, %arg27: memref<3x!tpu.dma_semaphore, #tpu.memory_space<semaphore_mem>>, %arg28: memref<12x!tpu.dma_semaphore, #tpu.memory_space<semaphore_mem>>, %arg29: memref<12x!tpu.dma_semaphore, #tpu.memory_space<semaphore_mem>>) attributes {dimension_semantics = [#tpu.dimension_semantics<core_parallel>, #tpu.dimension_semantics<subcore_parallel>], iteration_bounds = array<i64: 2, 16>, scalar_prefetch = 0 : i64, scratch_operands = 17 : i64, tpu.core_type = #tpu.core_type<sc_vector_subcore>, window_params = [{transform_indices = #map}, {transform_indices = #map1}, {transform_indices = #map1}, {transform_indices = #map1}, {transform_indices = #map1}, {transform_indices = #map1}, {transform_indices = #map1}, {transform_indices = #map}, {transform_indices = #map}, {transform_indices = #map1}, {transform_indices = #map1}]} {
    %mul3A = arith.constant 16 : i32
    %mul3A_0 = arith.muli %arg0, %mul3A : i32
    %add3A = arith.addi %mul3A_0, %arg1 : i32
    "tpu.region"() ({
      %run_scoped3A = tpu.sem_alloc : memref<!tpu.dma_semaphore, #tpu.memory_space<semaphore_mem>>
      tpu.enqueue_dma source(%arg8 : memref<100000xi32, #tpu.memory_space<hbm>>) target(%arg13 : memref<100000xi32, #tpu.memory_space<vmem>>) target_semaphore(%run_scoped3A : memref<!tpu.dma_semaphore, #tpu.memory_space<semaphore_mem>>)
      tpu.wait_dma2 semaphore(%run_scoped3A : memref<!tpu.dma_semaphore, #tpu.memory_space<semaphore_mem>>) src(%arg8 : memref<100000xi32, #tpu.memory_space<hbm>>) dst(%arg13 : memref<100000xi32, #tpu.memory_space<vmem>>)
      tpu.yield
    }) : () -> ()
    "tpu.region"() ({
      %run_scoped3A = tpu.sem_alloc : memref<!tpu.dma_semaphore, #tpu.memory_space<semaphore_mem>>
      %dma_start3A_342 = arith.constant 0 : i32
      %dma_start3A_343 = tpu.memref_slice %arg14[%dma_start3A_342] : memref<6144xi32, #tpu.memory_space<vmem>> -> memref<4096xi32, #tpu.memory_space<vmem>>
      %dma_start3A_344 = arith.constant 0 : i32
      %dma_start3A_345 = tpu.memref_slice %arg14[%dma_start3A_344] : memref<6144xi32, #tpu.memory_space<vmem>> -> memref<4096xi32, #tpu.memory_space<vmem>>
      tpu.enqueue_dma source(%arg5 : memref<4096xi32, #tpu.memory_space<hbm>>) target(%dma_start3A_345 : memref<4096xi32, #tpu.memory_space<vmem>>) target_semaphore(%run_scoped3A : memref<!tpu.dma_semaphore, #tpu.memory_space<semaphore_mem>>)
      %dma_wait3A = arith.constant 0 : i32
      %dma_wait3A_346 = tpu.memref_slice %arg14[%dma_wait3A] : memref<6144xi32, #tpu.memory_space<vmem>> -> memref<4096xi32, #tpu.memory_space<vmem>>
      %dma_wait3A_347 = arith.constant 0 : i32
      %dma_wait3A_348 = tpu.memref_slice %arg14[%dma_wait3A_347] : memref<6144xi32, #tpu.memory_space<vmem>> -> memref<4096xi32, #tpu.memory_space<vmem>>
      tpu.wait_dma2 semaphore(%run_scoped3A : memref<!tpu.dma_semaphore, #tpu.memory_space<semaphore_mem>>) src(%arg5 : memref<4096xi32, #tpu.memory_space<hbm>>) dst(%dma_wait3A_348 : memref<4096xi32, #tpu.memory_space<vmem>>)
      tpu.yield
    }) : () -> ()
    "tpu.region"() ({
      %run_scoped3A = tpu.sem_alloc : memref<!tpu.dma_semaphore, #tpu.memory_space<semaphore_mem>>
      %dma_start3A_342 = arith.constant 0 : i32
      %dma_start3A_343 = tpu.memref_slice %arg15[%dma_start3A_342] : memref<6144xi32, #tpu.memory_space<vmem>> -> memref<4096xi32, #tpu.memory_space<vmem>>
      %dma_start3A_344 = arith.constant 0 : i32
      %dma_start3A_345 = tpu.memref_slice %arg15[%dma_start3A_344] : memref<6144xi32, #tpu.memory_space<vmem>> -> memref<4096xi32, #tpu.memory_space<vmem>>
      tpu.enqueue_dma source(%arg6 : memref<4096xi32, #tpu.memory_space<hbm>>) target(%dma_start3A_345 : memref<4096xi32, #tpu.memory_space<vmem>>) target_semaphore(%run_scoped3A : memref<!tpu.dma_semaphore, #tpu.memory_space<semaphore_mem>>)
      %dma_wait3A = arith.constant 0 : i32
      %dma_wait3A_346 = tpu.memref_slice %arg15[%dma_wait3A] : memref<6144xi32, #tpu.memory_space<vmem>> -> memref<4096xi32, #tpu.memory_space<vmem>>
      %dma_wait3A_347 = arith.constant 0 : i32
      %dma_wait3A_348 = tpu.memref_slice %arg15[%dma_wait3A_347] : memref<6144xi32, #tpu.memory_space<vmem>> -> memref<4096xi32, #tpu.memory_space<vmem>>
      tpu.wait_dma2 semaphore(%run_scoped3A : memref<!tpu.dma_semaphore, #tpu.memory_space<semaphore_mem>>) src(%arg6 : memref<4096xi32, #tpu.memory_space<hbm>>) dst(%dma_wait3A_348 : memref<4096xi32, #tpu.memory_space<vmem>>)
      tpu.yield
    }) : () -> ()
    %broadcast_in_dim3A = arith.constant 1 : i32
    %broadcast_in_dim3A_1 = vector.broadcast %broadcast_in_dim3A : i32 to vector<16xi32>
    %scan3A = arith.constant 0 : i32
    %scan3A_2 = arith.constant 0 : i32
    %scan3A_3 = arith.constant 256 : i32
    %scan3A_4 = arith.addi %scan3A_2, %scan3A_3 : i32
    %scan3A_5 = arith.constant 1 : i32
    %scan3A_6 = scf.for %scan3A_342 = %scan3A_2 to %scan3A_4 step %scan3A_5 iter_args(%scan3A_343 = %scan3A) -> (i32)  : i32 {
      %mul3A_344 = arith.constant 16 : i32
      %mul3A_345 = arith.muli %mul3A_344, %scan3A_342 : i32
      %get3A_346 = arith.index_cast %mul3A_345 : i32 to index
      %get3A_347 = tpu.vector_load %arg14[%get3A_346] {strides = array<i32>} : memref<6144xi32, #tpu.memory_space<vmem>>, vector<16xi32>,
      tpu.vector_store_idx %arg13[%get3A_347], %broadcast_in_dim3A_1 : memref<100000xi32, #tpu.memory_space<vmem>>[vector<16xi32>], vector<16xi32>,
      %mul3A_348 = arith.constant 16 : i32
      %mul3A_349 = arith.muli %mul3A_348, %scan3A_342 : i32
      %get3A_350 = arith.index_cast %mul3A_349 : i32 to index
      %get3A_351 = tpu.vector_load %arg15[%get3A_350] {strides = array<i32>} : memref<6144xi32, #tpu.memory_space<vmem>>, vector<16xi32>,
      tpu.vector_store_idx %arg13[%get3A_351], %broadcast_in_dim3A_1 : memref<100000xi32, #tpu.memory_space<vmem>>[vector<16xi32>], vector<16xi32>,
      %scan3A_352 = arith.constant 0 : i32
      scf.yield %scan3A_352 : i32
    }
    %scan3A_7 = arith.constant 256 : i32
    %mul3A_8 = arith.constant 6272 : i32
    %mul3A_9 = arith.muli %arg1, %mul3A_8 : i32
    "tpu.region"() ({
      %run_scoped3A = tpu.sem_alloc : memref<!tpu.dma_semaphore, #tpu.memory_space<semaphore_mem>>
      %dma_start3A_342 = tpu.memref_slice %arg26[%mul3A_9] : memref<100352xf32, #tpu.memory_space<vmem_shared>> -> memref<6272xf32, #tpu.memory_space<vmem_shared>>
      %dma_start3A_343 = tpu.memref_slice %arg7[%mul3A_9] : memref<100352xf32, #tpu.memory_space<hbm>> -> memref<6272xf32, #tpu.memory_space<hbm>>
      tpu.enqueue_dma source(%dma_start3A_343 : memref<6272xf32, #tpu.memory_space<hbm>>) target(%dma_start3A_342 : memref<6272xf32, #tpu.memory_space<vmem_shared>>) target_semaphore(%run_scoped3A : memref<!tpu.dma_semaphore, #tpu.memory_space<semaphore_mem>>)
      %dma_wait3A = tpu.memref_slice %arg26[%mul3A_9] : memref<100352xf32, #tpu.memory_space<vmem_shared>> -> memref<6272xf32, #tpu.memory_space<vmem_shared>>
      %dma_wait3A_344 = tpu.memref_slice %arg7[%mul3A_9] : memref<100352xf32, #tpu.memory_space<hbm>> -> memref<6272xf32, #tpu.memory_space<hbm>>
      tpu.wait_dma2 semaphore(%run_scoped3A : memref<!tpu.dma_semaphore, #tpu.memory_space<semaphore_mem>>) src(%dma_wait3A_344 : memref<6272xf32, #tpu.memory_space<hbm>>) dst(%dma_wait3A : memref<6272xf32, #tpu.memory_space<vmem_shared>>)
      tpu.yield
    }) : () -> ()
    %barrier3A = arith.constant 0 : index
    tpu.barrier barrier_id(%barrier3A)
    %lt3A = arith.constant 21 : i32
    %lt3A_10 = arith.cmpi slt, %add3A, %lt3A : i32
    %jit3A = arith.constant 1 : i32
    %jit3A_11 = arith.constant 0 : i32
    %select_n3A = arith.select %lt3A_10, %jit3A, %jit3A_11 : i32
    %add3A_12 = arith.constant 97 : i32
    %add3A_13 = arith.addi %add3A_12, %select_n3A : i32
    %add3A_14 = arith.constant 0 : i32
    %add3A_15 = arith.addi %add3A_14, %add3A : i32
    %mul3A_16 = arith.constant 2048 : i32
    %mul3A_17 = arith.muli %add3A_15, %mul3A_16 : i32
    %dma_start3A = arith.constant 0 : i32
    %dma_start3A_18 = arith.constant 0 : i32
    %dma_start3A_19 = arith.constant 0 : i32
    %dma_start3A_20 = tpu.memref_slice %arg14[%dma_start3A_19] : memref<6144xi32, #tpu.memory_space<vmem>> -> memref<2048xi32, #tpu.memory_space<vmem>>
    %dma_start3A_21 = tpu.memref_slice %arg2[%dma_start3A, %mul3A_17] : memref<2x6400000xi32, #tpu.memory_space<hbm>> -> memref<1x2048xi32, #tpu.memory_space<hbm>>
    %dma_start3A_22 = tpu.memref_squeeze %dma_start3A_21 : memref<1x2048xi32, #tpu.memory_space<hbm>> -> memref<2048xi32, #tpu.memory_space<hbm>>
    %dma_start3A_23 = tpu.memref_slice %arg27[%dma_start3A_18] : memref<3x!tpu.dma_semaphore, #tpu.memory_space<semaphore_mem>> -> memref<1x!tpu.dma_semaphore, #tpu.memory_space<semaphore_mem>>
    %dma_start3A_24 = tpu.memref_squeeze %dma_start3A_23 : memref<1x!tpu.dma_semaphore, #tpu.memory_space<semaphore_mem>> -> memref<!tpu.dma_semaphore, #tpu.memory_space<semaphore_mem>>
    %dma_start3A_25 = arith.constant 0 : i32
    %dma_start3A_26 = tpu.memref_slice %arg14[%dma_start3A_25] : memref<6144xi32, #tpu.memory_space<vmem>> -> memref<2048xi32, #tpu.memory_space<vmem>>
    %dma_start3A_27 = tpu.memref_slice %arg2[%dma_start3A, %mul3A_17] : memref<2x6400000xi32, #tpu.memory_space<hbm>> -> memref<1x2048xi32, #tpu.memory_space<hbm>>
    %dma_start3A_28 = tpu.memref_squeeze %dma_start3A_27 : memref<1x2048xi32, #tpu.memory_space<hbm>> -> memref<2048xi32, #tpu.memory_space<hbm>>
    tpu.enqueue_dma source(%dma_start3A_28 : memref<2048xi32, #tpu.memory_space<hbm>>) target(%dma_start3A_26 : memref<2048xi32, #tpu.memory_space<vmem>>) target_semaphore(%dma_start3A_24 : memref<!tpu.dma_semaphore, #tpu.memory_space<semaphore_mem>>)
    %dma_start3A_29 = arith.constant 1 : i32
    %dma_start3A_30 = arith.constant 0 : i32
    %dma_start3A_31 = arith.constant 0 : i32
    %dma_start3A_32 = tpu.memref_slice %arg15[%dma_start3A_31] : memref<6144xi32, #tpu.memory_space<vmem>> -> memref<2048xi32, #tpu.memory_space<vmem>>
    %dma_start3A_33 = tpu.memref_slice %arg2[%dma_start3A_29, %mul3A_17] : memref<2x6400000xi32, #tpu.memory_space<hbm>> -> memref<1x2048xi32, #tpu.memory_space<hbm>>
    %dma_start3A_34 = tpu.memref_squeeze %dma_start3A_33 : memref<1x2048xi32, #tpu.memory_space<hbm>> -> memref<2048xi32, #tpu.memory_space<hbm>>
    %dma_start3A_35 = tpu.memref_slice %arg27[%dma_start3A_30] : memref<3x!tpu.dma_semaphore, #tpu.memory_space<semaphore_mem>> -> memref<1x!tpu.dma_semaphore, #tpu.memory_space<semaphore_mem>>
    %dma_start3A_36 = tpu.memref_squeeze %dma_start3A_35 : memref<1x!tpu.dma_semaphore, #tpu.memory_space<semaphore_mem>> -> memref<!tpu.dma_semaphore, #tpu.memory_space<semaphore_mem>>
    %dma_start3A_37 = arith.constant 0 : i32
    %dma_start3A_38 = tpu.memref_slice %arg15[%dma_start3A_37] : memref<6144xi32, #tpu.memory_space<vmem>> -> memref<2048xi32, #tpu.memory_space<vmem>>
    %dma_start3A_39 = tpu.memref_slice %arg2[%dma_start3A_29, %mul3A_17] : memref<2x6400000xi32, #tpu.memory_space<hbm>> -> memref<1x2048xi32, #tpu.memory_space<hbm>>
    %dma_start3A_40 = tpu.memref_squeeze %dma_start3A_39 : memref<1x2048xi32, #tpu.memory_space<hbm>> -> memref<2048xi32, #tpu.memory_space<hbm>>
    tpu.enqueue_dma source(%dma_start3A_40 : memref<2048xi32, #tpu.memory_space<hbm>>) target(%dma_start3A_38 : memref<2048xi32, #tpu.memory_space<vmem>>) target_semaphore(%dma_start3A_36 : memref<!tpu.dma_semaphore, #tpu.memory_space<semaphore_mem>>)
    %while3A = arith.constant 0 : i32
    %while3A_41 = arith.constant 0 : i32
    %while3A_42 = arith.constant 0 : i32
    %while3A_43 = arith.subi %add3A_13, %while3A : i32
    %while3A_44 = arith.addi %while3A, %while3A_43 : i32
    %while3A_45 = arith.constant 1 : i32
    %while3A_46 = arith.divsi %while3A_43, %while3A_45 : i32
    %while3A_47 = arith.muli %while3A_46, %while3A_45 : i32
    %while3A_48 = arith.addi %while3A, %while3A_47 : i32
    %while3A_49 = arith.constant 1 : i32
    %while3A_50:2 = scf.for %while3A_342 = %while3A to %while3A_48 step %while3A_49 iter_args(%while3A_343 = %while3A_41, %while3A_344 = %while3A_42) -> (i32, i32)  : i32 {
      %rem3A_345 = arith.constant 3 : i32
      %rem3A_346 = arith.remsi %while3A_342, %rem3A_345 : i32
      %mul3A_347 = arith.constant 32 : i32
      %mul3A_348 = arith.muli %while3A_342, %mul3A_347 : i32
      %add3A_349 = arith.addi %mul3A_348, %add3A : i32
      %mul3A_350 = arith.constant 2048 : i32
      %mul3A_351 = arith.muli %add3A_349, %mul3A_350 : i32
      %mul3A_352 = arith.constant 2048 : i32
      %mul3A_353 = arith.muli %rem3A_346, %mul3A_352 : i32
      %dma_wait3A = arith.constant 0 : i32
      %dma_wait3A_354 = tpu.memref_slice %arg14[%mul3A_353] : memref<6144xi32, #tpu.memory_space<vmem>> -> memref<2048xi32, #tpu.memory_space<vmem>>
      %dma_wait3A_355 = tpu.memref_slice %arg2[%dma_wait3A, %mul3A_351] : memref<2x6400000xi32, #tpu.memory_space<hbm>> -> memref<1x2048xi32, #tpu.memory_space<hbm>>
      %dma_wait3A_356 = tpu.memref_squeeze %dma_wait3A_355 : memref<1x2048xi32, #tpu.memory_space<hbm>> -> memref<2048xi32, #tpu.memory_space<hbm>>
      %dma_wait3A_357 = tpu.memref_slice %arg27[%rem3A_346] : memref<3x!tpu.dma_semaphore, #tpu.memory_space<semaphore_mem>> -> memref<1x!tpu.dma_semaphore, #tpu.memory_space<semaphore_mem>>
      %dma_wait3A_358 = tpu.memref_squeeze %dma_wait3A_357 : memref<1x!tpu.dma_semaphore, #tpu.memory_space<semaphore_mem>> -> memref<!tpu.dma_semaphore, #tpu.memory_space<semaphore_mem>>
      %dma_wait3A_359 = tpu.memref_slice %arg14[%mul3A_353] : memref<6144xi32, #tpu.memory_space<vmem>> -> memref<2048xi32, #tpu.memory_space<vmem>>
      %dma_wait3A_360 = tpu.memref_slice %arg2[%dma_wait3A, %mul3A_351] : memref<2x6400000xi32, #tpu.memory_space<hbm>> -> memref<1x2048xi32, #tpu.memory_space<hbm>>
      %dma_wait3A_361 = tpu.memref_squeeze %dma_wait3A_360 : memref<1x2048xi32, #tpu.memory_space<hbm>> -> memref<2048xi32, #tpu.memory_space<hbm>>
      tpu.wait_dma2 semaphore(%dma_wait3A_358 : memref<!tpu.dma_semaphore, #tpu.memory_space<semaphore_mem>>) src(%dma_wait3A_361 : memref<2048xi32, #tpu.memory_space<hbm>>) dst(%dma_wait3A_359 : memref<2048xi32, #tpu.memory_space<vmem>>)
      %dma_wait3A_362 = arith.constant 1 : i32
      %dma_wait3A_363 = tpu.memref_slice %arg15[%mul3A_353] : memref<6144xi32, #tpu.memory_space<vmem>> -> memref<2048xi32, #tpu.memory_space<vmem>>
      %dma_wait3A_364 = tpu.memref_slice %arg2[%dma_wait3A_362, %mul3A_351] : memref<2x6400000xi32, #tpu.memory_space<hbm>> -> memref<1x2048xi32, #tpu.memory_space<hbm>>
      %dma_wait3A_365 = tpu.memref_squeeze %dma_wait3A_364 : memref<1x2048xi32, #tpu.memory_space<hbm>> -> memref<2048xi32, #tpu.memory_space<hbm>>
      %dma_wait3A_366 = tpu.memref_slice %arg27[%rem3A_346] : memref<3x!tpu.dma_semaphore, #tpu.memory_space<semaphore_mem>> -> memref<1x!tpu.dma_semaphore, #tpu.memory_space<semaphore_mem>>
      %dma_wait3A_367 = tpu.memref_squeeze %dma_wait3A_366 : memref<1x!tpu.dma_semaphore, #tpu.memory_space<semaphore_mem>> -> memref<!tpu.dma_semaphore, #tpu.memory_space<semaphore_mem>>
      %dma_wait3A_368 = tpu.memref_slice %arg15[%mul3A_353] : memref<6144xi32, #tpu.memory_space<vmem>> -> memref<2048xi32, #tpu.memory_space<vmem>>
      %dma_wait3A_369 = tpu.memref_slice %arg2[%dma_wait3A_362, %mul3A_351] : memref<2x6400000xi32, #tpu.memory_space<hbm>> -> memref<1x2048xi32, #tpu.memory_space<hbm>>
      %dma_wait3A_370 = tpu.memref_squeeze %dma_wait3A_369 : memref<1x2048xi32, #tpu.memory_space<hbm>> -> memref<2048xi32, #tpu.memory_space<hbm>>
      tpu.wait_dma2 semaphore(%dma_wait3A_367 : memref<!tpu.dma_semaphore, #tpu.memory_space<semaphore_mem>>) src(%dma_wait3A_370 : memref<2048xi32, #tpu.memory_space<hbm>>) dst(%dma_wait3A_368 : memref<2048xi32, #tpu.memory_space<vmem>>)
      %add3A_371 = arith.constant 1 : i32
      %add3A_372 = arith.addi %while3A_342, %add3A_371 : i32
      %lt3A_373 = arith.cmpi slt, %add3A_372, %add3A_13 : i32
      %convert_element_type3A_374 = arith.extui %lt3A_373 : i1 to i32
      %cond3A_375 = arith.constant 0 : i32
      %cond3A_376 = arith.cmpi ne, %convert_element_type3A_374, %cond3A_375 : i32
      scf.if %cond3A_376 {
        %add3A_425 = arith.constant 1 : i32
        %add3A_426 = arith.addi %while3A_342, %add3A_425 : i32
        %add3A_427 = arith.constant 1 : i32
        %add3A_428 = arith.addi %while3A_342, %add3A_427 : i32
        %rem3A_429 = arith.constant 3 : i32
        %rem3A_430 = arith.remsi %add3A_428, %rem3A_429 : i32
        %mul3A_431 = arith.constant 32 : i32
        %mul3A_432 = arith.muli %add3A_426, %mul3A_431 : i32
        %add3A_433 = arith.addi %mul3A_432, %add3A : i32
        %mul3A_434 = arith.constant 2048 : i32
        %mul3A_435 = arith.muli %add3A_433, %mul3A_434 : i32
        %mul3A_436 = arith.constant 2048 : i32
        %mul3A_437 = arith.muli %rem3A_430, %mul3A_436 : i32
        %dma_start3A_438 = arith.constant 0 : i32
        %dma_start3A_439 = tpu.memref_slice %arg14[%mul3A_437] : memref<6144xi32, #tpu.memory_space<vmem>> -> memref<2048xi32, #tpu.memory_space<vmem>>
        %dma_start3A_440 = tpu.memref_slice %arg2[%dma_start3A_438, %mul3A_435] : memref<2x6400000xi32, #tpu.memory_space<hbm>> -> memref<1x2048xi32, #tpu.memory_space<hbm>>
        %dma_start3A_441 = tpu.memref_squeeze %dma_start3A_440 : memref<1x2048xi32, #tpu.memory_space<hbm>> -> memref<2048xi32, #tpu.memory_space<hbm>>
        %dma_start3A_442 = tpu.memref_slice %arg27[%rem3A_430] : memref<3x!tpu.dma_semaphore, #tpu.memory_space<semaphore_mem>> -> memref<1x!tpu.dma_semaphore, #tpu.memory_space<semaphore_mem>>
        %dma_start3A_443 = tpu.memref_squeeze %dma_start3A_442 : memref<1x!tpu.dma_semaphore, #tpu.memory_space<semaphore_mem>> -> memref<!tpu.dma_semaphore, #tpu.memory_space<semaphore_mem>>
        %dma_start3A_444 = tpu.memref_slice %arg14[%mul3A_437] : memref<6144xi32, #tpu.memory_space<vmem>> -> memref<2048xi32, #tpu.memory_space<vmem>>
        %dma_start3A_445 = tpu.memref_slice %arg2[%dma_start3A_438, %mul3A_435] : memref<2x6400000xi32, #tpu.memory_space<hbm>> -> memref<1x2048xi32, #tpu.memory_space<hbm>>
        %dma_start3A_446 = tpu.memref_squeeze %dma_start3A_445 : memref<1x2048xi32, #tpu.memory_space<hbm>> -> memref<2048xi32, #tpu.memory_space<hbm>>
        tpu.enqueue_dma source(%dma_start3A_446 : memref<2048xi32, #tpu.memory_space<hbm>>) target(%dma_start3A_444 : memref<2048xi32, #tpu.memory_space<vmem>>) target_semaphore(%dma_start3A_443 : memref<!tpu.dma_semaphore, #tpu.memory_space<semaphore_mem>>)
        %dma_start3A_447 = arith.constant 1 : i32
        %dma_start3A_448 = tpu.memref_slice %arg15[%mul3A_437] : memref<6144xi32, #tpu.memory_space<vmem>> -> memref<2048xi32, #tpu.memory_space<vmem>>
        %dma_start3A_449 = tpu.memref_slice %arg2[%dma_start3A_447, %mul3A_435] : memref<2x6400000xi32, #tpu.memory_space<hbm>> -> memref<1x2048xi32, #tpu.memory_space<hbm>>
        %dma_start3A_450 = tpu.memref_squeeze %dma_start3A_449 : memref<1x2048xi32, #tpu.memory_space<hbm>> -> memref<2048xi32, #tpu.memory_space<hbm>>
        %dma_start3A_451 = tpu.memref_slice %arg27[%rem3A_430] : memref<3x!tpu.dma_semaphore, #tpu.memory_space<semaphore_mem>> -> memref<1x!tpu.dma_semaphore, #tpu.memory_space<semaphore_mem>>
        %dma_start3A_452 = tpu.memref_squeeze %dma_start3A_451 : memref<1x!tpu.dma_semaphore, #tpu.memory_space<semaphore_mem>> -> memref<!tpu.dma_semaphore, #tpu.memory_space<semaphore_mem>>
        %dma_start3A_453 = tpu.memref_slice %arg15[%mul3A_437] : memref<6144xi32, #tpu.memory_space<vmem>> -> memref<2048xi32, #tpu.memory_space<vmem>>
        %dma_start3A_454 = tpu.memref_slice %arg2[%dma_start3A_447, %mul3A_435] : memref<2x6400000xi32, #tpu.memory_space<hbm>> -> memref<1x2048xi32, #tpu.memory_space<hbm>>
        %dma_start3A_455 = tpu.memref_squeeze %dma_start3A_454 : memref<1x2048xi32, #tpu.memory_space<hbm>> -> memref<2048xi32, #tpu.memory_space<hbm>>
        tpu.enqueue_dma source(%dma_start3A_455 : memref<2048xi32, #tpu.memory_space<hbm>>) target(%dma_start3A_453 : memref<2048xi32, #tpu.memory_space<vmem>>) target_semaphore(%dma_start3A_452 : memref<!tpu.dma_semaphore, #tpu.memory_space<semaphore_mem>>)
      } else {
      }
      %mul3A_377 = arith.constant 2048 : i32
      %mul3A_378 = arith.muli %rem3A_346, %mul3A_377 : i32
      %parallel_loop3A = arith.constant 0 : i32
      %parallel_loop3A_379 = arith.constant 128 : i32
      %parallel_loop3A_380 = arith.constant 1 : i32
      %parallel_loop3A_381 = scf.for %parallel_loop3A_425 = %parallel_loop3A to %parallel_loop3A_379 step %parallel_loop3A_380 iter_args(%parallel_loop3A_426 = %while3A_343) -> (i32)  : i32 {
        %parallel_loop3A_427 = arith.constant 16 : i32
        %parallel_loop3A_428 = arith.muli %parallel_loop3A_427, %parallel_loop3A_425 : i32
        %parallel_loop3A_429 = arith.addi %mul3A_378, %parallel_loop3A_428 : i32
        %parallel_loop3A_430 = arith.index_cast %parallel_loop3A_429 : i32 to index
        %parallel_loop3A_431 = tpu.vector_load %arg14[%parallel_loop3A_430] {strides = array<i32>} : memref<6144xi32, #tpu.memory_space<vmem>>, vector<16xi32>,
        %parallel_loop3A_432 = arith.index_cast %parallel_loop3A_429 : i32 to index
        %parallel_loop3A_433 = tpu.vector_load %arg15[%parallel_loop3A_432] {strides = array<i32>} : memref<6144xi32, #tpu.memory_space<vmem>>, vector<16xi32>,
        %parallel_loop3A_434 = tpu.vector_load_idx %arg13[%parallel_loop3A_433] : memref<100000xi32, #tpu.memory_space<vmem>>[vector<16xi32>], vector<16xi32>,
        %parallel_loop3A_435 = arith.constant 0 : i32
        %parallel_loop3A_436 = vector.broadcast %parallel_loop3A_435 : i32 to vector<16xi32>
        %parallel_loop3A_437 = arith.cmpi sgt, %parallel_loop3A_434, %parallel_loop3A_436 : vector<16xi32>
        %parallel_loop3A_438 = arith.index_cast %parallel_loop3A_426 : i32 to index
        %parallel_loop3A_439 = tpu.vector_load %arg16[%parallel_loop3A_438] masked %parallel_loop3A_437 {strides = array<i32>} : memref<2176xi32, #tpu.memory_space<vmem>>, vector<16xi32>, vector<16xi1>
        tpu.vector_store %arg16[%parallel_loop3A_438], %parallel_loop3A_431 masked %parallel_loop3A_437 {strides = array<i32>} : memref<2176xi32, #tpu.memory_space<vmem>>, vector<16xi32>, vector<16xi1>
        %parallel_loop3A_440 = arith.index_cast %parallel_loop3A_426 : i32 to index
        %parallel_loop3A_441 = tpu.vector_load %arg17[%parallel_loop3A_440] masked %parallel_loop3A_437 {strides = array<i32>} : memref<2176xi32, #tpu.memory_space<vmem>>, vector<16xi32>, vector<16xi1>
        tpu.vector_store %arg17[%parallel_loop3A_440], %parallel_loop3A_433 masked %parallel_loop3A_437 {strides = array<i32>} : memref<2176xi32, #tpu.memory_space<vmem>>, vector<16xi32>, vector<16xi1>
        %parallel_loop3A_442 = tpu.all_reduce %parallel_loop3A_437 {dim = 0 : i64, kind = #tpu.reduction_kind<sum>} : vector<16xi1> -> vector<16xi32>
        %parallel_loop3A_443 = vector.extract_strided_slice %parallel_loop3A_442 {offsets = [0], sizes = [1], strides = [1]} : vector<16xi32> to vector<1xi32>
        %parallel_loop3A_444 = vector.extract %parallel_loop3A_443[0] : i32 from vector<1xi32>
        %parallel_loop3A_445 = arith.addi %parallel_loop3A_426, %parallel_loop3A_444 : i32
        scf.yield %parallel_loop3A_445 : i32
      } {sc.loop_unroll_factor = 16 : i64, sc.parallel_access}
      %jit3A_382 = arith.constant 128 : i32
      %div3A_383 = arith.divsi %parallel_loop3A_381, %jit3A_382 : i32
      %sign3A_384 = arith.constant 0 : i32
      %sign3A_385 = arith.cmpi sgt, %parallel_loop3A_381, %sign3A_384 : i32
      %sign3A_386 = arith.extui %sign3A_385 : i1 to i32
      %sign3A_387 = arith.constant 0 : i32
      %sign3A_388 = arith.cmpi slt, %parallel_loop3A_381, %sign3A_387 : i32
      %sign3A_389 = arith.extui %sign3A_388 : i1 to i32
      %sign3A_390 = arith.subi %sign3A_386, %sign3A_389 : i32
      %sign3A_391 = arith.constant 0 : i32
      %sign3A_392 = arith.cmpi sgt, %jit3A_382, %sign3A_391 : i32
      %sign3A_393 = arith.extui %sign3A_392 : i1 to i32
      %sign3A_394 = arith.constant 0 : i32
      %sign3A_395 = arith.cmpi slt, %jit3A_382, %sign3A_394 : i32
      %sign3A_396 = arith.extui %sign3A_395 : i1 to i32
      %sign3A_397 = arith.subi %sign3A_393, %sign3A_396 : i32
      %ne3A_398 = arith.cmpi ne, %sign3A_390, %sign3A_397 : i32
      %rem3A_399 = arith.remsi %parallel_loop3A_381, %jit3A_382 : i32
      %ne3A_400 = arith.constant 0 : i32
      %ne3A_401 = arith.cmpi ne, %rem3A_399, %ne3A_400 : i32
      %and3A_402 = arith.andi %ne3A_398, %ne3A_401 : i1
      %sub3A_403 = arith.constant 1 : i32
      %sub3A_404 = arith.subi %div3A_383, %sub3A_403 : i32
      %select_n3A_405 = arith.select %and3A_402, %sub3A_404, %div3A_383 : i32
      %while3A_406 = arith.constant 0 : i32
      %while3A_407 = arith.subi %select_n3A_405, %while3A_406 : i32
      %while3A_408 = arith.addi %while3A_406, %while3A_407 : i32
      %while3A_409 = arith.constant 1 : i32
      %while3A_410 = arith.divsi %while3A_407, %while3A_409 : i32
      %while3A_411 = arith.muli %while3A_410, %while3A_409 : i32
      %while3A_412 = arith.addi %while3A_406, %while3A_411 : i32
      %while3A_413 = arith.constant 1 : i32
      %while3A_414 = scf.for %while3A_425 = %while3A_406 to %while3A_412 step %while3A_413 iter_args(%while3A_426 = %while3A_344) -> (i32)  : i32 {
        %rem3A_427 = arith.constant 12 : i32
        %rem3A_428 = arith.remsi %while3A_426, %rem3A_427 : i32
        %ge3A_429 = arith.constant 12 : i32
        %ge3A_430 = arith.cmpi sge, %while3A_426, %ge3A_429 : i32
        %convert_element_type3A_431 = arith.extui %ge3A_430 : i1 to i32
        %cond3A_432 = arith.constant 0 : i32
        %cond3A_433 = arith.cmpi ne, %convert_element_type3A_431, %cond3A_432 : i32
        scf.if %cond3A_433 {
          %dma_wait3A_627 = arith.constant 0 : i32
          %dma_wait3A_628 = tpu.memref_slice %arg20[%rem3A_428, %dma_wait3A_627] : memref<12x128xf32, #tpu.memory_space<vmem>> -> memref<1x128xf32, #tpu.memory_space<vmem>>
          %dma_wait3A_629 = tpu.memref_squeeze %dma_wait3A_628 : memref<1x128xf32, #tpu.memory_space<vmem>> -> memref<128xf32, #tpu.memory_space<vmem>>
          %dma_wait3A_630 = arith.constant 0 : i32
          %dma_wait3A_631 = tpu.memref_slice %arg19[%rem3A_428, %dma_wait3A_630] : memref<12x128xi32, #tpu.memory_space<vmem>> -> memref<1x128xi32, #tpu.memory_space<vmem>>
          %dma_wait3A_632 = tpu.memref_squeeze %dma_wait3A_631 : memref<1x128xi32, #tpu.memory_space<vmem>> -> memref<128xi32, #tpu.memory_space<vmem>>
          %dma_wait3A_633 = arith.constant 0 : i32
          %dma_wait3A_634 = tpu.memref_slice %arg26[%dma_wait3A_633] : memref<100352xf32, #tpu.memory_space<vmem_shared>> -> memref<100352xf32, #tpu.memory_space<vmem_shared>>
          %dma_wait3A_635 = tpu.memref_slice %arg29[%rem3A_428] : memref<12x!tpu.dma_semaphore, #tpu.memory_space<semaphore_mem>> -> memref<1x!tpu.dma_semaphore, #tpu.memory_space<semaphore_mem>>
          %dma_wait3A_636 = tpu.memref_squeeze %dma_wait3A_635 : memref<1x!tpu.dma_semaphore, #tpu.memory_space<semaphore_mem>> -> memref<!tpu.dma_semaphore, #tpu.memory_space<semaphore_mem>>
          tpu.wait_indirect_dma semaphore(%dma_wait3A_636 : memref<!tpu.dma_semaphore, #tpu.memory_space<semaphore_mem>>) src(%dma_wait3A_629 : memref<128xf32, #tpu.memory_space<vmem>>) dst(%dma_wait3A_634 : memref<100352xf32, #tpu.memory_space<vmem_shared>>)
        } else {
        }
        %ge3A_434 = arith.constant 6 : i32
        %ge3A_435 = arith.cmpi sge, %while3A_426, %ge3A_434 : i32
        %convert_element_type3A_436 = arith.extui %ge3A_435 : i1 to i32
        %cond3A_437 = arith.constant 0 : i32
        %cond3A_438 = arith.cmpi ne, %convert_element_type3A_436, %cond3A_437 : i32
        scf.if %cond3A_438 {
          %sub3A_627 = arith.constant 6 : i32
          %sub3A_628 = arith.subi %while3A_426, %sub3A_627 : i32
          %rem3A_629 = arith.constant 12 : i32
          %rem3A_630 = arith.remsi %sub3A_628, %rem3A_629 : i32
          %dma_wait3A_631 = arith.constant 0 : i32
          %dma_wait3A_632 = tpu.memref_slice %arg20[%rem3A_630, %dma_wait3A_631] : memref<12x128xf32, #tpu.memory_space<vmem>> -> memref<1x128xf32, #tpu.memory_space<vmem>>
          %dma_wait3A_633 = tpu.memref_squeeze %dma_wait3A_632 : memref<1x128xf32, #tpu.memory_space<vmem>> -> memref<128xf32, #tpu.memory_space<vmem>>
          %dma_wait3A_634 = arith.constant 0 : i32
          %dma_wait3A_635 = tpu.memref_slice %arg18[%rem3A_630, %dma_wait3A_634] : memref<12x128xi32, #tpu.memory_space<vmem>> -> memref<1x128xi32, #tpu.memory_space<vmem>>
          %dma_wait3A_636 = tpu.memref_squeeze %dma_wait3A_635 : memref<1x128xi32, #tpu.memory_space<vmem>> -> memref<128xi32, #tpu.memory_space<vmem>>
          %dma_wait3A_637 = arith.constant 0 : i32
          %dma_wait3A_638 = tpu.memref_slice %arg3[%dma_wait3A_637] : memref<100000xf32, #tpu.memory_space<hbm>> -> memref<100000xf32, #tpu.memory_space<hbm>>
          %dma_wait3A_639 = tpu.memref_slice %arg28[%rem3A_630] : memref<12x!tpu.dma_semaphore, #tpu.memory_space<semaphore_mem>> -> memref<1x!tpu.dma_semaphore, #tpu.memory_space<semaphore_mem>>
          %dma_wait3A_640 = tpu.memref_squeeze %dma_wait3A_639 : memref<1x!tpu.dma_semaphore, #tpu.memory_space<semaphore_mem>> -> memref<!tpu.dma_semaphore, #tpu.memory_space<semaphore_mem>>
          tpu.wait_indirect_dma semaphore(%dma_wait3A_640 : memref<!tpu.dma_semaphore, #tpu.memory_space<semaphore_mem>>) src(%dma_wait3A_638 : memref<100000xf32, #tpu.memory_space<hbm>>) dst(%dma_wait3A_633 : memref<128xf32, #tpu.memory_space<vmem>>)
          %dma_start3A_641 = arith.constant 0 : i32
          %dma_start3A_642 = tpu.memref_slice %arg20[%rem3A_630, %dma_start3A_641] : memref<12x128xf32, #tpu.memory_space<vmem>> -> memref<1x128xf32, #tpu.memory_space<vmem>>
          %dma_start3A_643 = tpu.memref_squeeze %dma_start3A_642 : memref<1x128xf32, #tpu.memory_space<vmem>> -> memref<128xf32, #tpu.memory_space<vmem>>
          %dma_start3A_644 = arith.constant 0 : i32
          %dma_start3A_645 = tpu.memref_slice %arg19[%rem3A_630, %dma_start3A_644] : memref<12x128xi32, #tpu.memory_space<vmem>> -> memref<1x128xi32, #tpu.memory_space<vmem>>
          %dma_start3A_646 = tpu.memref_squeeze %dma_start3A_645 : memref<1x128xi32, #tpu.memory_space<vmem>> -> memref<128xi32, #tpu.memory_space<vmem>>
          %dma_start3A_647 = arith.constant 0 : i32
          %dma_start3A_648 = tpu.memref_slice %arg26[%dma_start3A_647] : memref<100352xf32, #tpu.memory_space<vmem_shared>> -> memref<100352xf32, #tpu.memory_space<vmem_shared>>
          %dma_start3A_649 = tpu.memref_slice %arg29[%rem3A_630] : memref<12x!tpu.dma_semaphore, #tpu.memory_space<semaphore_mem>> -> memref<1x!tpu.dma_semaphore, #tpu.memory_space<semaphore_mem>>
          %dma_start3A_650 = tpu.memref_squeeze %dma_start3A_649 : memref<1x!tpu.dma_semaphore, #tpu.memory_space<semaphore_mem>> -> memref<!tpu.dma_semaphore, #tpu.memory_space<semaphore_mem>>
          tpu.enqueue_indirect_dma source(%dma_start3A_643 : memref<128xf32, #tpu.memory_space<vmem>>) target(%dma_start3A_648 : memref<100352xf32, #tpu.memory_space<vmem_shared>>) offsets(%dma_start3A_646 : memref<128xi32, #tpu.memory_space<vmem>>) semaphore(%dma_start3A_650 : memref<!tpu.dma_semaphore, #tpu.memory_space<semaphore_mem>>) {add = true}
        } else {
        }
        %mul3A_439 = arith.constant 128 : i32
        %mul3A_440 = arith.muli %while3A_425, %mul3A_439 : i32
        %add3A_441 = arith.constant 0 : i32
        %add3A_442 = arith.addi %mul3A_440, %add3A_441 : i32
        %get3A_443 = arith.index_cast %add3A_442 : i32 to index
        %get3A_444 = tpu.vector_load %arg16[%get3A_443] {strides = array<i32>} : memref<2176xi32, #tpu.memory_space<vmem>>, vector<16xi32>,
        %swap3A_445 = arith.constant 0 : i32
        %swap3A_446 = tpu.memref_slice %arg18[%rem3A_428, %swap3A_445] : memref<12x128xi32, #tpu.memory_space<vmem>> -> memref<1x128xi32, #tpu.memory_space<vmem>>
        %swap3A_447 = tpu.memref_squeeze %swap3A_446 : memref<1x128xi32, #tpu.memory_space<vmem>> -> memref<128xi32, #tpu.memory_space<vmem>>
        %swap3A_448 = arith.constant 0 : index
        %swap3A_449 = tpu.vector_load %swap3A_447[%swap3A_448] {strides = array<i32>} : memref<128xi32, #tpu.memory_space<vmem>>, vector<16xi32>,
        tpu.vector_store %swap3A_447[%swap3A_448], %get3A_444 {strides = array<i32>} : memref<128xi32, #tpu.memory_space<vmem>>, vector<16xi32>,
        %mul3A_450 = arith.constant 128 : i32
        %mul3A_451 = arith.muli %while3A_425, %mul3A_450 : i32
        %add3A_452 = arith.constant 0 : i32
        %add3A_453 = arith.addi %mul3A_451, %add3A_452 : i32
        %get3A_454 = arith.index_cast %add3A_453 : i32 to index
        %get3A_455 = tpu.vector_load %arg17[%get3A_454] {strides = array<i32>} : memref<2176xi32, #tpu.memory_space<vmem>>, vector<16xi32>,
        %swap3A_456 = arith.constant 0 : i32
        %swap3A_457 = tpu.memref_slice %arg19[%rem3A_428, %swap3A_456] : memref<12x128xi32, #tpu.memory_space<vmem>> -> memref<1x128xi32, #tpu.memory_space<vmem>>
        %swap3A_458 = tpu.memref_squeeze %swap3A_457 : memref<1x128xi32, #tpu.memory_space<vmem>> -> memref<128xi32, #tpu.memory_space<vmem>>
        %swap3A_459 = arith.constant 0 : index
        %swap3A_460 = tpu.vector_load %swap3A_458[%swap3A_459] {strides = array<i32>} : memref<128xi32, #tpu.memory_space<vmem>>, vector<16xi32>,
        tpu.vector_store %swap3A_458[%swap3A_459], %get3A_455 {strides = array<i32>} : memref<128xi32, #tpu.memory_space<vmem>>, vector<16xi32>,
        %mul3A_461 = arith.constant 128 : i32
        %mul3A_462 = arith.muli %while3A_425, %mul3A_461 : i32
        %add3A_463 = arith.constant 16 : i32
        %add3A_464 = arith.addi %mul3A_462, %add3A_463 : i32
        %get3A_465 = arith.index_cast %add3A_464 : i32 to index
        %get3A_466 = tpu.vector_load %arg16[%get3A_465] {strides = array<i32>} : memref<2176xi32, #tpu.memory_space<vmem>>, vector<16xi32>,
        %swap3A_467 = arith.constant 0 : i32
        %swap3A_468 = tpu.memref_slice %arg18[%rem3A_428, %swap3A_467] : memref<12x128xi32, #tpu.memory_space<vmem>> -> memref<1x128xi32, #tpu.memory_space<vmem>>
        %swap3A_469 = tpu.memref_squeeze %swap3A_468 : memref<1x128xi32, #tpu.memory_space<vmem>> -> memref<128xi32, #tpu.memory_space<vmem>>
        %swap3A_470 = arith.constant 16 : index
        %swap3A_471 = tpu.vector_load %swap3A_469[%swap3A_470] {strides = array<i32>} : memref<128xi32, #tpu.memory_space<vmem>>, vector<16xi32>,
        tpu.vector_store %swap3A_469[%swap3A_470], %get3A_466 {strides = array<i32>} : memref<128xi32, #tpu.memory_space<vmem>>, vector<16xi32>,
        %mul3A_472 = arith.constant 128 : i32
        %mul3A_473 = arith.muli %while3A_425, %mul3A_472 : i32
        %add3A_474 = arith.constant 16 : i32
        %add3A_475 = arith.addi %mul3A_473, %add3A_474 : i32
        %get3A_476 = arith.index_cast %add3A_475 : i32 to index
        %get3A_477 = tpu.vector_load %arg17[%get3A_476] {strides = array<i32>} : memref<2176xi32, #tpu.memory_space<vmem>>, vector<16xi32>,
        %swap3A_478 = arith.constant 0 : i32
        %swap3A_479 = tpu.memref_slice %arg19[%rem3A_428, %swap3A_478] : memref<12x128xi32, #tpu.memory_space<vmem>> -> memref<1x128xi32, #tpu.memory_space<vmem>>
        %swap3A_480 = tpu.memref_squeeze %swap3A_479 : memref<1x128xi32, #tpu.memory_space<vmem>> -> memref<128xi32, #tpu.memory_space<vmem>>
        %swap3A_481 = arith.constant 16 : index
        %swap3A_482 = tpu.vector_load %swap3A_480[%swap3A_481] {strides = array<i32>} : memref<128xi32, #tpu.memory_space<vmem>>, vector<16xi32>,
        tpu.vector_store %swap3A_480[%swap3A_481], %get3A_477 {strides = array<i32>} : memref<128xi32, #tpu.memory_space<vmem>>, vector<16xi32>,
        %mul3A_483 = arith.constant 128 : i32
        %mul3A_484 = arith.muli %while3A_425, %mul3A_483 : i32
        %add3A_485 = arith.constant 32 : i32
        %add3A_486 = arith.addi %mul3A_484, %add3A_485 : i32
        %get3A_487 = arith.index_cast %add3A_486 : i32 to index
        %get3A_488 = tpu.vector_load %arg16[%get3A_487] {strides = array<i32>} : memref<2176xi32, #tpu.memory_space<vmem>>, vector<16xi32>,
        %swap3A_489 = arith.constant 0 : i32
        %swap3A_490 = tpu.memref_slice %arg18[%rem3A_428, %swap3A_489] : memref<12x128xi32, #tpu.memory_space<vmem>> -> memref<1x128xi32, #tpu.memory_space<vmem>>
        %swap3A_491 = tpu.memref_squeeze %swap3A_490 : memref<1x128xi32, #tpu.memory_space<vmem>> -> memref<128xi32, #tpu.memory_space<vmem>>
        %swap3A_492 = arith.constant 32 : index
        %swap3A_493 = tpu.vector_load %swap3A_491[%swap3A_492] {strides = array<i32>} : memref<128xi32, #tpu.memory_space<vmem>>, vector<16xi32>,
        tpu.vector_store %swap3A_491[%swap3A_492], %get3A_488 {strides = array<i32>} : memref<128xi32, #tpu.memory_space<vmem>>, vector<16xi32>,
        %mul3A_494 = arith.constant 128 : i32
        %mul3A_495 = arith.muli %while3A_425, %mul3A_494 : i32
        %add3A_496 = arith.constant 32 : i32
        %add3A_497 = arith.addi %mul3A_495, %add3A_496 : i32
        %get3A_498 = arith.index_cast %add3A_497 : i32 to index
        %get3A_499 = tpu.vector_load %arg17[%get3A_498] {strides = array<i32>} : memref<2176xi32, #tpu.memory_space<vmem>>, vector<16xi32>,
        %swap3A_500 = arith.constant 0 : i32
        %swap3A_501 = tpu.memref_slice %arg19[%rem3A_428, %swap3A_500] : memref<12x128xi32, #tpu.memory_space<vmem>> -> memref<1x128xi32, #tpu.memory_space<vmem>>
        %swap3A_502 = tpu.memref_squeeze %swap3A_501 : memref<1x128xi32, #tpu.memory_space<vmem>> -> memref<128xi32, #tpu.memory_space<vmem>>
        %swap3A_503 = arith.constant 32 : index
        %swap3A_504 = tpu.vector_load %swap3A_502[%swap3A_503] {strides = array<i32>} : memref<128xi32, #tpu.memory_space<vmem>>, vector<16xi32>,
        tpu.vector_store %swap3A_502[%swap3A_503], %get3A_499 {strides = array<i32>} : memref<128xi32, #tpu.memory_space<vmem>>, vector<16xi32>,
        %mul3A_505 = arith.constant 128 : i32
        %mul3A_506 = arith.muli %while3A_425, %mul3A_505 : i32
        %add3A_507 = arith.constant 48 : i32
        %add3A_508 = arith.addi %mul3A_506, %add3A_507 : i32
        %get3A_509 = arith.index_cast %add3A_508 : i32 to index
        %get3A_510 = tpu.vector_load %arg16[%get3A_509] {strides = array<i32>} : memref<2176xi32, #tpu.memory_space<vmem>>, vector<16xi32>,
        %swap3A_511 = arith.constant 0 : i32
        %swap3A_512 = tpu.memref_slice %arg18[%rem3A_428, %swap3A_511] : memref<12x128xi32, #tpu.memory_space<vmem>> -> memref<1x128xi32, #tpu.memory_space<vmem>>
        %swap3A_513 = tpu.memref_squeeze %swap3A_512 : memref<1x128xi32, #tpu.memory_space<vmem>> -> memref<128xi32, #tpu.memory_space<vmem>>
        %swap3A_514 = arith.constant 48 : index
        %swap3A_515 = tpu.vector_load %swap3A_513[%swap3A_514] {strides = array<i32>} : memref<128xi32, #tpu.memory_space<vmem>>, vector<16xi32>,
        tpu.vector_store %swap3A_513[%swap3A_514], %get3A_510 {strides = array<i32>} : memref<128xi32, #tpu.memory_space<vmem>>, vector<16xi32>,
        %mul3A_516 = arith.constant 128 : i32
        %mul3A_517 = arith.muli %while3A_425, %mul3A_516 : i32
        %add3A_518 = arith.constant 48 : i32
        %add3A_519 = arith.addi %mul3A_517, %add3A_518 : i32
        %get3A_520 = arith.index_cast %add3A_519 : i32 to index
        %get3A_521 = tpu.vector_load %arg17[%get3A_520] {strides = array<i32>} : memref<2176xi32, #tpu.memory_space<vmem>>, vector<16xi32>,
        %swap3A_522 = arith.constant 0 : i32
        %swap3A_523 = tpu.memref_slice %arg19[%rem3A_428, %swap3A_522] : memref<12x128xi32, #tpu.memory_space<vmem>> -> memref<1x128xi32, #tpu.memory_space<vmem>>
        %swap3A_524 = tpu.memref_squeeze %swap3A_523 : memref<1x128xi32, #tpu.memory_space<vmem>> -> memref<128xi32, #tpu.memory_space<vmem>>
        %swap3A_525 = arith.constant 48 : index
        %swap3A_526 = tpu.vector_load %swap3A_524[%swap3A_525] {strides = array<i32>} : memref<128xi32, #tpu.memory_space<vmem>>, vector<16xi32>,
        tpu.vector_store %swap3A_524[%swap3A_525], %get3A_521 {strides = array<i32>} : memref<128xi32, #tpu.memory_space<vmem>>, vector<16xi32>,
        %mul3A_527 = arith.constant 128 : i32
        %mul3A_528 = arith.muli %while3A_425, %mul3A_527 : i32
        %add3A_529 = arith.constant 64 : i32
        %add3A_530 = arith.addi %mul3A_528, %add3A_529 : i32
        %get3A_531 = arith.index_cast %add3A_530 : i32 to index
        %get3A_532 = tpu.vector_load %arg16[%get3A_531] {strides = array<i32>} : memref<2176xi32, #tpu.memory_space<vmem>>, vector<16xi32>,
        %swap3A_533 = arith.constant 0 : i32
        %swap3A_534 = tpu.memref_slice %arg18[%rem3A_428, %swap3A_533] : memref<12x128xi32, #tpu.memory_space<vmem>> -> memref<1x128xi32, #tpu.memory_space<vmem>>
        %swap3A_535 = tpu.memref_squeeze %swap3A_534 : memref<1x128xi32, #tpu.memory_space<vmem>> -> memref<128xi32, #tpu.memory_space<vmem>>
        %swap3A_536 = arith.constant 64 : index
        %swap3A_537 = tpu.vector_load %swap3A_535[%swap3A_536] {strides = array<i32>} : memref<128xi32, #tpu.memory_space<vmem>>, vector<16xi32>,
        tpu.vector_store %swap3A_535[%swap3A_536], %get3A_532 {strides = array<i32>} : memref<128xi32, #tpu.memory_space<vmem>>, vector<16xi32>,
        %mul3A_538 = arith.constant 128 : i32
        %mul3A_539 = arith.muli %while3A_425, %mul3A_538 : i32
        %add3A_540 = arith.constant 64 : i32
        %add3A_541 = arith.addi %mul3A_539, %add3A_540 : i32
        %get3A_542 = arith.index_cast %add3A_541 : i32 to index
        %get3A_543 = tpu.vector_load %arg17[%get3A_542] {strides = array<i32>} : memref<2176xi32, #tpu.memory_space<vmem>>, vector<16xi32>,
        %swap3A_544 = arith.constant 0 : i32
        %swap3A_545 = tpu.memref_slice %arg19[%rem3A_428, %swap3A_544] : memref<12x128xi32, #tpu.memory_space<vmem>> -> memref<1x128xi32, #tpu.memory_space<vmem>>
        %swap3A_546 = tpu.memref_squeeze %swap3A_545 : memref<1x128xi32, #tpu.memory_space<vmem>> -> memref<128xi32, #tpu.memory_space<vmem>>
        %swap3A_547 = arith.constant 64 : index
        %swap3A_548 = tpu.vector_load %swap3A_546[%swap3A_547] {strides = array<i32>} : memref<128xi32, #tpu.memory_space<vmem>>, vector<16xi32>,
        tpu.vector_store %swap3A_546[%swap3A_547], %get3A_543 {strides = array<i32>} : memref<128xi32, #tpu.memory_space<vmem>>, vector<16xi32>,
        %mul3A_549 = arith.constant 128 : i32
        %mul3A_550 = arith.muli %while3A_425, %mul3A_549 : i32
        %add3A_551 = arith.constant 80 : i32
        %add3A_552 = arith.addi %mul3A_550, %add3A_551 : i32
        %get3A_553 = arith.index_cast %add3A_552 : i32 to index
        %get3A_554 = tpu.vector_load %arg16[%get3A_553] {strides = array<i32>} : memref<2176xi32, #tpu.memory_space<vmem>>, vector<16xi32>,
        %swap3A_555 = arith.constant 0 : i32
        %swap3A_556 = tpu.memref_slice %arg18[%rem3A_428, %swap3A_555] : memref<12x128xi32, #tpu.memory_space<vmem>> -> memref<1x128xi32, #tpu.memory_space<vmem>>
        %swap3A_557 = tpu.memref_squeeze %swap3A_556 : memref<1x128xi32, #tpu.memory_space<vmem>> -> memref<128xi32, #tpu.memory_space<vmem>>
        %swap3A_558 = arith.constant 80 : index
        %swap3A_559 = tpu.vector_load %swap3A_557[%swap3A_558] {strides = array<i32>} : memref<128xi32, #tpu.memory_space<vmem>>, vector<16xi32>,
        tpu.vector_store %swap3A_557[%swap3A_558], %get3A_554 {strides = array<i32>} : memref<128xi32, #tpu.memory_space<vmem>>, vector<16xi32>,
        %mul3A_560 = arith.constant 128 : i32
        %mul3A_561 = arith.muli %while3A_425, %mul3A_560 : i32
        %add3A_562 = arith.constant 80 : i32
        %add3A_563 = arith.addi %mul3A_561, %add3A_562 : i32
        %get3A_564 = arith.index_cast %add3A_563 : i32 to index
        %get3A_565 = tpu.vector_load %arg17[%get3A_564] {strides = array<i32>} : memref<2176xi32, #tpu.memory_space<vmem>>, vector<16xi32>,
        %swap3A_566 = arith.constant 0 : i32
        %swap3A_567 = tpu.memref_slice %arg19[%rem3A_428, %swap3A_566] : memref<12x128xi32, #tpu.memory_space<vmem>> -> memref<1x128xi32, #tpu.memory_space<vmem>>
        %swap3A_568 = tpu.memref_squeeze %swap3A_567 : memref<1x128xi32, #tpu.memory_space<vmem>> -> memref<128xi32, #tpu.memory_space<vmem>>
        %swap3A_569 = arith.constant 80 : index
        %swap3A_570 = tpu.vector_load %swap3A_568[%swap3A_569] {strides = array<i32>} : memref<128xi32, #tpu.memory_space<vmem>>, vector<16xi32>,
        tpu.vector_store %swap3A_568[%swap3A_569], %get3A_565 {strides = array<i32>} : memref<128xi32, #tpu.memory_space<vmem>>, vector<16xi32>,
        %mul3A_571 = arith.constant 128 : i32
        %mul3A_572 = arith.muli %while3A_425, %mul3A_571 : i32
        %add3A_573 = arith.constant 96 : i32
        %add3A_574 = arith.addi %mul3A_572, %add3A_573 : i32
        %get3A_575 = arith.index_cast %add3A_574 : i32 to index
        %get3A_576 = tpu.vector_load %arg16[%get3A_575] {strides = array<i32>} : memref<2176xi32, #tpu.memory_space<vmem>>, vector<16xi32>,
        %swap3A_577 = arith.constant 0 : i32
        %swap3A_578 = tpu.memref_slice %arg18[%rem3A_428, %swap3A_577] : memref<12x128xi32, #tpu.memory_space<vmem>> -> memref<1x128xi32, #tpu.memory_space<vmem>>
        %swap3A_579 = tpu.memref_squeeze %swap3A_578 : memref<1x128xi32, #tpu.memory_space<vmem>> -> memref<128xi32, #tpu.memory_space<vmem>>
        %swap3A_580 = arith.constant 96 : index
        %swap3A_581 = tpu.vector_load %swap3A_579[%swap3A_580] {strides = array<i32>} : memref<128xi32, #tpu.memory_space<vmem>>, vector<16xi32>,
        tpu.vector_store %swap3A_579[%swap3A_580], %get3A_576 {strides = array<i32>} : memref<128xi32, #tpu.memory_space<vmem>>, vector<16xi32>,
        %mul3A_582 = arith.constant 128 : i32
        %mul3A_583 = arith.muli %while3A_425, %mul3A_582 : i32
        %add3A_584 = arith.constant 96 : i32
        %add3A_585 = arith.addi %mul3A_583, %add3A_584 : i32
        %get3A_586 = arith.index_cast %add3A_585 : i32 to index
        %get3A_587 = tpu.vector_load %arg17[%get3A_586] {strides = array<i32>} : memref<2176xi32, #tpu.memory_space<vmem>>, vector<16xi32>,
        %swap3A_588 = arith.constant 0 : i32
        %swap3A_589 = tpu.memref_slice %arg19[%rem3A_428, %swap3A_588] : memref<12x128xi32, #tpu.memory_space<vmem>> -> memref<1x128xi32, #tpu.memory_space<vmem>>
        %swap3A_590 = tpu.memref_squeeze %swap3A_589 : memref<1x128xi32, #tpu.memory_space<vmem>> -> memref<128xi32, #tpu.memory_space<vmem>>
        %swap3A_591 = arith.constant 96 : index
        %swap3A_592 = tpu.vector_load %swap3A_590[%swap3A_591] {strides = array<i32>} : memref<128xi32, #tpu.memory_space<vmem>>, vector<16xi32>,
        tpu.vector_store %swap3A_590[%swap3A_591], %get3A_587 {strides = array<i32>} : memref<128xi32, #tpu.memory_space<vmem>>, vector<16xi32>,
        %mul3A_593 = arith.constant 128 : i32
        %mul3A_594 = arith.muli %while3A_425, %mul3A_593 : i32
        %add3A_595 = arith.constant 112 : i32
        %add3A_596 = arith.addi %mul3A_594, %add3A_595 : i32
        %get3A_597 = arith.index_cast %add3A_596 : i32 to index
        %get3A_598 = tpu.vector_load %arg16[%get3A_597] {strides = array<i32>} : memref<2176xi32, #tpu.memory_space<vmem>>, vector<16xi32>,
        %swap3A_599 = arith.constant 0 : i32
        %swap3A_600 = tpu.memref_slice %arg18[%rem3A_428, %swap3A_599] : memref<12x128xi32, #tpu.memory_space<vmem>> -> memref<1x128xi32, #tpu.memory_space<vmem>>
        %swap3A_601 = tpu.memref_squeeze %swap3A_600 : memref<1x128xi32, #tpu.memory_space<vmem>> -> memref<128xi32, #tpu.memory_space<vmem>>
        %swap3A_602 = arith.constant 112 : index
        %swap3A_603 = tpu.vector_load %swap3A_601[%swap3A_602] {strides = array<i32>} : memref<128xi32, #tpu.memory_space<vmem>>, vector<16xi32>,
        tpu.vector_store %swap3A_601[%swap3A_602], %get3A_598 {strides = array<i32>} : memref<128xi32, #tpu.memory_space<vmem>>, vector<16xi32>,
        %mul3A_604 = arith.constant 128 : i32
        %mul3A_605 = arith.muli %while3A_425, %mul3A_604 : i32
        %add3A_606 = arith.constant 112 : i32
        %add3A_607 = arith.addi %mul3A_605, %add3A_606 : i32
        %get3A_608 = arith.index_cast %add3A_607 : i32 to index
        %get3A_609 = tpu.vector_load %arg17[%get3A_608] {strides = array<i32>} : memref<2176xi32, #tpu.memory_space<vmem>>, vector<16xi32>,
        %swap3A_610 = arith.constant 0 : i32
        %swap3A_611 = tpu.memref_slice %arg19[%rem3A_428, %swap3A_610] : memref<12x128xi32, #tpu.memory_space<vmem>> -> memref<1x128xi32, #tpu.memory_space<vmem>>
        %swap3A_612 = tpu.memref_squeeze %swap3A_611 : memref<1x128xi32, #tpu.memory_space<vmem>> -> memref<128xi32, #tpu.memory_space<vmem>>
        %swap3A_613 = arith.constant 112 : index
        %swap3A_614 = tpu.vector_load %swap3A_612[%swap3A_613] {strides = array<i32>} : memref<128xi32, #tpu.memory_space<vmem>>, vector<16xi32>,
        tpu.vector_store %swap3A_612[%swap3A_613], %get3A_609 {strides = array<i32>} : memref<128xi32, #tpu.memory_space<vmem>>, vector<16xi32>,
        %dma_start3A_615 = arith.constant 0 : i32
        %dma_start3A_616 = tpu.memref_slice %arg20[%rem3A_428, %dma_start3A_615] : memref<12x128xf32, #tpu.memory_space<vmem>> -> memref<1x128xf32, #tpu.memory_space<vmem>>
        %dma_start3A_617 = tpu.memref_squeeze %dma_start3A_616 : memref<1x128xf32, #tpu.memory_space<vmem>> -> memref<128xf32, #tpu.memory_space<vmem>>
        %dma_start3A_618 = arith.constant 0 : i32
        %dma_start3A_619 = tpu.memref_slice %arg18[%rem3A_428, %dma_start3A_618] : memref<12x128xi32, #tpu.memory_space<vmem>> -> memref<1x128xi32, #tpu.memory_space<vmem>>
        %dma_start3A_620 = tpu.memref_squeeze %dma_start3A_619 : memref<1x128xi32, #tpu.memory_space<vmem>> -> memref<128xi32, #tpu.memory_space<vmem>>
        %dma_start3A_621 = arith.constant 0 : i32
        %dma_start3A_622 = tpu.memref_slice %arg3[%dma_start3A_621] : memref<100000xf32, #tpu.memory_space<hbm>> -> memref<100000xf32, #tpu.memory_space<hbm>>
        %dma_start3A_623 = tpu.memref_slice %arg28[%rem3A_428] : memref<12x!tpu.dma_semaphore, #tpu.memory_space<semaphore_mem>> -> memref<1x!tpu.dma_semaphore, #tpu.memory_space<semaphore_mem>>
        %dma_start3A_624 = tpu.memref_squeeze %dma_start3A_623 : memref<1x!tpu.dma_semaphore, #tpu.memory_space<semaphore_mem>> -> memref<!tpu.dma_semaphore, #tpu.memory_space<semaphore_mem>>
        tpu.enqueue_indirect_dma source(%dma_start3A_622 : memref<100000xf32, #tpu.memory_space<hbm>>) target(%dma_start3A_617 : memref<128xf32, #tpu.memory_space<vmem>>) offsets(%dma_start3A_620 : memref<128xi32, #tpu.memory_space<vmem>>) semaphore(%dma_start3A_624 : memref<!tpu.dma_semaphore, #tpu.memory_space<semaphore_mem>>)
        %add3A_625 = arith.constant 1 : i32
        %add3A_626 = arith.addi %while3A_426, %add3A_625 : i32
        scf.yield %add3A_626 : i32
      }
      %while3A_415 = arith.constant 1 : i32
      %while3A_416 = scf.for %while3A_425 = %while3A_412 to %while3A_408 step %while3A_415 iter_args(%while3A_426 = %while3A_414) -> (i32)  : i32 {
        %rem3A_427 = arith.constant 12 : i32
        %rem3A_428 = arith.remsi %while3A_426, %rem3A_427 : i32
        %ge3A_429 = arith.constant 12 : i32
        %ge3A_430 = arith.cmpi sge, %while3A_426, %ge3A_429 : i32
        %convert_element_type3A_431 = arith.extui %ge3A_430 : i1 to i32
        %cond3A_432 = arith.constant 0 : i32
        %cond3A_433 = arith.cmpi ne, %convert_element_type3A_431, %cond3A_432 : i32
        scf.if %cond3A_433 {
          %dma_wait3A_627 = arith.constant 0 : i32
          %dma_wait3A_628 = tpu.memref_slice %arg20[%rem3A_428, %dma_wait3A_627] : memref<12x128xf32, #tpu.memory_space<vmem>> -> memref<1x128xf32, #tpu.memory_space<vmem>>
          %dma_wait3A_629 = tpu.memref_squeeze %dma_wait3A_628 : memref<1x128xf32, #tpu.memory_space<vmem>> -> memref<128xf32, #tpu.memory_space<vmem>>
          %dma_wait3A_630 = arith.constant 0 : i32
          %dma_wait3A_631 = tpu.memref_slice %arg19[%rem3A_428, %dma_wait3A_630] : memref<12x128xi32, #tpu.memory_space<vmem>> -> memref<1x128xi32, #tpu.memory_space<vmem>>
          %dma_wait3A_632 = tpu.memref_squeeze %dma_wait3A_631 : memref<1x128xi32, #tpu.memory_space<vmem>> -> memref<128xi32, #tpu.memory_space<vmem>>
          %dma_wait3A_633 = arith.constant 0 : i32
          %dma_wait3A_634 = tpu.memref_slice %arg26[%dma_wait3A_633] : memref<100352xf32, #tpu.memory_space<vmem_shared>> -> memref<100352xf32, #tpu.memory_space<vmem_shared>>
          %dma_wait3A_635 = tpu.memref_slice %arg29[%rem3A_428] : memref<12x!tpu.dma_semaphore, #tpu.memory_space<semaphore_mem>> -> memref<1x!tpu.dma_semaphore, #tpu.memory_space<semaphore_mem>>
          %dma_wait3A_636 = tpu.memref_squeeze %dma_wait3A_635 : memref<1x!tpu.dma_semaphore, #tpu.memory_space<semaphore_mem>> -> memref<!tpu.dma_semaphore, #tpu.memory_space<semaphore_mem>>
          tpu.wait_indirect_dma semaphore(%dma_wait3A_636 : memref<!tpu.dma_semaphore, #tpu.memory_space<semaphore_mem>>) src(%dma_wait3A_629 : memref<128xf32, #tpu.memory_space<vmem>>) dst(%dma_wait3A_634 : memref<100352xf32, #tpu.memory_space<vmem_shared>>)
        } else {
        }
        %ge3A_434 = arith.constant 6 : i32
        %ge3A_435 = arith.cmpi sge, %while3A_426, %ge3A_434 : i32
        %convert_element_type3A_436 = arith.extui %ge3A_435 : i1 to i32
        %cond3A_437 = arith.constant 0 : i32
        %cond3A_438 = arith.cmpi ne, %convert_element_type3A_436, %cond3A_437 : i32
        scf.if %cond3A_438 {
          %sub3A_627 = arith.constant 6 : i32
          %sub3A_628 = arith.subi %while3A_426, %sub3A_627 : i32
          %rem3A_629 = arith.constant 12 : i32
          %rem3A_630 = arith.remsi %sub3A_628, %rem3A_629 : i32
          %dma_wait3A_631 = arith.constant 0 : i32
          %dma_wait3A_632 = tpu.memref_slice %arg20[%rem3A_630, %dma_wait3A_631] : memref<12x128xf32, #tpu.memory_space<vmem>> -> memref<1x128xf32, #tpu.memory_space<vmem>>
          %dma_wait3A_633 = tpu.memref_squeeze %dma_wait3A_632 : memref<1x128xf32, #tpu.memory_space<vmem>> -> memref<128xf32, #tpu.memory_space<vmem>>
          %dma_wait3A_634 = arith.constant 0 : i32
          %dma_wait3A_635 = tpu.memref_slice %arg18[%rem3A_630, %dma_wait3A_634] : memref<12x128xi32, #tpu.memory_space<vmem>> -> memref<1x128xi32, #tpu.memory_space<vmem>>
          %dma_wait3A_636 = tpu.memref_squeeze %dma_wait3A_635 : memref<1x128xi32, #tpu.memory_space<vmem>> -> memref<128xi32, #tpu.memory_space<vmem>>
          %dma_wait3A_637 = arith.constant 0 : i32
          %dma_wait3A_638 = tpu.memref_slice %arg3[%dma_wait3A_637] : memref<100000xf32, #tpu.memory_space<hbm>> -> memref<100000xf32, #tpu.memory_space<hbm>>
          %dma_wait3A_639 = tpu.memref_slice %arg28[%rem3A_630] : memref<12x!tpu.dma_semaphore, #tpu.memory_space<semaphore_mem>> -> memref<1x!tpu.dma_semaphore, #tpu.memory_space<semaphore_mem>>
          %dma_wait3A_640 = tpu.memref_squeeze %dma_wait3A_639 : memref<1x!tpu.dma_semaphore, #tpu.memory_space<semaphore_mem>> -> memref<!tpu.dma_semaphore, #tpu.memory_space<semaphore_mem>>
          tpu.wait_indirect_dma semaphore(%dma_wait3A_640 : memref<!tpu.dma_semaphore, #tpu.memory_space<semaphore_mem>>) src(%dma_wait3A_638 : memref<100000xf32, #tpu.memory_space<hbm>>) dst(%dma_wait3A_633 : memref<128xf32, #tpu.memory_space<vmem>>)
          %dma_start3A_641 = arith.constant 0 : i32
          %dma_start3A_642 = tpu.memref_slice %arg20[%rem3A_630, %dma_start3A_641] : memref<12x128xf32, #tpu.memory_space<vmem>> -> memref<1x128xf32, #tpu.memory_space<vmem>>
          %dma_start3A_643 = tpu.memref_squeeze %dma_start3A_642 : memref<1x128xf32, #tpu.memory_space<vmem>> -> memref<128xf32, #tpu.memory_space<vmem>>
          %dma_start3A_644 = arith.constant 0 : i32
          %dma_start3A_645 = tpu.memref_slice %arg19[%rem3A_630, %dma_start3A_644] : memref<12x128xi32, #tpu.memory_space<vmem>> -> memref<1x128xi32, #tpu.memory_space<vmem>>
          %dma_start3A_646 = tpu.memref_squeeze %dma_start3A_645 : memref<1x128xi32, #tpu.memory_space<vmem>> -> memref<128xi32, #tpu.memory_space<vmem>>
          %dma_start3A_647 = arith.constant 0 : i32
          %dma_start3A_648 = tpu.memref_slice %arg26[%dma_start3A_647] : memref<100352xf32, #tpu.memory_space<vmem_shared>> -> memref<100352xf32, #tpu.memory_space<vmem_shared>>
          %dma_start3A_649 = tpu.memref_slice %arg29[%rem3A_630] : memref<12x!tpu.dma_semaphore, #tpu.memory_space<semaphore_mem>> -> memref<1x!tpu.dma_semaphore, #tpu.memory_space<semaphore_mem>>
          %dma_start3A_650 = tpu.memref_squeeze %dma_start3A_649 : memref<1x!tpu.dma_semaphore, #tpu.memory_space<semaphore_mem>> -> memref<!tpu.dma_semaphore, #tpu.memory_space<semaphore_mem>>
          tpu.enqueue_indirect_dma source(%dma_start3A_643 : memref<128xf32, #tpu.memory_space<vmem>>) target(%dma_start3A_648 : memref<100352xf32, #tpu.memory_space<vmem_shared>>) offsets(%dma_start3A_646 : memref<128xi32, #tpu.memory_space<vmem>>) semaphore(%dma_start3A_650 : memref<!tpu.dma_semaphore, #tpu.memory_space<semaphore_mem>>) {add = true}
        } else {
        }
        %mul3A_439 = arith.constant 128 : i32
        %mul3A_440 = arith.muli %while3A_425, %mul3A_439 : i32
        %add3A_441 = arith.constant 0 : i32
        %add3A_442 = arith.addi %mul3A_440, %add3A_441 : i32
        %get3A_443 = arith.index_cast %add3A_442 : i32 to index
        %get3A_444 = tpu.vector_load %arg16[%get3A_443] {strides = array<i32>} : memref<2176xi32, #tpu.memory_space<vmem>>, vector<16xi32>,
        %swap3A_445 = arith.constant 0 : i32
        %swap3A_446 = tpu.memref_slice %arg18[%rem3A_428, %swap3A_445] : memref<12x128xi32, #tpu.memory_space<vmem>> -> memref<1x128xi32, #tpu.memory_space<vmem>>
        %swap3A_447 = tpu.memref_squeeze %swap3A_446 : memref<1x128xi32, #tpu.memory_space<vmem>> -> memref<128xi32, #tpu.memory_space<vmem>>
        %swap3A_448 = arith.constant 0 : index
        %swap3A_449 = tpu.vector_load %swap3A_447[%swap3A_448] {strides = array<i32>} : memref<128xi32, #tpu.memory_space<vmem>>, vector<16xi32>,
        tpu.vector_store %swap3A_447[%swap3A_448], %get3A_444 {strides = array<i32>} : memref<128xi32, #tpu.memory_space<vmem>>, vector<16xi32>,
        %mul3A_450 = arith.constant 128 : i32
        %mul3A_451 = arith.muli %while3A_425, %mul3A_450 : i32
        %add3A_452 = arith.constant 0 : i32
        %add3A_453 = arith.addi %mul3A_451, %add3A_452 : i32
        %get3A_454 = arith.index_cast %add3A_453 : i32 to index
        %get3A_455 = tpu.vector_load %arg17[%get3A_454] {strides = array<i32>} : memref<2176xi32, #tpu.memory_space<vmem>>, vector<16xi32>,
        %swap3A_456 = arith.constant 0 : i32
        %swap3A_457 = tpu.memref_slice %arg19[%rem3A_428, %swap3A_456] : memref<12x128xi32, #tpu.memory_space<vmem>> -> memref<1x128xi32, #tpu.memory_space<vmem>>
        %swap3A_458 = tpu.memref_squeeze %swap3A_457 : memref<1x128xi32, #tpu.memory_space<vmem>> -> memref<128xi32, #tpu.memory_space<vmem>>
        %swap3A_459 = arith.constant 0 : index
        %swap3A_460 = tpu.vector_load %swap3A_458[%swap3A_459] {strides = array<i32>} : memref<128xi32, #tpu.memory_space<vmem>>, vector<16xi32>,
        tpu.vector_store %swap3A_458[%swap3A_459], %get3A_455 {strides = array<i32>} : memref<128xi32, #tpu.memory_space<vmem>>, vector<16xi32>,
        %mul3A_461 = arith.constant 128 : i32
        %mul3A_462 = arith.muli %while3A_425, %mul3A_461 : i32
        %add3A_463 = arith.constant 16 : i32
        %add3A_464 = arith.addi %mul3A_462, %add3A_463 : i32
        %get3A_465 = arith.index_cast %add3A_464 : i32 to index
        %get3A_466 = tpu.vector_load %arg16[%get3A_465] {strides = array<i32>} : memref<2176xi32, #tpu.memory_space<vmem>>, vector<16xi32>,
        %swap3A_467 = arith.constant 0 : i32
        %swap3A_468 = tpu.memref_slice %arg18[%rem3A_428, %swap3A_467] : memref<12x128xi32, #tpu.memory_space<vmem>> -> memref<1x128xi32, #tpu.memory_space<vmem>>
        %swap3A_469 = tpu.memref_squeeze %swap3A_468 : memref<1x128xi32, #tpu.memory_space<vmem>> -> memref<128xi32, #tpu.memory_space<vmem>>
        %swap3A_470 = arith.constant 16 : index
        %swap3A_471 = tpu.vector_load %swap3A_469[%swap3A_470] {strides = array<i32>} : memref<128xi32, #tpu.memory_space<vmem>>, vector<16xi32>,
        tpu.vector_store %swap3A_469[%swap3A_470], %get3A_466 {strides = array<i32>} : memref<128xi32, #tpu.memory_space<vmem>>, vector<16xi32>,
        %mul3A_472 = arith.constant 128 : i32
        %mul3A_473 = arith.muli %while3A_425, %mul3A_472 : i32
        %add3A_474 = arith.constant 16 : i32
        %add3A_475 = arith.addi %mul3A_473, %add3A_474 : i32
        %get3A_476 = arith.index_cast %add3A_475 : i32 to index
        %get3A_477 = tpu.vector_load %arg17[%get3A_476] {strides = array<i32>} : memref<2176xi32, #tpu.memory_space<vmem>>, vector<16xi32>,
        %swap3A_478 = arith.constant 0 : i32
        %swap3A_479 = tpu.memref_slice %arg19[%rem3A_428, %swap3A_478] : memref<12x128xi32, #tpu.memory_space<vmem>> -> memref<1x128xi32, #tpu.memory_space<vmem>>
        %swap3A_480 = tpu.memref_squeeze %swap3A_479 : memref<1x128xi32, #tpu.memory_space<vmem>> -> memref<128xi32, #tpu.memory_space<vmem>>
        %swap3A_481 = arith.constant 16 : index
        %swap3A_482 = tpu.vector_load %swap3A_480[%swap3A_481] {strides = array<i32>} : memref<128xi32, #tpu.memory_space<vmem>>, vector<16xi32>,
        tpu.vector_store %swap3A_480[%swap3A_481], %get3A_477 {strides = array<i32>} : memref<128xi32, #tpu.memory_space<vmem>>, vector<16xi32>,
        %mul3A_483 = arith.constant 128 : i32
        %mul3A_484 = arith.muli %while3A_425, %mul3A_483 : i32
        %add3A_485 = arith.constant 32 : i32
        %add3A_486 = arith.addi %mul3A_484, %add3A_485 : i32
        %get3A_487 = arith.index_cast %add3A_486 : i32 to index
        %get3A_488 = tpu.vector_load %arg16[%get3A_487] {strides = array<i32>} : memref<2176xi32, #tpu.memory_space<vmem>>, vector<16xi32>,
        %swap3A_489 = arith.constant 0 : i32
        %swap3A_490 = tpu.memref_slice %arg18[%rem3A_428, %swap3A_489] : memref<12x128xi32, #tpu.memory_space<vmem>> -> memref<1x128xi32, #tpu.memory_space<vmem>>
        %swap3A_491 = tpu.memref_squeeze %swap3A_490 : memref<1x128xi32, #tpu.memory_space<vmem>> -> memref<128xi32, #tpu.memory_space<vmem>>
        %swap3A_492 = arith.constant 32 : index
        %swap3A_493 = tpu.vector_load %swap3A_491[%swap3A_492] {strides = array<i32>} : memref<128xi32, #tpu.memory_space<vmem>>, vector<16xi32>,
        tpu.vector_store %swap3A_491[%swap3A_492], %get3A_488 {strides = array<i32>} : memref<128xi32, #tpu.memory_space<vmem>>, vector<16xi32>,
        %mul3A_494 = arith.constant 128 : i32
        %mul3A_495 = arith.muli %while3A_425, %mul3A_494 : i32
        %add3A_496 = arith.constant 32 : i32
        %add3A_497 = arith.addi %mul3A_495, %add3A_496 : i32
        %get3A_498 = arith.index_cast %add3A_497 : i32 to index
        %get3A_499 = tpu.vector_load %arg17[%get3A_498] {strides = array<i32>} : memref<2176xi32, #tpu.memory_space<vmem>>, vector<16xi32>,
        %swap3A_500 = arith.constant 0 : i32
        %swap3A_501 = tpu.memref_slice %arg19[%rem3A_428, %swap3A_500] : memref<12x128xi32, #tpu.memory_space<vmem>> -> memref<1x128xi32, #tpu.memory_space<vmem>>
        %swap3A_502 = tpu.memref_squeeze %swap3A_501 : memref<1x128xi32, #tpu.memory_space<vmem>> -> memref<128xi32, #tpu.memory_space<vmem>>
        %swap3A_503 = arith.constant 32 : index
        %swap3A_504 = tpu.vector_load %swap3A_502[%swap3A_503] {strides = array<i32>} : memref<128xi32, #tpu.memory_space<vmem>>, vector<16xi32>,
        tpu.vector_store %swap3A_502[%swap3A_503], %get3A_499 {strides = array<i32>} : memref<128xi32, #tpu.memory_space<vmem>>, vector<16xi32>,
        %mul3A_505 = arith.constant 128 : i32
        %mul3A_506 = arith.muli %while3A_425, %mul3A_505 : i32
        %add3A_507 = arith.constant 48 : i32
        %add3A_508 = arith.addi %mul3A_506, %add3A_507 : i32
        %get3A_509 = arith.index_cast %add3A_508 : i32 to index
        %get3A_510 = tpu.vector_load %arg16[%get3A_509] {strides = array<i32>} : memref<2176xi32, #tpu.memory_space<vmem>>, vector<16xi32>,
        %swap3A_511 = arith.constant 0 : i32
        %swap3A_512 = tpu.memref_slice %arg18[%rem3A_428, %swap3A_511] : memref<12x128xi32, #tpu.memory_space<vmem>> -> memref<1x128xi32, #tpu.memory_space<vmem>>
        %swap3A_513 = tpu.memref_squeeze %swap3A_512 : memref<1x128xi32, #tpu.memory_space<vmem>> -> memref<128xi32, #tpu.memory_space<vmem>>
        %swap3A_514 = arith.constant 48 : index
        %swap3A_515 = tpu.vector_load %swap3A_513[%swap3A_514] {strides = array<i32>} : memref<128xi32, #tpu.memory_space<vmem>>, vector<16xi32>,
        tpu.vector_store %swap3A_513[%swap3A_514], %get3A_510 {strides = array<i32>} : memref<128xi32, #tpu.memory_space<vmem>>, vector<16xi32>,
        %mul3A_516 = arith.constant 128 : i32
        %mul3A_517 = arith.muli %while3A_425, %mul3A_516 : i32
        %add3A_518 = arith.constant 48 : i32
        %add3A_519 = arith.addi %mul3A_517, %add3A_518 : i32
        %get3A_520 = arith.index_cast %add3A_519 : i32 to index
        %get3A_521 = tpu.vector_load %arg17[%get3A_520] {strides = array<i32>} : memref<2176xi32, #tpu.memory_space<vmem>>, vector<16xi32>,
        %swap3A_522 = arith.constant 0 : i32
        %swap3A_523 = tpu.memref_slice %arg19[%rem3A_428, %swap3A_522] : memref<12x128xi32, #tpu.memory_space<vmem>> -> memref<1x128xi32, #tpu.memory_space<vmem>>
        %swap3A_524 = tpu.memref_squeeze %swap3A_523 : memref<1x128xi32, #tpu.memory_space<vmem>> -> memref<128xi32, #tpu.memory_space<vmem>>
        %swap3A_525 = arith.constant 48 : index
        %swap3A_526 = tpu.vector_load %swap3A_524[%swap3A_525] {strides = array<i32>} : memref<128xi32, #tpu.memory_space<vmem>>, vector<16xi32>,
        tpu.vector_store %swap3A_524[%swap3A_525], %get3A_521 {strides = array<i32>} : memref<128xi32, #tpu.memory_space<vmem>>, vector<16xi32>,
        %mul3A_527 = arith.constant 128 : i32
        %mul3A_528 = arith.muli %while3A_425, %mul3A_527 : i32
        %add3A_529 = arith.constant 64 : i32
        %add3A_530 = arith.addi %mul3A_528, %add3A_529 : i32
        %get3A_531 = arith.index_cast %add3A_530 : i32 to index
        %get3A_532 = tpu.vector_load %arg16[%get3A_531] {strides = array<i32>} : memref<2176xi32, #tpu.memory_space<vmem>>, vector<16xi32>,
        %swap3A_533 = arith.constant 0 : i32
        %swap3A_534 = tpu.memref_slice %arg18[%rem3A_428, %swap3A_533] : memref<12x128xi32, #tpu.memory_space<vmem>> -> memref<1x128xi32, #tpu.memory_space<vmem>>
        %swap3A_535 = tpu.memref_squeeze %swap3A_534 : memref<1x128xi32, #tpu.memory_space<vmem>> -> memref<128xi32, #tpu.memory_space<vmem>>
        %swap3A_536 = arith.constant 64 : index
        %swap3A_537 = tpu.vector_load %swap3A_535[%swap3A_536] {strides = array<i32>} : memref<128xi32, #tpu.memory_space<vmem>>, vector<16xi32>,
        tpu.vector_store %swap3A_535[%swap3A_536], %get3A_532 {strides = array<i32>} : memref<128xi32, #tpu.memory_space<vmem>>, vector<16xi32>,
        %mul3A_538 = arith.constant 128 : i32
        %mul3A_539 = arith.muli %while3A_425, %mul3A_538 : i32
        %add3A_540 = arith.constant 64 : i32
        %add3A_541 = arith.addi %mul3A_539, %add3A_540 : i32
        %get3A_542 = arith.index_cast %add3A_541 : i32 to index
        %get3A_543 = tpu.vector_load %arg17[%get3A_542] {strides = array<i32>} : memref<2176xi32, #tpu.memory_space<vmem>>, vector<16xi32>,
        %swap3A_544 = arith.constant 0 : i32
        %swap3A_545 = tpu.memref_slice %arg19[%rem3A_428, %swap3A_544] : memref<12x128xi32, #tpu.memory_space<vmem>> -> memref<1x128xi32, #tpu.memory_space<vmem>>
        %swap3A_546 = tpu.memref_squeeze %swap3A_545 : memref<1x128xi32, #tpu.memory_space<vmem>> -> memref<128xi32, #tpu.memory_space<vmem>>
        %swap3A_547 = arith.constant 64 : index
        %swap3A_548 = tpu.vector_load %swap3A_546[%swap3A_547] {strides = array<i32>} : memref<128xi32, #tpu.memory_space<vmem>>, vector<16xi32>,
        tpu.vector_store %swap3A_546[%swap3A_547], %get3A_543 {strides = array<i32>} : memref<128xi32, #tpu.memory_space<vmem>>, vector<16xi32>,
        %mul3A_549 = arith.constant 128 : i32
        %mul3A_550 = arith.muli %while3A_425, %mul3A_549 : i32
        %add3A_551 = arith.constant 80 : i32
        %add3A_552 = arith.addi %mul3A_550, %add3A_551 : i32
        %get3A_553 = arith.index_cast %add3A_552 : i32 to index
        %get3A_554 = tpu.vector_load %arg16[%get3A_553] {strides = array<i32>} : memref<2176xi32, #tpu.memory_space<vmem>>, vector<16xi32>,
        %swap3A_555 = arith.constant 0 : i32
        %swap3A_556 = tpu.memref_slice %arg18[%rem3A_428, %swap3A_555] : memref<12x128xi32, #tpu.memory_space<vmem>> -> memref<1x128xi32, #tpu.memory_space<vmem>>
        %swap3A_557 = tpu.memref_squeeze %swap3A_556 : memref<1x128xi32, #tpu.memory_space<vmem>> -> memref<128xi32, #tpu.memory_space<vmem>>
        %swap3A_558 = arith.constant 80 : index
        %swap3A_559 = tpu.vector_load %swap3A_557[%swap3A_558] {strides = array<i32>} : memref<128xi32, #tpu.memory_space<vmem>>, vector<16xi32>,
        tpu.vector_store %swap3A_557[%swap3A_558], %get3A_554 {strides = array<i32>} : memref<128xi32, #tpu.memory_space<vmem>>, vector<16xi32>,
        %mul3A_560 = arith.constant 128 : i32
        %mul3A_561 = arith.muli %while3A_425, %mul3A_560 : i32
        %add3A_562 = arith.constant 80 : i32
        %add3A_563 = arith.addi %mul3A_561, %add3A_562 : i32
        %get3A_564 = arith.index_cast %add3A_563 : i32 to index
        %get3A_565 = tpu.vector_load %arg17[%get3A_564] {strides = array<i32>} : memref<2176xi32, #tpu.memory_space<vmem>>, vector<16xi32>,
        %swap3A_566 = arith.constant 0 : i32
        %swap3A_567 = tpu.memref_slice %arg19[%rem3A_428, %swap3A_566] : memref<12x128xi32, #tpu.memory_space<vmem>> -> memref<1x128xi32, #tpu.memory_space<vmem>>
        %swap3A_568 = tpu.memref_squeeze %swap3A_567 : memref<1x128xi32, #tpu.memory_space<vmem>> -> memref<128xi32, #tpu.memory_space<vmem>>
        %swap3A_569 = arith.constant 80 : index
        %swap3A_570 = tpu.vector_load %swap3A_568[%swap3A_569] {strides = array<i32>} : memref<128xi32, #tpu.memory_space<vmem>>, vector<16xi32>,
        tpu.vector_store %swap3A_568[%swap3A_569], %get3A_565 {strides = array<i32>} : memref<128xi32, #tpu.memory_space<vmem>>, vector<16xi32>,
        %mul3A_571 = arith.constant 128 : i32
        %mul3A_572 = arith.muli %while3A_425, %mul3A_571 : i32
        %add3A_573 = arith.constant 96 : i32
        %add3A_574 = arith.addi %mul3A_572, %add3A_573 : i32
        %get3A_575 = arith.index_cast %add3A_574 : i32 to index
        %get3A_576 = tpu.vector_load %arg16[%get3A_575] {strides = array<i32>} : memref<2176xi32, #tpu.memory_space<vmem>>, vector<16xi32>,
        %swap3A_577 = arith.constant 0 : i32
        %swap3A_578 = tpu.memref_slice %arg18[%rem3A_428, %swap3A_577] : memref<12x128xi32, #tpu.memory_space<vmem>> -> memref<1x128xi32, #tpu.memory_space<vmem>>
        %swap3A_579 = tpu.memref_squeeze %swap3A_578 : memref<1x128xi32, #tpu.memory_space<vmem>> -> memref<128xi32, #tpu.memory_space<vmem>>
        %swap3A_580 = arith.constant 96 : index
        %swap3A_581 = tpu.vector_load %swap3A_579[%swap3A_580] {strides = array<i32>} : memref<128xi32, #tpu.memory_space<vmem>>, vector<16xi32>,
        tpu.vector_store %swap3A_579[%swap3A_580], %get3A_576 {strides = array<i32>} : memref<128xi32, #tpu.memory_space<vmem>>, vector<16xi32>,
        %mul3A_582 = arith.constant 128 : i32
        %mul3A_583 = arith.muli %while3A_425, %mul3A_582 : i32
        %add3A_584 = arith.constant 96 : i32
        %add3A_585 = arith.addi %mul3A_583, %add3A_584 : i32
        %get3A_586 = arith.index_cast %add3A_585 : i32 to index
        %get3A_587 = tpu.vector_load %arg17[%get3A_586] {strides = array<i32>} : memref<2176xi32, #tpu.memory_space<vmem>>, vector<16xi32>,
        %swap3A_588 = arith.constant 0 : i32
        %swap3A_589 = tpu.memref_slice %arg19[%rem3A_428, %swap3A_588] : memref<12x128xi32, #tpu.memory_space<vmem>> -> memref<1x128xi32, #tpu.memory_space<vmem>>
        %swap3A_590 = tpu.memref_squeeze %swap3A_589 : memref<1x128xi32, #tpu.memory_space<vmem>> -> memref<128xi32, #tpu.memory_space<vmem>>
        %swap3A_591 = arith.constant 96 : index
        %swap3A_592 = tpu.vector_load %swap3A_590[%swap3A_591] {strides = array<i32>} : memref<128xi32, #tpu.memory_space<vmem>>, vector<16xi32>,
        tpu.vector_store %swap3A_590[%swap3A_591], %get3A_587 {strides = array<i32>} : memref<128xi32, #tpu.memory_space<vmem>>, vector<16xi32>,
        %mul3A_593 = arith.constant 128 : i32
        %mul3A_594 = arith.muli %while3A_425, %mul3A_593 : i32
        %add3A_595 = arith.constant 112 : i32
        %add3A_596 = arith.addi %mul3A_594, %add3A_595 : i32
        %get3A_597 = arith.index_cast %add3A_596 : i32 to index
        %get3A_598 = tpu.vector_load %arg16[%get3A_597] {strides = array<i32>} : memref<2176xi32, #tpu.memory_space<vmem>>, vector<16xi32>,
        %swap3A_599 = arith.constant 0 : i32
        %swap3A_600 = tpu.memref_slice %arg18[%rem3A_428, %swap3A_599] : memref<12x128xi32, #tpu.memory_space<vmem>> -> memref<1x128xi32, #tpu.memory_space<vmem>>
        %swap3A_601 = tpu.memref_squeeze %swap3A_600 : memref<1x128xi32, #tpu.memory_space<vmem>> -> memref<128xi32, #tpu.memory_space<vmem>>
        %swap3A_602 = arith.constant 112 : index
        %swap3A_603 = tpu.vector_load %swap3A_601[%swap3A_602] {strides = array<i32>} : memref<128xi32, #tpu.memory_space<vmem>>, vector<16xi32>,
        tpu.vector_store %swap3A_601[%swap3A_602], %get3A_598 {strides = array<i32>} : memref<128xi32, #tpu.memory_space<vmem>>, vector<16xi32>,
        %mul3A_604 = arith.constant 128 : i32
        %mul3A_605 = arith.muli %while3A_425, %mul3A_604 : i32
        %add3A_606 = arith.constant 112 : i32
        %add3A_607 = arith.addi %mul3A_605, %add3A_606 : i32
        %get3A_608 = arith.index_cast %add3A_607 : i32 to index
        %get3A_609 = tpu.vector_load %arg17[%get3A_608] {strides = array<i32>} : memref<2176xi32, #tpu.memory_space<vmem>>, vector<16xi32>,
        %swap3A_610 = arith.constant 0 : i32
        %swap3A_611 = tpu.memref_slice %arg19[%rem3A_428, %swap3A_610] : memref<12x128xi32, #tpu.memory_space<vmem>> -> memref<1x128xi32, #tpu.memory_space<vmem>>
        %swap3A_612 = tpu.memref_squeeze %swap3A_611 : memref<1x128xi32, #tpu.memory_space<vmem>> -> memref<128xi32, #tpu.memory_space<vmem>>
        %swap3A_613 = arith.constant 112 : index
        %swap3A_614 = tpu.vector_load %swap3A_612[%swap3A_613] {strides = array<i32>} : memref<128xi32, #tpu.memory_space<vmem>>, vector<16xi32>,
        tpu.vector_store %swap3A_612[%swap3A_613], %get3A_609 {strides = array<i32>} : memref<128xi32, #tpu.memory_space<vmem>>, vector<16xi32>,
        %dma_start3A_615 = arith.constant 0 : i32
        %dma_start3A_616 = tpu.memref_slice %arg20[%rem3A_428, %dma_start3A_615] : memref<12x128xf32, #tpu.memory_space<vmem>> -> memref<1x128xf32, #tpu.memory_space<vmem>>
        %dma_start3A_617 = tpu.memref_squeeze %dma_start3A_616 : memref<1x128xf32, #tpu.memory_space<vmem>> -> memref<128xf32, #tpu.memory_space<vmem>>
        %dma_start3A_618 = arith.constant 0 : i32
        %dma_start3A_619 = tpu.memref_slice %arg18[%rem3A_428, %dma_start3A_618] : memref<12x128xi32, #tpu.memory_space<vmem>> -> memref<1x128xi32, #tpu.memory_space<vmem>>
        %dma_start3A_620 = tpu.memref_squeeze %dma_start3A_619 : memref<1x128xi32, #tpu.memory_space<vmem>> -> memref<128xi32, #tpu.memory_space<vmem>>
        %dma_start3A_621 = arith.constant 0 : i32
        %dma_start3A_622 = tpu.memref_slice %arg3[%dma_start3A_621] : memref<100000xf32, #tpu.memory_space<hbm>> -> memref<100000xf32, #tpu.memory_space<hbm>>
        %dma_start3A_623 = tpu.memref_slice %arg28[%rem3A_428] : memref<12x!tpu.dma_semaphore, #tpu.memory_space<semaphore_mem>> -> memref<1x!tpu.dma_semaphore, #tpu.memory_space<semaphore_mem>>
        %dma_start3A_624 = tpu.memref_squeeze %dma_start3A_623 : memref<1x!tpu.dma_semaphore, #tpu.memory_space<semaphore_mem>> -> memref<!tpu.dma_semaphore, #tpu.memory_space<semaphore_mem>>
        tpu.enqueue_indirect_dma source(%dma_start3A_622 : memref<100000xf32, #tpu.memory_space<hbm>>) target(%dma_start3A_617 : memref<128xf32, #tpu.memory_space<vmem>>) offsets(%dma_start3A_620 : memref<128xi32, #tpu.memory_space<vmem>>) semaphore(%dma_start3A_624 : memref<!tpu.dma_semaphore, #tpu.memory_space<semaphore_mem>>)
        %add3A_625 = arith.constant 1 : i32
        %add3A_626 = arith.addi %while3A_426, %add3A_625 : i32
        scf.yield %add3A_626 : i32
      }
      %mul3A_417 = arith.constant 128 : i32
      %mul3A_418 = arith.muli %select_n3A_405, %mul3A_417 : i32
      %sub3A_419 = arith.subi %parallel_loop3A_381, %mul3A_418 : i32
      %gt3A_420 = arith.constant 0 : i32
      %gt3A_421 = arith.cmpi sgt, %select_n3A_405, %gt3A_420 : i32
      %convert_element_type3A_422 = arith.extui %gt3A_421 : i1 to i32
      %cond3A_423 = arith.constant 0 : i32
      %cond3A_424 = arith.cmpi ne, %convert_element_type3A_422, %cond3A_423 : i32
      scf.if %cond3A_424 {
        %add3A_425 = arith.constant 15 : i32
        %add3A_426 = arith.addi %sub3A_419, %add3A_425 : i32
        %jit3A_427 = arith.constant 16 : i32
        %div3A_428 = arith.divsi %add3A_426, %jit3A_427 : i32
        %sign3A_429 = arith.constant 0 : i32
        %sign3A_430 = arith.cmpi sgt, %add3A_426, %sign3A_429 : i32
        %sign3A_431 = arith.extui %sign3A_430 : i1 to i32
        %sign3A_432 = arith.constant 0 : i32
        %sign3A_433 = arith.cmpi slt, %add3A_426, %sign3A_432 : i32
        %sign3A_434 = arith.extui %sign3A_433 : i1 to i32
        %sign3A_435 = arith.subi %sign3A_431, %sign3A_434 : i32
        %sign3A_436 = arith.constant 0 : i32
        %sign3A_437 = arith.cmpi sgt, %jit3A_427, %sign3A_436 : i32
        %sign3A_438 = arith.extui %sign3A_437 : i1 to i32
        %sign3A_439 = arith.constant 0 : i32
        %sign3A_440 = arith.cmpi slt, %jit3A_427, %sign3A_439 : i32
        %sign3A_441 = arith.extui %sign3A_440 : i1 to i32
        %sign3A_442 = arith.subi %sign3A_438, %sign3A_441 : i32
        %ne3A_443 = arith.cmpi ne, %sign3A_435, %sign3A_442 : i32
        %rem3A_444 = arith.remsi %add3A_426, %jit3A_427 : i32
        %ne3A_445 = arith.constant 0 : i32
        %ne3A_446 = arith.cmpi ne, %rem3A_444, %ne3A_445 : i32
        %and3A_447 = arith.andi %ne3A_443, %ne3A_446 : i1
        %sub3A_448 = arith.constant 1 : i32
        %sub3A_449 = arith.subi %div3A_428, %sub3A_448 : i32
        %select_n3A_450 = arith.select %and3A_447, %sub3A_449, %div3A_428 : i32
        %while3A_451 = arith.constant 0 : i32
        %while3A_452 = arith.constant 0 : i32
        %while3A_453 = arith.subi %select_n3A_450, %while3A_451 : i32
        %while3A_454 = arith.addi %while3A_451, %while3A_453 : i32
        %while3A_455 = arith.constant 1 : i32
        %while3A_456 = arith.divsi %while3A_453, %while3A_455 : i32
        %while3A_457 = arith.muli %while3A_456, %while3A_455 : i32
        %while3A_458 = arith.addi %while3A_451, %while3A_457 : i32
        %while3A_459 = arith.constant 1 : i32
        %while3A_460 = scf.for %while3A_463 = %while3A_451 to %while3A_458 step %while3A_459 iter_args(%while3A_464 = %while3A_452) -> (i32)  : i32 {
          %mul3A_465 = arith.constant 128 : i32
          %mul3A_466 = arith.muli %select_n3A_405, %mul3A_465 : i32
          %mul3A_467 = arith.constant 16 : i32
          %mul3A_468 = arith.muli %mul3A_467, %while3A_463 : i32
          %add3A_469 = arith.addi %mul3A_466, %mul3A_468 : i32
          %get3A_470 = arith.index_cast %add3A_469 : i32 to index
          %get3A_471 = tpu.vector_load %arg16[%get3A_470] {strides = array<i32>} : memref<2176xi32, #tpu.memory_space<vmem>>, vector<16xi32>,
          %mul3A_472 = arith.constant 16 : i32
          %mul3A_473 = arith.muli %mul3A_472, %while3A_463 : i32
          %swap3A_474 = arith.index_cast %mul3A_473 : i32 to index
          %swap3A_475 = tpu.vector_load %arg16[%swap3A_474] {strides = array<i32>} : memref<2176xi32, #tpu.memory_space<vmem>>, vector<16xi32>,
          tpu.vector_store %arg16[%swap3A_474], %get3A_471 {strides = array<i32>} : memref<2176xi32, #tpu.memory_space<vmem>>, vector<16xi32>,
          %mul3A_476 = arith.constant 128 : i32
          %mul3A_477 = arith.muli %select_n3A_405, %mul3A_476 : i32
          %mul3A_478 = arith.constant 16 : i32
          %mul3A_479 = arith.muli %mul3A_478, %while3A_463 : i32
          %add3A_480 = arith.addi %mul3A_477, %mul3A_479 : i32
          %get3A_481 = arith.index_cast %add3A_480 : i32 to index
          %get3A_482 = tpu.vector_load %arg17[%get3A_481] {strides = array<i32>} : memref<2176xi32, #tpu.memory_space<vmem>>, vector<16xi32>,
          %mul3A_483 = arith.constant 16 : i32
          %mul3A_484 = arith.muli %mul3A_483, %while3A_463 : i32
          %swap3A_485 = arith.index_cast %mul3A_484 : i32 to index
          %swap3A_486 = tpu.vector_load %arg17[%swap3A_485] {strides = array<i32>} : memref<2176xi32, #tpu.memory_space<vmem>>, vector<16xi32>,
          tpu.vector_store %arg17[%swap3A_485], %get3A_482 {strides = array<i32>} : memref<2176xi32, #tpu.memory_space<vmem>>, vector<16xi32>,
          %while3A_487 = arith.constant 0 : i32
          scf.yield %while3A_487 : i32
        }
        %while3A_461 = arith.constant 1 : i32
        %while3A_462 = scf.for %while3A_463 = %while3A_458 to %while3A_454 step %while3A_461 iter_args(%while3A_464 = %while3A_460) -> (i32)  : i32 {
          %mul3A_465 = arith.constant 128 : i32
          %mul3A_466 = arith.muli %select_n3A_405, %mul3A_465 : i32
          %mul3A_467 = arith.constant 16 : i32
          %mul3A_468 = arith.muli %mul3A_467, %while3A_463 : i32
          %add3A_469 = arith.addi %mul3A_466, %mul3A_468 : i32
          %get3A_470 = arith.index_cast %add3A_469 : i32 to index
          %get3A_471 = tpu.vector_load %arg16[%get3A_470] {strides = array<i32>} : memref<2176xi32, #tpu.memory_space<vmem>>, vector<16xi32>,
          %mul3A_472 = arith.constant 16 : i32
          %mul3A_473 = arith.muli %mul3A_472, %while3A_463 : i32
          %swap3A_474 = arith.index_cast %mul3A_473 : i32 to index
          %swap3A_475 = tpu.vector_load %arg16[%swap3A_474] {strides = array<i32>} : memref<2176xi32, #tpu.memory_space<vmem>>, vector<16xi32>,
          tpu.vector_store %arg16[%swap3A_474], %get3A_471 {strides = array<i32>} : memref<2176xi32, #tpu.memory_space<vmem>>, vector<16xi32>,
          %mul3A_476 = arith.constant 128 : i32
          %mul3A_477 = arith.muli %select_n3A_405, %mul3A_476 : i32
          %mul3A_478 = arith.constant 16 : i32
          %mul3A_479 = arith.muli %mul3A_478, %while3A_463 : i32
          %add3A_480 = arith.addi %mul3A_477, %mul3A_479 : i32
          %get3A_481 = arith.index_cast %add3A_480 : i32 to index
          %get3A_482 = tpu.vector_load %arg17[%get3A_481] {strides = array<i32>} : memref<2176xi32, #tpu.memory_space<vmem>>, vector<16xi32>,
          %mul3A_483 = arith.constant 16 : i32
          %mul3A_484 = arith.muli %mul3A_483, %while3A_463 : i32
          %swap3A_485 = arith.index_cast %mul3A_484 : i32 to index
          %swap3A_486 = tpu.vector_load %arg17[%swap3A_485] {strides = array<i32>} : memref<2176xi32, #tpu.memory_space<vmem>>, vector<16xi32>,
          tpu.vector_store %arg17[%swap3A_485], %get3A_482 {strides = array<i32>} : memref<2176xi32, #tpu.memory_space<vmem>>, vector<16xi32>,
          %while3A_487 = arith.constant 0 : i32
          scf.yield %while3A_487 : i32
        }
      } else {
      }
      scf.yield %sub3A_419, %while3A_416 : i32, i32
    }
    %while3A_51 = arith.constant 1 : i32
    %while3A_52:2 = scf.for %while3A_342 = %while3A_48 to %while3A_44 step %while3A_51 iter_args(%while3A_343 = %while3A_50#0, %while3A_344 = %while3A_50#1) -> (i32, i32)  : i32 {
      %rem3A_345 = arith.constant 3 : i32
      %rem3A_346 = arith.remsi %while3A_342, %rem3A_345 : i32
      %mul3A_347 = arith.constant 32 : i32
      %mul3A_348 = arith.muli %while3A_342, %mul3A_347 : i32
      %add3A_349 = arith.addi %mul3A_348, %add3A : i32
      %mul3A_350 = arith.constant 2048 : i32
      %mul3A_351 = arith.muli %add3A_349, %mul3A_350 : i32
      %mul3A_352 = arith.constant 2048 : i32
      %mul3A_353 = arith.muli %rem3A_346, %mul3A_352 : i32
      %dma_wait3A = arith.constant 0 : i32
      %dma_wait3A_354 = tpu.memref_slice %arg14[%mul3A_353] : memref<6144xi32, #tpu.memory_space<vmem>> -> memref<2048xi32, #tpu.memory_space<vmem>>
      %dma_wait3A_355 = tpu.memref_slice %arg2[%dma_wait3A, %mul3A_351] : memref<2x6400000xi32, #tpu.memory_space<hbm>> -> memref<1x2048xi32, #tpu.memory_space<hbm>>
      %dma_wait3A_356 = tpu.memref_squeeze %dma_wait3A_355 : memref<1x2048xi32, #tpu.memory_space<hbm>> -> memref<2048xi32, #tpu.memory_space<hbm>>
      %dma_wait3A_357 = tpu.memref_slice %arg27[%rem3A_346] : memref<3x!tpu.dma_semaphore, #tpu.memory_space<semaphore_mem>> -> memref<1x!tpu.dma_semaphore, #tpu.memory_space<semaphore_mem>>
      %dma_wait3A_358 = tpu.memref_squeeze %dma_wait3A_357 : memref<1x!tpu.dma_semaphore, #tpu.memory_space<semaphore_mem>> -> memref<!tpu.dma_semaphore, #tpu.memory_space<semaphore_mem>>
      %dma_wait3A_359 = tpu.memref_slice %arg14[%mul3A_353] : memref<6144xi32, #tpu.memory_space<vmem>> -> memref<2048xi32, #tpu.memory_space<vmem>>
      %dma_wait3A_360 = tpu.memref_slice %arg2[%dma_wait3A, %mul3A_351] : memref<2x6400000xi32, #tpu.memory_space<hbm>> -> memref<1x2048xi32, #tpu.memory_space<hbm>>
      %dma_wait3A_361 = tpu.memref_squeeze %dma_wait3A_360 : memref<1x2048xi32, #tpu.memory_space<hbm>> -> memref<2048xi32, #tpu.memory_space<hbm>>
      tpu.wait_dma2 semaphore(%dma_wait3A_358 : memref<!tpu.dma_semaphore, #tpu.memory_space<semaphore_mem>>) src(%dma_wait3A_361 : memref<2048xi32, #tpu.memory_space<hbm>>) dst(%dma_wait3A_359 : memref<2048xi32, #tpu.memory_space<vmem>>)
      %dma_wait3A_362 = arith.constant 1 : i32
      %dma_wait3A_363 = tpu.memref_slice %arg15[%mul3A_353] : memref<6144xi32, #tpu.memory_space<vmem>> -> memref<2048xi32, #tpu.memory_space<vmem>>
      %dma_wait3A_364 = tpu.memref_slice %arg2[%dma_wait3A_362, %mul3A_351] : memref<2x6400000xi32, #tpu.memory_space<hbm>> -> memref<1x2048xi32, #tpu.memory_space<hbm>>
      %dma_wait3A_365 = tpu.memref_squeeze %dma_wait3A_364 : memref<1x2048xi32, #tpu.memory_space<hbm>> -> memref<2048xi32, #tpu.memory_space<hbm>>
      %dma_wait3A_366 = tpu.memref_slice %arg27[%rem3A_346] : memref<3x!tpu.dma_semaphore, #tpu.memory_space<semaphore_mem>> -> memref<1x!tpu.dma_semaphore, #tpu.memory_space<semaphore_mem>>
      %dma_wait3A_367 = tpu.memref_squeeze %dma_wait3A_366 : memref<1x!tpu.dma_semaphore, #tpu.memory_space<semaphore_mem>> -> memref<!tpu.dma_semaphore, #tpu.memory_space<semaphore_mem>>
      %dma_wait3A_368 = tpu.memref_slice %arg15[%mul3A_353] : memref<6144xi32, #tpu.memory_space<vmem>> -> memref<2048xi32, #tpu.memory_space<vmem>>
      %dma_wait3A_369 = tpu.memref_slice %arg2[%dma_wait3A_362, %mul3A_351] : memref<2x6400000xi32, #tpu.memory_space<hbm>> -> memref<1x2048xi32, #tpu.memory_space<hbm>>
      %dma_wait3A_370 = tpu.memref_squeeze %dma_wait3A_369 : memref<1x2048xi32, #tpu.memory_space<hbm>> -> memref<2048xi32, #tpu.memory_space<hbm>>
      tpu.wait_dma2 semaphore(%dma_wait3A_367 : memref<!tpu.dma_semaphore, #tpu.memory_space<semaphore_mem>>) src(%dma_wait3A_370 : memref<2048xi32, #tpu.memory_space<hbm>>) dst(%dma_wait3A_368 : memref<2048xi32, #tpu.memory_space<vmem>>)
      %add3A_371 = arith.constant 1 : i32
      %add3A_372 = arith.addi %while3A_342, %add3A_371 : i32
      %lt3A_373 = arith.cmpi slt, %add3A_372, %add3A_13 : i32
      %convert_element_type3A_374 = arith.extui %lt3A_373 : i1 to i32
      %cond3A_375 = arith.constant 0 : i32
      %cond3A_376 = arith.cmpi ne, %convert_element_type3A_374, %cond3A_375 : i32
      scf.if %cond3A_376 {
        %add3A_425 = arith.constant 1 : i32
        %add3A_426 = arith.addi %while3A_342, %add3A_425 : i32
        %add3A_427 = arith.constant 1 : i32
        %add3A_428 = arith.addi %while3A_342, %add3A_427 : i32
        %rem3A_429 = arith.constant 3 : i32
        %rem3A_430 = arith.remsi %add3A_428, %rem3A_429 : i32
        %mul3A_431 = arith.constant 32 : i32
        %mul3A_432 = arith.muli %add3A_426, %mul3A_431 : i32
        %add3A_433 = arith.addi %mul3A_432, %add3A : i32
        %mul3A_434 = arith.constant 2048 : i32
        %mul3A_435 = arith.muli %add3A_433, %mul3A_434 : i32
        %mul3A_436 = arith.constant 2048 : i32
        %mul3A_437 = arith.muli %rem3A_430, %mul3A_436 : i32
        %dma_start3A_438 = arith.constant 0 : i32
        %dma_start3A_439 = tpu.memref_slice %arg14[%mul3A_437] : memref<6144xi32, #tpu.memory_space<vmem>> -> memref<2048xi32, #tpu.memory_space<vmem>>
        %dma_start3A_440 = tpu.memref_slice %arg2[%dma_start3A_438, %mul3A_435] : memref<2x6400000xi32, #tpu.memory_space<hbm>> -> memref<1x2048xi32, #tpu.memory_space<hbm>>
        %dma_start3A_441 = tpu.memref_squeeze %dma_start3A_440 : memref<1x2048xi32, #tpu.memory_space<hbm>> -> memref<2048xi32, #tpu.memory_space<hbm>>
        %dma_start3A_442 = tpu.memref_slice %arg27[%rem3A_430] : memref<3x!tpu.dma_semaphore, #tpu.memory_space<semaphore_mem>> -> memref<1x!tpu.dma_semaphore, #tpu.memory_space<semaphore_mem>>
        %dma_start3A_443 = tpu.memref_squeeze %dma_start3A_442 : memref<1x!tpu.dma_semaphore, #tpu.memory_space<semaphore_mem>> -> memref<!tpu.dma_semaphore, #tpu.memory_space<semaphore_mem>>
        %dma_start3A_444 = tpu.memref_slice %arg14[%mul3A_437] : memref<6144xi32, #tpu.memory_space<vmem>> -> memref<2048xi32, #tpu.memory_space<vmem>>
        %dma_start3A_445 = tpu.memref_slice %arg2[%dma_start3A_438, %mul3A_435] : memref<2x6400000xi32, #tpu.memory_space<hbm>> -> memref<1x2048xi32, #tpu.memory_space<hbm>>
        %dma_start3A_446 = tpu.memref_squeeze %dma_start3A_445 : memref<1x2048xi32, #tpu.memory_space<hbm>> -> memref<2048xi32, #tpu.memory_space<hbm>>
        tpu.enqueue_dma source(%dma_start3A_446 : memref<2048xi32, #tpu.memory_space<hbm>>) target(%dma_start3A_444 : memref<2048xi32, #tpu.memory_space<vmem>>) target_semaphore(%dma_start3A_443 : memref<!tpu.dma_semaphore, #tpu.memory_space<semaphore_mem>>)
        %dma_start3A_447 = arith.constant 1 : i32
        %dma_start3A_448 = tpu.memref_slice %arg15[%mul3A_437] : memref<6144xi32, #tpu.memory_space<vmem>> -> memref<2048xi32, #tpu.memory_space<vmem>>
        %dma_start3A_449 = tpu.memref_slice %arg2[%dma_start3A_447, %mul3A_435] : memref<2x6400000xi32, #tpu.memory_space<hbm>> -> memref<1x2048xi32, #tpu.memory_space<hbm>>
        %dma_start3A_450 = tpu.memref_squeeze %dma_start3A_449 : memref<1x2048xi32, #tpu.memory_space<hbm>> -> memref<2048xi32, #tpu.memory_space<hbm>>
        %dma_start3A_451 = tpu.memref_slice %arg27[%rem3A_430] : memref<3x!tpu.dma_semaphore, #tpu.memory_space<semaphore_mem>> -> memref<1x!tpu.dma_semaphore, #tpu.memory_space<semaphore_mem>>
        %dma_start3A_452 = tpu.memref_squeeze %dma_start3A_451 : memref<1x!tpu.dma_semaphore, #tpu.memory_space<semaphore_mem>> -> memref<!tpu.dma_semaphore, #tpu.memory_space<semaphore_mem>>
        %dma_start3A_453 = tpu.memref_slice %arg15[%mul3A_437] : memref<6144xi32, #tpu.memory_space<vmem>> -> memref<2048xi32, #tpu.memory_space<vmem>>
        %dma_start3A_454 = tpu.memref_slice %arg2[%dma_start3A_447, %mul3A_435] : memref<2x6400000xi32, #tpu.memory_space<hbm>> -> memref<1x2048xi32, #tpu.memory_space<hbm>>
        %dma_start3A_455 = tpu.memref_squeeze %dma_start3A_454 : memref<1x2048xi32, #tpu.memory_space<hbm>> -> memref<2048xi32, #tpu.memory_space<hbm>>
        tpu.enqueue_dma source(%dma_start3A_455 : memref<2048xi32, #tpu.memory_space<hbm>>) target(%dma_start3A_453 : memref<2048xi32, #tpu.memory_space<vmem>>) target_semaphore(%dma_start3A_452 : memref<!tpu.dma_semaphore, #tpu.memory_space<semaphore_mem>>)
      } else {
      }
      %mul3A_377 = arith.constant 2048 : i32
      %mul3A_378 = arith.muli %rem3A_346, %mul3A_377 : i32
      %parallel_loop3A = arith.constant 0 : i32
      %parallel_loop3A_379 = arith.constant 128 : i32
      %parallel_loop3A_380 = arith.constant 1 : i32
      %parallel_loop3A_381 = scf.for %parallel_loop3A_425 = %parallel_loop3A to %parallel_loop3A_379 step %parallel_loop3A_380 iter_args(%parallel_loop3A_426 = %while3A_343) -> (i32)  : i32 {
        %parallel_loop3A_427 = arith.constant 16 : i32
        %parallel_loop3A_428 = arith.muli %parallel_loop3A_427, %parallel_loop3A_425 : i32
        %parallel_loop3A_429 = arith.addi %mul3A_378, %parallel_loop3A_428 : i32
        %parallel_loop3A_430 = arith.index_cast %parallel_loop3A_429 : i32 to index
        %parallel_loop3A_431 = tpu.vector_load %arg14[%parallel_loop3A_430] {strides = array<i32>} : memref<6144xi32, #tpu.memory_space<vmem>>, vector<16xi32>,
        %parallel_loop3A_432 = arith.index_cast %parallel_loop3A_429 : i32 to index
        %parallel_loop3A_433 = tpu.vector_load %arg15[%parallel_loop3A_432] {strides = array<i32>} : memref<6144xi32, #tpu.memory_space<vmem>>, vector<16xi32>,
        %parallel_loop3A_434 = tpu.vector_load_idx %arg13[%parallel_loop3A_433] : memref<100000xi32, #tpu.memory_space<vmem>>[vector<16xi32>], vector<16xi32>,
        %parallel_loop3A_435 = arith.constant 0 : i32
        %parallel_loop3A_436 = vector.broadcast %parallel_loop3A_435 : i32 to vector<16xi32>
        %parallel_loop3A_437 = arith.cmpi sgt, %parallel_loop3A_434, %parallel_loop3A_436 : vector<16xi32>
        %parallel_loop3A_438 = arith.index_cast %parallel_loop3A_426 : i32 to index
        %parallel_loop3A_439 = tpu.vector_load %arg16[%parallel_loop3A_438] masked %parallel_loop3A_437 {strides = array<i32>} : memref<2176xi32, #tpu.memory_space<vmem>>, vector<16xi32>, vector<16xi1>
        tpu.vector_store %arg16[%parallel_loop3A_438], %parallel_loop3A_431 masked %parallel_loop3A_437 {strides = array<i32>} : memref<2176xi32, #tpu.memory_space<vmem>>, vector<16xi32>, vector<16xi1>
        %parallel_loop3A_440 = arith.index_cast %parallel_loop3A_426 : i32 to index
        %parallel_loop3A_441 = tpu.vector_load %arg17[%parallel_loop3A_440] masked %parallel_loop3A_437 {strides = array<i32>} : memref<2176xi32, #tpu.memory_space<vmem>>, vector<16xi32>, vector<16xi1>
        tpu.vector_store %arg17[%parallel_loop3A_440], %parallel_loop3A_433 masked %parallel_loop3A_437 {strides = array<i32>} : memref<2176xi32, #tpu.memory_space<vmem>>, vector<16xi32>, vector<16xi1>
        %parallel_loop3A_442 = tpu.all_reduce %parallel_loop3A_437 {dim = 0 : i64, kind = #tpu.reduction_kind<sum>} : vector<16xi1> -> vector<16xi32>
        %parallel_loop3A_443 = vector.extract_strided_slice %parallel_loop3A_442 {offsets = [0], sizes = [1], strides = [1]} : vector<16xi32> to vector<1xi32>
        %parallel_loop3A_444 = vector.extract %parallel_loop3A_443[0] : i32 from vector<1xi32>
        %parallel_loop3A_445 = arith.addi %parallel_loop3A_426, %parallel_loop3A_444 : i32
        scf.yield %parallel_loop3A_445 : i32
      } {sc.loop_unroll_factor = 16 : i64, sc.parallel_access}
      %jit3A_382 = arith.constant 128 : i32
      %div3A_383 = arith.divsi %parallel_loop3A_381, %jit3A_382 : i32
      %sign3A_384 = arith.constant 0 : i32
      %sign3A_385 = arith.cmpi sgt, %parallel_loop3A_381, %sign3A_384 : i32
      %sign3A_386 = arith.extui %sign3A_385 : i1 to i32
      %sign3A_387 = arith.constant 0 : i32
      %sign3A_388 = arith.cmpi slt, %parallel_loop3A_381, %sign3A_387 : i32
      %sign3A_389 = arith.extui %sign3A_388 : i1 to i32
      %sign3A_390 = arith.subi %sign3A_386, %sign3A_389 : i32
      %sign3A_391 = arith.constant 0 : i32
      %sign3A_392 = arith.cmpi sgt, %jit3A_382, %sign3A_391 : i32
      %sign3A_393 = arith.extui %sign3A_392 : i1 to i32
      %sign3A_394 = arith.constant 0 : i32
      %sign3A_395 = arith.cmpi slt, %jit3A_382, %sign3A_394 : i32
      %sign3A_396 = arith.extui %sign3A_395 : i1 to i32
      %sign3A_397 = arith.subi %sign3A_393, %sign3A_396 : i32
      %ne3A_398 = arith.cmpi ne, %sign3A_390, %sign3A_397 : i32
      %rem3A_399 = arith.remsi %parallel_loop3A_381, %jit3A_382 : i32
      %ne3A_400 = arith.constant 0 : i32
      %ne3A_401 = arith.cmpi ne, %rem3A_399, %ne3A_400 : i32
      %and3A_402 = arith.andi %ne3A_398, %ne3A_401 : i1
      %sub3A_403 = arith.constant 1 : i32
      %sub3A_404 = arith.subi %div3A_383, %sub3A_403 : i32
      %select_n3A_405 = arith.select %and3A_402, %sub3A_404, %div3A_383 : i32
      %while3A_406 = arith.constant 0 : i32
      %while3A_407 = arith.subi %select_n3A_405, %while3A_406 : i32
      %while3A_408 = arith.addi %while3A_406, %while3A_407 : i32
      %while3A_409 = arith.constant 1 : i32
      %while3A_410 = arith.divsi %while3A_407, %while3A_409 : i32
      %while3A_411 = arith.muli %while3A_410, %while3A_409 : i32
      %while3A_412 = arith.addi %while3A_406, %while3A_411 : i32
      %while3A_413 = arith.constant 1 : i32
      %while3A_414 = scf.for %while3A_425 = %while3A_406 to %while3A_412 step %while3A_413 iter_args(%while3A_426 = %while3A_344) -> (i32)  : i32 {
        %rem3A_427 = arith.constant 12 : i32
        %rem3A_428 = arith.remsi %while3A_426, %rem3A_427 : i32
        %ge3A_429 = arith.constant 12 : i32
        %ge3A_430 = arith.cmpi sge, %while3A_426, %ge3A_429 : i32
        %convert_element_type3A_431 = arith.extui %ge3A_430 : i1 to i32
        %cond3A_432 = arith.constant 0 : i32
        %cond3A_433 = arith.cmpi ne, %convert_element_type3A_431, %cond3A_432 : i32
        scf.if %cond3A_433 {
          %dma_wait3A_627 = arith.constant 0 : i32
          %dma_wait3A_628 = tpu.memref_slice %arg20[%rem3A_428, %dma_wait3A_627] : memref<12x128xf32, #tpu.memory_space<vmem>> -> memref<1x128xf32, #tpu.memory_space<vmem>>
          %dma_wait3A_629 = tpu.memref_squeeze %dma_wait3A_628 : memref<1x128xf32, #tpu.memory_space<vmem>> -> memref<128xf32, #tpu.memory_space<vmem>>
          %dma_wait3A_630 = arith.constant 0 : i32
          %dma_wait3A_631 = tpu.memref_slice %arg19[%rem3A_428, %dma_wait3A_630] : memref<12x128xi32, #tpu.memory_space<vmem>> -> memref<1x128xi32, #tpu.memory_space<vmem>>
          %dma_wait3A_632 = tpu.memref_squeeze %dma_wait3A_631 : memref<1x128xi32, #tpu.memory_space<vmem>> -> memref<128xi32, #tpu.memory_space<vmem>>
          %dma_wait3A_633 = arith.constant 0 : i32
          %dma_wait3A_634 = tpu.memref_slice %arg26[%dma_wait3A_633] : memref<100352xf32, #tpu.memory_space<vmem_shared>> -> memref<100352xf32, #tpu.memory_space<vmem_shared>>
          %dma_wait3A_635 = tpu.memref_slice %arg29[%rem3A_428] : memref<12x!tpu.dma_semaphore, #tpu.memory_space<semaphore_mem>> -> memref<1x!tpu.dma_semaphore, #tpu.memory_space<semaphore_mem>>
          %dma_wait3A_636 = tpu.memref_squeeze %dma_wait3A_635 : memref<1x!tpu.dma_semaphore, #tpu.memory_space<semaphore_mem>> -> memref<!tpu.dma_semaphore, #tpu.memory_space<semaphore_mem>>
          tpu.wait_indirect_dma semaphore(%dma_wait3A_636 : memref<!tpu.dma_semaphore, #tpu.memory_space<semaphore_mem>>) src(%dma_wait3A_629 : memref<128xf32, #tpu.memory_space<vmem>>) dst(%dma_wait3A_634 : memref<100352xf32, #tpu.memory_space<vmem_shared>>)
        } else {
        }
        %ge3A_434 = arith.constant 6 : i32
        %ge3A_435 = arith.cmpi sge, %while3A_426, %ge3A_434 : i32
        %convert_element_type3A_436 = arith.extui %ge3A_435 : i1 to i32
        %cond3A_437 = arith.constant 0 : i32
        %cond3A_438 = arith.cmpi ne, %convert_element_type3A_436, %cond3A_437 : i32
        scf.if %cond3A_438 {
          %sub3A_627 = arith.constant 6 : i32
          %sub3A_628 = arith.subi %while3A_426, %sub3A_627 : i32
          %rem3A_629 = arith.constant 12 : i32
          %rem3A_630 = arith.remsi %sub3A_628, %rem3A_629 : i32
          %dma_wait3A_631 = arith.constant 0 : i32
          %dma_wait3A_632 = tpu.memref_slice %arg20[%rem3A_630, %dma_wait3A_631] : memref<12x128xf32, #tpu.memory_space<vmem>> -> memref<1x128xf32, #tpu.memory_space<vmem>>
          %dma_wait3A_633 = tpu.memref_squeeze %dma_wait3A_632 : memref<1x128xf32, #tpu.memory_space<vmem>> -> memref<128xf32, #tpu.memory_space<vmem>>
          %dma_wait3A_634 = arith.constant 0 : i32
          %dma_wait3A_635 = tpu.memref_slice %arg18[%rem3A_630, %dma_wait3A_634] : memref<12x128xi32, #tpu.memory_space<vmem>> -> memref<1x128xi32, #tpu.memory_space<vmem>>
          %dma_wait3A_636 = tpu.memref_squeeze %dma_wait3A_635 : memref<1x128xi32, #tpu.memory_space<vmem>> -> memref<128xi32, #tpu.memory_space<vmem>>
          %dma_wait3A_637 = arith.constant 0 : i32
          %dma_wait3A_638 = tpu.memref_slice %arg3[%dma_wait3A_637] : memref<100000xf32, #tpu.memory_space<hbm>> -> memref<100000xf32, #tpu.memory_space<hbm>>
          %dma_wait3A_639 = tpu.memref_slice %arg28[%rem3A_630] : memref<12x!tpu.dma_semaphore, #tpu.memory_space<semaphore_mem>> -> memref<1x!tpu.dma_semaphore, #tpu.memory_space<semaphore_mem>>
          %dma_wait3A_640 = tpu.memref_squeeze %dma_wait3A_639 : memref<1x!tpu.dma_semaphore, #tpu.memory_space<semaphore_mem>> -> memref<!tpu.dma_semaphore, #tpu.memory_space<semaphore_mem>>
          tpu.wait_indirect_dma semaphore(%dma_wait3A_640 : memref<!tpu.dma_semaphore, #tpu.memory_space<semaphore_mem>>) src(%dma_wait3A_638 : memref<100000xf32, #tpu.memory_space<hbm>>) dst(%dma_wait3A_633 : memref<128xf32, #tpu.memory_space<vmem>>)
          %dma_start3A_641 = arith.constant 0 : i32
          %dma_start3A_642 = tpu.memref_slice %arg20[%rem3A_630, %dma_start3A_641] : memref<12x128xf32, #tpu.memory_space<vmem>> -> memref<1x128xf32, #tpu.memory_space<vmem>>
          %dma_start3A_643 = tpu.memref_squeeze %dma_start3A_642 : memref<1x128xf32, #tpu.memory_space<vmem>> -> memref<128xf32, #tpu.memory_space<vmem>>
          %dma_start3A_644 = arith.constant 0 : i32
          %dma_start3A_645 = tpu.memref_slice %arg19[%rem3A_630, %dma_start3A_644] : memref<12x128xi32, #tpu.memory_space<vmem>> -> memref<1x128xi32, #tpu.memory_space<vmem>>
          %dma_start3A_646 = tpu.memref_squeeze %dma_start3A_645 : memref<1x128xi32, #tpu.memory_space<vmem>> -> memref<128xi32, #tpu.memory_space<vmem>>
          %dma_start3A_647 = arith.constant 0 : i32
          %dma_start3A_648 = tpu.memref_slice %arg26[%dma_start3A_647] : memref<100352xf32, #tpu.memory_space<vmem_shared>> -> memref<100352xf32, #tpu.memory_space<vmem_shared>>
          %dma_start3A_649 = tpu.memref_slice %arg29[%rem3A_630] : memref<12x!tpu.dma_semaphore, #tpu.memory_space<semaphore_mem>> -> memref<1x!tpu.dma_semaphore, #tpu.memory_space<semaphore_mem>>
          %dma_start3A_650 = tpu.memref_squeeze %dma_start3A_649 : memref<1x!tpu.dma_semaphore, #tpu.memory_space<semaphore_mem>> -> memref<!tpu.dma_semaphore, #tpu.memory_space<semaphore_mem>>
          tpu.enqueue_indirect_dma source(%dma_start3A_643 : memref<128xf32, #tpu.memory_space<vmem>>) target(%dma_start3A_648 : memref<100352xf32, #tpu.memory_space<vmem_shared>>) offsets(%dma_start3A_646 : memref<128xi32, #tpu.memory_space<vmem>>) semaphore(%dma_start3A_650 : memref<!tpu.dma_semaphore, #tpu.memory_space<semaphore_mem>>) {add = true}
        } else {
        }
        %mul3A_439 = arith.constant 128 : i32
        %mul3A_440 = arith.muli %while3A_425, %mul3A_439 : i32
        %add3A_441 = arith.constant 0 : i32
        %add3A_442 = arith.addi %mul3A_440, %add3A_441 : i32
        %get3A_443 = arith.index_cast %add3A_442 : i32 to index
        %get3A_444 = tpu.vector_load %arg16[%get3A_443] {strides = array<i32>} : memref<2176xi32, #tpu.memory_space<vmem>>, vector<16xi32>,
        %swap3A_445 = arith.constant 0 : i32
        %swap3A_446 = tpu.memref_slice %arg18[%rem3A_428, %swap3A_445] : memref<12x128xi32, #tpu.memory_space<vmem>> -> memref<1x128xi32, #tpu.memory_space<vmem>>
        %swap3A_447 = tpu.memref_squeeze %swap3A_446 : memref<1x128xi32, #tpu.memory_space<vmem>> -> memref<128xi32, #tpu.memory_space<vmem>>
        %swap3A_448 = arith.constant 0 : index
        %swap3A_449 = tpu.vector_load %swap3A_447[%swap3A_448] {strides = array<i32>} : memref<128xi32, #tpu.memory_space<vmem>>, vector<16xi32>,
        tpu.vector_store %swap3A_447[%swap3A_448], %get3A_444 {strides = array<i32>} : memref<128xi32, #tpu.memory_space<vmem>>, vector<16xi32>,
        %mul3A_450 = arith.constant 128 : i32
        %mul3A_451 = arith.muli %while3A_425, %mul3A_450 : i32
        %add3A_452 = arith.constant 0 : i32
        %add3A_453 = arith.addi %mul3A_451, %add3A_452 : i32
        %get3A_454 = arith.index_cast %add3A_453 : i32 to index
        %get3A_455 = tpu.vector_load %arg17[%get3A_454] {strides = array<i32>} : memref<2176xi32, #tpu.memory_space<vmem>>, vector<16xi32>,
        %swap3A_456 = arith.constant 0 : i32
        %swap3A_457 = tpu.memref_slice %arg19[%rem3A_428, %swap3A_456] : memref<12x128xi32, #tpu.memory_space<vmem>> -> memref<1x128xi32, #tpu.memory_space<vmem>>
        %swap3A_458 = tpu.memref_squeeze %swap3A_457 : memref<1x128xi32, #tpu.memory_space<vmem>> -> memref<128xi32, #tpu.memory_space<vmem>>
        %swap3A_459 = arith.constant 0 : index
        %swap3A_460 = tpu.vector_load %swap3A_458[%swap3A_459] {strides = array<i32>} : memref<128xi32, #tpu.memory_space<vmem>>, vector<16xi32>,
        tpu.vector_store %swap3A_458[%swap3A_459], %get3A_455 {strides = array<i32>} : memref<128xi32, #tpu.memory_space<vmem>>, vector<16xi32>,
        %mul3A_461 = arith.constant 128 : i32
        %mul3A_462 = arith.muli %while3A_425, %mul3A_461 : i32
        %add3A_463 = arith.constant 16 : i32
        %add3A_464 = arith.addi %mul3A_462, %add3A_463 : i32
        %get3A_465 = arith.index_cast %add3A_464 : i32 to index
        %get3A_466 = tpu.vector_load %arg16[%get3A_465] {strides = array<i32>} : memref<2176xi32, #tpu.memory_space<vmem>>, vector<16xi32>,
        %swap3A_467 = arith.constant 0 : i32
        %swap3A_468 = tpu.memref_slice %arg18[%rem3A_428, %swap3A_467] : memref<12x128xi32, #tpu.memory_space<vmem>> -> memref<1x128xi32, #tpu.memory_space<vmem>>
        %swap3A_469 = tpu.memref_squeeze %swap3A_468 : memref<1x128xi32, #tpu.memory_space<vmem>> -> memref<128xi32, #tpu.memory_space<vmem>>
        %swap3A_470 = arith.constant 16 : index
        %swap3A_471 = tpu.vector_load %swap3A_469[%swap3A_470] {strides = array<i32>} : memref<128xi32, #tpu.memory_space<vmem>>, vector<16xi32>,
        tpu.vector_store %swap3A_469[%swap3A_470], %get3A_466 {strides = array<i32>} : memref<128xi32, #tpu.memory_space<vmem>>, vector<16xi32>,
        %mul3A_472 = arith.constant 128 : i32
        %mul3A_473 = arith.muli %while3A_425, %mul3A_472 : i32
        %add3A_474 = arith.constant 16 : i32
        %add3A_475 = arith.addi %mul3A_473, %add3A_474 : i32
        %get3A_476 = arith.index_cast %add3A_475 : i32 to index
        %get3A_477 = tpu.vector_load %arg17[%get3A_476] {strides = array<i32>} : memref<2176xi32, #tpu.memory_space<vmem>>, vector<16xi32>,
        %swap3A_478 = arith.constant 0 : i32
        %swap3A_479 = tpu.memref_slice %arg19[%rem3A_428, %swap3A_478] : memref<12x128xi32, #tpu.memory_space<vmem>> -> memref<1x128xi32, #tpu.memory_space<vmem>>
        %swap3A_480 = tpu.memref_squeeze %swap3A_479 : memref<1x128xi32, #tpu.memory_space<vmem>> -> memref<128xi32, #tpu.memory_space<vmem>>
        %swap3A_481 = arith.constant 16 : index
        %swap3A_482 = tpu.vector_load %swap3A_480[%swap3A_481] {strides = array<i32>} : memref<128xi32, #tpu.memory_space<vmem>>, vector<16xi32>,
        tpu.vector_store %swap3A_480[%swap3A_481], %get3A_477 {strides = array<i32>} : memref<128xi32, #tpu.memory_space<vmem>>, vector<16xi32>,
        %mul3A_483 = arith.constant 128 : i32
        %mul3A_484 = arith.muli %while3A_425, %mul3A_483 : i32
        %add3A_485 = arith.constant 32 : i32
        %add3A_486 = arith.addi %mul3A_484, %add3A_485 : i32
        %get3A_487 = arith.index_cast %add3A_486 : i32 to index
        %get3A_488 = tpu.vector_load %arg16[%get3A_487] {strides = array<i32>} : memref<2176xi32, #tpu.memory_space<vmem>>, vector<16xi32>,
        %swap3A_489 = arith.constant 0 : i32
        %swap3A_490 = tpu.memref_slice %arg18[%rem3A_428, %swap3A_489] : memref<12x128xi32, #tpu.memory_space<vmem>> -> memref<1x128xi32, #tpu.memory_space<vmem>>
        %swap3A_491 = tpu.memref_squeeze %swap3A_490 : memref<1x128xi32, #tpu.memory_space<vmem>> -> memref<128xi32, #tpu.memory_space<vmem>>
        %swap3A_492 = arith.constant 32 : index
        %swap3A_493 = tpu.vector_load %swap3A_491[%swap3A_492] {strides = array<i32>} : memref<128xi32, #tpu.memory_space<vmem>>, vector<16xi32>,
        tpu.vector_store %swap3A_491[%swap3A_492], %get3A_488 {strides = array<i32>} : memref<128xi32, #tpu.memory_space<vmem>>, vector<16xi32>,
        %mul3A_494 = arith.constant 128 : i32
        %mul3A_495 = arith.muli %while3A_425, %mul3A_494 : i32
        %add3A_496 = arith.constant 32 : i32
        %add3A_497 = arith.addi %mul3A_495, %add3A_496 : i32
        %get3A_498 = arith.index_cast %add3A_497 : i32 to index
        %get3A_499 = tpu.vector_load %arg17[%get3A_498] {strides = array<i32>} : memref<2176xi32, #tpu.memory_space<vmem>>, vector<16xi32>,
        %swap3A_500 = arith.constant 0 : i32
        %swap3A_501 = tpu.memref_slice %arg19[%rem3A_428, %swap3A_500] : memref<12x128xi32, #tpu.memory_space<vmem>> -> memref<1x128xi32, #tpu.memory_space<vmem>>
        %swap3A_502 = tpu.memref_squeeze %swap3A_501 : memref<1x128xi32, #tpu.memory_space<vmem>> -> memref<128xi32, #tpu.memory_space<vmem>>
        %swap3A_503 = arith.constant 32 : index
        %swap3A_504 = tpu.vector_load %swap3A_502[%swap3A_503] {strides = array<i32>} : memref<128xi32, #tpu.memory_space<vmem>>, vector<16xi32>,
        tpu.vector_store %swap3A_502[%swap3A_503], %get3A_499 {strides = array<i32>} : memref<128xi32, #tpu.memory_space<vmem>>, vector<16xi32>,
        %mul3A_505 = arith.constant 128 : i32
        %mul3A_506 = arith.muli %while3A_425, %mul3A_505 : i32
        %add3A_507 = arith.constant 48 : i32
        %add3A_508 = arith.addi %mul3A_506, %add3A_507 : i32
        %get3A_509 = arith.index_cast %add3A_508 : i32 to index
        %get3A_510 = tpu.vector_load %arg16[%get3A_509] {strides = array<i32>} : memref<2176xi32, #tpu.memory_space<vmem>>, vector<16xi32>,
        %swap3A_511 = arith.constant 0 : i32
        %swap3A_512 = tpu.memref_slice %arg18[%rem3A_428, %swap3A_511] : memref<12x128xi32, #tpu.memory_space<vmem>> -> memref<1x128xi32, #tpu.memory_space<vmem>>
        %swap3A_513 = tpu.memref_squeeze %swap3A_512 : memref<1x128xi32, #tpu.memory_space<vmem>> -> memref<128xi32, #tpu.memory_space<vmem>>
        %swap3A_514 = arith.constant 48 : index
        %swap3A_515 = tpu.vector_load %swap3A_513[%swap3A_514] {strides = array<i32>} : memref<128xi32, #tpu.memory_space<vmem>>, vector<16xi32>,
        tpu.vector_store %swap3A_513[%swap3A_514], %get3A_510 {strides = array<i32>} : memref<128xi32, #tpu.memory_space<vmem>>, vector<16xi32>,
        %mul3A_516 = arith.constant 128 : i32
        %mul3A_517 = arith.muli %while3A_425, %mul3A_516 : i32
        %add3A_518 = arith.constant 48 : i32
        %add3A_519 = arith.addi %mul3A_517, %add3A_518 : i32
        %get3A_520 = arith.index_cast %add3A_519 : i32 to index
        %get3A_521 = tpu.vector_load %arg17[%get3A_520] {strides = array<i32>} : memref<2176xi32, #tpu.memory_space<vmem>>, vector<16xi32>,
        %swap3A_522 = arith.constant 0 : i32
        %swap3A_523 = tpu.memref_slice %arg19[%rem3A_428, %swap3A_522] : memref<12x128xi32, #tpu.memory_space<vmem>> -> memref<1x128xi32, #tpu.memory_space<vmem>>
        %swap3A_524 = tpu.memref_squeeze %swap3A_523 : memref<1x128xi32, #tpu.memory_space<vmem>> -> memref<128xi32, #tpu.memory_space<vmem>>
        %swap3A_525 = arith.constant 48 : index
        %swap3A_526 = tpu.vector_load %swap3A_524[%swap3A_525] {strides = array<i32>} : memref<128xi32, #tpu.memory_space<vmem>>, vector<16xi32>,
        tpu.vector_store %swap3A_524[%swap3A_525], %get3A_521 {strides = array<i32>} : memref<128xi32, #tpu.memory_space<vmem>>, vector<16xi32>,
        %mul3A_527 = arith.constant 128 : i32
        %mul3A_528 = arith.muli %while3A_425, %mul3A_527 : i32
        %add3A_529 = arith.constant 64 : i32
        %add3A_530 = arith.addi %mul3A_528, %add3A_529 : i32
        %get3A_531 = arith.index_cast %add3A_530 : i32 to index
        %get3A_532 = tpu.vector_load %arg16[%get3A_531] {strides = array<i32>} : memref<2176xi32, #tpu.memory_space<vmem>>, vector<16xi32>,
        %swap3A_533 = arith.constant 0 : i32
        %swap3A_534 = tpu.memref_slice %arg18[%rem3A_428, %swap3A_533] : memref<12x128xi32, #tpu.memory_space<vmem>> -> memref<1x128xi32, #tpu.memory_space<vmem>>
        %swap3A_535 = tpu.memref_squeeze %swap3A_534 : memref<1x128xi32, #tpu.memory_space<vmem>> -> memref<128xi32, #tpu.memory_space<vmem>>
        %swap3A_536 = arith.constant 64 : index
        %swap3A_537 = tpu.vector_load %swap3A_535[%swap3A_536] {strides = array<i32>} : memref<128xi32, #tpu.memory_space<vmem>>, vector<16xi32>,
        tpu.vector_store %swap3A_535[%swap3A_536], %get3A_532 {strides = array<i32>} : memref<128xi32, #tpu.memory_space<vmem>>, vector<16xi32>,
        %mul3A_538 = arith.constant 128 : i32
        %mul3A_539 = arith.muli %while3A_425, %mul3A_538 : i32
        %add3A_540 = arith.constant 64 : i32
        %add3A_541 = arith.addi %mul3A_539, %add3A_540 : i32
        %get3A_542 = arith.index_cast %add3A_541 : i32 to index
        %get3A_543 = tpu.vector_load %arg17[%get3A_542] {strides = array<i32>} : memref<2176xi32, #tpu.memory_space<vmem>>, vector<16xi32>,
        %swap3A_544 = arith.constant 0 : i32
        %swap3A_545 = tpu.memref_slice %arg19[%rem3A_428, %swap3A_544] : memref<12x128xi32, #tpu.memory_space<vmem>> -> memref<1x128xi32, #tpu.memory_space<vmem>>
        %swap3A_546 = tpu.memref_squeeze %swap3A_545 : memref<1x128xi32, #tpu.memory_space<vmem>> -> memref<128xi32, #tpu.memory_space<vmem>>
        %swap3A_547 = arith.constant 64 : index
        %swap3A_548 = tpu.vector_load %swap3A_546[%swap3A_547] {strides = array<i32>} : memref<128xi32, #tpu.memory_space<vmem>>, vector<16xi32>,
        tpu.vector_store %swap3A_546[%swap3A_547], %get3A_543 {strides = array<i32>} : memref<128xi32, #tpu.memory_space<vmem>>, vector<16xi32>,
        %mul3A_549 = arith.constant 128 : i32
        %mul3A_550 = arith.muli %while3A_425, %mul3A_549 : i32
        %add3A_551 = arith.constant 80 : i32
        %add3A_552 = arith.addi %mul3A_550, %add3A_551 : i32
        %get3A_553 = arith.index_cast %add3A_552 : i32 to index
        %get3A_554 = tpu.vector_load %arg16[%get3A_553] {strides = array<i32>} : memref<2176xi32, #tpu.memory_space<vmem>>, vector<16xi32>,
        %swap3A_555 = arith.constant 0 : i32
        %swap3A_556 = tpu.memref_slice %arg18[%rem3A_428, %swap3A_555] : memref<12x128xi32, #tpu.memory_space<vmem>> -> memref<1x128xi32, #tpu.memory_space<vmem>>
        %swap3A_557 = tpu.memref_squeeze %swap3A_556 : memref<1x128xi32, #tpu.memory_space<vmem>> -> memref<128xi32, #tpu.memory_space<vmem>>
        %swap3A_558 = arith.constant 80 : index
        %swap3A_559 = tpu.vector_load %swap3A_557[%swap3A_558] {strides = array<i32>} : memref<128xi32, #tpu.memory_space<vmem>>, vector<16xi32>,
        tpu.vector_store %swap3A_557[%swap3A_558], %get3A_554 {strides = array<i32>} : memref<128xi32, #tpu.memory_space<vmem>>, vector<16xi32>,
        %mul3A_560 = arith.constant 128 : i32
        %mul3A_561 = arith.muli %while3A_425, %mul3A_560 : i32
        %add3A_562 = arith.constant 80 : i32
        %add3A_563 = arith.addi %mul3A_561, %add3A_562 : i32
        %get3A_564 = arith.index_cast %add3A_563 : i32 to index
        %get3A_565 = tpu.vector_load %arg17[%get3A_564] {strides = array<i32>} : memref<2176xi32, #tpu.memory_space<vmem>>, vector<16xi32>,
        %swap3A_566 = arith.constant 0 : i32
        %swap3A_567 = tpu.memref_slice %arg19[%rem3A_428, %swap3A_566] : memref<12x128xi32, #tpu.memory_space<vmem>> -> memref<1x128xi32, #tpu.memory_space<vmem>>
        %swap3A_568 = tpu.memref_squeeze %swap3A_567 : memref<1x128xi32, #tpu.memory_space<vmem>> -> memref<128xi32, #tpu.memory_space<vmem>>
        %swap3A_569 = arith.constant 80 : index
        %swap3A_570 = tpu.vector_load %swap3A_568[%swap3A_569] {strides = array<i32>} : memref<128xi32, #tpu.memory_space<vmem>>, vector<16xi32>,
        tpu.vector_store %swap3A_568[%swap3A_569], %get3A_565 {strides = array<i32>} : memref<128xi32, #tpu.memory_space<vmem>>, vector<16xi32>,
        %mul3A_571 = arith.constant 128 : i32
        %mul3A_572 = arith.muli %while3A_425, %mul3A_571 : i32
        %add3A_573 = arith.constant 96 : i32
        %add3A_574 = arith.addi %mul3A_572, %add3A_573 : i32
        %get3A_575 = arith.index_cast %add3A_574 : i32 to index
        %get3A_576 = tpu.vector_load %arg16[%get3A_575] {strides = array<i32>} : memref<2176xi32, #tpu.memory_space<vmem>>, vector<16xi32>,
        %swap3A_577 = arith.constant 0 : i32
        %swap3A_578 = tpu.memref_slice %arg18[%rem3A_428, %swap3A_577] : memref<12x128xi32, #tpu.memory_space<vmem>> -> memref<1x128xi32, #tpu.memory_space<vmem>>
        %swap3A_579 = tpu.memref_squeeze %swap3A_578 : memref<1x128xi32, #tpu.memory_space<vmem>> -> memref<128xi32, #tpu.memory_space<vmem>>
        %swap3A_580 = arith.constant 96 : index
        %swap3A_581 = tpu.vector_load %swap3A_579[%swap3A_580] {strides = array<i32>} : memref<128xi32, #tpu.memory_space<vmem>>, vector<16xi32>,
        tpu.vector_store %swap3A_579[%swap3A_580], %get3A_576 {strides = array<i32>} : memref<128xi32, #tpu.memory_space<vmem>>, vector<16xi32>,
        %mul3A_582 = arith.constant 128 : i32
        %mul3A_583 = arith.muli %while3A_425, %mul3A_582 : i32
        %add3A_584 = arith.constant 96 : i32
        %add3A_585 = arith.addi %mul3A_583, %add3A_584 : i32
        %get3A_586 = arith.index_cast %add3A_585 : i32 to index
        %get3A_587 = tpu.vector_load %arg17[%get3A_586] {strides = array<i32>} : memref<2176xi32, #tpu.memory_space<vmem>>, vector<16xi32>,
        %swap3A_588 = arith.constant 0 : i32
        %swap3A_589 = tpu.memref_slice %arg19[%rem3A_428, %swap3A_588] : memref<12x128xi32, #tpu.memory_space<vmem>> -> memref<1x128xi32, #tpu.memory_space<vmem>>
        %swap3A_590 = tpu.memref_squeeze %swap3A_589 : memref<1x128xi32, #tpu.memory_space<vmem>> -> memref<128xi32, #tpu.memory_space<vmem>>
        %swap3A_591 = arith.constant 96 : index
        %swap3A_592 = tpu.vector_load %swap3A_590[%swap3A_591] {strides = array<i32>} : memref<128xi32, #tpu.memory_space<vmem>>, vector<16xi32>,
        tpu.vector_store %swap3A_590[%swap3A_591], %get3A_587 {strides = array<i32>} : memref<128xi32, #tpu.memory_space<vmem>>, vector<16xi32>,
        %mul3A_593 = arith.constant 128 : i32
        %mul3A_594 = arith.muli %while3A_425, %mul3A_593 : i32
        %add3A_595 = arith.constant 112 : i32
        %add3A_596 = arith.addi %mul3A_594, %add3A_595 : i32
        %get3A_597 = arith.index_cast %add3A_596 : i32 to index
        %get3A_598 = tpu.vector_load %arg16[%get3A_597] {strides = array<i32>} : memref<2176xi32, #tpu.memory_space<vmem>>, vector<16xi32>,
        %swap3A_599 = arith.constant 0 : i32
        %swap3A_600 = tpu.memref_slice %arg18[%rem3A_428, %swap3A_599] : memref<12x128xi32, #tpu.memory_space<vmem>> -> memref<1x128xi32, #tpu.memory_space<vmem>>
        %swap3A_601 = tpu.memref_squeeze %swap3A_600 : memref<1x128xi32, #tpu.memory_space<vmem>> -> memref<128xi32, #tpu.memory_space<vmem>>
        %swap3A_602 = arith.constant 112 : index
        %swap3A_603 = tpu.vector_load %swap3A_601[%swap3A_602] {strides = array<i32>} : memref<128xi32, #tpu.memory_space<vmem>>, vector<16xi32>,
        tpu.vector_store %swap3A_601[%swap3A_602], %get3A_598 {strides = array<i32>} : memref<128xi32, #tpu.memory_space<vmem>>, vector<16xi32>,
        %mul3A_604 = arith.constant 128 : i32
        %mul3A_605 = arith.muli %while3A_425, %mul3A_604 : i32
        %add3A_606 = arith.constant 112 : i32
        %add3A_607 = arith.addi %mul3A_605, %add3A_606 : i32
        %get3A_608 = arith.index_cast %add3A_607 : i32 to index
        %get3A_609 = tpu.vector_load %arg17[%get3A_608] {strides = array<i32>} : memref<2176xi32, #tpu.memory_space<vmem>>, vector<16xi32>,
        %swap3A_610 = arith.constant 0 : i32
        %swap3A_611 = tpu.memref_slice %arg19[%rem3A_428, %swap3A_610] : memref<12x128xi32, #tpu.memory_space<vmem>> -> memref<1x128xi32, #tpu.memory_space<vmem>>
        %swap3A_612 = tpu.memref_squeeze %swap3A_611 : memref<1x128xi32, #tpu.memory_space<vmem>> -> memref<128xi32, #tpu.memory_space<vmem>>
        %swap3A_613 = arith.constant 112 : index
        %swap3A_614 = tpu.vector_load %swap3A_612[%swap3A_613] {strides = array<i32>} : memref<128xi32, #tpu.memory_space<vmem>>, vector<16xi32>,
        tpu.vector_store %swap3A_612[%swap3A_613], %get3A_609 {strides = array<i32>} : memref<128xi32, #tpu.memory_space<vmem>>, vector<16xi32>,
        %dma_start3A_615 = arith.constant 0 : i32
        %dma_start3A_616 = tpu.memref_slice %arg20[%rem3A_428, %dma_start3A_615] : memref<12x128xf32, #tpu.memory_space<vmem>> -> memref<1x128xf32, #tpu.memory_space<vmem>>
        %dma_start3A_617 = tpu.memref_squeeze %dma_start3A_616 : memref<1x128xf32, #tpu.memory_space<vmem>> -> memref<128xf32, #tpu.memory_space<vmem>>
        %dma_start3A_618 = arith.constant 0 : i32
        %dma_start3A_619 = tpu.memref_slice %arg18[%rem3A_428, %dma_start3A_618] : memref<12x128xi32, #tpu.memory_space<vmem>> -> memref<1x128xi32, #tpu.memory_space<vmem>>
        %dma_start3A_620 = tpu.memref_squeeze %dma_start3A_619 : memref<1x128xi32, #tpu.memory_space<vmem>> -> memref<128xi32, #tpu.memory_space<vmem>>
        %dma_start3A_621 = arith.constant 0 : i32
        %dma_start3A_622 = tpu.memref_slice %arg3[%dma_start3A_621] : memref<100000xf32, #tpu.memory_space<hbm>> -> memref<100000xf32, #tpu.memory_space<hbm>>
        %dma_start3A_623 = tpu.memref_slice %arg28[%rem3A_428] : memref<12x!tpu.dma_semaphore, #tpu.memory_space<semaphore_mem>> -> memref<1x!tpu.dma_semaphore, #tpu.memory_space<semaphore_mem>>
        %dma_start3A_624 = tpu.memref_squeeze %dma_start3A_623 : memref<1x!tpu.dma_semaphore, #tpu.memory_space<semaphore_mem>> -> memref<!tpu.dma_semaphore, #tpu.memory_space<semaphore_mem>>
        tpu.enqueue_indirect_dma source(%dma_start3A_622 : memref<100000xf32, #tpu.memory_space<hbm>>) target(%dma_start3A_617 : memref<128xf32, #tpu.memory_space<vmem>>) offsets(%dma_start3A_620 : memref<128xi32, #tpu.memory_space<vmem>>) semaphore(%dma_start3A_624 : memref<!tpu.dma_semaphore, #tpu.memory_space<semaphore_mem>>)
        %add3A_625 = arith.constant 1 : i32
        %add3A_626 = arith.addi %while3A_426, %add3A_625 : i32
        scf.yield %add3A_626 : i32
      }
      %while3A_415 = arith.constant 1 : i32
      %while3A_416 = scf.for %while3A_425 = %while3A_412 to %while3A_408 step %while3A_415 iter_args(%while3A_426 = %while3A_414) -> (i32)  : i32 {
        %rem3A_427 = arith.constant 12 : i32
        %rem3A_428 = arith.remsi %while3A_426, %rem3A_427 : i32
        %ge3A_429 = arith.constant 12 : i32
        %ge3A_430 = arith.cmpi sge, %while3A_426, %ge3A_429 : i32
        %convert_element_type3A_431 = arith.extui %ge3A_430 : i1 to i32
        %cond3A_432 = arith.constant 0 : i32
        %cond3A_433 = arith.cmpi ne, %convert_element_type3A_431, %cond3A_432 : i32
        scf.if %cond3A_433 {
          %dma_wait3A_627 = arith.constant 0 : i32
          %dma_wait3A_628 = tpu.memref_slice %arg20[%rem3A_428, %dma_wait3A_627] : memref<12x128xf32, #tpu.memory_space<vmem>> -> memref<1x128xf32, #tpu.memory_space<vmem>>
          %dma_wait3A_629 = tpu.memref_squeeze %dma_wait3A_628 : memref<1x128xf32, #tpu.memory_space<vmem>> -> memref<128xf32, #tpu.memory_space<vmem>>
          %dma_wait3A_630 = arith.constant 0 : i32
          %dma_wait3A_631 = tpu.memref_slice %arg19[%rem3A_428, %dma_wait3A_630] : memref<12x128xi32, #tpu.memory_space<vmem>> -> memref<1x128xi32, #tpu.memory_space<vmem>>
          %dma_wait3A_632 = tpu.memref_squeeze %dma_wait3A_631 : memref<1x128xi32, #tpu.memory_space<vmem>> -> memref<128xi32, #tpu.memory_space<vmem>>
          %dma_wait3A_633 = arith.constant 0 : i32
          %dma_wait3A_634 = tpu.memref_slice %arg26[%dma_wait3A_633] : memref<100352xf32, #tpu.memory_space<vmem_shared>> -> memref<100352xf32, #tpu.memory_space<vmem_shared>>
          %dma_wait3A_635 = tpu.memref_slice %arg29[%rem3A_428] : memref<12x!tpu.dma_semaphore, #tpu.memory_space<semaphore_mem>> -> memref<1x!tpu.dma_semaphore, #tpu.memory_space<semaphore_mem>>
          %dma_wait3A_636 = tpu.memref_squeeze %dma_wait3A_635 : memref<1x!tpu.dma_semaphore, #tpu.memory_space<semaphore_mem>> -> memref<!tpu.dma_semaphore, #tpu.memory_space<semaphore_mem>>
          tpu.wait_indirect_dma semaphore(%dma_wait3A_636 : memref<!tpu.dma_semaphore, #tpu.memory_space<semaphore_mem>>) src(%dma_wait3A_629 : memref<128xf32, #tpu.memory_space<vmem>>) dst(%dma_wait3A_634 : memref<100352xf32, #tpu.memory_space<vmem_shared>>)
        } else {
        }
        %ge3A_434 = arith.constant 6 : i32
        %ge3A_435 = arith.cmpi sge, %while3A_426, %ge3A_434 : i32
        %convert_element_type3A_436 = arith.extui %ge3A_435 : i1 to i32
        %cond3A_437 = arith.constant 0 : i32
        %cond3A_438 = arith.cmpi ne, %convert_element_type3A_436, %cond3A_437 : i32
        scf.if %cond3A_438 {
          %sub3A_627 = arith.constant 6 : i32
          %sub3A_628 = arith.subi %while3A_426, %sub3A_627 : i32
          %rem3A_629 = arith.constant 12 : i32
          %rem3A_630 = arith.remsi %sub3A_628, %rem3A_629 : i32
          %dma_wait3A_631 = arith.constant 0 : i32
          %dma_wait3A_632 = tpu.memref_slice %arg20[%rem3A_630, %dma_wait3A_631] : memref<12x128xf32, #tpu.memory_space<vmem>> -> memref<1x128xf32, #tpu.memory_space<vmem>>
          %dma_wait3A_633 = tpu.memref_squeeze %dma_wait3A_632 : memref<1x128xf32, #tpu.memory_space<vmem>> -> memref<128xf32, #tpu.memory_space<vmem>>
          %dma_wait3A_634 = arith.constant 0 : i32
          %dma_wait3A_635 = tpu.memref_slice %arg18[%rem3A_630, %dma_wait3A_634] : memref<12x128xi32, #tpu.memory_space<vmem>> -> memref<1x128xi32, #tpu.memory_space<vmem>>
          %dma_wait3A_636 = tpu.memref_squeeze %dma_wait3A_635 : memref<1x128xi32, #tpu.memory_space<vmem>> -> memref<128xi32, #tpu.memory_space<vmem>>
          %dma_wait3A_637 = arith.constant 0 : i32
          %dma_wait3A_638 = tpu.memref_slice %arg3[%dma_wait3A_637] : memref<100000xf32, #tpu.memory_space<hbm>> -> memref<100000xf32, #tpu.memory_space<hbm>>
          %dma_wait3A_639 = tpu.memref_slice %arg28[%rem3A_630] : memref<12x!tpu.dma_semaphore, #tpu.memory_space<semaphore_mem>> -> memref<1x!tpu.dma_semaphore, #tpu.memory_space<semaphore_mem>>
          %dma_wait3A_640 = tpu.memref_squeeze %dma_wait3A_639 : memref<1x!tpu.dma_semaphore, #tpu.memory_space<semaphore_mem>> -> memref<!tpu.dma_semaphore, #tpu.memory_space<semaphore_mem>>
          tpu.wait_indirect_dma semaphore(%dma_wait3A_640 : memref<!tpu.dma_semaphore, #tpu.memory_space<semaphore_mem>>) src(%dma_wait3A_638 : memref<100000xf32, #tpu.memory_space<hbm>>) dst(%dma_wait3A_633 : memref<128xf32, #tpu.memory_space<vmem>>)
          %dma_start3A_641 = arith.constant 0 : i32
          %dma_start3A_642 = tpu.memref_slice %arg20[%rem3A_630, %dma_start3A_641] : memref<12x128xf32, #tpu.memory_space<vmem>> -> memref<1x128xf32, #tpu.memory_space<vmem>>
          %dma_start3A_643 = tpu.memref_squeeze %dma_start3A_642 : memref<1x128xf32, #tpu.memory_space<vmem>> -> memref<128xf32, #tpu.memory_space<vmem>>
          %dma_start3A_644 = arith.constant 0 : i32
          %dma_start3A_645 = tpu.memref_slice %arg19[%rem3A_630, %dma_start3A_644] : memref<12x128xi32, #tpu.memory_space<vmem>> -> memref<1x128xi32, #tpu.memory_space<vmem>>
          %dma_start3A_646 = tpu.memref_squeeze %dma_start3A_645 : memref<1x128xi32, #tpu.memory_space<vmem>> -> memref<128xi32, #tpu.memory_space<vmem>>
          %dma_start3A_647 = arith.constant 0 : i32
          %dma_start3A_648 = tpu.memref_slice %arg26[%dma_start3A_647] : memref<100352xf32, #tpu.memory_space<vmem_shared>> -> memref<100352xf32, #tpu.memory_space<vmem_shared>>
          %dma_start3A_649 = tpu.memref_slice %arg29[%rem3A_630] : memref<12x!tpu.dma_semaphore, #tpu.memory_space<semaphore_mem>> -> memref<1x!tpu.dma_semaphore, #tpu.memory_space<semaphore_mem>>
          %dma_start3A_650 = tpu.memref_squeeze %dma_start3A_649 : memref<1x!tpu.dma_semaphore, #tpu.memory_space<semaphore_mem>> -> memref<!tpu.dma_semaphore, #tpu.memory_space<semaphore_mem>>
          tpu.enqueue_indirect_dma source(%dma_start3A_643 : memref<128xf32, #tpu.memory_space<vmem>>) target(%dma_start3A_648 : memref<100352xf32, #tpu.memory_space<vmem_shared>>) offsets(%dma_start3A_646 : memref<128xi32, #tpu.memory_space<vmem>>) semaphore(%dma_start3A_650 : memref<!tpu.dma_semaphore, #tpu.memory_space<semaphore_mem>>) {add = true}
        } else {
        }
        %mul3A_439 = arith.constant 128 : i32
        %mul3A_440 = arith.muli %while3A_425, %mul3A_439 : i32
        %add3A_441 = arith.constant 0 : i32
        %add3A_442 = arith.addi %mul3A_440, %add3A_441 : i32
        %get3A_443 = arith.index_cast %add3A_442 : i32 to index
        %get3A_444 = tpu.vector_load %arg16[%get3A_443] {strides = array<i32>} : memref<2176xi32, #tpu.memory_space<vmem>>, vector<16xi32>,
        %swap3A_445 = arith.constant 0 : i32
        %swap3A_446 = tpu.memref_slice %arg18[%rem3A_428, %swap3A_445] : memref<12x128xi32, #tpu.memory_space<vmem>> -> memref<1x128xi32, #tpu.memory_space<vmem>>
        %swap3A_447 = tpu.memref_squeeze %swap3A_446 : memref<1x128xi32, #tpu.memory_space<vmem>> -> memref<128xi32, #tpu.memory_space<vmem>>
        %swap3A_448 = arith.constant 0 : index
        %swap3A_449 = tpu.vector_load %swap3A_447[%swap3A_448] {strides = array<i32>} : memref<128xi32, #tpu.memory_space<vmem>>, vector<16xi32>,
        tpu.vector_store %swap3A_447[%swap3A_448], %get3A_444 {strides = array<i32>} : memref<128xi32, #tpu.memory_space<vmem>>, vector<16xi32>,
        %mul3A_450 = arith.constant 128 : i32
        %mul3A_451 = arith.muli %while3A_425, %mul3A_450 : i32
        %add3A_452 = arith.constant 0 : i32
        %add3A_453 = arith.addi %mul3A_451, %add3A_452 : i32
        %get3A_454 = arith.index_cast %add3A_453 : i32 to index
        %get3A_455 = tpu.vector_load %arg17[%get3A_454] {strides = array<i32>} : memref<2176xi32, #tpu.memory_space<vmem>>, vector<16xi32>,
        %swap3A_456 = arith.constant 0 : i32
        %swap3A_457 = tpu.memref_slice %arg19[%rem3A_428, %swap3A_456] : memref<12x128xi32, #tpu.memory_space<vmem>> -> memref<1x128xi32, #tpu.memory_space<vmem>>
        %swap3A_458 = tpu.memref_squeeze %swap3A_457 : memref<1x128xi32, #tpu.memory_space<vmem>> -> memref<128xi32, #tpu.memory_space<vmem>>
        %swap3A_459 = arith.constant 0 : index
        %swap3A_460 = tpu.vector_load %swap3A_458[%swap3A_459] {strides = array<i32>} : memref<128xi32, #tpu.memory_space<vmem>>, vector<16xi32>,
        tpu.vector_store %swap3A_458[%swap3A_459], %get3A_455 {strides = array<i32>} : memref<128xi32, #tpu.memory_space<vmem>>, vector<16xi32>,
        %mul3A_461 = arith.constant 128 : i32
        %mul3A_462 = arith.muli %while3A_425, %mul3A_461 : i32
        %add3A_463 = arith.constant 16 : i32
        %add3A_464 = arith.addi %mul3A_462, %add3A_463 : i32
        %get3A_465 = arith.index_cast %add3A_464 : i32 to index
        %get3A_466 = tpu.vector_load %arg16[%get3A_465] {strides = array<i32>} : memref<2176xi32, #tpu.memory_space<vmem>>, vector<16xi32>,
        %swap3A_467 = arith.constant 0 : i32
        %swap3A_468 = tpu.memref_slice %arg18[%rem3A_428, %swap3A_467] : memref<12x128xi32, #tpu.memory_space<vmem>> -> memref<1x128xi32, #tpu.memory_space<vmem>>
        %swap3A_469 = tpu.memref_squeeze %swap3A_468 : memref<1x128xi32, #tpu.memory_space<vmem>> -> memref<128xi32, #tpu.memory_space<vmem>>
        %swap3A_470 = arith.constant 16 : index
        %swap3A_471 = tpu.vector_load %swap3A_469[%swap3A_470] {strides = array<i32>} : memref<128xi32, #tpu.memory_space<vmem>>, vector<16xi32>,
        tpu.vector_store %swap3A_469[%swap3A_470], %get3A_466 {strides = array<i32>} : memref<128xi32, #tpu.memory_space<vmem>>, vector<16xi32>,
        %mul3A_472 = arith.constant 128 : i32
        %mul3A_473 = arith.muli %while3A_425, %mul3A_472 : i32
        %add3A_474 = arith.constant 16 : i32
        %add3A_475 = arith.addi %mul3A_473, %add3A_474 : i32
        %get3A_476 = arith.index_cast %add3A_475 : i32 to index
        %get3A_477 = tpu.vector_load %arg17[%get3A_476] {strides = array<i32>} : memref<2176xi32, #tpu.memory_space<vmem>>, vector<16xi32>,
        %swap3A_478 = arith.constant 0 : i32
        %swap3A_479 = tpu.memref_slice %arg19[%rem3A_428, %swap3A_478] : memref<12x128xi32, #tpu.memory_space<vmem>> -> memref<1x128xi32, #tpu.memory_space<vmem>>
        %swap3A_480 = tpu.memref_squeeze %swap3A_479 : memref<1x128xi32, #tpu.memory_space<vmem>> -> memref<128xi32, #tpu.memory_space<vmem>>
        %swap3A_481 = arith.constant 16 : index
        %swap3A_482 = tpu.vector_load %swap3A_480[%swap3A_481] {strides = array<i32>} : memref<128xi32, #tpu.memory_space<vmem>>, vector<16xi32>,
        tpu.vector_store %swap3A_480[%swap3A_481], %get3A_477 {strides = array<i32>} : memref<128xi32, #tpu.memory_space<vmem>>, vector<16xi32>,
        %mul3A_483 = arith.constant 128 : i32
        %mul3A_484 = arith.muli %while3A_425, %mul3A_483 : i32
        %add3A_485 = arith.constant 32 : i32
        %add3A_486 = arith.addi %mul3A_484, %add3A_485 : i32
        %get3A_487 = arith.index_cast %add3A_486 : i32 to index
        %get3A_488 = tpu.vector_load %arg16[%get3A_487] {strides = array<i32>} : memref<2176xi32, #tpu.memory_space<vmem>>, vector<16xi32>,
        %swap3A_489 = arith.constant 0 : i32
        %swap3A_490 = tpu.memref_slice %arg18[%rem3A_428, %swap3A_489] : memref<12x128xi32, #tpu.memory_space<vmem>> -> memref<1x128xi32, #tpu.memory_space<vmem>>
        %swap3A_491 = tpu.memref_squeeze %swap3A_490 : memref<1x128xi32, #tpu.memory_space<vmem>> -> memref<128xi32, #tpu.memory_space<vmem>>
        %swap3A_492 = arith.constant 32 : index
        %swap3A_493 = tpu.vector_load %swap3A_491[%swap3A_492] {strides = array<i32>} : memref<128xi32, #tpu.memory_space<vmem>>, vector<16xi32>,
        tpu.vector_store %swap3A_491[%swap3A_492], %get3A_488 {strides = array<i32>} : memref<128xi32, #tpu.memory_space<vmem>>, vector<16xi32>,
        %mul3A_494 = arith.constant 128 : i32
        %mul3A_495 = arith.muli %while3A_425, %mul3A_494 : i32
        %add3A_496 = arith.constant 32 : i32
        %add3A_497 = arith.addi %mul3A_495, %add3A_496 : i32
        %get3A_498 = arith.index_cast %add3A_497 : i32 to index
        %get3A_499 = tpu.vector_load %arg17[%get3A_498] {strides = array<i32>} : memref<2176xi32, #tpu.memory_space<vmem>>, vector<16xi32>,
        %swap3A_500 = arith.constant 0 : i32
        %swap3A_501 = tpu.memref_slice %arg19[%rem3A_428, %swap3A_500] : memref<12x128xi32, #tpu.memory_space<vmem>> -> memref<1x128xi32, #tpu.memory_space<vmem>>
        %swap3A_502 = tpu.memref_squeeze %swap3A_501 : memref<1x128xi32, #tpu.memory_space<vmem>> -> memref<128xi32, #tpu.memory_space<vmem>>
        %swap3A_503 = arith.constant 32 : index
        %swap3A_504 = tpu.vector_load %swap3A_502[%swap3A_503] {strides = array<i32>} : memref<128xi32, #tpu.memory_space<vmem>>, vector<16xi32>,
        tpu.vector_store %swap3A_502[%swap3A_503], %get3A_499 {strides = array<i32>} : memref<128xi32, #tpu.memory_space<vmem>>, vector<16xi32>,
        %mul3A_505 = arith.constant 128 : i32
        %mul3A_506 = arith.muli %while3A_425, %mul3A_505 : i32
        %add3A_507 = arith.constant 48 : i32
        %add3A_508 = arith.addi %mul3A_506, %add3A_507 : i32
        %get3A_509 = arith.index_cast %add3A_508 : i32 to index
        %get3A_510 = tpu.vector_load %arg16[%get3A_509] {strides = array<i32>} : memref<2176xi32, #tpu.memory_space<vmem>>, vector<16xi32>,
        %swap3A_511 = arith.constant 0 : i32
        %swap3A_512 = tpu.memref_slice %arg18[%rem3A_428, %swap3A_511] : memref<12x128xi32, #tpu.memory_space<vmem>> -> memref<1x128xi32, #tpu.memory_space<vmem>>
        %swap3A_513 = tpu.memref_squeeze %swap3A_512 : memref<1x128xi32, #tpu.memory_space<vmem>> -> memref<128xi32, #tpu.memory_space<vmem>>
        %swap3A_514 = arith.constant 48 : index
        %swap3A_515 = tpu.vector_load %swap3A_513[%swap3A_514] {strides = array<i32>} : memref<128xi32, #tpu.memory_space<vmem>>, vector<16xi32>,
        tpu.vector_store %swap3A_513[%swap3A_514], %get3A_510 {strides = array<i32>} : memref<128xi32, #tpu.memory_space<vmem>>, vector<16xi32>,
        %mul3A_516 = arith.constant 128 : i32
        %mul3A_517 = arith.muli %while3A_425, %mul3A_516 : i32
        %add3A_518 = arith.constant 48 : i32
        %add3A_519 = arith.addi %mul3A_517, %add3A_518 : i32
        %get3A_520 = arith.index_cast %add3A_519 : i32 to index
        %get3A_521 = tpu.vector_load %arg17[%get3A_520] {strides = array<i32>} : memref<2176xi32, #tpu.memory_space<vmem>>, vector<16xi32>,
        %swap3A_522 = arith.constant 0 : i32
        %swap3A_523 = tpu.memref_slice %arg19[%rem3A_428, %swap3A_522] : memref<12x128xi32, #tpu.memory_space<vmem>> -> memref<1x128xi32, #tpu.memory_space<vmem>>
        %swap3A_524 = tpu.memref_squeeze %swap3A_523 : memref<1x128xi32, #tpu.memory_space<vmem>> -> memref<128xi32, #tpu.memory_space<vmem>>
        %swap3A_525 = arith.constant 48 : index
        %swap3A_526 = tpu.vector_load %swap3A_524[%swap3A_525] {strides = array<i32>} : memref<128xi32, #tpu.memory_space<vmem>>, vector<16xi32>,
        tpu.vector_store %swap3A_524[%swap3A_525], %get3A_521 {strides = array<i32>} : memref<128xi32, #tpu.memory_space<vmem>>, vector<16xi32>,
        %mul3A_527 = arith.constant 128 : i32
        %mul3A_528 = arith.muli %while3A_425, %mul3A_527 : i32
        %add3A_529 = arith.constant 64 : i32
        %add3A_530 = arith.addi %mul3A_528, %add3A_529 : i32
        %get3A_531 = arith.index_cast %add3A_530 : i32 to index
        %get3A_532 = tpu.vector_load %arg16[%get3A_531] {strides = array<i32>} : memref<2176xi32, #tpu.memory_space<vmem>>, vector<16xi32>,
        %swap3A_533 = arith.constant 0 : i32
        %swap3A_534 = tpu.memref_slice %arg18[%rem3A_428, %swap3A_533] : memref<12x128xi32, #tpu.memory_space<vmem>> -> memref<1x128xi32, #tpu.memory_space<vmem>>
        %swap3A_535 = tpu.memref_squeeze %swap3A_534 : memref<1x128xi32, #tpu.memory_space<vmem>> -> memref<128xi32, #tpu.memory_space<vmem>>
        %swap3A_536 = arith.constant 64 : index
        %swap3A_537 = tpu.vector_load %swap3A_535[%swap3A_536] {strides = array<i32>} : memref<128xi32, #tpu.memory_space<vmem>>, vector<16xi32>,
        tpu.vector_store %swap3A_535[%swap3A_536], %get3A_532 {strides = array<i32>} : memref<128xi32, #tpu.memory_space<vmem>>, vector<16xi32>,
        %mul3A_538 = arith.constant 128 : i32
        %mul3A_539 = arith.muli %while3A_425, %mul3A_538 : i32
        %add3A_540 = arith.constant 64 : i32
        %add3A_541 = arith.addi %mul3A_539, %add3A_540 : i32
        %get3A_542 = arith.index_cast %add3A_541 : i32 to index
        %get3A_543 = tpu.vector_load %arg17[%get3A_542] {strides = array<i32>} : memref<2176xi32, #tpu.memory_space<vmem>>, vector<16xi32>,
        %swap3A_544 = arith.constant 0 : i32
        %swap3A_545 = tpu.memref_slice %arg19[%rem3A_428, %swap3A_544] : memref<12x128xi32, #tpu.memory_space<vmem>> -> memref<1x128xi32, #tpu.memory_space<vmem>>
        %swap3A_546 = tpu.memref_squeeze %swap3A_545 : memref<1x128xi32, #tpu.memory_space<vmem>> -> memref<128xi32, #tpu.memory_space<vmem>>
        %swap3A_547 = arith.constant 64 : index
        %swap3A_548 = tpu.vector_load %swap3A_546[%swap3A_547] {strides = array<i32>} : memref<128xi32, #tpu.memory_space<vmem>>, vector<16xi32>,
        tpu.vector_store %swap3A_546[%swap3A_547], %get3A_543 {strides = array<i32>} : memref<128xi32, #tpu.memory_space<vmem>>, vector<16xi32>,
        %mul3A_549 = arith.constant 128 : i32
        %mul3A_550 = arith.muli %while3A_425, %mul3A_549 : i32
        %add3A_551 = arith.constant 80 : i32
        %add3A_552 = arith.addi %mul3A_550, %add3A_551 : i32
        %get3A_553 = arith.index_cast %add3A_552 : i32 to index
        %get3A_554 = tpu.vector_load %arg16[%get3A_553] {strides = array<i32>} : memref<2176xi32, #tpu.memory_space<vmem>>, vector<16xi32>,
        %swap3A_555 = arith.constant 0 : i32
        %swap3A_556 = tpu.memref_slice %arg18[%rem3A_428, %swap3A_555] : memref<12x128xi32, #tpu.memory_space<vmem>> -> memref<1x128xi32, #tpu.memory_space<vmem>>
        %swap3A_557 = tpu.memref_squeeze %swap3A_556 : memref<1x128xi32, #tpu.memory_space<vmem>> -> memref<128xi32, #tpu.memory_space<vmem>>
        %swap3A_558 = arith.constant 80 : index
        %swap3A_559 = tpu.vector_load %swap3A_557[%swap3A_558] {strides = array<i32>} : memref<128xi32, #tpu.memory_space<vmem>>, vector<16xi32>,
        tpu.vector_store %swap3A_557[%swap3A_558], %get3A_554 {strides = array<i32>} : memref<128xi32, #tpu.memory_space<vmem>>, vector<16xi32>,
        %mul3A_560 = arith.constant 128 : i32
        %mul3A_561 = arith.muli %while3A_425, %mul3A_560 : i32
        %add3A_562 = arith.constant 80 : i32
        %add3A_563 = arith.addi %mul3A_561, %add3A_562 : i32
        %get3A_564 = arith.index_cast %add3A_563 : i32 to index
        %get3A_565 = tpu.vector_load %arg17[%get3A_564] {strides = array<i32>} : memref<2176xi32, #tpu.memory_space<vmem>>, vector<16xi32>,
        %swap3A_566 = arith.constant 0 : i32
        %swap3A_567 = tpu.memref_slice %arg19[%rem3A_428, %swap3A_566] : memref<12x128xi32, #tpu.memory_space<vmem>> -> memref<1x128xi32, #tpu.memory_space<vmem>>
        %swap3A_568 = tpu.memref_squeeze %swap3A_567 : memref<1x128xi32, #tpu.memory_space<vmem>> -> memref<128xi32, #tpu.memory_space<vmem>>
        %swap3A_569 = arith.constant 80 : index
        %swap3A_570 = tpu.vector_load %swap3A_568[%swap3A_569] {strides = array<i32>} : memref<128xi32, #tpu.memory_space<vmem>>, vector<16xi32>,
        tpu.vector_store %swap3A_568[%swap3A_569], %get3A_565 {strides = array<i32>} : memref<128xi32, #tpu.memory_space<vmem>>, vector<16xi32>,
        %mul3A_571 = arith.constant 128 : i32
        %mul3A_572 = arith.muli %while3A_425, %mul3A_571 : i32
        %add3A_573 = arith.constant 96 : i32
        %add3A_574 = arith.addi %mul3A_572, %add3A_573 : i32
        %get3A_575 = arith.index_cast %add3A_574 : i32 to index
        %get3A_576 = tpu.vector_load %arg16[%get3A_575] {strides = array<i32>} : memref<2176xi32, #tpu.memory_space<vmem>>, vector<16xi32>,
        %swap3A_577 = arith.constant 0 : i32
        %swap3A_578 = tpu.memref_slice %arg18[%rem3A_428, %swap3A_577] : memref<12x128xi32, #tpu.memory_space<vmem>> -> memref<1x128xi32, #tpu.memory_space<vmem>>
        %swap3A_579 = tpu.memref_squeeze %swap3A_578 : memref<1x128xi32, #tpu.memory_space<vmem>> -> memref<128xi32, #tpu.memory_space<vmem>>
        %swap3A_580 = arith.constant 96 : index
        %swap3A_581 = tpu.vector_load %swap3A_579[%swap3A_580] {strides = array<i32>} : memref<128xi32, #tpu.memory_space<vmem>>, vector<16xi32>,
        tpu.vector_store %swap3A_579[%swap3A_580], %get3A_576 {strides = array<i32>} : memref<128xi32, #tpu.memory_space<vmem>>, vector<16xi32>,
        %mul3A_582 = arith.constant 128 : i32
        %mul3A_583 = arith.muli %while3A_425, %mul3A_582 : i32
        %add3A_584 = arith.constant 96 : i32
        %add3A_585 = arith.addi %mul3A_583, %add3A_584 : i32
        %get3A_586 = arith.index_cast %add3A_585 : i32 to index
        %get3A_587 = tpu.vector_load %arg17[%get3A_586] {strides = array<i32>} : memref<2176xi32, #tpu.memory_space<vmem>>, vector<16xi32>,
        %swap3A_588 = arith.constant 0 : i32
        %swap3A_589 = tpu.memref_slice %arg19[%rem3A_428, %swap3A_588] : memref<12x128xi32, #tpu.memory_space<vmem>> -> memref<1x128xi32, #tpu.memory_space<vmem>>
        %swap3A_590 = tpu.memref_squeeze %swap3A_589 : memref<1x128xi32, #tpu.memory_space<vmem>> -> memref<128xi32, #tpu.memory_space<vmem>>
        %swap3A_591 = arith.constant 96 : index
        %swap3A_592 = tpu.vector_load %swap3A_590[%swap3A_591] {strides = array<i32>} : memref<128xi32, #tpu.memory_space<vmem>>, vector<16xi32>,
        tpu.vector_store %swap3A_590[%swap3A_591], %get3A_587 {strides = array<i32>} : memref<128xi32, #tpu.memory_space<vmem>>, vector<16xi32>,
        %mul3A_593 = arith.constant 128 : i32
        %mul3A_594 = arith.muli %while3A_425, %mul3A_593 : i32
        %add3A_595 = arith.constant 112 : i32
        %add3A_596 = arith.addi %mul3A_594, %add3A_595 : i32
        %get3A_597 = arith.index_cast %add3A_596 : i32 to index
        %get3A_598 = tpu.vector_load %arg16[%get3A_597] {strides = array<i32>} : memref<2176xi32, #tpu.memory_space<vmem>>, vector<16xi32>,
        %swap3A_599 = arith.constant 0 : i32
        %swap3A_600 = tpu.memref_slice %arg18[%rem3A_428, %swap3A_599] : memref<12x128xi32, #tpu.memory_space<vmem>> -> memref<1x128xi32, #tpu.memory_space<vmem>>
        %swap3A_601 = tpu.memref_squeeze %swap3A_600 : memref<1x128xi32, #tpu.memory_space<vmem>> -> memref<128xi32, #tpu.memory_space<vmem>>
        %swap3A_602 = arith.constant 112 : index
        %swap3A_603 = tpu.vector_load %swap3A_601[%swap3A_602] {strides = array<i32>} : memref<128xi32, #tpu.memory_space<vmem>>, vector<16xi32>,
        tpu.vector_store %swap3A_601[%swap3A_602], %get3A_598 {strides = array<i32>} : memref<128xi32, #tpu.memory_space<vmem>>, vector<16xi32>,
        %mul3A_604 = arith.constant 128 : i32
        %mul3A_605 = arith.muli %while3A_425, %mul3A_604 : i32
        %add3A_606 = arith.constant 112 : i32
        %add3A_607 = arith.addi %mul3A_605, %add3A_606 : i32
        %get3A_608 = arith.index_cast %add3A_607 : i32 to index
        %get3A_609 = tpu.vector_load %arg17[%get3A_608] {strides = array<i32>} : memref<2176xi32, #tpu.memory_space<vmem>>, vector<16xi32>,
        %swap3A_610 = arith.constant 0 : i32
        %swap3A_611 = tpu.memref_slice %arg19[%rem3A_428, %swap3A_610] : memref<12x128xi32, #tpu.memory_space<vmem>> -> memref<1x128xi32, #tpu.memory_space<vmem>>
        %swap3A_612 = tpu.memref_squeeze %swap3A_611 : memref<1x128xi32, #tpu.memory_space<vmem>> -> memref<128xi32, #tpu.memory_space<vmem>>
        %swap3A_613 = arith.constant 112 : index
        %swap3A_614 = tpu.vector_load %swap3A_612[%swap3A_613] {strides = array<i32>} : memref<128xi32, #tpu.memory_space<vmem>>, vector<16xi32>,
        tpu.vector_store %swap3A_612[%swap3A_613], %get3A_609 {strides = array<i32>} : memref<128xi32, #tpu.memory_space<vmem>>, vector<16xi32>,
        %dma_start3A_615 = arith.constant 0 : i32
        %dma_start3A_616 = tpu.memref_slice %arg20[%rem3A_428, %dma_start3A_615] : memref<12x128xf32, #tpu.memory_space<vmem>> -> memref<1x128xf32, #tpu.memory_space<vmem>>
        %dma_start3A_617 = tpu.memref_squeeze %dma_start3A_616 : memref<1x128xf32, #tpu.memory_space<vmem>> -> memref<128xf32, #tpu.memory_space<vmem>>
        %dma_start3A_618 = arith.constant 0 : i32
        %dma_start3A_619 = tpu.memref_slice %arg18[%rem3A_428, %dma_start3A_618] : memref<12x128xi32, #tpu.memory_space<vmem>> -> memref<1x128xi32, #tpu.memory_space<vmem>>
        %dma_start3A_620 = tpu.memref_squeeze %dma_start3A_619 : memref<1x128xi32, #tpu.memory_space<vmem>> -> memref<128xi32, #tpu.memory_space<vmem>>
        %dma_start3A_621 = arith.constant 0 : i32
        %dma_start3A_622 = tpu.memref_slice %arg3[%dma_start3A_621] : memref<100000xf32, #tpu.memory_space<hbm>> -> memref<100000xf32, #tpu.memory_space<hbm>>
        %dma_start3A_623 = tpu.memref_slice %arg28[%rem3A_428] : memref<12x!tpu.dma_semaphore, #tpu.memory_space<semaphore_mem>> -> memref<1x!tpu.dma_semaphore, #tpu.memory_space<semaphore_mem>>
        %dma_start3A_624 = tpu.memref_squeeze %dma_start3A_623 : memref<1x!tpu.dma_semaphore, #tpu.memory_space<semaphore_mem>> -> memref<!tpu.dma_semaphore, #tpu.memory_space<semaphore_mem>>
        tpu.enqueue_indirect_dma source(%dma_start3A_622 : memref<100000xf32, #tpu.memory_space<hbm>>) target(%dma_start3A_617 : memref<128xf32, #tpu.memory_space<vmem>>) offsets(%dma_start3A_620 : memref<128xi32, #tpu.memory_space<vmem>>) semaphore(%dma_start3A_624 : memref<!tpu.dma_semaphore, #tpu.memory_space<semaphore_mem>>)
        %add3A_625 = arith.constant 1 : i32
        %add3A_626 = arith.addi %while3A_426, %add3A_625 : i32
        scf.yield %add3A_626 : i32
      }
      %mul3A_417 = arith.constant 128 : i32
      %mul3A_418 = arith.muli %select_n3A_405, %mul3A_417 : i32
      %sub3A_419 = arith.subi %parallel_loop3A_381, %mul3A_418 : i32
      %gt3A_420 = arith.constant 0 : i32
      %gt3A_421 = arith.cmpi sgt, %select_n3A_405, %gt3A_420 : i32
      %convert_element_type3A_422 = arith.extui %gt3A_421 : i1 to i32
      %cond3A_423 = arith.constant 0 : i32
      %cond3A_424 = arith.cmpi ne, %convert_element_type3A_422, %cond3A_423 : i32
      scf.if %cond3A_424 {
        %add3A_425 = arith.constant 15 : i32
        %add3A_426 = arith.addi %sub3A_419, %add3A_425 : i32
        %jit3A_427 = arith.constant 16 : i32
        %div3A_428 = arith.divsi %add3A_426, %jit3A_427 : i32
        %sign3A_429 = arith.constant 0 : i32
        %sign3A_430 = arith.cmpi sgt, %add3A_426, %sign3A_429 : i32
        %sign3A_431 = arith.extui %sign3A_430 : i1 to i32
        %sign3A_432 = arith.constant 0 : i32
        %sign3A_433 = arith.cmpi slt, %add3A_426, %sign3A_432 : i32
        %sign3A_434 = arith.extui %sign3A_433 : i1 to i32
        %sign3A_435 = arith.subi %sign3A_431, %sign3A_434 : i32
        %sign3A_436 = arith.constant 0 : i32
        %sign3A_437 = arith.cmpi sgt, %jit3A_427, %sign3A_436 : i32
        %sign3A_438 = arith.extui %sign3A_437 : i1 to i32
        %sign3A_439 = arith.constant 0 : i32
        %sign3A_440 = arith.cmpi slt, %jit3A_427, %sign3A_439 : i32
        %sign3A_441 = arith.extui %sign3A_440 : i1 to i32
        %sign3A_442 = arith.subi %sign3A_438, %sign3A_441 : i32
        %ne3A_443 = arith.cmpi ne, %sign3A_435, %sign3A_442 : i32
        %rem3A_444 = arith.remsi %add3A_426, %jit3A_427 : i32
        %ne3A_445 = arith.constant 0 : i32
        %ne3A_446 = arith.cmpi ne, %rem3A_444, %ne3A_445 : i32
        %and3A_447 = arith.andi %ne3A_443, %ne3A_446 : i1
        %sub3A_448 = arith.constant 1 : i32
        %sub3A_449 = arith.subi %div3A_428, %sub3A_448 : i32
        %select_n3A_450 = arith.select %and3A_447, %sub3A_449, %div3A_428 : i32
        %while3A_451 = arith.constant 0 : i32
        %while3A_452 = arith.constant 0 : i32
        %while3A_453 = arith.subi %select_n3A_450, %while3A_451 : i32
        %while3A_454 = arith.addi %while3A_451, %while3A_453 : i32
        %while3A_455 = arith.constant 1 : i32
        %while3A_456 = arith.divsi %while3A_453, %while3A_455 : i32
        %while3A_457 = arith.muli %while3A_456, %while3A_455 : i32
        %while3A_458 = arith.addi %while3A_451, %while3A_457 : i32
        %while3A_459 = arith.constant 1 : i32
        %while3A_460 = scf.for %while3A_463 = %while3A_451 to %while3A_458 step %while3A_459 iter_args(%while3A_464 = %while3A_452) -> (i32)  : i32 {
          %mul3A_465 = arith.constant 128 : i32
          %mul3A_466 = arith.muli %select_n3A_405, %mul3A_465 : i32
          %mul3A_467 = arith.constant 16 : i32
          %mul3A_468 = arith.muli %mul3A_467, %while3A_463 : i32
          %add3A_469 = arith.addi %mul3A_466, %mul3A_468 : i32
          %get3A_470 = arith.index_cast %add3A_469 : i32 to index
          %get3A_471 = tpu.vector_load %arg16[%get3A_470] {strides = array<i32>} : memref<2176xi32, #tpu.memory_space<vmem>>, vector<16xi32>,
          %mul3A_472 = arith.constant 16 : i32
          %mul3A_473 = arith.muli %mul3A_472, %while3A_463 : i32
          %swap3A_474 = arith.index_cast %mul3A_473 : i32 to index
          %swap3A_475 = tpu.vector_load %arg16[%swap3A_474] {strides = array<i32>} : memref<2176xi32, #tpu.memory_space<vmem>>, vector<16xi32>,
          tpu.vector_store %arg16[%swap3A_474], %get3A_471 {strides = array<i32>} : memref<2176xi32, #tpu.memory_space<vmem>>, vector<16xi32>,
          %mul3A_476 = arith.constant 128 : i32
          %mul3A_477 = arith.muli %select_n3A_405, %mul3A_476 : i32
          %mul3A_478 = arith.constant 16 : i32
          %mul3A_479 = arith.muli %mul3A_478, %while3A_463 : i32
          %add3A_480 = arith.addi %mul3A_477, %mul3A_479 : i32
          %get3A_481 = arith.index_cast %add3A_480 : i32 to index
          %get3A_482 = tpu.vector_load %arg17[%get3A_481] {strides = array<i32>} : memref<2176xi32, #tpu.memory_space<vmem>>, vector<16xi32>,
          %mul3A_483 = arith.constant 16 : i32
          %mul3A_484 = arith.muli %mul3A_483, %while3A_463 : i32
          %swap3A_485 = arith.index_cast %mul3A_484 : i32 to index
          %swap3A_486 = tpu.vector_load %arg17[%swap3A_485] {strides = array<i32>} : memref<2176xi32, #tpu.memory_space<vmem>>, vector<16xi32>,
          tpu.vector_store %arg17[%swap3A_485], %get3A_482 {strides = array<i32>} : memref<2176xi32, #tpu.memory_space<vmem>>, vector<16xi32>,
          %while3A_487 = arith.constant 0 : i32
          scf.yield %while3A_487 : i32
        }
        %while3A_461 = arith.constant 1 : i32
        %while3A_462 = scf.for %while3A_463 = %while3A_458 to %while3A_454 step %while3A_461 iter_args(%while3A_464 = %while3A_460) -> (i32)  : i32 {
          %mul3A_465 = arith.constant 128 : i32
          %mul3A_466 = arith.muli %select_n3A_405, %mul3A_465 : i32
          %mul3A_467 = arith.constant 16 : i32
          %mul3A_468 = arith.muli %mul3A_467, %while3A_463 : i32
          %add3A_469 = arith.addi %mul3A_466, %mul3A_468 : i32
          %get3A_470 = arith.index_cast %add3A_469 : i32 to index
          %get3A_471 = tpu.vector_load %arg16[%get3A_470] {strides = array<i32>} : memref<2176xi32, #tpu.memory_space<vmem>>, vector<16xi32>,
          %mul3A_472 = arith.constant 16 : i32
          %mul3A_473 = arith.muli %mul3A_472, %while3A_463 : i32
          %swap3A_474 = arith.index_cast %mul3A_473 : i32 to index
          %swap3A_475 = tpu.vector_load %arg16[%swap3A_474] {strides = array<i32>} : memref<2176xi32, #tpu.memory_space<vmem>>, vector<16xi32>,
          tpu.vector_store %arg16[%swap3A_474], %get3A_471 {strides = array<i32>} : memref<2176xi32, #tpu.memory_space<vmem>>, vector<16xi32>,
          %mul3A_476 = arith.constant 128 : i32
          %mul3A_477 = arith.muli %select_n3A_405, %mul3A_476 : i32
          %mul3A_478 = arith.constant 16 : i32
          %mul3A_479 = arith.muli %mul3A_478, %while3A_463 : i32
          %add3A_480 = arith.addi %mul3A_477, %mul3A_479 : i32
          %get3A_481 = arith.index_cast %add3A_480 : i32 to index
          %get3A_482 = tpu.vector_load %arg17[%get3A_481] {strides = array<i32>} : memref<2176xi32, #tpu.memory_space<vmem>>, vector<16xi32>,
          %mul3A_483 = arith.constant 16 : i32
          %mul3A_484 = arith.muli %mul3A_483, %while3A_463 : i32
          %swap3A_485 = arith.index_cast %mul3A_484 : i32 to index
          %swap3A_486 = tpu.vector_load %arg17[%swap3A_485] {strides = array<i32>} : memref<2176xi32, #tpu.memory_space<vmem>>, vector<16xi32>,
          tpu.vector_store %arg17[%swap3A_485], %get3A_482 {strides = array<i32>} : memref<2176xi32, #tpu.memory_space<vmem>>, vector<16xi32>,
          %while3A_487 = arith.constant 0 : i32
          scf.yield %while3A_487 : i32
        }
      } else {
      }
      scf.yield %sub3A_419, %while3A_416 : i32, i32
    }
    %iota3A = tpu.iota {dimensions = array<i32: 0>} : vector<16xi32>
    %rem3A = arith.constant 16 : i32
    %rem3A_53 = arith.remsi %while3A_52#0, %rem3A : i32
    %sub3A = arith.subi %while3A_52#0, %rem3A_53 : i32
    %lt3A_54 = vector.broadcast %rem3A_53 : i32 to vector<16xi32>
    %lt3A_55 = arith.cmpi slt, %iota3A, %lt3A_54 : vector<16xi32>
    %get3A = arith.index_cast %sub3A : i32 to index
    %get3A_56 = tpu.vector_load %arg16[%get3A] {strides = array<i32>} : memref<2176xi32, #tpu.memory_space<vmem>>, vector<16xi32>,
    %jit3A_57 = arith.constant 0 : i32
    %broadcast_in_dim3A_58 = vector.broadcast %jit3A_57 : i32 to vector<16xi32>
    %select_n3A_59 = arith.select %lt3A_55, %get3A_56, %broadcast_in_dim3A_58 : vector<16xi1>, vector<16xi32>
    %swap3A = arith.index_cast %sub3A : i32 to index
    %swap3A_60 = tpu.vector_load %arg16[%swap3A] {strides = array<i32>} : memref<2176xi32, #tpu.memory_space<vmem>>, vector<16xi32>,
    tpu.vector_store %arg16[%swap3A], %select_n3A_59 {strides = array<i32>} : memref<2176xi32, #tpu.memory_space<vmem>>, vector<16xi32>,
    %get3A_61 = arith.index_cast %sub3A : i32 to index
    %get3A_62 = tpu.vector_load %arg17[%get3A_61] {strides = array<i32>} : memref<2176xi32, #tpu.memory_space<vmem>>, vector<16xi32>,
    %jit3A_63 = arith.constant 100000 : i32
    %broadcast_in_dim3A_64 = vector.broadcast %jit3A_63 : i32 to vector<16xi32>
    %select_n3A_65 = arith.select %lt3A_55, %get3A_62, %broadcast_in_dim3A_64 : vector<16xi1>, vector<16xi32>
    %swap3A_66 = arith.index_cast %sub3A : i32 to index
    %swap3A_67 = tpu.vector_load %arg17[%swap3A_66] {strides = array<i32>} : memref<2176xi32, #tpu.memory_space<vmem>>, vector<16xi32>,
    tpu.vector_store %arg17[%swap3A_66], %select_n3A_65 {strides = array<i32>} : memref<2176xi32, #tpu.memory_space<vmem>>, vector<16xi32>,
    %broadcast_in_dim3A_68 = arith.constant 0 : i32
    %broadcast_in_dim3A_69 = vector.broadcast %broadcast_in_dim3A_68 : i32 to vector<16xi32>
    %add3A_70 = arith.constant 16 : i32
    %add3A_71 = arith.addi %sub3A, %add3A_70 : i32
    %swap3A_72 = arith.index_cast %add3A_71 : i32 to index
    %swap3A_73 = tpu.vector_load %arg16[%swap3A_72] {strides = array<i32>} : memref<2176xi32, #tpu.memory_space<vmem>>, vector<16xi32>,
    tpu.vector_store %arg16[%swap3A_72], %broadcast_in_dim3A_69 {strides = array<i32>} : memref<2176xi32, #tpu.memory_space<vmem>>, vector<16xi32>,
    %broadcast_in_dim3A_74 = arith.constant 100000 : i32
    %broadcast_in_dim3A_75 = vector.broadcast %broadcast_in_dim3A_74 : i32 to vector<16xi32>
    %add3A_76 = arith.constant 16 : i32
    %add3A_77 = arith.addi %sub3A, %add3A_76 : i32
    %swap3A_78 = arith.index_cast %add3A_77 : i32 to index
    %swap3A_79 = tpu.vector_load %arg17[%swap3A_78] {strides = array<i32>} : memref<2176xi32, #tpu.memory_space<vmem>>, vector<16xi32>,
    tpu.vector_store %arg17[%swap3A_78], %broadcast_in_dim3A_75 {strides = array<i32>} : memref<2176xi32, #tpu.memory_space<vmem>>, vector<16xi32>,
    %broadcast_in_dim3A_80 = arith.constant 0 : i32
    %broadcast_in_dim3A_81 = vector.broadcast %broadcast_in_dim3A_80 : i32 to vector<16xi32>
    %add3A_82 = arith.constant 32 : i32
    %add3A_83 = arith.addi %sub3A, %add3A_82 : i32
    %swap3A_84 = arith.index_cast %add3A_83 : i32 to index
    %swap3A_85 = tpu.vector_load %arg16[%swap3A_84] {strides = array<i32>} : memref<2176xi32, #tpu.memory_space<vmem>>, vector<16xi32>,
    tpu.vector_store %arg16[%swap3A_84], %broadcast_in_dim3A_81 {strides = array<i32>} : memref<2176xi32, #tpu.memory_space<vmem>>, vector<16xi32>,
    %broadcast_in_dim3A_86 = arith.constant 100000 : i32
    %broadcast_in_dim3A_87 = vector.broadcast %broadcast_in_dim3A_86 : i32 to vector<16xi32>
    %add3A_88 = arith.constant 32 : i32
    %add3A_89 = arith.addi %sub3A, %add3A_88 : i32
    %swap3A_90 = arith.index_cast %add3A_89 : i32 to index
    %swap3A_91 = tpu.vector_load %arg17[%swap3A_90] {strides = array<i32>} : memref<2176xi32, #tpu.memory_space<vmem>>, vector<16xi32>,
    tpu.vector_store %arg17[%swap3A_90], %broadcast_in_dim3A_87 {strides = array<i32>} : memref<2176xi32, #tpu.memory_space<vmem>>, vector<16xi32>,
    %broadcast_in_dim3A_92 = arith.constant 0 : i32
    %broadcast_in_dim3A_93 = vector.broadcast %broadcast_in_dim3A_92 : i32 to vector<16xi32>
    %add3A_94 = arith.constant 48 : i32
    %add3A_95 = arith.addi %sub3A, %add3A_94 : i32
    %swap3A_96 = arith.index_cast %add3A_95 : i32 to index
    %swap3A_97 = tpu.vector_load %arg16[%swap3A_96] {strides = array<i32>} : memref<2176xi32, #tpu.memory_space<vmem>>, vector<16xi32>,
    tpu.vector_store %arg16[%swap3A_96], %broadcast_in_dim3A_93 {strides = array<i32>} : memref<2176xi32, #tpu.memory_space<vmem>>, vector<16xi32>,
    %broadcast_in_dim3A_98 = arith.constant 100000 : i32
    %broadcast_in_dim3A_99 = vector.broadcast %broadcast_in_dim3A_98 : i32 to vector<16xi32>
    %add3A_100 = arith.constant 48 : i32
    %add3A_101 = arith.addi %sub3A, %add3A_100 : i32
    %swap3A_102 = arith.index_cast %add3A_101 : i32 to index
    %swap3A_103 = tpu.vector_load %arg17[%swap3A_102] {strides = array<i32>} : memref<2176xi32, #tpu.memory_space<vmem>>, vector<16xi32>,
    tpu.vector_store %arg17[%swap3A_102], %broadcast_in_dim3A_99 {strides = array<i32>} : memref<2176xi32, #tpu.memory_space<vmem>>, vector<16xi32>,
    %broadcast_in_dim3A_104 = arith.constant 0 : i32
    %broadcast_in_dim3A_105 = vector.broadcast %broadcast_in_dim3A_104 : i32 to vector<16xi32>
    %add3A_106 = arith.constant 64 : i32
    %add3A_107 = arith.addi %sub3A, %add3A_106 : i32
    %swap3A_108 = arith.index_cast %add3A_107 : i32 to index
    %swap3A_109 = tpu.vector_load %arg16[%swap3A_108] {strides = array<i32>} : memref<2176xi32, #tpu.memory_space<vmem>>, vector<16xi32>,
    tpu.vector_store %arg16[%swap3A_108], %broadcast_in_dim3A_105 {strides = array<i32>} : memref<2176xi32, #tpu.memory_space<vmem>>, vector<16xi32>,
    %broadcast_in_dim3A_110 = arith.constant 100000 : i32
    %broadcast_in_dim3A_111 = vector.broadcast %broadcast_in_dim3A_110 : i32 to vector<16xi32>
    %add3A_112 = arith.constant 64 : i32
    %add3A_113 = arith.addi %sub3A, %add3A_112 : i32
    %swap3A_114 = arith.index_cast %add3A_113 : i32 to index
    %swap3A_115 = tpu.vector_load %arg17[%swap3A_114] {strides = array<i32>} : memref<2176xi32, #tpu.memory_space<vmem>>, vector<16xi32>,
    tpu.vector_store %arg17[%swap3A_114], %broadcast_in_dim3A_111 {strides = array<i32>} : memref<2176xi32, #tpu.memory_space<vmem>>, vector<16xi32>,
    %broadcast_in_dim3A_116 = arith.constant 0 : i32
    %broadcast_in_dim3A_117 = vector.broadcast %broadcast_in_dim3A_116 : i32 to vector<16xi32>
    %add3A_118 = arith.constant 80 : i32
    %add3A_119 = arith.addi %sub3A, %add3A_118 : i32
    %swap3A_120 = arith.index_cast %add3A_119 : i32 to index
    %swap3A_121 = tpu.vector_load %arg16[%swap3A_120] {strides = array<i32>} : memref<2176xi32, #tpu.memory_space<vmem>>, vector<16xi32>,
    tpu.vector_store %arg16[%swap3A_120], %broadcast_in_dim3A_117 {strides = array<i32>} : memref<2176xi32, #tpu.memory_space<vmem>>, vector<16xi32>,
    %broadcast_in_dim3A_122 = arith.constant 100000 : i32
    %broadcast_in_dim3A_123 = vector.broadcast %broadcast_in_dim3A_122 : i32 to vector<16xi32>
    %add3A_124 = arith.constant 80 : i32
    %add3A_125 = arith.addi %sub3A, %add3A_124 : i32
    %swap3A_126 = arith.index_cast %add3A_125 : i32 to index
    %swap3A_127 = tpu.vector_load %arg17[%swap3A_126] {strides = array<i32>} : memref<2176xi32, #tpu.memory_space<vmem>>, vector<16xi32>,
    tpu.vector_store %arg17[%swap3A_126], %broadcast_in_dim3A_123 {strides = array<i32>} : memref<2176xi32, #tpu.memory_space<vmem>>, vector<16xi32>,
    %broadcast_in_dim3A_128 = arith.constant 0 : i32
    %broadcast_in_dim3A_129 = vector.broadcast %broadcast_in_dim3A_128 : i32 to vector<16xi32>
    %add3A_130 = arith.constant 96 : i32
    %add3A_131 = arith.addi %sub3A, %add3A_130 : i32
    %swap3A_132 = arith.index_cast %add3A_131 : i32 to index
    %swap3A_133 = tpu.vector_load %arg16[%swap3A_132] {strides = array<i32>} : memref<2176xi32, #tpu.memory_space<vmem>>, vector<16xi32>,
    tpu.vector_store %arg16[%swap3A_132], %broadcast_in_dim3A_129 {strides = array<i32>} : memref<2176xi32, #tpu.memory_space<vmem>>, vector<16xi32>,
    %broadcast_in_dim3A_134 = arith.constant 100000 : i32
    %broadcast_in_dim3A_135 = vector.broadcast %broadcast_in_dim3A_134 : i32 to vector<16xi32>
    %add3A_136 = arith.constant 96 : i32
    %add3A_137 = arith.addi %sub3A, %add3A_136 : i32
    %swap3A_138 = arith.index_cast %add3A_137 : i32 to index
    %swap3A_139 = tpu.vector_load %arg17[%swap3A_138] {strides = array<i32>} : memref<2176xi32, #tpu.memory_space<vmem>>, vector<16xi32>,
    tpu.vector_store %arg17[%swap3A_138], %broadcast_in_dim3A_135 {strides = array<i32>} : memref<2176xi32, #tpu.memory_space<vmem>>, vector<16xi32>,
    %broadcast_in_dim3A_140 = arith.constant 0 : i32
    %broadcast_in_dim3A_141 = vector.broadcast %broadcast_in_dim3A_140 : i32 to vector<16xi32>
    %add3A_142 = arith.constant 112 : i32
    %add3A_143 = arith.addi %sub3A, %add3A_142 : i32
    %swap3A_144 = arith.index_cast %add3A_143 : i32 to index
    %swap3A_145 = tpu.vector_load %arg16[%swap3A_144] {strides = array<i32>} : memref<2176xi32, #tpu.memory_space<vmem>>, vector<16xi32>,
    tpu.vector_store %arg16[%swap3A_144], %broadcast_in_dim3A_141 {strides = array<i32>} : memref<2176xi32, #tpu.memory_space<vmem>>, vector<16xi32>,
    %broadcast_in_dim3A_146 = arith.constant 100000 : i32
    %broadcast_in_dim3A_147 = vector.broadcast %broadcast_in_dim3A_146 : i32 to vector<16xi32>
    %add3A_148 = arith.constant 112 : i32
    %add3A_149 = arith.addi %sub3A, %add3A_148 : i32
    %swap3A_150 = arith.index_cast %add3A_149 : i32 to index
    %swap3A_151 = tpu.vector_load %arg17[%swap3A_150] {strides = array<i32>} : memref<2176xi32, #tpu.memory_space<vmem>>, vector<16xi32>,
    tpu.vector_store %arg17[%swap3A_150], %broadcast_in_dim3A_147 {strides = array<i32>} : memref<2176xi32, #tpu.memory_space<vmem>>, vector<16xi32>,
    %broadcast_in_dim3A_152 = arith.constant 0 : i32
    %broadcast_in_dim3A_153 = vector.broadcast %broadcast_in_dim3A_152 : i32 to vector<16xi32>
    %add3A_154 = arith.constant 128 : i32
    %add3A_155 = arith.addi %sub3A, %add3A_154 : i32
    %swap3A_156 = arith.index_cast %add3A_155 : i32 to index
    %swap3A_157 = tpu.vector_load %arg16[%swap3A_156] {strides = array<i32>} : memref<2176xi32, #tpu.memory_space<vmem>>, vector<16xi32>,
    tpu.vector_store %arg16[%swap3A_156], %broadcast_in_dim3A_153 {strides = array<i32>} : memref<2176xi32, #tpu.memory_space<vmem>>, vector<16xi32>,
    %broadcast_in_dim3A_158 = arith.constant 100000 : i32
    %broadcast_in_dim3A_159 = vector.broadcast %broadcast_in_dim3A_158 : i32 to vector<16xi32>
    %add3A_160 = arith.constant 128 : i32
    %add3A_161 = arith.addi %sub3A, %add3A_160 : i32
    %swap3A_162 = arith.index_cast %add3A_161 : i32 to index
    %swap3A_163 = tpu.vector_load %arg17[%swap3A_162] {strides = array<i32>} : memref<2176xi32, #tpu.memory_space<vmem>>, vector<16xi32>,
    tpu.vector_store %arg17[%swap3A_162], %broadcast_in_dim3A_159 {strides = array<i32>} : memref<2176xi32, #tpu.memory_space<vmem>>, vector<16xi32>,
    %gt3A = arith.constant 0 : i32
    %gt3A_164 = arith.cmpi sgt, %while3A_52#0, %gt3A : i32
    %jit3A_165 = arith.constant 128 : i32
    %jit3A_166 = arith.constant 0 : i32
    %select_n3A_167 = arith.select %gt3A_164, %jit3A_165, %jit3A_166 : i32
    %jit3A_168 = arith.constant 128 : i32
    %div3A = arith.divsi %select_n3A_167, %jit3A_168 : i32
    %sign3A = arith.constant 0 : i32
    %sign3A_169 = arith.cmpi sgt, %select_n3A_167, %sign3A : i32
    %sign3A_170 = arith.extui %sign3A_169 : i1 to i32
    %sign3A_171 = arith.constant 0 : i32
    %sign3A_172 = arith.cmpi slt, %select_n3A_167, %sign3A_171 : i32
    %sign3A_173 = arith.extui %sign3A_172 : i1 to i32
    %sign3A_174 = arith.subi %sign3A_170, %sign3A_173 : i32
    %sign3A_175 = arith.constant 0 : i32
    %sign3A_176 = arith.cmpi sgt, %jit3A_168, %sign3A_175 : i32
    %sign3A_177 = arith.extui %sign3A_176 : i1 to i32
    %sign3A_178 = arith.constant 0 : i32
    %sign3A_179 = arith.cmpi slt, %jit3A_168, %sign3A_178 : i32
    %sign3A_180 = arith.extui %sign3A_179 : i1 to i32
    %sign3A_181 = arith.subi %sign3A_177, %sign3A_180 : i32
    %ne3A = arith.cmpi ne, %sign3A_174, %sign3A_181 : i32
    %rem3A_182 = arith.remsi %select_n3A_167, %jit3A_168 : i32
    %ne3A_183 = arith.constant 0 : i32
    %ne3A_184 = arith.cmpi ne, %rem3A_182, %ne3A_183 : i32
    %and3A = arith.andi %ne3A, %ne3A_184 : i1
    %sub3A_185 = arith.constant 1 : i32
    %sub3A_186 = arith.subi %div3A, %sub3A_185 : i32
    %select_n3A_187 = arith.select %and3A, %sub3A_186, %div3A : i32
    %while3A_188 = arith.constant 0 : i32
    %while3A_189 = arith.subi %select_n3A_187, %while3A_188 : i32
    %while3A_190 = arith.addi %while3A_188, %while3A_189 : i32
    %while3A_191 = arith.constant 1 : i32
    %while3A_192 = arith.divsi %while3A_189, %while3A_191 : i32
    %while3A_193 = arith.muli %while3A_192, %while3A_191 : i32
    %while3A_194 = arith.addi %while3A_188, %while3A_193 : i32
    %while3A_195 = arith.constant 1 : i32
    %while3A_196 = scf.for %while3A_342 = %while3A_188 to %while3A_194 step %while3A_195 iter_args(%while3A_343 = %while3A_52#1) -> (i32)  : i32 {
      %rem3A_344 = arith.constant 12 : i32
      %rem3A_345 = arith.remsi %while3A_343, %rem3A_344 : i32
      %ge3A_346 = arith.constant 12 : i32
      %ge3A_347 = arith.cmpi sge, %while3A_343, %ge3A_346 : i32
      %convert_element_type3A_348 = arith.extui %ge3A_347 : i1 to i32
      %cond3A_349 = arith.constant 0 : i32
      %cond3A_350 = arith.cmpi ne, %convert_element_type3A_348, %cond3A_349 : i32
      scf.if %cond3A_350 {
        %dma_wait3A = arith.constant 0 : i32
        %dma_wait3A_544 = tpu.memref_slice %arg20[%rem3A_345, %dma_wait3A] : memref<12x128xf32, #tpu.memory_space<vmem>> -> memref<1x128xf32, #tpu.memory_space<vmem>>
        %dma_wait3A_545 = tpu.memref_squeeze %dma_wait3A_544 : memref<1x128xf32, #tpu.memory_space<vmem>> -> memref<128xf32, #tpu.memory_space<vmem>>
        %dma_wait3A_546 = arith.constant 0 : i32
        %dma_wait3A_547 = tpu.memref_slice %arg19[%rem3A_345, %dma_wait3A_546] : memref<12x128xi32, #tpu.memory_space<vmem>> -> memref<1x128xi32, #tpu.memory_space<vmem>>
        %dma_wait3A_548 = tpu.memref_squeeze %dma_wait3A_547 : memref<1x128xi32, #tpu.memory_space<vmem>> -> memref<128xi32, #tpu.memory_space<vmem>>
        %dma_wait3A_549 = arith.constant 0 : i32
        %dma_wait3A_550 = tpu.memref_slice %arg26[%dma_wait3A_549] : memref<100352xf32, #tpu.memory_space<vmem_shared>> -> memref<100352xf32, #tpu.memory_space<vmem_shared>>
        %dma_wait3A_551 = tpu.memref_slice %arg29[%rem3A_345] : memref<12x!tpu.dma_semaphore, #tpu.memory_space<semaphore_mem>> -> memref<1x!tpu.dma_semaphore, #tpu.memory_space<semaphore_mem>>
        %dma_wait3A_552 = tpu.memref_squeeze %dma_wait3A_551 : memref<1x!tpu.dma_semaphore, #tpu.memory_space<semaphore_mem>> -> memref<!tpu.dma_semaphore, #tpu.memory_space<semaphore_mem>>
        tpu.wait_indirect_dma semaphore(%dma_wait3A_552 : memref<!tpu.dma_semaphore, #tpu.memory_space<semaphore_mem>>) src(%dma_wait3A_545 : memref<128xf32, #tpu.memory_space<vmem>>) dst(%dma_wait3A_550 : memref<100352xf32, #tpu.memory_space<vmem_shared>>)
      } else {
      }
      %ge3A_351 = arith.constant 6 : i32
      %ge3A_352 = arith.cmpi sge, %while3A_343, %ge3A_351 : i32
      %convert_element_type3A_353 = arith.extui %ge3A_352 : i1 to i32
      %cond3A_354 = arith.constant 0 : i32
      %cond3A_355 = arith.cmpi ne, %convert_element_type3A_353, %cond3A_354 : i32
      scf.if %cond3A_355 {
        %sub3A_544 = arith.constant 6 : i32
        %sub3A_545 = arith.subi %while3A_343, %sub3A_544 : i32
        %rem3A_546 = arith.constant 12 : i32
        %rem3A_547 = arith.remsi %sub3A_545, %rem3A_546 : i32
        %dma_wait3A = arith.constant 0 : i32
        %dma_wait3A_548 = tpu.memref_slice %arg20[%rem3A_547, %dma_wait3A] : memref<12x128xf32, #tpu.memory_space<vmem>> -> memref<1x128xf32, #tpu.memory_space<vmem>>
        %dma_wait3A_549 = tpu.memref_squeeze %dma_wait3A_548 : memref<1x128xf32, #tpu.memory_space<vmem>> -> memref<128xf32, #tpu.memory_space<vmem>>
        %dma_wait3A_550 = arith.constant 0 : i32
        %dma_wait3A_551 = tpu.memref_slice %arg18[%rem3A_547, %dma_wait3A_550] : memref<12x128xi32, #tpu.memory_space<vmem>> -> memref<1x128xi32, #tpu.memory_space<vmem>>
        %dma_wait3A_552 = tpu.memref_squeeze %dma_wait3A_551 : memref<1x128xi32, #tpu.memory_space<vmem>> -> memref<128xi32, #tpu.memory_space<vmem>>
        %dma_wait3A_553 = arith.constant 0 : i32
        %dma_wait3A_554 = tpu.memref_slice %arg3[%dma_wait3A_553] : memref<100000xf32, #tpu.memory_space<hbm>> -> memref<100000xf32, #tpu.memory_space<hbm>>
        %dma_wait3A_555 = tpu.memref_slice %arg28[%rem3A_547] : memref<12x!tpu.dma_semaphore, #tpu.memory_space<semaphore_mem>> -> memref<1x!tpu.dma_semaphore, #tpu.memory_space<semaphore_mem>>
        %dma_wait3A_556 = tpu.memref_squeeze %dma_wait3A_555 : memref<1x!tpu.dma_semaphore, #tpu.memory_space<semaphore_mem>> -> memref<!tpu.dma_semaphore, #tpu.memory_space<semaphore_mem>>
        tpu.wait_indirect_dma semaphore(%dma_wait3A_556 : memref<!tpu.dma_semaphore, #tpu.memory_space<semaphore_mem>>) src(%dma_wait3A_554 : memref<100000xf32, #tpu.memory_space<hbm>>) dst(%dma_wait3A_549 : memref<128xf32, #tpu.memory_space<vmem>>)
        %dma_start3A_557 = arith.constant 0 : i32
        %dma_start3A_558 = tpu.memref_slice %arg20[%rem3A_547, %dma_start3A_557] : memref<12x128xf32, #tpu.memory_space<vmem>> -> memref<1x128xf32, #tpu.memory_space<vmem>>
        %dma_start3A_559 = tpu.memref_squeeze %dma_start3A_558 : memref<1x128xf32, #tpu.memory_space<vmem>> -> memref<128xf32, #tpu.memory_space<vmem>>
        %dma_start3A_560 = arith.constant 0 : i32
        %dma_start3A_561 = tpu.memref_slice %arg19[%rem3A_547, %dma_start3A_560] : memref<12x128xi32, #tpu.memory_space<vmem>> -> memref<1x128xi32, #tpu.memory_space<vmem>>
        %dma_start3A_562 = tpu.memref_squeeze %dma_start3A_561 : memref<1x128xi32, #tpu.memory_space<vmem>> -> memref<128xi32, #tpu.memory_space<vmem>>
        %dma_start3A_563 = arith.constant 0 : i32
        %dma_start3A_564 = tpu.memref_slice %arg26[%dma_start3A_563] : memref<100352xf32, #tpu.memory_space<vmem_shared>> -> memref<100352xf32, #tpu.memory_space<vmem_shared>>
        %dma_start3A_565 = tpu.memref_slice %arg29[%rem3A_547] : memref<12x!tpu.dma_semaphore, #tpu.memory_space<semaphore_mem>> -> memref<1x!tpu.dma_semaphore, #tpu.memory_space<semaphore_mem>>
        %dma_start3A_566 = tpu.memref_squeeze %dma_start3A_565 : memref<1x!tpu.dma_semaphore, #tpu.memory_space<semaphore_mem>> -> memref<!tpu.dma_semaphore, #tpu.memory_space<semaphore_mem>>
        tpu.enqueue_indirect_dma source(%dma_start3A_559 : memref<128xf32, #tpu.memory_space<vmem>>) target(%dma_start3A_564 : memref<100352xf32, #tpu.memory_space<vmem_shared>>) offsets(%dma_start3A_562 : memref<128xi32, #tpu.memory_space<vmem>>) semaphore(%dma_start3A_566 : memref<!tpu.dma_semaphore, #tpu.memory_space<semaphore_mem>>) {add = true}
      } else {
      }
      %mul3A_356 = arith.constant 128 : i32
      %mul3A_357 = arith.muli %while3A_342, %mul3A_356 : i32
      %add3A_358 = arith.constant 0 : i32
      %add3A_359 = arith.addi %mul3A_357, %add3A_358 : i32
      %get3A_360 = arith.index_cast %add3A_359 : i32 to index
      %get3A_361 = tpu.vector_load %arg16[%get3A_360] {strides = array<i32>} : memref<2176xi32, #tpu.memory_space<vmem>>, vector<16xi32>,
      %swap3A_362 = arith.constant 0 : i32
      %swap3A_363 = tpu.memref_slice %arg18[%rem3A_345, %swap3A_362] : memref<12x128xi32, #tpu.memory_space<vmem>> -> memref<1x128xi32, #tpu.memory_space<vmem>>
      %swap3A_364 = tpu.memref_squeeze %swap3A_363 : memref<1x128xi32, #tpu.memory_space<vmem>> -> memref<128xi32, #tpu.memory_space<vmem>>
      %swap3A_365 = arith.constant 0 : index
      %swap3A_366 = tpu.vector_load %swap3A_364[%swap3A_365] {strides = array<i32>} : memref<128xi32, #tpu.memory_space<vmem>>, vector<16xi32>,
      tpu.vector_store %swap3A_364[%swap3A_365], %get3A_361 {strides = array<i32>} : memref<128xi32, #tpu.memory_space<vmem>>, vector<16xi32>,
      %mul3A_367 = arith.constant 128 : i32
      %mul3A_368 = arith.muli %while3A_342, %mul3A_367 : i32
      %add3A_369 = arith.constant 0 : i32
      %add3A_370 = arith.addi %mul3A_368, %add3A_369 : i32
      %get3A_371 = arith.index_cast %add3A_370 : i32 to index
      %get3A_372 = tpu.vector_load %arg17[%get3A_371] {strides = array<i32>} : memref<2176xi32, #tpu.memory_space<vmem>>, vector<16xi32>,
      %swap3A_373 = arith.constant 0 : i32
      %swap3A_374 = tpu.memref_slice %arg19[%rem3A_345, %swap3A_373] : memref<12x128xi32, #tpu.memory_space<vmem>> -> memref<1x128xi32, #tpu.memory_space<vmem>>
      %swap3A_375 = tpu.memref_squeeze %swap3A_374 : memref<1x128xi32, #tpu.memory_space<vmem>> -> memref<128xi32, #tpu.memory_space<vmem>>
      %swap3A_376 = arith.constant 0 : index
      %swap3A_377 = tpu.vector_load %swap3A_375[%swap3A_376] {strides = array<i32>} : memref<128xi32, #tpu.memory_space<vmem>>, vector<16xi32>,
      tpu.vector_store %swap3A_375[%swap3A_376], %get3A_372 {strides = array<i32>} : memref<128xi32, #tpu.memory_space<vmem>>, vector<16xi32>,
      %mul3A_378 = arith.constant 128 : i32
      %mul3A_379 = arith.muli %while3A_342, %mul3A_378 : i32
      %add3A_380 = arith.constant 16 : i32
      %add3A_381 = arith.addi %mul3A_379, %add3A_380 : i32
      %get3A_382 = arith.index_cast %add3A_381 : i32 to index
      %get3A_383 = tpu.vector_load %arg16[%get3A_382] {strides = array<i32>} : memref<2176xi32, #tpu.memory_space<vmem>>, vector<16xi32>,
      %swap3A_384 = arith.constant 0 : i32
      %swap3A_385 = tpu.memref_slice %arg18[%rem3A_345, %swap3A_384] : memref<12x128xi32, #tpu.memory_space<vmem>> -> memref<1x128xi32, #tpu.memory_space<vmem>>
      %swap3A_386 = tpu.memref_squeeze %swap3A_385 : memref<1x128xi32, #tpu.memory_space<vmem>> -> memref<128xi32, #tpu.memory_space<vmem>>
      %swap3A_387 = arith.constant 16 : index
      %swap3A_388 = tpu.vector_load %swap3A_386[%swap3A_387] {strides = array<i32>} : memref<128xi32, #tpu.memory_space<vmem>>, vector<16xi32>,
      tpu.vector_store %swap3A_386[%swap3A_387], %get3A_383 {strides = array<i32>} : memref<128xi32, #tpu.memory_space<vmem>>, vector<16xi32>,
      %mul3A_389 = arith.constant 128 : i32
      %mul3A_390 = arith.muli %while3A_342, %mul3A_389 : i32
      %add3A_391 = arith.constant 16 : i32
      %add3A_392 = arith.addi %mul3A_390, %add3A_391 : i32
      %get3A_393 = arith.index_cast %add3A_392 : i32 to index
      %get3A_394 = tpu.vector_load %arg17[%get3A_393] {strides = array<i32>} : memref<2176xi32, #tpu.memory_space<vmem>>, vector<16xi32>,
      %swap3A_395 = arith.constant 0 : i32
      %swap3A_396 = tpu.memref_slice %arg19[%rem3A_345, %swap3A_395] : memref<12x128xi32, #tpu.memory_space<vmem>> -> memref<1x128xi32, #tpu.memory_space<vmem>>
      %swap3A_397 = tpu.memref_squeeze %swap3A_396 : memref<1x128xi32, #tpu.memory_space<vmem>> -> memref<128xi32, #tpu.memory_space<vmem>>
      %swap3A_398 = arith.constant 16 : index
      %swap3A_399 = tpu.vector_load %swap3A_397[%swap3A_398] {strides = array<i32>} : memref<128xi32, #tpu.memory_space<vmem>>, vector<16xi32>,
      tpu.vector_store %swap3A_397[%swap3A_398], %get3A_394 {strides = array<i32>} : memref<128xi32, #tpu.memory_space<vmem>>, vector<16xi32>,
      %mul3A_400 = arith.constant 128 : i32
      %mul3A_401 = arith.muli %while3A_342, %mul3A_400 : i32
      %add3A_402 = arith.constant 32 : i32
      %add3A_403 = arith.addi %mul3A_401, %add3A_402 : i32
      %get3A_404 = arith.index_cast %add3A_403 : i32 to index
      %get3A_405 = tpu.vector_load %arg16[%get3A_404] {strides = array<i32>} : memref<2176xi32, #tpu.memory_space<vmem>>, vector<16xi32>,
      %swap3A_406 = arith.constant 0 : i32
      %swap3A_407 = tpu.memref_slice %arg18[%rem3A_345, %swap3A_406] : memref<12x128xi32, #tpu.memory_space<vmem>> -> memref<1x128xi32, #tpu.memory_space<vmem>>
      %swap3A_408 = tpu.memref_squeeze %swap3A_407 : memref<1x128xi32, #tpu.memory_space<vmem>> -> memref<128xi32, #tpu.memory_space<vmem>>
      %swap3A_409 = arith.constant 32 : index
      %swap3A_410 = tpu.vector_load %swap3A_408[%swap3A_409] {strides = array<i32>} : memref<128xi32, #tpu.memory_space<vmem>>, vector<16xi32>,
      tpu.vector_store %swap3A_408[%swap3A_409], %get3A_405 {strides = array<i32>} : memref<128xi32, #tpu.memory_space<vmem>>, vector<16xi32>,
      %mul3A_411 = arith.constant 128 : i32
      %mul3A_412 = arith.muli %while3A_342, %mul3A_411 : i32
      %add3A_413 = arith.constant 32 : i32
      %add3A_414 = arith.addi %mul3A_412, %add3A_413 : i32
      %get3A_415 = arith.index_cast %add3A_414 : i32 to index
      %get3A_416 = tpu.vector_load %arg17[%get3A_415] {strides = array<i32>} : memref<2176xi32, #tpu.memory_space<vmem>>, vector<16xi32>,
      %swap3A_417 = arith.constant 0 : i32
      %swap3A_418 = tpu.memref_slice %arg19[%rem3A_345, %swap3A_417] : memref<12x128xi32, #tpu.memory_space<vmem>> -> memref<1x128xi32, #tpu.memory_space<vmem>>
      %swap3A_419 = tpu.memref_squeeze %swap3A_418 : memref<1x128xi32, #tpu.memory_space<vmem>> -> memref<128xi32, #tpu.memory_space<vmem>>
      %swap3A_420 = arith.constant 32 : index
      %swap3A_421 = tpu.vector_load %swap3A_419[%swap3A_420] {strides = array<i32>} : memref<128xi32, #tpu.memory_space<vmem>>, vector<16xi32>,
      tpu.vector_store %swap3A_419[%swap3A_420], %get3A_416 {strides = array<i32>} : memref<128xi32, #tpu.memory_space<vmem>>, vector<16xi32>,
      %mul3A_422 = arith.constant 128 : i32
      %mul3A_423 = arith.muli %while3A_342, %mul3A_422 : i32
      %add3A_424 = arith.constant 48 : i32
      %add3A_425 = arith.addi %mul3A_423, %add3A_424 : i32
      %get3A_426 = arith.index_cast %add3A_425 : i32 to index
      %get3A_427 = tpu.vector_load %arg16[%get3A_426] {strides = array<i32>} : memref<2176xi32, #tpu.memory_space<vmem>>, vector<16xi32>,
      %swap3A_428 = arith.constant 0 : i32
      %swap3A_429 = tpu.memref_slice %arg18[%rem3A_345, %swap3A_428] : memref<12x128xi32, #tpu.memory_space<vmem>> -> memref<1x128xi32, #tpu.memory_space<vmem>>
      %swap3A_430 = tpu.memref_squeeze %swap3A_429 : memref<1x128xi32, #tpu.memory_space<vmem>> -> memref<128xi32, #tpu.memory_space<vmem>>
      %swap3A_431 = arith.constant 48 : index
      %swap3A_432 = tpu.vector_load %swap3A_430[%swap3A_431] {strides = array<i32>} : memref<128xi32, #tpu.memory_space<vmem>>, vector<16xi32>,
      tpu.vector_store %swap3A_430[%swap3A_431], %get3A_427 {strides = array<i32>} : memref<128xi32, #tpu.memory_space<vmem>>, vector<16xi32>,
      %mul3A_433 = arith.constant 128 : i32
      %mul3A_434 = arith.muli %while3A_342, %mul3A_433 : i32
      %add3A_435 = arith.constant 48 : i32
      %add3A_436 = arith.addi %mul3A_434, %add3A_435 : i32
      %get3A_437 = arith.index_cast %add3A_436 : i32 to index
      %get3A_438 = tpu.vector_load %arg17[%get3A_437] {strides = array<i32>} : memref<2176xi32, #tpu.memory_space<vmem>>, vector<16xi32>,
      %swap3A_439 = arith.constant 0 : i32
      %swap3A_440 = tpu.memref_slice %arg19[%rem3A_345, %swap3A_439] : memref<12x128xi32, #tpu.memory_space<vmem>> -> memref<1x128xi32, #tpu.memory_space<vmem>>
      %swap3A_441 = tpu.memref_squeeze %swap3A_440 : memref<1x128xi32, #tpu.memory_space<vmem>> -> memref<128xi32, #tpu.memory_space<vmem>>
      %swap3A_442 = arith.constant 48 : index
      %swap3A_443 = tpu.vector_load %swap3A_441[%swap3A_442] {strides = array<i32>} : memref<128xi32, #tpu.memory_space<vmem>>, vector<16xi32>,
      tpu.vector_store %swap3A_441[%swap3A_442], %get3A_438 {strides = array<i32>} : memref<128xi32, #tpu.memory_space<vmem>>, vector<16xi32>,
      %mul3A_444 = arith.constant 128 : i32
      %mul3A_445 = arith.muli %while3A_342, %mul3A_444 : i32
      %add3A_446 = arith.constant 64 : i32
      %add3A_447 = arith.addi %mul3A_445, %add3A_446 : i32
      %get3A_448 = arith.index_cast %add3A_447 : i32 to index
      %get3A_449 = tpu.vector_load %arg16[%get3A_448] {strides = array<i32>} : memref<2176xi32, #tpu.memory_space<vmem>>, vector<16xi32>,
      %swap3A_450 = arith.constant 0 : i32
      %swap3A_451 = tpu.memref_slice %arg18[%rem3A_345, %swap3A_450] : memref<12x128xi32, #tpu.memory_space<vmem>> -> memref<1x128xi32, #tpu.memory_space<vmem>>
      %swap3A_452 = tpu.memref_squeeze %swap3A_451 : memref<1x128xi32, #tpu.memory_space<vmem>> -> memref<128xi32, #tpu.memory_space<vmem>>
      %swap3A_453 = arith.constant 64 : index
      %swap3A_454 = tpu.vector_load %swap3A_452[%swap3A_453] {strides = array<i32>} : memref<128xi32, #tpu.memory_space<vmem>>, vector<16xi32>,
      tpu.vector_store %swap3A_452[%swap3A_453], %get3A_449 {strides = array<i32>} : memref<128xi32, #tpu.memory_space<vmem>>, vector<16xi32>,
      %mul3A_455 = arith.constant 128 : i32
      %mul3A_456 = arith.muli %while3A_342, %mul3A_455 : i32
      %add3A_457 = arith.constant 64 : i32
      %add3A_458 = arith.addi %mul3A_456, %add3A_457 : i32
      %get3A_459 = arith.index_cast %add3A_458 : i32 to index
      %get3A_460 = tpu.vector_load %arg17[%get3A_459] {strides = array<i32>} : memref<2176xi32, #tpu.memory_space<vmem>>, vector<16xi32>,
      %swap3A_461 = arith.constant 0 : i32
      %swap3A_462 = tpu.memref_slice %arg19[%rem3A_345, %swap3A_461] : memref<12x128xi32, #tpu.memory_space<vmem>> -> memref<1x128xi32, #tpu.memory_space<vmem>>
      %swap3A_463 = tpu.memref_squeeze %swap3A_462 : memref<1x128xi32, #tpu.memory_space<vmem>> -> memref<128xi32, #tpu.memory_space<vmem>>
      %swap3A_464 = arith.constant 64 : index
      %swap3A_465 = tpu.vector_load %swap3A_463[%swap3A_464] {strides = array<i32>} : memref<128xi32, #tpu.memory_space<vmem>>, vector<16xi32>,
      tpu.vector_store %swap3A_463[%swap3A_464], %get3A_460 {strides = array<i32>} : memref<128xi32, #tpu.memory_space<vmem>>, vector<16xi32>,
      %mul3A_466 = arith.constant 128 : i32
      %mul3A_467 = arith.muli %while3A_342, %mul3A_466 : i32
      %add3A_468 = arith.constant 80 : i32
      %add3A_469 = arith.addi %mul3A_467, %add3A_468 : i32
      %get3A_470 = arith.index_cast %add3A_469 : i32 to index
      %get3A_471 = tpu.vector_load %arg16[%get3A_470] {strides = array<i32>} : memref<2176xi32, #tpu.memory_space<vmem>>, vector<16xi32>,
      %swap3A_472 = arith.constant 0 : i32
      %swap3A_473 = tpu.memref_slice %arg18[%rem3A_345, %swap3A_472] : memref<12x128xi32, #tpu.memory_space<vmem>> -> memref<1x128xi32, #tpu.memory_space<vmem>>
      %swap3A_474 = tpu.memref_squeeze %swap3A_473 : memref<1x128xi32, #tpu.memory_space<vmem>> -> memref<128xi32, #tpu.memory_space<vmem>>
      %swap3A_475 = arith.constant 80 : index
      %swap3A_476 = tpu.vector_load %swap3A_474[%swap3A_475] {strides = array<i32>} : memref<128xi32, #tpu.memory_space<vmem>>, vector<16xi32>,
      tpu.vector_store %swap3A_474[%swap3A_475], %get3A_471 {strides = array<i32>} : memref<128xi32, #tpu.memory_space<vmem>>, vector<16xi32>,
      %mul3A_477 = arith.constant 128 : i32
      %mul3A_478 = arith.muli %while3A_342, %mul3A_477 : i32
      %add3A_479 = arith.constant 80 : i32
      %add3A_480 = arith.addi %mul3A_478, %add3A_479 : i32
      %get3A_481 = arith.index_cast %add3A_480 : i32 to index
      %get3A_482 = tpu.vector_load %arg17[%get3A_481] {strides = array<i32>} : memref<2176xi32, #tpu.memory_space<vmem>>, vector<16xi32>,
      %swap3A_483 = arith.constant 0 : i32
      %swap3A_484 = tpu.memref_slice %arg19[%rem3A_345, %swap3A_483] : memref<12x128xi32, #tpu.memory_space<vmem>> -> memref<1x128xi32, #tpu.memory_space<vmem>>
      %swap3A_485 = tpu.memref_squeeze %swap3A_484 : memref<1x128xi32, #tpu.memory_space<vmem>> -> memref<128xi32, #tpu.memory_space<vmem>>
      %swap3A_486 = arith.constant 80 : index
      %swap3A_487 = tpu.vector_load %swap3A_485[%swap3A_486] {strides = array<i32>} : memref<128xi32, #tpu.memory_space<vmem>>, vector<16xi32>,
      tpu.vector_store %swap3A_485[%swap3A_486], %get3A_482 {strides = array<i32>} : memref<128xi32, #tpu.memory_space<vmem>>, vector<16xi32>,
      %mul3A_488 = arith.constant 128 : i32
      %mul3A_489 = arith.muli %while3A_342, %mul3A_488 : i32
      %add3A_490 = arith.constant 96 : i32
      %add3A_491 = arith.addi %mul3A_489, %add3A_490 : i32
      %get3A_492 = arith.index_cast %add3A_491 : i32 to index
      %get3A_493 = tpu.vector_load %arg16[%get3A_492] {strides = array<i32>} : memref<2176xi32, #tpu.memory_space<vmem>>, vector<16xi32>,
      %swap3A_494 = arith.constant 0 : i32
      %swap3A_495 = tpu.memref_slice %arg18[%rem3A_345, %swap3A_494] : memref<12x128xi32, #tpu.memory_space<vmem>> -> memref<1x128xi32, #tpu.memory_space<vmem>>
      %swap3A_496 = tpu.memref_squeeze %swap3A_495 : memref<1x128xi32, #tpu.memory_space<vmem>> -> memref<128xi32, #tpu.memory_space<vmem>>
      %swap3A_497 = arith.constant 96 : index
      %swap3A_498 = tpu.vector_load %swap3A_496[%swap3A_497] {strides = array<i32>} : memref<128xi32, #tpu.memory_space<vmem>>, vector<16xi32>,
      tpu.vector_store %swap3A_496[%swap3A_497], %get3A_493 {strides = array<i32>} : memref<128xi32, #tpu.memory_space<vmem>>, vector<16xi32>,
      %mul3A_499 = arith.constant 128 : i32
      %mul3A_500 = arith.muli %while3A_342, %mul3A_499 : i32
      %add3A_501 = arith.constant 96 : i32
      %add3A_502 = arith.addi %mul3A_500, %add3A_501 : i32
      %get3A_503 = arith.index_cast %add3A_502 : i32 to index
      %get3A_504 = tpu.vector_load %arg17[%get3A_503] {strides = array<i32>} : memref<2176xi32, #tpu.memory_space<vmem>>, vector<16xi32>,
      %swap3A_505 = arith.constant 0 : i32
      %swap3A_506 = tpu.memref_slice %arg19[%rem3A_345, %swap3A_505] : memref<12x128xi32, #tpu.memory_space<vmem>> -> memref<1x128xi32, #tpu.memory_space<vmem>>
      %swap3A_507 = tpu.memref_squeeze %swap3A_506 : memref<1x128xi32, #tpu.memory_space<vmem>> -> memref<128xi32, #tpu.memory_space<vmem>>
      %swap3A_508 = arith.constant 96 : index
      %swap3A_509 = tpu.vector_load %swap3A_507[%swap3A_508] {strides = array<i32>} : memref<128xi32, #tpu.memory_space<vmem>>, vector<16xi32>,
      tpu.vector_store %swap3A_507[%swap3A_508], %get3A_504 {strides = array<i32>} : memref<128xi32, #tpu.memory_space<vmem>>, vector<16xi32>,
      %mul3A_510 = arith.constant 128 : i32
      %mul3A_511 = arith.muli %while3A_342, %mul3A_510 : i32
      %add3A_512 = arith.constant 112 : i32
      %add3A_513 = arith.addi %mul3A_511, %add3A_512 : i32
      %get3A_514 = arith.index_cast %add3A_513 : i32 to index
      %get3A_515 = tpu.vector_load %arg16[%get3A_514] {strides = array<i32>} : memref<2176xi32, #tpu.memory_space<vmem>>, vector<16xi32>,
      %swap3A_516 = arith.constant 0 : i32
      %swap3A_517 = tpu.memref_slice %arg18[%rem3A_345, %swap3A_516] : memref<12x128xi32, #tpu.memory_space<vmem>> -> memref<1x128xi32, #tpu.memory_space<vmem>>
      %swap3A_518 = tpu.memref_squeeze %swap3A_517 : memref<1x128xi32, #tpu.memory_space<vmem>> -> memref<128xi32, #tpu.memory_space<vmem>>
      %swap3A_519 = arith.constant 112 : index
      %swap3A_520 = tpu.vector_load %swap3A_518[%swap3A_519] {strides = array<i32>} : memref<128xi32, #tpu.memory_space<vmem>>, vector<16xi32>,
      tpu.vector_store %swap3A_518[%swap3A_519], %get3A_515 {strides = array<i32>} : memref<128xi32, #tpu.memory_space<vmem>>, vector<16xi32>,
      %mul3A_521 = arith.constant 128 : i32
      %mul3A_522 = arith.muli %while3A_342, %mul3A_521 : i32
      %add3A_523 = arith.constant 112 : i32
      %add3A_524 = arith.addi %mul3A_522, %add3A_523 : i32
      %get3A_525 = arith.index_cast %add3A_524 : i32 to index
      %get3A_526 = tpu.vector_load %arg17[%get3A_525] {strides = array<i32>} : memref<2176xi32, #tpu.memory_space<vmem>>, vector<16xi32>,
      %swap3A_527 = arith.constant 0 : i32
      %swap3A_528 = tpu.memref_slice %arg19[%rem3A_345, %swap3A_527] : memref<12x128xi32, #tpu.memory_space<vmem>> -> memref<1x128xi32, #tpu.memory_space<vmem>>
      %swap3A_529 = tpu.memref_squeeze %swap3A_528 : memref<1x128xi32, #tpu.memory_space<vmem>> -> memref<128xi32, #tpu.memory_space<vmem>>
      %swap3A_530 = arith.constant 112 : index
      %swap3A_531 = tpu.vector_load %swap3A_529[%swap3A_530] {strides = array<i32>} : memref<128xi32, #tpu.memory_space<vmem>>, vector<16xi32>,
      tpu.vector_store %swap3A_529[%swap3A_530], %get3A_526 {strides = array<i32>} : memref<128xi32, #tpu.memory_space<vmem>>, vector<16xi32>,
      %dma_start3A_532 = arith.constant 0 : i32
      %dma_start3A_533 = tpu.memref_slice %arg20[%rem3A_345, %dma_start3A_532] : memref<12x128xf32, #tpu.memory_space<vmem>> -> memref<1x128xf32, #tpu.memory_space<vmem>>
      %dma_start3A_534 = tpu.memref_squeeze %dma_start3A_533 : memref<1x128xf32, #tpu.memory_space<vmem>> -> memref<128xf32, #tpu.memory_space<vmem>>
      %dma_start3A_535 = arith.constant 0 : i32
      %dma_start3A_536 = tpu.memref_slice %arg18[%rem3A_345, %dma_start3A_535] : memref<12x128xi32, #tpu.memory_space<vmem>> -> memref<1x128xi32, #tpu.memory_space<vmem>>
      %dma_start3A_537 = tpu.memref_squeeze %dma_start3A_536 : memref<1x128xi32, #tpu.memory_space<vmem>> -> memref<128xi32, #tpu.memory_space<vmem>>
      %dma_start3A_538 = arith.constant 0 : i32
      %dma_start3A_539 = tpu.memref_slice %arg3[%dma_start3A_538] : memref<100000xf32, #tpu.memory_space<hbm>> -> memref<100000xf32, #tpu.memory_space<hbm>>
      %dma_start3A_540 = tpu.memref_slice %arg28[%rem3A_345] : memref<12x!tpu.dma_semaphore, #tpu.memory_space<semaphore_mem>> -> memref<1x!tpu.dma_semaphore, #tpu.memory_space<semaphore_mem>>
      %dma_start3A_541 = tpu.memref_squeeze %dma_start3A_540 : memref<1x!tpu.dma_semaphore, #tpu.memory_space<semaphore_mem>> -> memref<!tpu.dma_semaphore, #tpu.memory_space<semaphore_mem>>
      tpu.enqueue_indirect_dma source(%dma_start3A_539 : memref<100000xf32, #tpu.memory_space<hbm>>) target(%dma_start3A_534 : memref<128xf32, #tpu.memory_space<vmem>>) offsets(%dma_start3A_537 : memref<128xi32, #tpu.memory_space<vmem>>) semaphore(%dma_start3A_541 : memref<!tpu.dma_semaphore, #tpu.memory_space<semaphore_mem>>)
      %add3A_542 = arith.constant 1 : i32
      %add3A_543 = arith.addi %while3A_343, %add3A_542 : i32
      scf.yield %add3A_543 : i32
    }
    %while3A_197 = arith.constant 1 : i32
    %while3A_198 = scf.for %while3A_342 = %while3A_194 to %while3A_190 step %while3A_197 iter_args(%while3A_343 = %while3A_196) -> (i32)  : i32 {
      %rem3A_344 = arith.constant 12 : i32
      %rem3A_345 = arith.remsi %while3A_343, %rem3A_344 : i32
      %ge3A_346 = arith.constant 12 : i32
      %ge3A_347 = arith.cmpi sge, %while3A_343, %ge3A_346 : i32
      %convert_element_type3A_348 = arith.extui %ge3A_347 : i1 to i32
      %cond3A_349 = arith.constant 0 : i32
      %cond3A_350 = arith.cmpi ne, %convert_element_type3A_348, %cond3A_349 : i32
      scf.if %cond3A_350 {
        %dma_wait3A = arith.constant 0 : i32
        %dma_wait3A_544 = tpu.memref_slice %arg20[%rem3A_345, %dma_wait3A] : memref<12x128xf32, #tpu.memory_space<vmem>> -> memref<1x128xf32, #tpu.memory_space<vmem>>
        %dma_wait3A_545 = tpu.memref_squeeze %dma_wait3A_544 : memref<1x128xf32, #tpu.memory_space<vmem>> -> memref<128xf32, #tpu.memory_space<vmem>>
        %dma_wait3A_546 = arith.constant 0 : i32
        %dma_wait3A_547 = tpu.memref_slice %arg19[%rem3A_345, %dma_wait3A_546] : memref<12x128xi32, #tpu.memory_space<vmem>> -> memref<1x128xi32, #tpu.memory_space<vmem>>
        %dma_wait3A_548 = tpu.memref_squeeze %dma_wait3A_547 : memref<1x128xi32, #tpu.memory_space<vmem>> -> memref<128xi32, #tpu.memory_space<vmem>>
        %dma_wait3A_549 = arith.constant 0 : i32
        %dma_wait3A_550 = tpu.memref_slice %arg26[%dma_wait3A_549] : memref<100352xf32, #tpu.memory_space<vmem_shared>> -> memref<100352xf32, #tpu.memory_space<vmem_shared>>
        %dma_wait3A_551 = tpu.memref_slice %arg29[%rem3A_345] : memref<12x!tpu.dma_semaphore, #tpu.memory_space<semaphore_mem>> -> memref<1x!tpu.dma_semaphore, #tpu.memory_space<semaphore_mem>>
        %dma_wait3A_552 = tpu.memref_squeeze %dma_wait3A_551 : memref<1x!tpu.dma_semaphore, #tpu.memory_space<semaphore_mem>> -> memref<!tpu.dma_semaphore, #tpu.memory_space<semaphore_mem>>
        tpu.wait_indirect_dma semaphore(%dma_wait3A_552 : memref<!tpu.dma_semaphore, #tpu.memory_space<semaphore_mem>>) src(%dma_wait3A_545 : memref<128xf32, #tpu.memory_space<vmem>>) dst(%dma_wait3A_550 : memref<100352xf32, #tpu.memory_space<vmem_shared>>)
      } else {
      }
      %ge3A_351 = arith.constant 6 : i32
      %ge3A_352 = arith.cmpi sge, %while3A_343, %ge3A_351 : i32
      %convert_element_type3A_353 = arith.extui %ge3A_352 : i1 to i32
      %cond3A_354 = arith.constant 0 : i32
      %cond3A_355 = arith.cmpi ne, %convert_element_type3A_353, %cond3A_354 : i32
      scf.if %cond3A_355 {
        %sub3A_544 = arith.constant 6 : i32
        %sub3A_545 = arith.subi %while3A_343, %sub3A_544 : i32
        %rem3A_546 = arith.constant 12 : i32
        %rem3A_547 = arith.remsi %sub3A_545, %rem3A_546 : i32
        %dma_wait3A = arith.constant 0 : i32
        %dma_wait3A_548 = tpu.memref_slice %arg20[%rem3A_547, %dma_wait3A] : memref<12x128xf32, #tpu.memory_space<vmem>> -> memref<1x128xf32, #tpu.memory_space<vmem>>
        %dma_wait3A_549 = tpu.memref_squeeze %dma_wait3A_548 : memref<1x128xf32, #tpu.memory_space<vmem>> -> memref<128xf32, #tpu.memory_space<vmem>>
        %dma_wait3A_550 = arith.constant 0 : i32
        %dma_wait3A_551 = tpu.memref_slice %arg18[%rem3A_547, %dma_wait3A_550] : memref<12x128xi32, #tpu.memory_space<vmem>> -> memref<1x128xi32, #tpu.memory_space<vmem>>
        %dma_wait3A_552 = tpu.memref_squeeze %dma_wait3A_551 : memref<1x128xi32, #tpu.memory_space<vmem>> -> memref<128xi32, #tpu.memory_space<vmem>>
        %dma_wait3A_553 = arith.constant 0 : i32
        %dma_wait3A_554 = tpu.memref_slice %arg3[%dma_wait3A_553] : memref<100000xf32, #tpu.memory_space<hbm>> -> memref<100000xf32, #tpu.memory_space<hbm>>
        %dma_wait3A_555 = tpu.memref_slice %arg28[%rem3A_547] : memref<12x!tpu.dma_semaphore, #tpu.memory_space<semaphore_mem>> -> memref<1x!tpu.dma_semaphore, #tpu.memory_space<semaphore_mem>>
        %dma_wait3A_556 = tpu.memref_squeeze %dma_wait3A_555 : memref<1x!tpu.dma_semaphore, #tpu.memory_space<semaphore_mem>> -> memref<!tpu.dma_semaphore, #tpu.memory_space<semaphore_mem>>
        tpu.wait_indirect_dma semaphore(%dma_wait3A_556 : memref<!tpu.dma_semaphore, #tpu.memory_space<semaphore_mem>>) src(%dma_wait3A_554 : memref<100000xf32, #tpu.memory_space<hbm>>) dst(%dma_wait3A_549 : memref<128xf32, #tpu.memory_space<vmem>>)
        %dma_start3A_557 = arith.constant 0 : i32
        %dma_start3A_558 = tpu.memref_slice %arg20[%rem3A_547, %dma_start3A_557] : memref<12x128xf32, #tpu.memory_space<vmem>> -> memref<1x128xf32, #tpu.memory_space<vmem>>
        %dma_start3A_559 = tpu.memref_squeeze %dma_start3A_558 : memref<1x128xf32, #tpu.memory_space<vmem>> -> memref<128xf32, #tpu.memory_space<vmem>>
        %dma_start3A_560 = arith.constant 0 : i32
        %dma_start3A_561 = tpu.memref_slice %arg19[%rem3A_547, %dma_start3A_560] : memref<12x128xi32, #tpu.memory_space<vmem>> -> memref<1x128xi32, #tpu.memory_space<vmem>>
        %dma_start3A_562 = tpu.memref_squeeze %dma_start3A_561 : memref<1x128xi32, #tpu.memory_space<vmem>> -> memref<128xi32, #tpu.memory_space<vmem>>
        %dma_start3A_563 = arith.constant 0 : i32
        %dma_start3A_564 = tpu.memref_slice %arg26[%dma_start3A_563] : memref<100352xf32, #tpu.memory_space<vmem_shared>> -> memref<100352xf32, #tpu.memory_space<vmem_shared>>
        %dma_start3A_565 = tpu.memref_slice %arg29[%rem3A_547] : memref<12x!tpu.dma_semaphore, #tpu.memory_space<semaphore_mem>> -> memref<1x!tpu.dma_semaphore, #tpu.memory_space<semaphore_mem>>
        %dma_start3A_566 = tpu.memref_squeeze %dma_start3A_565 : memref<1x!tpu.dma_semaphore, #tpu.memory_space<semaphore_mem>> -> memref<!tpu.dma_semaphore, #tpu.memory_space<semaphore_mem>>
        tpu.enqueue_indirect_dma source(%dma_start3A_559 : memref<128xf32, #tpu.memory_space<vmem>>) target(%dma_start3A_564 : memref<100352xf32, #tpu.memory_space<vmem_shared>>) offsets(%dma_start3A_562 : memref<128xi32, #tpu.memory_space<vmem>>) semaphore(%dma_start3A_566 : memref<!tpu.dma_semaphore, #tpu.memory_space<semaphore_mem>>) {add = true}
      } else {
      }
      %mul3A_356 = arith.constant 128 : i32
      %mul3A_357 = arith.muli %while3A_342, %mul3A_356 : i32
      %add3A_358 = arith.constant 0 : i32
      %add3A_359 = arith.addi %mul3A_357, %add3A_358 : i32
      %get3A_360 = arith.index_cast %add3A_359 : i32 to index
      %get3A_361 = tpu.vector_load %arg16[%get3A_360] {strides = array<i32>} : memref<2176xi32, #tpu.memory_space<vmem>>, vector<16xi32>,
      %swap3A_362 = arith.constant 0 : i32
      %swap3A_363 = tpu.memref_slice %arg18[%rem3A_345, %swap3A_362] : memref<12x128xi32, #tpu.memory_space<vmem>> -> memref<1x128xi32, #tpu.memory_space<vmem>>
      %swap3A_364 = tpu.memref_squeeze %swap3A_363 : memref<1x128xi32, #tpu.memory_space<vmem>> -> memref<128xi32, #tpu.memory_space<vmem>>
      %swap3A_365 = arith.constant 0 : index
      %swap3A_366 = tpu.vector_load %swap3A_364[%swap3A_365] {strides = array<i32>} : memref<128xi32, #tpu.memory_space<vmem>>, vector<16xi32>,
      tpu.vector_store %swap3A_364[%swap3A_365], %get3A_361 {strides = array<i32>} : memref<128xi32, #tpu.memory_space<vmem>>, vector<16xi32>,
      %mul3A_367 = arith.constant 128 : i32
      %mul3A_368 = arith.muli %while3A_342, %mul3A_367 : i32
      %add3A_369 = arith.constant 0 : i32
      %add3A_370 = arith.addi %mul3A_368, %add3A_369 : i32
      %get3A_371 = arith.index_cast %add3A_370 : i32 to index
      %get3A_372 = tpu.vector_load %arg17[%get3A_371] {strides = array<i32>} : memref<2176xi32, #tpu.memory_space<vmem>>, vector<16xi32>,
      %swap3A_373 = arith.constant 0 : i32
      %swap3A_374 = tpu.memref_slice %arg19[%rem3A_345, %swap3A_373] : memref<12x128xi32, #tpu.memory_space<vmem>> -> memref<1x128xi32, #tpu.memory_space<vmem>>
      %swap3A_375 = tpu.memref_squeeze %swap3A_374 : memref<1x128xi32, #tpu.memory_space<vmem>> -> memref<128xi32, #tpu.memory_space<vmem>>
      %swap3A_376 = arith.constant 0 : index
      %swap3A_377 = tpu.vector_load %swap3A_375[%swap3A_376] {strides = array<i32>} : memref<128xi32, #tpu.memory_space<vmem>>, vector<16xi32>,
      tpu.vector_store %swap3A_375[%swap3A_376], %get3A_372 {strides = array<i32>} : memref<128xi32, #tpu.memory_space<vmem>>, vector<16xi32>,
      %mul3A_378 = arith.constant 128 : i32
      %mul3A_379 = arith.muli %while3A_342, %mul3A_378 : i32
      %add3A_380 = arith.constant 16 : i32
      %add3A_381 = arith.addi %mul3A_379, %add3A_380 : i32
      %get3A_382 = arith.index_cast %add3A_381 : i32 to index
      %get3A_383 = tpu.vector_load %arg16[%get3A_382] {strides = array<i32>} : memref<2176xi32, #tpu.memory_space<vmem>>, vector<16xi32>,
      %swap3A_384 = arith.constant 0 : i32
      %swap3A_385 = tpu.memref_slice %arg18[%rem3A_345, %swap3A_384] : memref<12x128xi32, #tpu.memory_space<vmem>> -> memref<1x128xi32, #tpu.memory_space<vmem>>
      %swap3A_386 = tpu.memref_squeeze %swap3A_385 : memref<1x128xi32, #tpu.memory_space<vmem>> -> memref<128xi32, #tpu.memory_space<vmem>>
      %swap3A_387 = arith.constant 16 : index
      %swap3A_388 = tpu.vector_load %swap3A_386[%swap3A_387] {strides = array<i32>} : memref<128xi32, #tpu.memory_space<vmem>>, vector<16xi32>,
      tpu.vector_store %swap3A_386[%swap3A_387], %get3A_383 {strides = array<i32>} : memref<128xi32, #tpu.memory_space<vmem>>, vector<16xi32>,
      %mul3A_389 = arith.constant 128 : i32
      %mul3A_390 = arith.muli %while3A_342, %mul3A_389 : i32
      %add3A_391 = arith.constant 16 : i32
      %add3A_392 = arith.addi %mul3A_390, %add3A_391 : i32
      %get3A_393 = arith.index_cast %add3A_392 : i32 to index
      %get3A_394 = tpu.vector_load %arg17[%get3A_393] {strides = array<i32>} : memref<2176xi32, #tpu.memory_space<vmem>>, vector<16xi32>,
      %swap3A_395 = arith.constant 0 : i32
      %swap3A_396 = tpu.memref_slice %arg19[%rem3A_345, %swap3A_395] : memref<12x128xi32, #tpu.memory_space<vmem>> -> memref<1x128xi32, #tpu.memory_space<vmem>>
      %swap3A_397 = tpu.memref_squeeze %swap3A_396 : memref<1x128xi32, #tpu.memory_space<vmem>> -> memref<128xi32, #tpu.memory_space<vmem>>
      %swap3A_398 = arith.constant 16 : index
      %swap3A_399 = tpu.vector_load %swap3A_397[%swap3A_398] {strides = array<i32>} : memref<128xi32, #tpu.memory_space<vmem>>, vector<16xi32>,
      tpu.vector_store %swap3A_397[%swap3A_398], %get3A_394 {strides = array<i32>} : memref<128xi32, #tpu.memory_space<vmem>>, vector<16xi32>,
      %mul3A_400 = arith.constant 128 : i32
      %mul3A_401 = arith.muli %while3A_342, %mul3A_400 : i32
      %add3A_402 = arith.constant 32 : i32
      %add3A_403 = arith.addi %mul3A_401, %add3A_402 : i32
      %get3A_404 = arith.index_cast %add3A_403 : i32 to index
      %get3A_405 = tpu.vector_load %arg16[%get3A_404] {strides = array<i32>} : memref<2176xi32, #tpu.memory_space<vmem>>, vector<16xi32>,
      %swap3A_406 = arith.constant 0 : i32
      %swap3A_407 = tpu.memref_slice %arg18[%rem3A_345, %swap3A_406] : memref<12x128xi32, #tpu.memory_space<vmem>> -> memref<1x128xi32, #tpu.memory_space<vmem>>
      %swap3A_408 = tpu.memref_squeeze %swap3A_407 : memref<1x128xi32, #tpu.memory_space<vmem>> -> memref<128xi32, #tpu.memory_space<vmem>>
      %swap3A_409 = arith.constant 32 : index
      %swap3A_410 = tpu.vector_load %swap3A_408[%swap3A_409] {strides = array<i32>} : memref<128xi32, #tpu.memory_space<vmem>>, vector<16xi32>,
      tpu.vector_store %swap3A_408[%swap3A_409], %get3A_405 {strides = array<i32>} : memref<128xi32, #tpu.memory_space<vmem>>, vector<16xi32>,
      %mul3A_411 = arith.constant 128 : i32
      %mul3A_412 = arith.muli %while3A_342, %mul3A_411 : i32
      %add3A_413 = arith.constant 32 : i32
      %add3A_414 = arith.addi %mul3A_412, %add3A_413 : i32
      %get3A_415 = arith.index_cast %add3A_414 : i32 to index
      %get3A_416 = tpu.vector_load %arg17[%get3A_415] {strides = array<i32>} : memref<2176xi32, #tpu.memory_space<vmem>>, vector<16xi32>,
      %swap3A_417 = arith.constant 0 : i32
      %swap3A_418 = tpu.memref_slice %arg19[%rem3A_345, %swap3A_417] : memref<12x128xi32, #tpu.memory_space<vmem>> -> memref<1x128xi32, #tpu.memory_space<vmem>>
      %swap3A_419 = tpu.memref_squeeze %swap3A_418 : memref<1x128xi32, #tpu.memory_space<vmem>> -> memref<128xi32, #tpu.memory_space<vmem>>
      %swap3A_420 = arith.constant 32 : index
      %swap3A_421 = tpu.vector_load %swap3A_419[%swap3A_420] {strides = array<i32>} : memref<128xi32, #tpu.memory_space<vmem>>, vector<16xi32>,
      tpu.vector_store %swap3A_419[%swap3A_420], %get3A_416 {strides = array<i32>} : memref<128xi32, #tpu.memory_space<vmem>>, vector<16xi32>,
      %mul3A_422 = arith.constant 128 : i32
      %mul3A_423 = arith.muli %while3A_342, %mul3A_422 : i32
      %add3A_424 = arith.constant 48 : i32
      %add3A_425 = arith.addi %mul3A_423, %add3A_424 : i32
      %get3A_426 = arith.index_cast %add3A_425 : i32 to index
      %get3A_427 = tpu.vector_load %arg16[%get3A_426] {strides = array<i32>} : memref<2176xi32, #tpu.memory_space<vmem>>, vector<16xi32>,
      %swap3A_428 = arith.constant 0 : i32
      %swap3A_429 = tpu.memref_slice %arg18[%rem3A_345, %swap3A_428] : memref<12x128xi32, #tpu.memory_space<vmem>> -> memref<1x128xi32, #tpu.memory_space<vmem>>
      %swap3A_430 = tpu.memref_squeeze %swap3A_429 : memref<1x128xi32, #tpu.memory_space<vmem>> -> memref<128xi32, #tpu.memory_space<vmem>>
      %swap3A_431 = arith.constant 48 : index
      %swap3A_432 = tpu.vector_load %swap3A_430[%swap3A_431] {strides = array<i32>} : memref<128xi32, #tpu.memory_space<vmem>>, vector<16xi32>,
      tpu.vector_store %swap3A_430[%swap3A_431], %get3A_427 {strides = array<i32>} : memref<128xi32, #tpu.memory_space<vmem>>, vector<16xi32>,
      %mul3A_433 = arith.constant 128 : i32
      %mul3A_434 = arith.muli %while3A_342, %mul3A_433 : i32
      %add3A_435 = arith.constant 48 : i32
      %add3A_436 = arith.addi %mul3A_434, %add3A_435 : i32
      %get3A_437 = arith.index_cast %add3A_436 : i32 to index
      %get3A_438 = tpu.vector_load %arg17[%get3A_437] {strides = array<i32>} : memref<2176xi32, #tpu.memory_space<vmem>>, vector<16xi32>,
      %swap3A_439 = arith.constant 0 : i32
      %swap3A_440 = tpu.memref_slice %arg19[%rem3A_345, %swap3A_439] : memref<12x128xi32, #tpu.memory_space<vmem>> -> memref<1x128xi32, #tpu.memory_space<vmem>>
      %swap3A_441 = tpu.memref_squeeze %swap3A_440 : memref<1x128xi32, #tpu.memory_space<vmem>> -> memref<128xi32, #tpu.memory_space<vmem>>
      %swap3A_442 = arith.constant 48 : index
      %swap3A_443 = tpu.vector_load %swap3A_441[%swap3A_442] {strides = array<i32>} : memref<128xi32, #tpu.memory_space<vmem>>, vector<16xi32>,
      tpu.vector_store %swap3A_441[%swap3A_442], %get3A_438 {strides = array<i32>} : memref<128xi32, #tpu.memory_space<vmem>>, vector<16xi32>,
      %mul3A_444 = arith.constant 128 : i32
      %mul3A_445 = arith.muli %while3A_342, %mul3A_444 : i32
      %add3A_446 = arith.constant 64 : i32
      %add3A_447 = arith.addi %mul3A_445, %add3A_446 : i32
      %get3A_448 = arith.index_cast %add3A_447 : i32 to index
      %get3A_449 = tpu.vector_load %arg16[%get3A_448] {strides = array<i32>} : memref<2176xi32, #tpu.memory_space<vmem>>, vector<16xi32>,
      %swap3A_450 = arith.constant 0 : i32
      %swap3A_451 = tpu.memref_slice %arg18[%rem3A_345, %swap3A_450] : memref<12x128xi32, #tpu.memory_space<vmem>> -> memref<1x128xi32, #tpu.memory_space<vmem>>
      %swap3A_452 = tpu.memref_squeeze %swap3A_451 : memref<1x128xi32, #tpu.memory_space<vmem>> -> memref<128xi32, #tpu.memory_space<vmem>>
      %swap3A_453 = arith.constant 64 : index
      %swap3A_454 = tpu.vector_load %swap3A_452[%swap3A_453] {strides = array<i32>} : memref<128xi32, #tpu.memory_space<vmem>>, vector<16xi32>,
      tpu.vector_store %swap3A_452[%swap3A_453], %get3A_449 {strides = array<i32>} : memref<128xi32, #tpu.memory_space<vmem>>, vector<16xi32>,
      %mul3A_455 = arith.constant 128 : i32
      %mul3A_456 = arith.muli %while3A_342, %mul3A_455 : i32
      %add3A_457 = arith.constant 64 : i32
      %add3A_458 = arith.addi %mul3A_456, %add3A_457 : i32
      %get3A_459 = arith.index_cast %add3A_458 : i32 to index
      %get3A_460 = tpu.vector_load %arg17[%get3A_459] {strides = array<i32>} : memref<2176xi32, #tpu.memory_space<vmem>>, vector<16xi32>,
      %swap3A_461 = arith.constant 0 : i32
      %swap3A_462 = tpu.memref_slice %arg19[%rem3A_345, %swap3A_461] : memref<12x128xi32, #tpu.memory_space<vmem>> -> memref<1x128xi32, #tpu.memory_space<vmem>>
      %swap3A_463 = tpu.memref_squeeze %swap3A_462 : memref<1x128xi32, #tpu.memory_space<vmem>> -> memref<128xi32, #tpu.memory_space<vmem>>
      %swap3A_464 = arith.constant 64 : index
      %swap3A_465 = tpu.vector_load %swap3A_463[%swap3A_464] {strides = array<i32>} : memref<128xi32, #tpu.memory_space<vmem>>, vector<16xi32>,
      tpu.vector_store %swap3A_463[%swap3A_464], %get3A_460 {strides = array<i32>} : memref<128xi32, #tpu.memory_space<vmem>>, vector<16xi32>,
      %mul3A_466 = arith.constant 128 : i32
      %mul3A_467 = arith.muli %while3A_342, %mul3A_466 : i32
      %add3A_468 = arith.constant 80 : i32
      %add3A_469 = arith.addi %mul3A_467, %add3A_468 : i32
      %get3A_470 = arith.index_cast %add3A_469 : i32 to index
      %get3A_471 = tpu.vector_load %arg16[%get3A_470] {strides = array<i32>} : memref<2176xi32, #tpu.memory_space<vmem>>, vector<16xi32>,
      %swap3A_472 = arith.constant 0 : i32
      %swap3A_473 = tpu.memref_slice %arg18[%rem3A_345, %swap3A_472] : memref<12x128xi32, #tpu.memory_space<vmem>> -> memref<1x128xi32, #tpu.memory_space<vmem>>
      %swap3A_474 = tpu.memref_squeeze %swap3A_473 : memref<1x128xi32, #tpu.memory_space<vmem>> -> memref<128xi32, #tpu.memory_space<vmem>>
      %swap3A_475 = arith.constant 80 : index
      %swap3A_476 = tpu.vector_load %swap3A_474[%swap3A_475] {strides = array<i32>} : memref<128xi32, #tpu.memory_space<vmem>>, vector<16xi32>,
      tpu.vector_store %swap3A_474[%swap3A_475], %get3A_471 {strides = array<i32>} : memref<128xi32, #tpu.memory_space<vmem>>, vector<16xi32>,
      %mul3A_477 = arith.constant 128 : i32
      %mul3A_478 = arith.muli %while3A_342, %mul3A_477 : i32
      %add3A_479 = arith.constant 80 : i32
      %add3A_480 = arith.addi %mul3A_478, %add3A_479 : i32
      %get3A_481 = arith.index_cast %add3A_480 : i32 to index
      %get3A_482 = tpu.vector_load %arg17[%get3A_481] {strides = array<i32>} : memref<2176xi32, #tpu.memory_space<vmem>>, vector<16xi32>,
      %swap3A_483 = arith.constant 0 : i32
      %swap3A_484 = tpu.memref_slice %arg19[%rem3A_345, %swap3A_483] : memref<12x128xi32, #tpu.memory_space<vmem>> -> memref<1x128xi32, #tpu.memory_space<vmem>>
      %swap3A_485 = tpu.memref_squeeze %swap3A_484 : memref<1x128xi32, #tpu.memory_space<vmem>> -> memref<128xi32, #tpu.memory_space<vmem>>
      %swap3A_486 = arith.constant 80 : index
      %swap3A_487 = tpu.vector_load %swap3A_485[%swap3A_486] {strides = array<i32>} : memref<128xi32, #tpu.memory_space<vmem>>, vector<16xi32>,
      tpu.vector_store %swap3A_485[%swap3A_486], %get3A_482 {strides = array<i32>} : memref<128xi32, #tpu.memory_space<vmem>>, vector<16xi32>,
      %mul3A_488 = arith.constant 128 : i32
      %mul3A_489 = arith.muli %while3A_342, %mul3A_488 : i32
      %add3A_490 = arith.constant 96 : i32
      %add3A_491 = arith.addi %mul3A_489, %add3A_490 : i32
      %get3A_492 = arith.index_cast %add3A_491 : i32 to index
      %get3A_493 = tpu.vector_load %arg16[%get3A_492] {strides = array<i32>} : memref<2176xi32, #tpu.memory_space<vmem>>, vector<16xi32>,
      %swap3A_494 = arith.constant 0 : i32
      %swap3A_495 = tpu.memref_slice %arg18[%rem3A_345, %swap3A_494] : memref<12x128xi32, #tpu.memory_space<vmem>> -> memref<1x128xi32, #tpu.memory_space<vmem>>
      %swap3A_496 = tpu.memref_squeeze %swap3A_495 : memref<1x128xi32, #tpu.memory_space<vmem>> -> memref<128xi32, #tpu.memory_space<vmem>>
      %swap3A_497 = arith.constant 96 : index
      %swap3A_498 = tpu.vector_load %swap3A_496[%swap3A_497] {strides = array<i32>} : memref<128xi32, #tpu.memory_space<vmem>>, vector<16xi32>,
      tpu.vector_store %swap3A_496[%swap3A_497], %get3A_493 {strides = array<i32>} : memref<128xi32, #tpu.memory_space<vmem>>, vector<16xi32>,
      %mul3A_499 = arith.constant 128 : i32
      %mul3A_500 = arith.muli %while3A_342, %mul3A_499 : i32
      %add3A_501 = arith.constant 96 : i32
      %add3A_502 = arith.addi %mul3A_500, %add3A_501 : i32
      %get3A_503 = arith.index_cast %add3A_502 : i32 to index
      %get3A_504 = tpu.vector_load %arg17[%get3A_503] {strides = array<i32>} : memref<2176xi32, #tpu.memory_space<vmem>>, vector<16xi32>,
      %swap3A_505 = arith.constant 0 : i32
      %swap3A_506 = tpu.memref_slice %arg19[%rem3A_345, %swap3A_505] : memref<12x128xi32, #tpu.memory_space<vmem>> -> memref<1x128xi32, #tpu.memory_space<vmem>>
      %swap3A_507 = tpu.memref_squeeze %swap3A_506 : memref<1x128xi32, #tpu.memory_space<vmem>> -> memref<128xi32, #tpu.memory_space<vmem>>
      %swap3A_508 = arith.constant 96 : index
      %swap3A_509 = tpu.vector_load %swap3A_507[%swap3A_508] {strides = array<i32>} : memref<128xi32, #tpu.memory_space<vmem>>, vector<16xi32>,
      tpu.vector_store %swap3A_507[%swap3A_508], %get3A_504 {strides = array<i32>} : memref<128xi32, #tpu.memory_space<vmem>>, vector<16xi32>,
      %mul3A_510 = arith.constant 128 : i32
      %mul3A_511 = arith.muli %while3A_342, %mul3A_510 : i32
      %add3A_512 = arith.constant 112 : i32
      %add3A_513 = arith.addi %mul3A_511, %add3A_512 : i32
      %get3A_514 = arith.index_cast %add3A_513 : i32 to index
      %get3A_515 = tpu.vector_load %arg16[%get3A_514] {strides = array<i32>} : memref<2176xi32, #tpu.memory_space<vmem>>, vector<16xi32>,
      %swap3A_516 = arith.constant 0 : i32
      %swap3A_517 = tpu.memref_slice %arg18[%rem3A_345, %swap3A_516] : memref<12x128xi32, #tpu.memory_space<vmem>> -> memref<1x128xi32, #tpu.memory_space<vmem>>
      %swap3A_518 = tpu.memref_squeeze %swap3A_517 : memref<1x128xi32, #tpu.memory_space<vmem>> -> memref<128xi32, #tpu.memory_space<vmem>>
      %swap3A_519 = arith.constant 112 : index
      %swap3A_520 = tpu.vector_load %swap3A_518[%swap3A_519] {strides = array<i32>} : memref<128xi32, #tpu.memory_space<vmem>>, vector<16xi32>,
      tpu.vector_store %swap3A_518[%swap3A_519], %get3A_515 {strides = array<i32>} : memref<128xi32, #tpu.memory_space<vmem>>, vector<16xi32>,
      %mul3A_521 = arith.constant 128 : i32
      %mul3A_522 = arith.muli %while3A_342, %mul3A_521 : i32
      %add3A_523 = arith.constant 112 : i32
      %add3A_524 = arith.addi %mul3A_522, %add3A_523 : i32
      %get3A_525 = arith.index_cast %add3A_524 : i32 to index
      %get3A_526 = tpu.vector_load %arg17[%get3A_525] {strides = array<i32>} : memref<2176xi32, #tpu.memory_space<vmem>>, vector<16xi32>,
      %swap3A_527 = arith.constant 0 : i32
      %swap3A_528 = tpu.memref_slice %arg19[%rem3A_345, %swap3A_527] : memref<12x128xi32, #tpu.memory_space<vmem>> -> memref<1x128xi32, #tpu.memory_space<vmem>>
      %swap3A_529 = tpu.memref_squeeze %swap3A_528 : memref<1x128xi32, #tpu.memory_space<vmem>> -> memref<128xi32, #tpu.memory_space<vmem>>
      %swap3A_530 = arith.constant 112 : index
      %swap3A_531 = tpu.vector_load %swap3A_529[%swap3A_530] {strides = array<i32>} : memref<128xi32, #tpu.memory_space<vmem>>, vector<16xi32>,
      tpu.vector_store %swap3A_529[%swap3A_530], %get3A_526 {strides = array<i32>} : memref<128xi32, #tpu.memory_space<vmem>>, vector<16xi32>,
      %dma_start3A_532 = arith.constant 0 : i32
      %dma_start3A_533 = tpu.memref_slice %arg20[%rem3A_345, %dma_start3A_532] : memref<12x128xf32, #tpu.memory_space<vmem>> -> memref<1x128xf32, #tpu.memory_space<vmem>>
      %dma_start3A_534 = tpu.memref_squeeze %dma_start3A_533 : memref<1x128xf32, #tpu.memory_space<vmem>> -> memref<128xf32, #tpu.memory_space<vmem>>
      %dma_start3A_535 = arith.constant 0 : i32
      %dma_start3A_536 = tpu.memref_slice %arg18[%rem3A_345, %dma_start3A_535] : memref<12x128xi32, #tpu.memory_space<vmem>> -> memref<1x128xi32, #tpu.memory_space<vmem>>
      %dma_start3A_537 = tpu.memref_squeeze %dma_start3A_536 : memref<1x128xi32, #tpu.memory_space<vmem>> -> memref<128xi32, #tpu.memory_space<vmem>>
      %dma_start3A_538 = arith.constant 0 : i32
      %dma_start3A_539 = tpu.memref_slice %arg3[%dma_start3A_538] : memref<100000xf32, #tpu.memory_space<hbm>> -> memref<100000xf32, #tpu.memory_space<hbm>>
      %dma_start3A_540 = tpu.memref_slice %arg28[%rem3A_345] : memref<12x!tpu.dma_semaphore, #tpu.memory_space<semaphore_mem>> -> memref<1x!tpu.dma_semaphore, #tpu.memory_space<semaphore_mem>>
      %dma_start3A_541 = tpu.memref_squeeze %dma_start3A_540 : memref<1x!tpu.dma_semaphore, #tpu.memory_space<semaphore_mem>> -> memref<!tpu.dma_semaphore, #tpu.memory_space<semaphore_mem>>
      tpu.enqueue_indirect_dma source(%dma_start3A_539 : memref<100000xf32, #tpu.memory_space<hbm>>) target(%dma_start3A_534 : memref<128xf32, #tpu.memory_space<vmem>>) offsets(%dma_start3A_537 : memref<128xi32, #tpu.memory_space<vmem>>) semaphore(%dma_start3A_541 : memref<!tpu.dma_semaphore, #tpu.memory_space<semaphore_mem>>)
      %add3A_542 = arith.constant 1 : i32
      %add3A_543 = arith.addi %while3A_343, %add3A_542 : i32
      scf.yield %add3A_543 : i32
    }
    %mul3A_199 = arith.constant 128 : i32
    %mul3A_200 = arith.muli %select_n3A_187, %mul3A_199 : i32
    %sub3A_201 = arith.subi %select_n3A_167, %mul3A_200 : i32
    %gt3A_202 = arith.constant 0 : i32
    %gt3A_203 = arith.cmpi sgt, %select_n3A_187, %gt3A_202 : i32
    %convert_element_type3A = arith.extui %gt3A_203 : i1 to i32
    %cond3A = arith.constant 0 : i32
    %cond3A_204 = arith.cmpi ne, %convert_element_type3A, %cond3A : i32
    scf.if %cond3A_204 {
      %add3A_342 = arith.constant 15 : i32
      %add3A_343 = arith.addi %sub3A_201, %add3A_342 : i32
      %jit3A_344 = arith.constant 16 : i32
      %div3A_345 = arith.divsi %add3A_343, %jit3A_344 : i32
      %sign3A_346 = arith.constant 0 : i32
      %sign3A_347 = arith.cmpi sgt, %add3A_343, %sign3A_346 : i32
      %sign3A_348 = arith.extui %sign3A_347 : i1 to i32
      %sign3A_349 = arith.constant 0 : i32
      %sign3A_350 = arith.cmpi slt, %add3A_343, %sign3A_349 : i32
      %sign3A_351 = arith.extui %sign3A_350 : i1 to i32
      %sign3A_352 = arith.subi %sign3A_348, %sign3A_351 : i32
      %sign3A_353 = arith.constant 0 : i32
      %sign3A_354 = arith.cmpi sgt, %jit3A_344, %sign3A_353 : i32
      %sign3A_355 = arith.extui %sign3A_354 : i1 to i32
      %sign3A_356 = arith.constant 0 : i32
      %sign3A_357 = arith.cmpi slt, %jit3A_344, %sign3A_356 : i32
      %sign3A_358 = arith.extui %sign3A_357 : i1 to i32
      %sign3A_359 = arith.subi %sign3A_355, %sign3A_358 : i32
      %ne3A_360 = arith.cmpi ne, %sign3A_352, %sign3A_359 : i32
      %rem3A_361 = arith.remsi %add3A_343, %jit3A_344 : i32
      %ne3A_362 = arith.constant 0 : i32
      %ne3A_363 = arith.cmpi ne, %rem3A_361, %ne3A_362 : i32
      %and3A_364 = arith.andi %ne3A_360, %ne3A_363 : i1
      %sub3A_365 = arith.constant 1 : i32
      %sub3A_366 = arith.subi %div3A_345, %sub3A_365 : i32
      %select_n3A_367 = arith.select %and3A_364, %sub3A_366, %div3A_345 : i32
      %while3A_368 = arith.constant 0 : i32
      %while3A_369 = arith.constant 0 : i32
      %while3A_370 = arith.subi %select_n3A_367, %while3A_368 : i32
      %while3A_371 = arith.addi %while3A_368, %while3A_370 : i32
      %while3A_372 = arith.constant 1 : i32
      %while3A_373 = arith.divsi %while3A_370, %while3A_372 : i32
      %while3A_374 = arith.muli %while3A_373, %while3A_372 : i32
      %while3A_375 = arith.addi %while3A_368, %while3A_374 : i32
      %while3A_376 = arith.constant 1 : i32
      %while3A_377 = scf.for %while3A_380 = %while3A_368 to %while3A_375 step %while3A_376 iter_args(%while3A_381 = %while3A_369) -> (i32)  : i32 {
        %mul3A_382 = arith.constant 128 : i32
        %mul3A_383 = arith.muli %select_n3A_187, %mul3A_382 : i32
        %mul3A_384 = arith.constant 16 : i32
        %mul3A_385 = arith.muli %mul3A_384, %while3A_380 : i32
        %add3A_386 = arith.addi %mul3A_383, %mul3A_385 : i32
        %get3A_387 = arith.index_cast %add3A_386 : i32 to index
        %get3A_388 = tpu.vector_load %arg16[%get3A_387] {strides = array<i32>} : memref<2176xi32, #tpu.memory_space<vmem>>, vector<16xi32>,
        %mul3A_389 = arith.constant 16 : i32
        %mul3A_390 = arith.muli %mul3A_389, %while3A_380 : i32
        %swap3A_391 = arith.index_cast %mul3A_390 : i32 to index
        %swap3A_392 = tpu.vector_load %arg16[%swap3A_391] {strides = array<i32>} : memref<2176xi32, #tpu.memory_space<vmem>>, vector<16xi32>,
        tpu.vector_store %arg16[%swap3A_391], %get3A_388 {strides = array<i32>} : memref<2176xi32, #tpu.memory_space<vmem>>, vector<16xi32>,
        %mul3A_393 = arith.constant 128 : i32
        %mul3A_394 = arith.muli %select_n3A_187, %mul3A_393 : i32
        %mul3A_395 = arith.constant 16 : i32
        %mul3A_396 = arith.muli %mul3A_395, %while3A_380 : i32
        %add3A_397 = arith.addi %mul3A_394, %mul3A_396 : i32
        %get3A_398 = arith.index_cast %add3A_397 : i32 to index
        %get3A_399 = tpu.vector_load %arg17[%get3A_398] {strides = array<i32>} : memref<2176xi32, #tpu.memory_space<vmem>>, vector<16xi32>,
        %mul3A_400 = arith.constant 16 : i32
        %mul3A_401 = arith.muli %mul3A_400, %while3A_380 : i32
        %swap3A_402 = arith.index_cast %mul3A_401 : i32 to index
        %swap3A_403 = tpu.vector_load %arg17[%swap3A_402] {strides = array<i32>} : memref<2176xi32, #tpu.memory_space<vmem>>, vector<16xi32>,
        tpu.vector_store %arg17[%swap3A_402], %get3A_399 {strides = array<i32>} : memref<2176xi32, #tpu.memory_space<vmem>>, vector<16xi32>,
        %while3A_404 = arith.constant 0 : i32
        scf.yield %while3A_404 : i32
      }
      %while3A_378 = arith.constant 1 : i32
      %while3A_379 = scf.for %while3A_380 = %while3A_375 to %while3A_371 step %while3A_378 iter_args(%while3A_381 = %while3A_377) -> (i32)  : i32 {
        %mul3A_382 = arith.constant 128 : i32
        %mul3A_383 = arith.muli %select_n3A_187, %mul3A_382 : i32
        %mul3A_384 = arith.constant 16 : i32
        %mul3A_385 = arith.muli %mul3A_384, %while3A_380 : i32
        %add3A_386 = arith.addi %mul3A_383, %mul3A_385 : i32
        %get3A_387 = arith.index_cast %add3A_386 : i32 to index
        %get3A_388 = tpu.vector_load %arg16[%get3A_387] {strides = array<i32>} : memref<2176xi32, #tpu.memory_space<vmem>>, vector<16xi32>,
        %mul3A_389 = arith.constant 16 : i32
        %mul3A_390 = arith.muli %mul3A_389, %while3A_380 : i32
        %swap3A_391 = arith.index_cast %mul3A_390 : i32 to index
        %swap3A_392 = tpu.vector_load %arg16[%swap3A_391] {strides = array<i32>} : memref<2176xi32, #tpu.memory_space<vmem>>, vector<16xi32>,
        tpu.vector_store %arg16[%swap3A_391], %get3A_388 {strides = array<i32>} : memref<2176xi32, #tpu.memory_space<vmem>>, vector<16xi32>,
        %mul3A_393 = arith.constant 128 : i32
        %mul3A_394 = arith.muli %select_n3A_187, %mul3A_393 : i32
        %mul3A_395 = arith.constant 16 : i32
        %mul3A_396 = arith.muli %mul3A_395, %while3A_380 : i32
        %add3A_397 = arith.addi %mul3A_394, %mul3A_396 : i32
        %get3A_398 = arith.index_cast %add3A_397 : i32 to index
        %get3A_399 = tpu.vector_load %arg17[%get3A_398] {strides = array<i32>} : memref<2176xi32, #tpu.memory_space<vmem>>, vector<16xi32>,
        %mul3A_400 = arith.constant 16 : i32
        %mul3A_401 = arith.muli %mul3A_400, %while3A_380 : i32
        %swap3A_402 = arith.index_cast %mul3A_401 : i32 to index
        %swap3A_403 = tpu.vector_load %arg17[%swap3A_402] {strides = array<i32>} : memref<2176xi32, #tpu.memory_space<vmem>>, vector<16xi32>,
        tpu.vector_store %arg17[%swap3A_402], %get3A_399 {strides = array<i32>} : memref<2176xi32, #tpu.memory_space<vmem>>, vector<16xi32>,
        %while3A_404 = arith.constant 0 : i32
        scf.yield %while3A_404 : i32
      }
    } else {
    }
    %add3A_205 = arith.constant 0 : i32
    %add3A_206 = arith.addi %while3A_198, %add3A_205 : i32
    %ge3A = arith.constant 6 : i32
    %ge3A_207 = arith.cmpi sge, %add3A_206, %ge3A : i32
    %convert_element_type3A_208 = arith.extui %ge3A_207 : i1 to i32
    %cond3A_209 = arith.constant 0 : i32
    %cond3A_210 = arith.cmpi ne, %convert_element_type3A_208, %cond3A_209 : i32
    scf.if %cond3A_210 {
      %sub3A_342 = arith.constant 6 : i32
      %sub3A_343 = arith.subi %add3A_206, %sub3A_342 : i32
      %rem3A_344 = arith.constant 12 : i32
      %rem3A_345 = arith.remsi %sub3A_343, %rem3A_344 : i32
      %dma_wait3A = arith.constant 0 : i32
      %dma_wait3A_346 = tpu.memref_slice %arg20[%rem3A_345, %dma_wait3A] : memref<12x128xf32, #tpu.memory_space<vmem>> -> memref<1x128xf32, #tpu.memory_space<vmem>>
      %dma_wait3A_347 = tpu.memref_squeeze %dma_wait3A_346 : memref<1x128xf32, #tpu.memory_space<vmem>> -> memref<128xf32, #tpu.memory_space<vmem>>
      %dma_wait3A_348 = arith.constant 0 : i32
      %dma_wait3A_349 = tpu.memref_slice %arg18[%rem3A_345, %dma_wait3A_348] : memref<12x128xi32, #tpu.memory_space<vmem>> -> memref<1x128xi32, #tpu.memory_space<vmem>>
      %dma_wait3A_350 = tpu.memref_squeeze %dma_wait3A_349 : memref<1x128xi32, #tpu.memory_space<vmem>> -> memref<128xi32, #tpu.memory_space<vmem>>
      %dma_wait3A_351 = arith.constant 0 : i32
      %dma_wait3A_352 = tpu.memref_slice %arg3[%dma_wait3A_351] : memref<100000xf32, #tpu.memory_space<hbm>> -> memref<100000xf32, #tpu.memory_space<hbm>>
      %dma_wait3A_353 = tpu.memref_slice %arg28[%rem3A_345] : memref<12x!tpu.dma_semaphore, #tpu.memory_space<semaphore_mem>> -> memref<1x!tpu.dma_semaphore, #tpu.memory_space<semaphore_mem>>
      %dma_wait3A_354 = tpu.memref_squeeze %dma_wait3A_353 : memref<1x!tpu.dma_semaphore, #tpu.memory_space<semaphore_mem>> -> memref<!tpu.dma_semaphore, #tpu.memory_space<semaphore_mem>>
      tpu.wait_indirect_dma semaphore(%dma_wait3A_354 : memref<!tpu.dma_semaphore, #tpu.memory_space<semaphore_mem>>) src(%dma_wait3A_352 : memref<100000xf32, #tpu.memory_space<hbm>>) dst(%dma_wait3A_347 : memref<128xf32, #tpu.memory_space<vmem>>)
      %dma_start3A_355 = arith.constant 0 : i32
      %dma_start3A_356 = tpu.memref_slice %arg20[%rem3A_345, %dma_start3A_355] : memref<12x128xf32, #tpu.memory_space<vmem>> -> memref<1x128xf32, #tpu.memory_space<vmem>>
      %dma_start3A_357 = tpu.memref_squeeze %dma_start3A_356 : memref<1x128xf32, #tpu.memory_space<vmem>> -> memref<128xf32, #tpu.memory_space<vmem>>
      %dma_start3A_358 = arith.constant 0 : i32
      %dma_start3A_359 = tpu.memref_slice %arg19[%rem3A_345, %dma_start3A_358] : memref<12x128xi32, #tpu.memory_space<vmem>> -> memref<1x128xi32, #tpu.memory_space<vmem>>
      %dma_start3A_360 = tpu.memref_squeeze %dma_start3A_359 : memref<1x128xi32, #tpu.memory_space<vmem>> -> memref<128xi32, #tpu.memory_space<vmem>>
      %dma_start3A_361 = arith.constant 0 : i32
      %dma_start3A_362 = tpu.memref_slice %arg26[%dma_start3A_361] : memref<100352xf32, #tpu.memory_space<vmem_shared>> -> memref<100352xf32, #tpu.memory_space<vmem_shared>>
      %dma_start3A_363 = tpu.memref_slice %arg29[%rem3A_345] : memref<12x!tpu.dma_semaphore, #tpu.memory_space<semaphore_mem>> -> memref<1x!tpu.dma_semaphore, #tpu.memory_space<semaphore_mem>>
      %dma_start3A_364 = tpu.memref_squeeze %dma_start3A_363 : memref<1x!tpu.dma_semaphore, #tpu.memory_space<semaphore_mem>> -> memref<!tpu.dma_semaphore, #tpu.memory_space<semaphore_mem>>
      tpu.enqueue_indirect_dma source(%dma_start3A_357 : memref<128xf32, #tpu.memory_space<vmem>>) target(%dma_start3A_362 : memref<100352xf32, #tpu.memory_space<vmem_shared>>) offsets(%dma_start3A_360 : memref<128xi32, #tpu.memory_space<vmem>>) semaphore(%dma_start3A_364 : memref<!tpu.dma_semaphore, #tpu.memory_space<semaphore_mem>>) {add = true}
    } else {
    }
    %add3A_211 = arith.constant 1 : i32
    %add3A_212 = arith.addi %while3A_198, %add3A_211 : i32
    %ge3A_213 = arith.constant 6 : i32
    %ge3A_214 = arith.cmpi sge, %add3A_212, %ge3A_213 : i32
    %convert_element_type3A_215 = arith.extui %ge3A_214 : i1 to i32
    %cond3A_216 = arith.constant 0 : i32
    %cond3A_217 = arith.cmpi ne, %convert_element_type3A_215, %cond3A_216 : i32
    scf.if %cond3A_217 {
      %sub3A_342 = arith.constant 6 : i32
      %sub3A_343 = arith.subi %add3A_212, %sub3A_342 : i32
      %rem3A_344 = arith.constant 12 : i32
      %rem3A_345 = arith.remsi %sub3A_343, %rem3A_344 : i32
      %dma_wait3A = arith.constant 0 : i32
      %dma_wait3A_346 = tpu.memref_slice %arg20[%rem3A_345, %dma_wait3A] : memref<12x128xf32, #tpu.memory_space<vmem>> -> memref<1x128xf32, #tpu.memory_space<vmem>>
      %dma_wait3A_347 = tpu.memref_squeeze %dma_wait3A_346 : memref<1x128xf32, #tpu.memory_space<vmem>> -> memref<128xf32, #tpu.memory_space<vmem>>
      %dma_wait3A_348 = arith.constant 0 : i32
      %dma_wait3A_349 = tpu.memref_slice %arg18[%rem3A_345, %dma_wait3A_348] : memref<12x128xi32, #tpu.memory_space<vmem>> -> memref<1x128xi32, #tpu.memory_space<vmem>>
      %dma_wait3A_350 = tpu.memref_squeeze %dma_wait3A_349 : memref<1x128xi32, #tpu.memory_space<vmem>> -> memref<128xi32, #tpu.memory_space<vmem>>
      %dma_wait3A_351 = arith.constant 0 : i32
      %dma_wait3A_352 = tpu.memref_slice %arg3[%dma_wait3A_351] : memref<100000xf32, #tpu.memory_space<hbm>> -> memref<100000xf32, #tpu.memory_space<hbm>>
      %dma_wait3A_353 = tpu.memref_slice %arg28[%rem3A_345] : memref<12x!tpu.dma_semaphore, #tpu.memory_space<semaphore_mem>> -> memref<1x!tpu.dma_semaphore, #tpu.memory_space<semaphore_mem>>
      %dma_wait3A_354 = tpu.memref_squeeze %dma_wait3A_353 : memref<1x!tpu.dma_semaphore, #tpu.memory_space<semaphore_mem>> -> memref<!tpu.dma_semaphore, #tpu.memory_space<semaphore_mem>>
      tpu.wait_indirect_dma semaphore(%dma_wait3A_354 : memref<!tpu.dma_semaphore, #tpu.memory_space<semaphore_mem>>) src(%dma_wait3A_352 : memref<100000xf32, #tpu.memory_space<hbm>>) dst(%dma_wait3A_347 : memref<128xf32, #tpu.memory_space<vmem>>)
      %dma_start3A_355 = arith.constant 0 : i32
      %dma_start3A_356 = tpu.memref_slice %arg20[%rem3A_345, %dma_start3A_355] : memref<12x128xf32, #tpu.memory_space<vmem>> -> memref<1x128xf32, #tpu.memory_space<vmem>>
      %dma_start3A_357 = tpu.memref_squeeze %dma_start3A_356 : memref<1x128xf32, #tpu.memory_space<vmem>> -> memref<128xf32, #tpu.memory_space<vmem>>
      %dma_start3A_358 = arith.constant 0 : i32
      %dma_start3A_359 = tpu.memref_slice %arg19[%rem3A_345, %dma_start3A_358] : memref<12x128xi32, #tpu.memory_space<vmem>> -> memref<1x128xi32, #tpu.memory_space<vmem>>
      %dma_start3A_360 = tpu.memref_squeeze %dma_start3A_359 : memref<1x128xi32, #tpu.memory_space<vmem>> -> memref<128xi32, #tpu.memory_space<vmem>>
      %dma_start3A_361 = arith.constant 0 : i32
      %dma_start3A_362 = tpu.memref_slice %arg26[%dma_start3A_361] : memref<100352xf32, #tpu.memory_space<vmem_shared>> -> memref<100352xf32, #tpu.memory_space<vmem_shared>>
      %dma_start3A_363 = tpu.memref_slice %arg29[%rem3A_345] : memref<12x!tpu.dma_semaphore, #tpu.memory_space<semaphore_mem>> -> memref<1x!tpu.dma_semaphore, #tpu.memory_space<semaphore_mem>>
      %dma_start3A_364 = tpu.memref_squeeze %dma_start3A_363 : memref<1x!tpu.dma_semaphore, #tpu.memory_space<semaphore_mem>> -> memref<!tpu.dma_semaphore, #tpu.memory_space<semaphore_mem>>
      tpu.enqueue_indirect_dma source(%dma_start3A_357 : memref<128xf32, #tpu.memory_space<vmem>>) target(%dma_start3A_362 : memref<100352xf32, #tpu.memory_space<vmem_shared>>) offsets(%dma_start3A_360 : memref<128xi32, #tpu.memory_space<vmem>>) semaphore(%dma_start3A_364 : memref<!tpu.dma_semaphore, #tpu.memory_space<semaphore_mem>>) {add = true}
    } else {
    }
    %add3A_218 = arith.constant 2 : i32
    %add3A_219 = arith.addi %while3A_198, %add3A_218 : i32
    %ge3A_220 = arith.constant 6 : i32
    %ge3A_221 = arith.cmpi sge, %add3A_219, %ge3A_220 : i32
    %convert_element_type3A_222 = arith.extui %ge3A_221 : i1 to i32
    %cond3A_223 = arith.constant 0 : i32
    %cond3A_224 = arith.cmpi ne, %convert_element_type3A_222, %cond3A_223 : i32
    scf.if %cond3A_224 {
      %sub3A_342 = arith.constant 6 : i32
      %sub3A_343 = arith.subi %add3A_219, %sub3A_342 : i32
      %rem3A_344 = arith.constant 12 : i32
      %rem3A_345 = arith.remsi %sub3A_343, %rem3A_344 : i32
      %dma_wait3A = arith.constant 0 : i32
      %dma_wait3A_346 = tpu.memref_slice %arg20[%rem3A_345, %dma_wait3A] : memref<12x128xf32, #tpu.memory_space<vmem>> -> memref<1x128xf32, #tpu.memory_space<vmem>>
      %dma_wait3A_347 = tpu.memref_squeeze %dma_wait3A_346 : memref<1x128xf32, #tpu.memory_space<vmem>> -> memref<128xf32, #tpu.memory_space<vmem>>
      %dma_wait3A_348 = arith.constant 0 : i32
      %dma_wait3A_349 = tpu.memref_slice %arg18[%rem3A_345, %dma_wait3A_348] : memref<12x128xi32, #tpu.memory_space<vmem>> -> memref<1x128xi32, #tpu.memory_space<vmem>>
      %dma_wait3A_350 = tpu.memref_squeeze %dma_wait3A_349 : memref<1x128xi32, #tpu.memory_space<vmem>> -> memref<128xi32, #tpu.memory_space<vmem>>
      %dma_wait3A_351 = arith.constant 0 : i32
      %dma_wait3A_352 = tpu.memref_slice %arg3[%dma_wait3A_351] : memref<100000xf32, #tpu.memory_space<hbm>> -> memref<100000xf32, #tpu.memory_space<hbm>>
      %dma_wait3A_353 = tpu.memref_slice %arg28[%rem3A_345] : memref<12x!tpu.dma_semaphore, #tpu.memory_space<semaphore_mem>> -> memref<1x!tpu.dma_semaphore, #tpu.memory_space<semaphore_mem>>
      %dma_wait3A_354 = tpu.memref_squeeze %dma_wait3A_353 : memref<1x!tpu.dma_semaphore, #tpu.memory_space<semaphore_mem>> -> memref<!tpu.dma_semaphore, #tpu.memory_space<semaphore_mem>>
      tpu.wait_indirect_dma semaphore(%dma_wait3A_354 : memref<!tpu.dma_semaphore, #tpu.memory_space<semaphore_mem>>) src(%dma_wait3A_352 : memref<100000xf32, #tpu.memory_space<hbm>>) dst(%dma_wait3A_347 : memref<128xf32, #tpu.memory_space<vmem>>)
      %dma_start3A_355 = arith.constant 0 : i32
      %dma_start3A_356 = tpu.memref_slice %arg20[%rem3A_345, %dma_start3A_355] : memref<12x128xf32, #tpu.memory_space<vmem>> -> memref<1x128xf32, #tpu.memory_space<vmem>>
      %dma_start3A_357 = tpu.memref_squeeze %dma_start3A_356 : memref<1x128xf32, #tpu.memory_space<vmem>> -> memref<128xf32, #tpu.memory_space<vmem>>
      %dma_start3A_358 = arith.constant 0 : i32
      %dma_start3A_359 = tpu.memref_slice %arg19[%rem3A_345, %dma_start3A_358] : memref<12x128xi32, #tpu.memory_space<vmem>> -> memref<1x128xi32, #tpu.memory_space<vmem>>
      %dma_start3A_360 = tpu.memref_squeeze %dma_start3A_359 : memref<1x128xi32, #tpu.memory_space<vmem>> -> memref<128xi32, #tpu.memory_space<vmem>>
      %dma_start3A_361 = arith.constant 0 : i32
      %dma_start3A_362 = tpu.memref_slice %arg26[%dma_start3A_361] : memref<100352xf32, #tpu.memory_space<vmem_shared>> -> memref<100352xf32, #tpu.memory_space<vmem_shared>>
      %dma_start3A_363 = tpu.memref_slice %arg29[%rem3A_345] : memref<12x!tpu.dma_semaphore, #tpu.memory_space<semaphore_mem>> -> memref<1x!tpu.dma_semaphore, #tpu.memory_space<semaphore_mem>>
      %dma_start3A_364 = tpu.memref_squeeze %dma_start3A_363 : memref<1x!tpu.dma_semaphore, #tpu.memory_space<semaphore_mem>> -> memref<!tpu.dma_semaphore, #tpu.memory_space<semaphore_mem>>
      tpu.enqueue_indirect_dma source(%dma_start3A_357 : memref<128xf32, #tpu.memory_space<vmem>>) target(%dma_start3A_362 : memref<100352xf32, #tpu.memory_space<vmem_shared>>) offsets(%dma_start3A_360 : memref<128xi32, #tpu.memory_space<vmem>>) semaphore(%dma_start3A_364 : memref<!tpu.dma_semaphore, #tpu.memory_space<semaphore_mem>>) {add = true}
    } else {
    }
    %add3A_225 = arith.constant 3 : i32
    %add3A_226 = arith.addi %while3A_198, %add3A_225 : i32
    %ge3A_227 = arith.constant 6 : i32
    %ge3A_228 = arith.cmpi sge, %add3A_226, %ge3A_227 : i32
    %convert_element_type3A_229 = arith.extui %ge3A_228 : i1 to i32
    %cond3A_230 = arith.constant 0 : i32
    %cond3A_231 = arith.cmpi ne, %convert_element_type3A_229, %cond3A_230 : i32
    scf.if %cond3A_231 {
      %sub3A_342 = arith.constant 6 : i32
      %sub3A_343 = arith.subi %add3A_226, %sub3A_342 : i32
      %rem3A_344 = arith.constant 12 : i32
      %rem3A_345 = arith.remsi %sub3A_343, %rem3A_344 : i32
      %dma_wait3A = arith.constant 0 : i32
      %dma_wait3A_346 = tpu.memref_slice %arg20[%rem3A_345, %dma_wait3A] : memref<12x128xf32, #tpu.memory_space<vmem>> -> memref<1x128xf32, #tpu.memory_space<vmem>>
      %dma_wait3A_347 = tpu.memref_squeeze %dma_wait3A_346 : memref<1x128xf32, #tpu.memory_space<vmem>> -> memref<128xf32, #tpu.memory_space<vmem>>
      %dma_wait3A_348 = arith.constant 0 : i32
      %dma_wait3A_349 = tpu.memref_slice %arg18[%rem3A_345, %dma_wait3A_348] : memref<12x128xi32, #tpu.memory_space<vmem>> -> memref<1x128xi32, #tpu.memory_space<vmem>>
      %dma_wait3A_350 = tpu.memref_squeeze %dma_wait3A_349 : memref<1x128xi32, #tpu.memory_space<vmem>> -> memref<128xi32, #tpu.memory_space<vmem>>
      %dma_wait3A_351 = arith.constant 0 : i32
      %dma_wait3A_352 = tpu.memref_slice %arg3[%dma_wait3A_351] : memref<100000xf32, #tpu.memory_space<hbm>> -> memref<100000xf32, #tpu.memory_space<hbm>>
      %dma_wait3A_353 = tpu.memref_slice %arg28[%rem3A_345] : memref<12x!tpu.dma_semaphore, #tpu.memory_space<semaphore_mem>> -> memref<1x!tpu.dma_semaphore, #tpu.memory_space<semaphore_mem>>
      %dma_wait3A_354 = tpu.memref_squeeze %dma_wait3A_353 : memref<1x!tpu.dma_semaphore, #tpu.memory_space<semaphore_mem>> -> memref<!tpu.dma_semaphore, #tpu.memory_space<semaphore_mem>>
      tpu.wait_indirect_dma semaphore(%dma_wait3A_354 : memref<!tpu.dma_semaphore, #tpu.memory_space<semaphore_mem>>) src(%dma_wait3A_352 : memref<100000xf32, #tpu.memory_space<hbm>>) dst(%dma_wait3A_347 : memref<128xf32, #tpu.memory_space<vmem>>)
      %dma_start3A_355 = arith.constant 0 : i32
      %dma_start3A_356 = tpu.memref_slice %arg20[%rem3A_345, %dma_start3A_355] : memref<12x128xf32, #tpu.memory_space<vmem>> -> memref<1x128xf32, #tpu.memory_space<vmem>>
      %dma_start3A_357 = tpu.memref_squeeze %dma_start3A_356 : memref<1x128xf32, #tpu.memory_space<vmem>> -> memref<128xf32, #tpu.memory_space<vmem>>
      %dma_start3A_358 = arith.constant 0 : i32
      %dma_start3A_359 = tpu.memref_slice %arg19[%rem3A_345, %dma_start3A_358] : memref<12x128xi32, #tpu.memory_space<vmem>> -> memref<1x128xi32, #tpu.memory_space<vmem>>
      %dma_start3A_360 = tpu.memref_squeeze %dma_start3A_359 : memref<1x128xi32, #tpu.memory_space<vmem>> -> memref<128xi32, #tpu.memory_space<vmem>>
      %dma_start3A_361 = arith.constant 0 : i32
      %dma_start3A_362 = tpu.memref_slice %arg26[%dma_start3A_361] : memref<100352xf32, #tpu.memory_space<vmem_shared>> -> memref<100352xf32, #tpu.memory_space<vmem_shared>>
      %dma_start3A_363 = tpu.memref_slice %arg29[%rem3A_345] : memref<12x!tpu.dma_semaphore, #tpu.memory_space<semaphore_mem>> -> memref<1x!tpu.dma_semaphore, #tpu.memory_space<semaphore_mem>>
      %dma_start3A_364 = tpu.memref_squeeze %dma_start3A_363 : memref<1x!tpu.dma_semaphore, #tpu.memory_space<semaphore_mem>> -> memref<!tpu.dma_semaphore, #tpu.memory_space<semaphore_mem>>
      tpu.enqueue_indirect_dma source(%dma_start3A_357 : memref<128xf32, #tpu.memory_space<vmem>>) target(%dma_start3A_362 : memref<100352xf32, #tpu.memory_space<vmem_shared>>) offsets(%dma_start3A_360 : memref<128xi32, #tpu.memory_space<vmem>>) semaphore(%dma_start3A_364 : memref<!tpu.dma_semaphore, #tpu.memory_space<semaphore_mem>>) {add = true}
    } else {
    }
    %add3A_232 = arith.constant 4 : i32
    %add3A_233 = arith.addi %while3A_198, %add3A_232 : i32
    %ge3A_234 = arith.constant 6 : i32
    %ge3A_235 = arith.cmpi sge, %add3A_233, %ge3A_234 : i32
    %convert_element_type3A_236 = arith.extui %ge3A_235 : i1 to i32
    %cond3A_237 = arith.constant 0 : i32
    %cond3A_238 = arith.cmpi ne, %convert_element_type3A_236, %cond3A_237 : i32
    scf.if %cond3A_238 {
      %sub3A_342 = arith.constant 6 : i32
      %sub3A_343 = arith.subi %add3A_233, %sub3A_342 : i32
      %rem3A_344 = arith.constant 12 : i32
      %rem3A_345 = arith.remsi %sub3A_343, %rem3A_344 : i32
      %dma_wait3A = arith.constant 0 : i32
      %dma_wait3A_346 = tpu.memref_slice %arg20[%rem3A_345, %dma_wait3A] : memref<12x128xf32, #tpu.memory_space<vmem>> -> memref<1x128xf32, #tpu.memory_space<vmem>>
      %dma_wait3A_347 = tpu.memref_squeeze %dma_wait3A_346 : memref<1x128xf32, #tpu.memory_space<vmem>> -> memref<128xf32, #tpu.memory_space<vmem>>
      %dma_wait3A_348 = arith.constant 0 : i32
      %dma_wait3A_349 = tpu.memref_slice %arg18[%rem3A_345, %dma_wait3A_348] : memref<12x128xi32, #tpu.memory_space<vmem>> -> memref<1x128xi32, #tpu.memory_space<vmem>>
      %dma_wait3A_350 = tpu.memref_squeeze %dma_wait3A_349 : memref<1x128xi32, #tpu.memory_space<vmem>> -> memref<128xi32, #tpu.memory_space<vmem>>
      %dma_wait3A_351 = arith.constant 0 : i32
      %dma_wait3A_352 = tpu.memref_slice %arg3[%dma_wait3A_351] : memref<100000xf32, #tpu.memory_space<hbm>> -> memref<100000xf32, #tpu.memory_space<hbm>>
      %dma_wait3A_353 = tpu.memref_slice %arg28[%rem3A_345] : memref<12x!tpu.dma_semaphore, #tpu.memory_space<semaphore_mem>> -> memref<1x!tpu.dma_semaphore, #tpu.memory_space<semaphore_mem>>
      %dma_wait3A_354 = tpu.memref_squeeze %dma_wait3A_353 : memref<1x!tpu.dma_semaphore, #tpu.memory_space<semaphore_mem>> -> memref<!tpu.dma_semaphore, #tpu.memory_space<semaphore_mem>>
      tpu.wait_indirect_dma semaphore(%dma_wait3A_354 : memref<!tpu.dma_semaphore, #tpu.memory_space<semaphore_mem>>) src(%dma_wait3A_352 : memref<100000xf32, #tpu.memory_space<hbm>>) dst(%dma_wait3A_347 : memref<128xf32, #tpu.memory_space<vmem>>)
      %dma_start3A_355 = arith.constant 0 : i32
      %dma_start3A_356 = tpu.memref_slice %arg20[%rem3A_345, %dma_start3A_355] : memref<12x128xf32, #tpu.memory_space<vmem>> -> memref<1x128xf32, #tpu.memory_space<vmem>>
      %dma_start3A_357 = tpu.memref_squeeze %dma_start3A_356 : memref<1x128xf32, #tpu.memory_space<vmem>> -> memref<128xf32, #tpu.memory_space<vmem>>
      %dma_start3A_358 = arith.constant 0 : i32
      %dma_start3A_359 = tpu.memref_slice %arg19[%rem3A_345, %dma_start3A_358] : memref<12x128xi32, #tpu.memory_space<vmem>> -> memref<1x128xi32, #tpu.memory_space<vmem>>
      %dma_start3A_360 = tpu.memref_squeeze %dma_start3A_359 : memref<1x128xi32, #tpu.memory_space<vmem>> -> memref<128xi32, #tpu.memory_space<vmem>>
      %dma_start3A_361 = arith.constant 0 : i32
      %dma_start3A_362 = tpu.memref_slice %arg26[%dma_start3A_361] : memref<100352xf32, #tpu.memory_space<vmem_shared>> -> memref<100352xf32, #tpu.memory_space<vmem_shared>>
      %dma_start3A_363 = tpu.memref_slice %arg29[%rem3A_345] : memref<12x!tpu.dma_semaphore, #tpu.memory_space<semaphore_mem>> -> memref<1x!tpu.dma_semaphore, #tpu.memory_space<semaphore_mem>>
      %dma_start3A_364 = tpu.memref_squeeze %dma_start3A_363 : memref<1x!tpu.dma_semaphore, #tpu.memory_space<semaphore_mem>> -> memref<!tpu.dma_semaphore, #tpu.memory_space<semaphore_mem>>
      tpu.enqueue_indirect_dma source(%dma_start3A_357 : memref<128xf32, #tpu.memory_space<vmem>>) target(%dma_start3A_362 : memref<100352xf32, #tpu.memory_space<vmem_shared>>) offsets(%dma_start3A_360 : memref<128xi32, #tpu.memory_space<vmem>>) semaphore(%dma_start3A_364 : memref<!tpu.dma_semaphore, #tpu.memory_space<semaphore_mem>>) {add = true}
    } else {
    }
    %add3A_239 = arith.constant 5 : i32
    %add3A_240 = arith.addi %while3A_198, %add3A_239 : i32
    %ge3A_241 = arith.constant 6 : i32
    %ge3A_242 = arith.cmpi sge, %add3A_240, %ge3A_241 : i32
    %convert_element_type3A_243 = arith.extui %ge3A_242 : i1 to i32
    %cond3A_244 = arith.constant 0 : i32
    %cond3A_245 = arith.cmpi ne, %convert_element_type3A_243, %cond3A_244 : i32
    scf.if %cond3A_245 {
      %sub3A_342 = arith.constant 6 : i32
      %sub3A_343 = arith.subi %add3A_240, %sub3A_342 : i32
      %rem3A_344 = arith.constant 12 : i32
      %rem3A_345 = arith.remsi %sub3A_343, %rem3A_344 : i32
      %dma_wait3A = arith.constant 0 : i32
      %dma_wait3A_346 = tpu.memref_slice %arg20[%rem3A_345, %dma_wait3A] : memref<12x128xf32, #tpu.memory_space<vmem>> -> memref<1x128xf32, #tpu.memory_space<vmem>>
      %dma_wait3A_347 = tpu.memref_squeeze %dma_wait3A_346 : memref<1x128xf32, #tpu.memory_space<vmem>> -> memref<128xf32, #tpu.memory_space<vmem>>
      %dma_wait3A_348 = arith.constant 0 : i32
      %dma_wait3A_349 = tpu.memref_slice %arg18[%rem3A_345, %dma_wait3A_348] : memref<12x128xi32, #tpu.memory_space<vmem>> -> memref<1x128xi32, #tpu.memory_space<vmem>>
      %dma_wait3A_350 = tpu.memref_squeeze %dma_wait3A_349 : memref<1x128xi32, #tpu.memory_space<vmem>> -> memref<128xi32, #tpu.memory_space<vmem>>
      %dma_wait3A_351 = arith.constant 0 : i32
      %dma_wait3A_352 = tpu.memref_slice %arg3[%dma_wait3A_351] : memref<100000xf32, #tpu.memory_space<hbm>> -> memref<100000xf32, #tpu.memory_space<hbm>>
      %dma_wait3A_353 = tpu.memref_slice %arg28[%rem3A_345] : memref<12x!tpu.dma_semaphore, #tpu.memory_space<semaphore_mem>> -> memref<1x!tpu.dma_semaphore, #tpu.memory_space<semaphore_mem>>
      %dma_wait3A_354 = tpu.memref_squeeze %dma_wait3A_353 : memref<1x!tpu.dma_semaphore, #tpu.memory_space<semaphore_mem>> -> memref<!tpu.dma_semaphore, #tpu.memory_space<semaphore_mem>>
      tpu.wait_indirect_dma semaphore(%dma_wait3A_354 : memref<!tpu.dma_semaphore, #tpu.memory_space<semaphore_mem>>) src(%dma_wait3A_352 : memref<100000xf32, #tpu.memory_space<hbm>>) dst(%dma_wait3A_347 : memref<128xf32, #tpu.memory_space<vmem>>)
      %dma_start3A_355 = arith.constant 0 : i32
      %dma_start3A_356 = tpu.memref_slice %arg20[%rem3A_345, %dma_start3A_355] : memref<12x128xf32, #tpu.memory_space<vmem>> -> memref<1x128xf32, #tpu.memory_space<vmem>>
      %dma_start3A_357 = tpu.memref_squeeze %dma_start3A_356 : memref<1x128xf32, #tpu.memory_space<vmem>> -> memref<128xf32, #tpu.memory_space<vmem>>
      %dma_start3A_358 = arith.constant 0 : i32
      %dma_start3A_359 = tpu.memref_slice %arg19[%rem3A_345, %dma_start3A_358] : memref<12x128xi32, #tpu.memory_space<vmem>> -> memref<1x128xi32, #tpu.memory_space<vmem>>
      %dma_start3A_360 = tpu.memref_squeeze %dma_start3A_359 : memref<1x128xi32, #tpu.memory_space<vmem>> -> memref<128xi32, #tpu.memory_space<vmem>>
      %dma_start3A_361 = arith.constant 0 : i32
      %dma_start3A_362 = tpu.memref_slice %arg26[%dma_start3A_361] : memref<100352xf32, #tpu.memory_space<vmem_shared>> -> memref<100352xf32, #tpu.memory_space<vmem_shared>>
      %dma_start3A_363 = tpu.memref_slice %arg29[%rem3A_345] : memref<12x!tpu.dma_semaphore, #tpu.memory_space<semaphore_mem>> -> memref<1x!tpu.dma_semaphore, #tpu.memory_space<semaphore_mem>>
      %dma_start3A_364 = tpu.memref_squeeze %dma_start3A_363 : memref<1x!tpu.dma_semaphore, #tpu.memory_space<semaphore_mem>> -> memref<!tpu.dma_semaphore, #tpu.memory_space<semaphore_mem>>
      tpu.enqueue_indirect_dma source(%dma_start3A_357 : memref<128xf32, #tpu.memory_space<vmem>>) target(%dma_start3A_362 : memref<100352xf32, #tpu.memory_space<vmem_shared>>) offsets(%dma_start3A_360 : memref<128xi32, #tpu.memory_space<vmem>>) semaphore(%dma_start3A_364 : memref<!tpu.dma_semaphore, #tpu.memory_space<semaphore_mem>>) {add = true}
    } else {
    }
    %gt3A_246 = arith.constant 0 : i32
    %gt3A_247 = arith.cmpi sgt, %while3A_198, %gt3A_246 : i32
    %convert_element_type3A_248 = arith.extui %gt3A_247 : i1 to i32
    %cond3A_249 = arith.constant 0 : i32
    %cond3A_250 = arith.cmpi ne, %convert_element_type3A_248, %cond3A_249 : i32
    scf.if %cond3A_250 {
      %dma_wait3A = arith.constant 0 : i32
      %dma_wait3A_342 = arith.constant 0 : i32
      %dma_wait3A_343 = arith.constant 0 : i32
      %dma_wait3A_344 = arith.constant 0 : i32
      %dma_wait3A_345 = tpu.memref_slice %arg20[%dma_wait3A, %dma_wait3A_344] : memref<12x128xf32, #tpu.memory_space<vmem>> -> memref<1x128xf32, #tpu.memory_space<vmem>>
      %dma_wait3A_346 = tpu.memref_squeeze %dma_wait3A_345 : memref<1x128xf32, #tpu.memory_space<vmem>> -> memref<128xf32, #tpu.memory_space<vmem>>
      %dma_wait3A_347 = arith.constant 0 : i32
      %dma_wait3A_348 = tpu.memref_slice %arg19[%dma_wait3A_342, %dma_wait3A_347] : memref<12x128xi32, #tpu.memory_space<vmem>> -> memref<1x128xi32, #tpu.memory_space<vmem>>
      %dma_wait3A_349 = tpu.memref_squeeze %dma_wait3A_348 : memref<1x128xi32, #tpu.memory_space<vmem>> -> memref<128xi32, #tpu.memory_space<vmem>>
      %dma_wait3A_350 = arith.constant 0 : i32
      %dma_wait3A_351 = tpu.memref_slice %arg26[%dma_wait3A_350] : memref<100352xf32, #tpu.memory_space<vmem_shared>> -> memref<100352xf32, #tpu.memory_space<vmem_shared>>
      %dma_wait3A_352 = tpu.memref_slice %arg29[%dma_wait3A_343] : memref<12x!tpu.dma_semaphore, #tpu.memory_space<semaphore_mem>> -> memref<1x!tpu.dma_semaphore, #tpu.memory_space<semaphore_mem>>
      %dma_wait3A_353 = tpu.memref_squeeze %dma_wait3A_352 : memref<1x!tpu.dma_semaphore, #tpu.memory_space<semaphore_mem>> -> memref<!tpu.dma_semaphore, #tpu.memory_space<semaphore_mem>>
      tpu.wait_indirect_dma semaphore(%dma_wait3A_353 : memref<!tpu.dma_semaphore, #tpu.memory_space<semaphore_mem>>) src(%dma_wait3A_346 : memref<128xf32, #tpu.memory_space<vmem>>) dst(%dma_wait3A_351 : memref<100352xf32, #tpu.memory_space<vmem_shared>>)
    } else {
    }
    %gt3A_251 = arith.constant 1 : i32
    %gt3A_252 = arith.cmpi sgt, %while3A_198, %gt3A_251 : i32
    %convert_element_type3A_253 = arith.extui %gt3A_252 : i1 to i32
    %cond3A_254 = arith.constant 0 : i32
    %cond3A_255 = arith.cmpi ne, %convert_element_type3A_253, %cond3A_254 : i32
    scf.if %cond3A_255 {
      %dma_wait3A = arith.constant 1 : i32
      %dma_wait3A_342 = arith.constant 1 : i32
      %dma_wait3A_343 = arith.constant 1 : i32
      %dma_wait3A_344 = arith.constant 0 : i32
      %dma_wait3A_345 = tpu.memref_slice %arg20[%dma_wait3A, %dma_wait3A_344] : memref<12x128xf32, #tpu.memory_space<vmem>> -> memref<1x128xf32, #tpu.memory_space<vmem>>
      %dma_wait3A_346 = tpu.memref_squeeze %dma_wait3A_345 : memref<1x128xf32, #tpu.memory_space<vmem>> -> memref<128xf32, #tpu.memory_space<vmem>>
      %dma_wait3A_347 = arith.constant 0 : i32
      %dma_wait3A_348 = tpu.memref_slice %arg19[%dma_wait3A_342, %dma_wait3A_347] : memref<12x128xi32, #tpu.memory_space<vmem>> -> memref<1x128xi32, #tpu.memory_space<vmem>>
      %dma_wait3A_349 = tpu.memref_squeeze %dma_wait3A_348 : memref<1x128xi32, #tpu.memory_space<vmem>> -> memref<128xi32, #tpu.memory_space<vmem>>
      %dma_wait3A_350 = arith.constant 0 : i32
      %dma_wait3A_351 = tpu.memref_slice %arg26[%dma_wait3A_350] : memref<100352xf32, #tpu.memory_space<vmem_shared>> -> memref<100352xf32, #tpu.memory_space<vmem_shared>>
      %dma_wait3A_352 = tpu.memref_slice %arg29[%dma_wait3A_343] : memref<12x!tpu.dma_semaphore, #tpu.memory_space<semaphore_mem>> -> memref<1x!tpu.dma_semaphore, #tpu.memory_space<semaphore_mem>>
      %dma_wait3A_353 = tpu.memref_squeeze %dma_wait3A_352 : memref<1x!tpu.dma_semaphore, #tpu.memory_space<semaphore_mem>> -> memref<!tpu.dma_semaphore, #tpu.memory_space<semaphore_mem>>
      tpu.wait_indirect_dma semaphore(%dma_wait3A_353 : memref<!tpu.dma_semaphore, #tpu.memory_space<semaphore_mem>>) src(%dma_wait3A_346 : memref<128xf32, #tpu.memory_space<vmem>>) dst(%dma_wait3A_351 : memref<100352xf32, #tpu.memory_space<vmem_shared>>)
    } else {
    }
    %gt3A_256 = arith.constant 2 : i32
    %gt3A_257 = arith.cmpi sgt, %while3A_198, %gt3A_256 : i32
    %convert_element_type3A_258 = arith.extui %gt3A_257 : i1 to i32
    %cond3A_259 = arith.constant 0 : i32
    %cond3A_260 = arith.cmpi ne, %convert_element_type3A_258, %cond3A_259 : i32
    scf.if %cond3A_260 {
      %dma_wait3A = arith.constant 2 : i32
      %dma_wait3A_342 = arith.constant 2 : i32
      %dma_wait3A_343 = arith.constant 2 : i32
      %dma_wait3A_344 = arith.constant 0 : i32
      %dma_wait3A_345 = tpu.memref_slice %arg20[%dma_wait3A, %dma_wait3A_344] : memref<12x128xf32, #tpu.memory_space<vmem>> -> memref<1x128xf32, #tpu.memory_space<vmem>>
      %dma_wait3A_346 = tpu.memref_squeeze %dma_wait3A_345 : memref<1x128xf32, #tpu.memory_space<vmem>> -> memref<128xf32, #tpu.memory_space<vmem>>
      %dma_wait3A_347 = arith.constant 0 : i32
      %dma_wait3A_348 = tpu.memref_slice %arg19[%dma_wait3A_342, %dma_wait3A_347] : memref<12x128xi32, #tpu.memory_space<vmem>> -> memref<1x128xi32, #tpu.memory_space<vmem>>
      %dma_wait3A_349 = tpu.memref_squeeze %dma_wait3A_348 : memref<1x128xi32, #tpu.memory_space<vmem>> -> memref<128xi32, #tpu.memory_space<vmem>>
      %dma_wait3A_350 = arith.constant 0 : i32
      %dma_wait3A_351 = tpu.memref_slice %arg26[%dma_wait3A_350] : memref<100352xf32, #tpu.memory_space<vmem_shared>> -> memref<100352xf32, #tpu.memory_space<vmem_shared>>
      %dma_wait3A_352 = tpu.memref_slice %arg29[%dma_wait3A_343] : memref<12x!tpu.dma_semaphore, #tpu.memory_space<semaphore_mem>> -> memref<1x!tpu.dma_semaphore, #tpu.memory_space<semaphore_mem>>
      %dma_wait3A_353 = tpu.memref_squeeze %dma_wait3A_352 : memref<1x!tpu.dma_semaphore, #tpu.memory_space<semaphore_mem>> -> memref<!tpu.dma_semaphore, #tpu.memory_space<semaphore_mem>>
      tpu.wait_indirect_dma semaphore(%dma_wait3A_353 : memref<!tpu.dma_semaphore, #tpu.memory_space<semaphore_mem>>) src(%dma_wait3A_346 : memref<128xf32, #tpu.memory_space<vmem>>) dst(%dma_wait3A_351 : memref<100352xf32, #tpu.memory_space<vmem_shared>>)
    } else {
    }
    %gt3A_261 = arith.constant 3 : i32
    %gt3A_262 = arith.cmpi sgt, %while3A_198, %gt3A_261 : i32
    %convert_element_type3A_263 = arith.extui %gt3A_262 : i1 to i32
    %cond3A_264 = arith.constant 0 : i32
    %cond3A_265 = arith.cmpi ne, %convert_element_type3A_263, %cond3A_264 : i32
    scf.if %cond3A_265 {
      %dma_wait3A = arith.constant 3 : i32
      %dma_wait3A_342 = arith.constant 3 : i32
      %dma_wait3A_343 = arith.constant 3 : i32
      %dma_wait3A_344 = arith.constant 0 : i32
      %dma_wait3A_345 = tpu.memref_slice %arg20[%dma_wait3A, %dma_wait3A_344] : memref<12x128xf32, #tpu.memory_space<vmem>> -> memref<1x128xf32, #tpu.memory_space<vmem>>
      %dma_wait3A_346 = tpu.memref_squeeze %dma_wait3A_345 : memref<1x128xf32, #tpu.memory_space<vmem>> -> memref<128xf32, #tpu.memory_space<vmem>>
      %dma_wait3A_347 = arith.constant 0 : i32
      %dma_wait3A_348 = tpu.memref_slice %arg19[%dma_wait3A_342, %dma_wait3A_347] : memref<12x128xi32, #tpu.memory_space<vmem>> -> memref<1x128xi32, #tpu.memory_space<vmem>>
      %dma_wait3A_349 = tpu.memref_squeeze %dma_wait3A_348 : memref<1x128xi32, #tpu.memory_space<vmem>> -> memref<128xi32, #tpu.memory_space<vmem>>
      %dma_wait3A_350 = arith.constant 0 : i32
      %dma_wait3A_351 = tpu.memref_slice %arg26[%dma_wait3A_350] : memref<100352xf32, #tpu.memory_space<vmem_shared>> -> memref<100352xf32, #tpu.memory_space<vmem_shared>>
      %dma_wait3A_352 = tpu.memref_slice %arg29[%dma_wait3A_343] : memref<12x!tpu.dma_semaphore, #tpu.memory_space<semaphore_mem>> -> memref<1x!tpu.dma_semaphore, #tpu.memory_space<semaphore_mem>>
      %dma_wait3A_353 = tpu.memref_squeeze %dma_wait3A_352 : memref<1x!tpu.dma_semaphore, #tpu.memory_space<semaphore_mem>> -> memref<!tpu.dma_semaphore, #tpu.memory_space<semaphore_mem>>
      tpu.wait_indirect_dma semaphore(%dma_wait3A_353 : memref<!tpu.dma_semaphore, #tpu.memory_space<semaphore_mem>>) src(%dma_wait3A_346 : memref<128xf32, #tpu.memory_space<vmem>>) dst(%dma_wait3A_351 : memref<100352xf32, #tpu.memory_space<vmem_shared>>)
    } else {
    }
    %gt3A_266 = arith.constant 4 : i32
    %gt3A_267 = arith.cmpi sgt, %while3A_198, %gt3A_266 : i32
    %convert_element_type3A_268 = arith.extui %gt3A_267 : i1 to i32
    %cond3A_269 = arith.constant 0 : i32
    %cond3A_270 = arith.cmpi ne, %convert_element_type3A_268, %cond3A_269 : i32
    scf.if %cond3A_270 {
      %dma_wait3A = arith.constant 4 : i32
      %dma_wait3A_342 = arith.constant 4 : i32
      %dma_wait3A_343 = arith.constant 4 : i32
      %dma_wait3A_344 = arith.constant 0 : i32
      %dma_wait3A_345 = tpu.memref_slice %arg20[%dma_wait3A, %dma_wait3A_344] : memref<12x128xf32, #tpu.memory_space<vmem>> -> memref<1x128xf32, #tpu.memory_space<vmem>>
      %dma_wait3A_346 = tpu.memref_squeeze %dma_wait3A_345 : memref<1x128xf32, #tpu.memory_space<vmem>> -> memref<128xf32, #tpu.memory_space<vmem>>
      %dma_wait3A_347 = arith.constant 0 : i32
      %dma_wait3A_348 = tpu.memref_slice %arg19[%dma_wait3A_342, %dma_wait3A_347] : memref<12x128xi32, #tpu.memory_space<vmem>> -> memref<1x128xi32, #tpu.memory_space<vmem>>
      %dma_wait3A_349 = tpu.memref_squeeze %dma_wait3A_348 : memref<1x128xi32, #tpu.memory_space<vmem>> -> memref<128xi32, #tpu.memory_space<vmem>>
      %dma_wait3A_350 = arith.constant 0 : i32
      %dma_wait3A_351 = tpu.memref_slice %arg26[%dma_wait3A_350] : memref<100352xf32, #tpu.memory_space<vmem_shared>> -> memref<100352xf32, #tpu.memory_space<vmem_shared>>
      %dma_wait3A_352 = tpu.memref_slice %arg29[%dma_wait3A_343] : memref<12x!tpu.dma_semaphore, #tpu.memory_space<semaphore_mem>> -> memref<1x!tpu.dma_semaphore, #tpu.memory_space<semaphore_mem>>
      %dma_wait3A_353 = tpu.memref_squeeze %dma_wait3A_352 : memref<1x!tpu.dma_semaphore, #tpu.memory_space<semaphore_mem>> -> memref<!tpu.dma_semaphore, #tpu.memory_space<semaphore_mem>>
      tpu.wait_indirect_dma semaphore(%dma_wait3A_353 : memref<!tpu.dma_semaphore, #tpu.memory_space<semaphore_mem>>) src(%dma_wait3A_346 : memref<128xf32, #tpu.memory_space<vmem>>) dst(%dma_wait3A_351 : memref<100352xf32, #tpu.memory_space<vmem_shared>>)
    } else {
    }
    %gt3A_271 = arith.constant 5 : i32
    %gt3A_272 = arith.cmpi sgt, %while3A_198, %gt3A_271 : i32
    %convert_element_type3A_273 = arith.extui %gt3A_272 : i1 to i32
    %cond3A_274 = arith.constant 0 : i32
    %cond3A_275 = arith.cmpi ne, %convert_element_type3A_273, %cond3A_274 : i32
    scf.if %cond3A_275 {
      %dma_wait3A = arith.constant 5 : i32
      %dma_wait3A_342 = arith.constant 5 : i32
      %dma_wait3A_343 = arith.constant 5 : i32
      %dma_wait3A_344 = arith.constant 0 : i32
      %dma_wait3A_345 = tpu.memref_slice %arg20[%dma_wait3A, %dma_wait3A_344] : memref<12x128xf32, #tpu.memory_space<vmem>> -> memref<1x128xf32, #tpu.memory_space<vmem>>
      %dma_wait3A_346 = tpu.memref_squeeze %dma_wait3A_345 : memref<1x128xf32, #tpu.memory_space<vmem>> -> memref<128xf32, #tpu.memory_space<vmem>>
      %dma_wait3A_347 = arith.constant 0 : i32
      %dma_wait3A_348 = tpu.memref_slice %arg19[%dma_wait3A_342, %dma_wait3A_347] : memref<12x128xi32, #tpu.memory_space<vmem>> -> memref<1x128xi32, #tpu.memory_space<vmem>>
      %dma_wait3A_349 = tpu.memref_squeeze %dma_wait3A_348 : memref<1x128xi32, #tpu.memory_space<vmem>> -> memref<128xi32, #tpu.memory_space<vmem>>
      %dma_wait3A_350 = arith.constant 0 : i32
      %dma_wait3A_351 = tpu.memref_slice %arg26[%dma_wait3A_350] : memref<100352xf32, #tpu.memory_space<vmem_shared>> -> memref<100352xf32, #tpu.memory_space<vmem_shared>>
      %dma_wait3A_352 = tpu.memref_slice %arg29[%dma_wait3A_343] : memref<12x!tpu.dma_semaphore, #tpu.memory_space<semaphore_mem>> -> memref<1x!tpu.dma_semaphore, #tpu.memory_space<semaphore_mem>>
      %dma_wait3A_353 = tpu.memref_squeeze %dma_wait3A_352 : memref<1x!tpu.dma_semaphore, #tpu.memory_space<semaphore_mem>> -> memref<!tpu.dma_semaphore, #tpu.memory_space<semaphore_mem>>
      tpu.wait_indirect_dma semaphore(%dma_wait3A_353 : memref<!tpu.dma_semaphore, #tpu.memory_space<semaphore_mem>>) src(%dma_wait3A_346 : memref<128xf32, #tpu.memory_space<vmem>>) dst(%dma_wait3A_351 : memref<100352xf32, #tpu.memory_space<vmem_shared>>)
    } else {
    }
    %gt3A_276 = arith.constant 6 : i32
    %gt3A_277 = arith.cmpi sgt, %while3A_198, %gt3A_276 : i32
    %convert_element_type3A_278 = arith.extui %gt3A_277 : i1 to i32
    %cond3A_279 = arith.constant 0 : i32
    %cond3A_280 = arith.cmpi ne, %convert_element_type3A_278, %cond3A_279 : i32
    scf.if %cond3A_280 {
      %dma_wait3A = arith.constant 6 : i32
      %dma_wait3A_342 = arith.constant 6 : i32
      %dma_wait3A_343 = arith.constant 6 : i32
      %dma_wait3A_344 = arith.constant 0 : i32
      %dma_wait3A_345 = tpu.memref_slice %arg20[%dma_wait3A, %dma_wait3A_344] : memref<12x128xf32, #tpu.memory_space<vmem>> -> memref<1x128xf32, #tpu.memory_space<vmem>>
      %dma_wait3A_346 = tpu.memref_squeeze %dma_wait3A_345 : memref<1x128xf32, #tpu.memory_space<vmem>> -> memref<128xf32, #tpu.memory_space<vmem>>
      %dma_wait3A_347 = arith.constant 0 : i32
      %dma_wait3A_348 = tpu.memref_slice %arg19[%dma_wait3A_342, %dma_wait3A_347] : memref<12x128xi32, #tpu.memory_space<vmem>> -> memref<1x128xi32, #tpu.memory_space<vmem>>
      %dma_wait3A_349 = tpu.memref_squeeze %dma_wait3A_348 : memref<1x128xi32, #tpu.memory_space<vmem>> -> memref<128xi32, #tpu.memory_space<vmem>>
      %dma_wait3A_350 = arith.constant 0 : i32
      %dma_wait3A_351 = tpu.memref_slice %arg26[%dma_wait3A_350] : memref<100352xf32, #tpu.memory_space<vmem_shared>> -> memref<100352xf32, #tpu.memory_space<vmem_shared>>
      %dma_wait3A_352 = tpu.memref_slice %arg29[%dma_wait3A_343] : memref<12x!tpu.dma_semaphore, #tpu.memory_space<semaphore_mem>> -> memref<1x!tpu.dma_semaphore, #tpu.memory_space<semaphore_mem>>
      %dma_wait3A_353 = tpu.memref_squeeze %dma_wait3A_352 : memref<1x!tpu.dma_semaphore, #tpu.memory_space<semaphore_mem>> -> memref<!tpu.dma_semaphore, #tpu.memory_space<semaphore_mem>>
      tpu.wait_indirect_dma semaphore(%dma_wait3A_353 : memref<!tpu.dma_semaphore, #tpu.memory_space<semaphore_mem>>) src(%dma_wait3A_346 : memref<128xf32, #tpu.memory_space<vmem>>) dst(%dma_wait3A_351 : memref<100352xf32, #tpu.memory_space<vmem_shared>>)
    } else {
    }
    %gt3A_281 = arith.constant 7 : i32
    %gt3A_282 = arith.cmpi sgt, %while3A_198, %gt3A_281 : i32
    %convert_element_type3A_283 = arith.extui %gt3A_282 : i1 to i32
    %cond3A_284 = arith.constant 0 : i32
    %cond3A_285 = arith.cmpi ne, %convert_element_type3A_283, %cond3A_284 : i32
    scf.if %cond3A_285 {
      %dma_wait3A = arith.constant 7 : i32
      %dma_wait3A_342 = arith.constant 7 : i32
      %dma_wait3A_343 = arith.constant 7 : i32
      %dma_wait3A_344 = arith.constant 0 : i32
      %dma_wait3A_345 = tpu.memref_slice %arg20[%dma_wait3A, %dma_wait3A_344] : memref<12x128xf32, #tpu.memory_space<vmem>> -> memref<1x128xf32, #tpu.memory_space<vmem>>
      %dma_wait3A_346 = tpu.memref_squeeze %dma_wait3A_345 : memref<1x128xf32, #tpu.memory_space<vmem>> -> memref<128xf32, #tpu.memory_space<vmem>>
      %dma_wait3A_347 = arith.constant 0 : i32
      %dma_wait3A_348 = tpu.memref_slice %arg19[%dma_wait3A_342, %dma_wait3A_347] : memref<12x128xi32, #tpu.memory_space<vmem>> -> memref<1x128xi32, #tpu.memory_space<vmem>>
      %dma_wait3A_349 = tpu.memref_squeeze %dma_wait3A_348 : memref<1x128xi32, #tpu.memory_space<vmem>> -> memref<128xi32, #tpu.memory_space<vmem>>
      %dma_wait3A_350 = arith.constant 0 : i32
      %dma_wait3A_351 = tpu.memref_slice %arg26[%dma_wait3A_350] : memref<100352xf32, #tpu.memory_space<vmem_shared>> -> memref<100352xf32, #tpu.memory_space<vmem_shared>>
      %dma_wait3A_352 = tpu.memref_slice %arg29[%dma_wait3A_343] : memref<12x!tpu.dma_semaphore, #tpu.memory_space<semaphore_mem>> -> memref<1x!tpu.dma_semaphore, #tpu.memory_space<semaphore_mem>>
      %dma_wait3A_353 = tpu.memref_squeeze %dma_wait3A_352 : memref<1x!tpu.dma_semaphore, #tpu.memory_space<semaphore_mem>> -> memref<!tpu.dma_semaphore, #tpu.memory_space<semaphore_mem>>
      tpu.wait_indirect_dma semaphore(%dma_wait3A_353 : memref<!tpu.dma_semaphore, #tpu.memory_space<semaphore_mem>>) src(%dma_wait3A_346 : memref<128xf32, #tpu.memory_space<vmem>>) dst(%dma_wait3A_351 : memref<100352xf32, #tpu.memory_space<vmem_shared>>)
    } else {
    }
    %gt3A_286 = arith.constant 8 : i32
    %gt3A_287 = arith.cmpi sgt, %while3A_198, %gt3A_286 : i32
    %convert_element_type3A_288 = arith.extui %gt3A_287 : i1 to i32
    %cond3A_289 = arith.constant 0 : i32
    %cond3A_290 = arith.cmpi ne, %convert_element_type3A_288, %cond3A_289 : i32
    scf.if %cond3A_290 {
      %dma_wait3A = arith.constant 8 : i32
      %dma_wait3A_342 = arith.constant 8 : i32
      %dma_wait3A_343 = arith.constant 8 : i32
      %dma_wait3A_344 = arith.constant 0 : i32
      %dma_wait3A_345 = tpu.memref_slice %arg20[%dma_wait3A, %dma_wait3A_344] : memref<12x128xf32, #tpu.memory_space<vmem>> -> memref<1x128xf32, #tpu.memory_space<vmem>>
      %dma_wait3A_346 = tpu.memref_squeeze %dma_wait3A_345 : memref<1x128xf32, #tpu.memory_space<vmem>> -> memref<128xf32, #tpu.memory_space<vmem>>
      %dma_wait3A_347 = arith.constant 0 : i32
      %dma_wait3A_348 = tpu.memref_slice %arg19[%dma_wait3A_342, %dma_wait3A_347] : memref<12x128xi32, #tpu.memory_space<vmem>> -> memref<1x128xi32, #tpu.memory_space<vmem>>
      %dma_wait3A_349 = tpu.memref_squeeze %dma_wait3A_348 : memref<1x128xi32, #tpu.memory_space<vmem>> -> memref<128xi32, #tpu.memory_space<vmem>>
      %dma_wait3A_350 = arith.constant 0 : i32
      %dma_wait3A_351 = tpu.memref_slice %arg26[%dma_wait3A_350] : memref<100352xf32, #tpu.memory_space<vmem_shared>> -> memref<100352xf32, #tpu.memory_space<vmem_shared>>
      %dma_wait3A_352 = tpu.memref_slice %arg29[%dma_wait3A_343] : memref<12x!tpu.dma_semaphore, #tpu.memory_space<semaphore_mem>> -> memref<1x!tpu.dma_semaphore, #tpu.memory_space<semaphore_mem>>
      %dma_wait3A_353 = tpu.memref_squeeze %dma_wait3A_352 : memref<1x!tpu.dma_semaphore, #tpu.memory_space<semaphore_mem>> -> memref<!tpu.dma_semaphore, #tpu.memory_space<semaphore_mem>>
      tpu.wait_indirect_dma semaphore(%dma_wait3A_353 : memref<!tpu.dma_semaphore, #tpu.memory_space<semaphore_mem>>) src(%dma_wait3A_346 : memref<128xf32, #tpu.memory_space<vmem>>) dst(%dma_wait3A_351 : memref<100352xf32, #tpu.memory_space<vmem_shared>>)
    } else {
    }
    %gt3A_291 = arith.constant 9 : i32
    %gt3A_292 = arith.cmpi sgt, %while3A_198, %gt3A_291 : i32
    %convert_element_type3A_293 = arith.extui %gt3A_292 : i1 to i32
    %cond3A_294 = arith.constant 0 : i32
    %cond3A_295 = arith.cmpi ne, %convert_element_type3A_293, %cond3A_294 : i32
    scf.if %cond3A_295 {
      %dma_wait3A = arith.constant 9 : i32
      %dma_wait3A_342 = arith.constant 9 : i32
      %dma_wait3A_343 = arith.constant 9 : i32
      %dma_wait3A_344 = arith.constant 0 : i32
      %dma_wait3A_345 = tpu.memref_slice %arg20[%dma_wait3A, %dma_wait3A_344] : memref<12x128xf32, #tpu.memory_space<vmem>> -> memref<1x128xf32, #tpu.memory_space<vmem>>
      %dma_wait3A_346 = tpu.memref_squeeze %dma_wait3A_345 : memref<1x128xf32, #tpu.memory_space<vmem>> -> memref<128xf32, #tpu.memory_space<vmem>>
      %dma_wait3A_347 = arith.constant 0 : i32
      %dma_wait3A_348 = tpu.memref_slice %arg19[%dma_wait3A_342, %dma_wait3A_347] : memref<12x128xi32, #tpu.memory_space<vmem>> -> memref<1x128xi32, #tpu.memory_space<vmem>>
      %dma_wait3A_349 = tpu.memref_squeeze %dma_wait3A_348 : memref<1x128xi32, #tpu.memory_space<vmem>> -> memref<128xi32, #tpu.memory_space<vmem>>
      %dma_wait3A_350 = arith.constant 0 : i32
      %dma_wait3A_351 = tpu.memref_slice %arg26[%dma_wait3A_350] : memref<100352xf32, #tpu.memory_space<vmem_shared>> -> memref<100352xf32, #tpu.memory_space<vmem_shared>>
      %dma_wait3A_352 = tpu.memref_slice %arg29[%dma_wait3A_343] : memref<12x!tpu.dma_semaphore, #tpu.memory_space<semaphore_mem>> -> memref<1x!tpu.dma_semaphore, #tpu.memory_space<semaphore_mem>>
      %dma_wait3A_353 = tpu.memref_squeeze %dma_wait3A_352 : memref<1x!tpu.dma_semaphore, #tpu.memory_space<semaphore_mem>> -> memref<!tpu.dma_semaphore, #tpu.memory_space<semaphore_mem>>
      tpu.wait_indirect_dma semaphore(%dma_wait3A_353 : memref<!tpu.dma_semaphore, #tpu.memory_space<semaphore_mem>>) src(%dma_wait3A_346 : memref<128xf32, #tpu.memory_space<vmem>>) dst(%dma_wait3A_351 : memref<100352xf32, #tpu.memory_space<vmem_shared>>)
    } else {
    }
    %gt3A_296 = arith.constant 10 : i32
    %gt3A_297 = arith.cmpi sgt, %while3A_198, %gt3A_296 : i32
    %convert_element_type3A_298 = arith.extui %gt3A_297 : i1 to i32
    %cond3A_299 = arith.constant 0 : i32
    %cond3A_300 = arith.cmpi ne, %convert_element_type3A_298, %cond3A_299 : i32
    scf.if %cond3A_300 {
      %dma_wait3A = arith.constant 10 : i32
      %dma_wait3A_342 = arith.constant 10 : i32
      %dma_wait3A_343 = arith.constant 10 : i32
      %dma_wait3A_344 = arith.constant 0 : i32
      %dma_wait3A_345 = tpu.memref_slice %arg20[%dma_wait3A, %dma_wait3A_344] : memref<12x128xf32, #tpu.memory_space<vmem>> -> memref<1x128xf32, #tpu.memory_space<vmem>>
      %dma_wait3A_346 = tpu.memref_squeeze %dma_wait3A_345 : memref<1x128xf32, #tpu.memory_space<vmem>> -> memref<128xf32, #tpu.memory_space<vmem>>
      %dma_wait3A_347 = arith.constant 0 : i32
      %dma_wait3A_348 = tpu.memref_slice %arg19[%dma_wait3A_342, %dma_wait3A_347] : memref<12x128xi32, #tpu.memory_space<vmem>> -> memref<1x128xi32, #tpu.memory_space<vmem>>
      %dma_wait3A_349 = tpu.memref_squeeze %dma_wait3A_348 : memref<1x128xi32, #tpu.memory_space<vmem>> -> memref<128xi32, #tpu.memory_space<vmem>>
      %dma_wait3A_350 = arith.constant 0 : i32
      %dma_wait3A_351 = tpu.memref_slice %arg26[%dma_wait3A_350] : memref<100352xf32, #tpu.memory_space<vmem_shared>> -> memref<100352xf32, #tpu.memory_space<vmem_shared>>
      %dma_wait3A_352 = tpu.memref_slice %arg29[%dma_wait3A_343] : memref<12x!tpu.dma_semaphore, #tpu.memory_space<semaphore_mem>> -> memref<1x!tpu.dma_semaphore, #tpu.memory_space<semaphore_mem>>
      %dma_wait3A_353 = tpu.memref_squeeze %dma_wait3A_352 : memref<1x!tpu.dma_semaphore, #tpu.memory_space<semaphore_mem>> -> memref<!tpu.dma_semaphore, #tpu.memory_space<semaphore_mem>>
      tpu.wait_indirect_dma semaphore(%dma_wait3A_353 : memref<!tpu.dma_semaphore, #tpu.memory_space<semaphore_mem>>) src(%dma_wait3A_346 : memref<128xf32, #tpu.memory_space<vmem>>) dst(%dma_wait3A_351 : memref<100352xf32, #tpu.memory_space<vmem_shared>>)
    } else {
    }
    %gt3A_301 = arith.constant 11 : i32
    %gt3A_302 = arith.cmpi sgt, %while3A_198, %gt3A_301 : i32
    %convert_element_type3A_303 = arith.extui %gt3A_302 : i1 to i32
    %cond3A_304 = arith.constant 0 : i32
    %cond3A_305 = arith.cmpi ne, %convert_element_type3A_303, %cond3A_304 : i32
    scf.if %cond3A_305 {
      %dma_wait3A = arith.constant 11 : i32
      %dma_wait3A_342 = arith.constant 11 : i32
      %dma_wait3A_343 = arith.constant 11 : i32
      %dma_wait3A_344 = arith.constant 0 : i32
      %dma_wait3A_345 = tpu.memref_slice %arg20[%dma_wait3A, %dma_wait3A_344] : memref<12x128xf32, #tpu.memory_space<vmem>> -> memref<1x128xf32, #tpu.memory_space<vmem>>
      %dma_wait3A_346 = tpu.memref_squeeze %dma_wait3A_345 : memref<1x128xf32, #tpu.memory_space<vmem>> -> memref<128xf32, #tpu.memory_space<vmem>>
      %dma_wait3A_347 = arith.constant 0 : i32
      %dma_wait3A_348 = tpu.memref_slice %arg19[%dma_wait3A_342, %dma_wait3A_347] : memref<12x128xi32, #tpu.memory_space<vmem>> -> memref<1x128xi32, #tpu.memory_space<vmem>>
      %dma_wait3A_349 = tpu.memref_squeeze %dma_wait3A_348 : memref<1x128xi32, #tpu.memory_space<vmem>> -> memref<128xi32, #tpu.memory_space<vmem>>
      %dma_wait3A_350 = arith.constant 0 : i32
      %dma_wait3A_351 = tpu.memref_slice %arg26[%dma_wait3A_350] : memref<100352xf32, #tpu.memory_space<vmem_shared>> -> memref<100352xf32, #tpu.memory_space<vmem_shared>>
      %dma_wait3A_352 = tpu.memref_slice %arg29[%dma_wait3A_343] : memref<12x!tpu.dma_semaphore, #tpu.memory_space<semaphore_mem>> -> memref<1x!tpu.dma_semaphore, #tpu.memory_space<semaphore_mem>>
      %dma_wait3A_353 = tpu.memref_squeeze %dma_wait3A_352 : memref<1x!tpu.dma_semaphore, #tpu.memory_space<semaphore_mem>> -> memref<!tpu.dma_semaphore, #tpu.memory_space<semaphore_mem>>
      tpu.wait_indirect_dma semaphore(%dma_wait3A_353 : memref<!tpu.dma_semaphore, #tpu.memory_space<semaphore_mem>>) src(%dma_wait3A_346 : memref<128xf32, #tpu.memory_space<vmem>>) dst(%dma_wait3A_351 : memref<100352xf32, #tpu.memory_space<vmem_shared>>)
    } else {
    }
    %barrier3A_306 = arith.constant 0 : index
    tpu.barrier barrier_id(%barrier3A_306)
    %mul3A_307 = arith.constant 256 : i32
    %mul3A_308 = arith.muli %arg1, %mul3A_307 : i32
    %add3A_309 = arith.constant 0 : i32
    %add3A_310 = arith.addi %mul3A_308, %add3A_309 : i32
    "tpu.region"() ({
      %run_scoped3A = tpu.sem_alloc : memref<!tpu.dma_semaphore, #tpu.memory_space<semaphore_mem>>
      %dma_start3A_342 = tpu.memref_slice %arg5[%add3A_310] : memref<4096xi32, #tpu.memory_space<hbm>> -> memref<128xi32, #tpu.memory_space<hbm>>
      %dma_start3A_343 = tpu.memref_slice %arg5[%add3A_310] : memref<4096xi32, #tpu.memory_space<hbm>> -> memref<128xi32, #tpu.memory_space<hbm>>
      tpu.enqueue_dma source(%dma_start3A_343 : memref<128xi32, #tpu.memory_space<hbm>>) target(%arg21 : memref<128xi32, #tpu.memory_space<vmem>>) target_semaphore(%run_scoped3A : memref<!tpu.dma_semaphore, #tpu.memory_space<semaphore_mem>>)
      %dma_wait3A = tpu.memref_slice %arg5[%add3A_310] : memref<4096xi32, #tpu.memory_space<hbm>> -> memref<128xi32, #tpu.memory_space<hbm>>
      %dma_wait3A_344 = tpu.memref_slice %arg5[%add3A_310] : memref<4096xi32, #tpu.memory_space<hbm>> -> memref<128xi32, #tpu.memory_space<hbm>>
      tpu.wait_dma2 semaphore(%run_scoped3A : memref<!tpu.dma_semaphore, #tpu.memory_space<semaphore_mem>>) src(%dma_wait3A_344 : memref<128xi32, #tpu.memory_space<hbm>>) dst(%arg21 : memref<128xi32, #tpu.memory_space<vmem>>)
      tpu.yield
    }) : () -> ()
    "tpu.region"() ({
      %run_scoped3A = tpu.sem_alloc : memref<!tpu.dma_semaphore, #tpu.memory_space<semaphore_mem>>
      %dma_start3A_342 = arith.constant 0 : i32
      %dma_start3A_343 = tpu.memref_slice %arg26[%dma_start3A_342] : memref<100352xf32, #tpu.memory_space<vmem_shared>> -> memref<100352xf32, #tpu.memory_space<vmem_shared>>
      tpu.enqueue_indirect_dma source(%dma_start3A_343 : memref<100352xf32, #tpu.memory_space<vmem_shared>>) target(%arg23 : memref<128xf32, #tpu.memory_space<vmem>>) offsets(%arg21 : memref<128xi32, #tpu.memory_space<vmem>>) semaphore(%run_scoped3A : memref<!tpu.dma_semaphore, #tpu.memory_space<semaphore_mem>>)
      %dma_wait3A = arith.constant 0 : i32
      %dma_wait3A_344 = tpu.memref_slice %arg26[%dma_wait3A] : memref<100352xf32, #tpu.memory_space<vmem_shared>> -> memref<100352xf32, #tpu.memory_space<vmem_shared>>
      tpu.wait_indirect_dma semaphore(%run_scoped3A : memref<!tpu.dma_semaphore, #tpu.memory_space<semaphore_mem>>) src(%dma_wait3A_344 : memref<100352xf32, #tpu.memory_space<vmem_shared>>) dst(%arg23 : memref<128xf32, #tpu.memory_space<vmem>>)
      tpu.yield
    }) : () -> ()
    "tpu.region"() ({
      %run_scoped3A = tpu.sem_alloc : memref<!tpu.dma_semaphore, #tpu.memory_space<semaphore_mem>>
      %dma_start3A_342 = tpu.memref_slice %arg9[%arg0, %add3A_310] : memref<2x4096xf32, #tpu.memory_space<hbm>> -> memref<1x128xf32, #tpu.memory_space<hbm>>
      %dma_start3A_343 = tpu.memref_squeeze %dma_start3A_342 : memref<1x128xf32, #tpu.memory_space<hbm>> -> memref<128xf32, #tpu.memory_space<hbm>>
      %dma_start3A_344 = tpu.memref_slice %arg9[%arg0, %add3A_310] : memref<2x4096xf32, #tpu.memory_space<hbm>> -> memref<1x128xf32, #tpu.memory_space<hbm>>
      %dma_start3A_345 = tpu.memref_squeeze %dma_start3A_344 : memref<1x128xf32, #tpu.memory_space<hbm>> -> memref<128xf32, #tpu.memory_space<hbm>>
      tpu.enqueue_dma source(%arg23 : memref<128xf32, #tpu.memory_space<vmem>>) target(%dma_start3A_345 : memref<128xf32, #tpu.memory_space<hbm>>) target_semaphore(%run_scoped3A : memref<!tpu.dma_semaphore, #tpu.memory_space<semaphore_mem>>)
      %dma_wait3A = tpu.memref_slice %arg9[%arg0, %add3A_310] : memref<2x4096xf32, #tpu.memory_space<hbm>> -> memref<1x128xf32, #tpu.memory_space<hbm>>
      %dma_wait3A_346 = tpu.memref_squeeze %dma_wait3A : memref<1x128xf32, #tpu.memory_space<hbm>> -> memref<128xf32, #tpu.memory_space<hbm>>
      %dma_wait3A_347 = tpu.memref_slice %arg9[%arg0, %add3A_310] : memref<2x4096xf32, #tpu.memory_space<hbm>> -> memref<1x128xf32, #tpu.memory_space<hbm>>
      %dma_wait3A_348 = tpu.memref_squeeze %dma_wait3A_347 : memref<1x128xf32, #tpu.memory_space<hbm>> -> memref<128xf32, #tpu.memory_space<hbm>>
      tpu.wait_dma2 semaphore(%run_scoped3A : memref<!tpu.dma_semaphore, #tpu.memory_space<semaphore_mem>>) src(%arg23 : memref<128xf32, #tpu.memory_space<vmem>>) dst(%dma_wait3A_348 : memref<128xf32, #tpu.memory_space<hbm>>)
      tpu.yield
    }) : () -> ()
    %eq3A = arith.constant 0 : i32
    %eq3A_311 = arith.cmpi eq, %arg0, %eq3A : i32
    %convert_element_type3A_312 = arith.extui %eq3A_311 : i1 to i32
    %cond3A_313 = arith.constant 0 : i32
    %cond3A_314 = arith.cmpi ne, %convert_element_type3A_312, %cond3A_313 : i32
    scf.if %cond3A_314 {
      "tpu.region"() ({
        %run_scoped3A = tpu.sem_alloc : memref<!tpu.dma_semaphore, #tpu.memory_space<semaphore_mem>>
        %dma_start3A_398 = arith.constant 0 : i32
        %dma_start3A_399 = tpu.memref_slice %arg4[%dma_start3A_398] : memref<100000xf32, #tpu.memory_space<hbm>> -> memref<100000xf32, #tpu.memory_space<hbm>>
        tpu.enqueue_indirect_dma source(%dma_start3A_399 : memref<100000xf32, #tpu.memory_space<hbm>>) target(%arg22 : memref<128xf32, #tpu.memory_space<vmem>>) offsets(%arg21 : memref<128xi32, #tpu.memory_space<vmem>>) semaphore(%run_scoped3A : memref<!tpu.dma_semaphore, #tpu.memory_space<semaphore_mem>>)
        %dma_wait3A = arith.constant 0 : i32
        %dma_wait3A_400 = tpu.memref_slice %arg4[%dma_wait3A] : memref<100000xf32, #tpu.memory_space<hbm>> -> memref<100000xf32, #tpu.memory_space<hbm>>
        tpu.wait_indirect_dma semaphore(%run_scoped3A : memref<!tpu.dma_semaphore, #tpu.memory_space<semaphore_mem>>) src(%dma_wait3A_400 : memref<100000xf32, #tpu.memory_space<hbm>>) dst(%arg22 : memref<128xf32, #tpu.memory_space<vmem>>)
        tpu.yield
      }) : () -> ()
      "tpu.region"() ({
        %run_scoped3A = tpu.sem_alloc : memref<!tpu.dma_semaphore, #tpu.memory_space<semaphore_mem>>
        %dma_start3A_398 = arith.constant 0 : i32
        %dma_start3A_399 = tpu.memref_slice %arg3[%dma_start3A_398] : memref<100000xf32, #tpu.memory_space<hbm>> -> memref<100000xf32, #tpu.memory_space<hbm>>
        tpu.enqueue_indirect_dma source(%dma_start3A_399 : memref<100000xf32, #tpu.memory_space<hbm>>) target(%arg24 : memref<128xf32, #tpu.memory_space<vmem>>) offsets(%arg21 : memref<128xi32, #tpu.memory_space<vmem>>) semaphore(%run_scoped3A : memref<!tpu.dma_semaphore, #tpu.memory_space<semaphore_mem>>)
        %dma_wait3A = arith.constant 0 : i32
        %dma_wait3A_400 = tpu.memref_slice %arg3[%dma_wait3A] : memref<100000xf32, #tpu.memory_space<hbm>> -> memref<100000xf32, #tpu.memory_space<hbm>>
        tpu.wait_indirect_dma semaphore(%run_scoped3A : memref<!tpu.dma_semaphore, #tpu.memory_space<semaphore_mem>>) src(%dma_wait3A_400 : memref<100000xf32, #tpu.memory_space<hbm>>) dst(%arg24 : memref<128xf32, #tpu.memory_space<vmem>>)
        tpu.yield
      }) : () -> ()
      %get3A_342 = arith.constant 0 : index
      %get3A_343 = tpu.vector_load %arg24[%get3A_342] {strides = array<i32>} : memref<128xf32, #tpu.memory_space<vmem>>, vector<16xf32>,
      %get3A_344 = arith.constant 0 : index
      %get3A_345 = tpu.vector_load %arg22[%get3A_344] {strides = array<i32>} : memref<128xf32, #tpu.memory_space<vmem>>, vector<16xf32>,
      %mul3A_346 = arith.mulf %get3A_343, %get3A_345 : vector<16xf32>
      %swap3A_347 = arith.constant 0 : index
      %swap3A_348 = tpu.vector_load %arg25[%swap3A_347] {strides = array<i32>} : memref<128xf32, #tpu.memory_space<vmem>>, vector<16xf32>,
      tpu.vector_store %arg25[%swap3A_347], %mul3A_346 {strides = array<i32>} : memref<128xf32, #tpu.memory_space<vmem>>, vector<16xf32>,
      %get3A_349 = arith.constant 16 : index
      %get3A_350 = tpu.vector_load %arg24[%get3A_349] {strides = array<i32>} : memref<128xf32, #tpu.memory_space<vmem>>, vector<16xf32>,
      %get3A_351 = arith.constant 16 : index
      %get3A_352 = tpu.vector_load %arg22[%get3A_351] {strides = array<i32>} : memref<128xf32, #tpu.memory_space<vmem>>, vector<16xf32>,
      %mul3A_353 = arith.mulf %get3A_350, %get3A_352 : vector<16xf32>
      %swap3A_354 = arith.constant 16 : index
      %swap3A_355 = tpu.vector_load %arg25[%swap3A_354] {strides = array<i32>} : memref<128xf32, #tpu.memory_space<vmem>>, vector<16xf32>,
      tpu.vector_store %arg25[%swap3A_354], %mul3A_353 {strides = array<i32>} : memref<128xf32, #tpu.memory_space<vmem>>, vector<16xf32>,
      %get3A_356 = arith.constant 32 : index
      %get3A_357 = tpu.vector_load %arg24[%get3A_356] {strides = array<i32>} : memref<128xf32, #tpu.memory_space<vmem>>, vector<16xf32>,
      %get3A_358 = arith.constant 32 : index
      %get3A_359 = tpu.vector_load %arg22[%get3A_358] {strides = array<i32>} : memref<128xf32, #tpu.memory_space<vmem>>, vector<16xf32>,
      %mul3A_360 = arith.mulf %get3A_357, %get3A_359 : vector<16xf32>
      %swap3A_361 = arith.constant 32 : index
      %swap3A_362 = tpu.vector_load %arg25[%swap3A_361] {strides = array<i32>} : memref<128xf32, #tpu.memory_space<vmem>>, vector<16xf32>,
      tpu.vector_store %arg25[%swap3A_361], %mul3A_360 {strides = array<i32>} : memref<128xf32, #tpu.memory_space<vmem>>, vector<16xf32>,
      %get3A_363 = arith.constant 48 : index
      %get3A_364 = tpu.vector_load %arg24[%get3A_363] {strides = array<i32>} : memref<128xf32, #tpu.memory_space<vmem>>, vector<16xf32>,
      %get3A_365 = arith.constant 48 : index
      %get3A_366 = tpu.vector_load %arg22[%get3A_365] {strides = array<i32>} : memref<128xf32, #tpu.memory_space<vmem>>, vector<16xf32>,
      %mul3A_367 = arith.mulf %get3A_364, %get3A_366 : vector<16xf32>
      %swap3A_368 = arith.constant 48 : index
      %swap3A_369 = tpu.vector_load %arg25[%swap3A_368] {strides = array<i32>} : memref<128xf32, #tpu.memory_space<vmem>>, vector<16xf32>,
      tpu.vector_store %arg25[%swap3A_368], %mul3A_367 {strides = array<i32>} : memref<128xf32, #tpu.memory_space<vmem>>, vector<16xf32>,
      %get3A_370 = arith.constant 64 : index
      %get3A_371 = tpu.vector_load %arg24[%get3A_370] {strides = array<i32>} : memref<128xf32, #tpu.memory_space<vmem>>, vector<16xf32>,
      %get3A_372 = arith.constant 64 : index
      %get3A_373 = tpu.vector_load %arg22[%get3A_372] {strides = array<i32>} : memref<128xf32, #tpu.memory_space<vmem>>, vector<16xf32>,
      %mul3A_374 = arith.mulf %get3A_371, %get3A_373 : vector<16xf32>
      %swap3A_375 = arith.constant 64 : index
      %swap3A_376 = tpu.vector_load %arg25[%swap3A_375] {strides = array<i32>} : memref<128xf32, #tpu.memory_space<vmem>>, vector<16xf32>,
      tpu.vector_store %arg25[%swap3A_375], %mul3A_374 {strides = array<i32>} : memref<128xf32, #tpu.memory_space<vmem>>, vector<16xf32>,
      %get3A_377 = arith.constant 80 : index
      %get3A_378 = tpu.vector_load %arg24[%get3A_377] {strides = array<i32>} : memref<128xf32, #tpu.memory_space<vmem>>, vector<16xf32>,
      %get3A_379 = arith.constant 80 : index
      %get3A_380 = tpu.vector_load %arg22[%get3A_379] {strides = array<i32>} : memref<128xf32, #tpu.memory_space<vmem>>, vector<16xf32>,
      %mul3A_381 = arith.mulf %get3A_378, %get3A_380 : vector<16xf32>
      %swap3A_382 = arith.constant 80 : index
      %swap3A_383 = tpu.vector_load %arg25[%swap3A_382] {strides = array<i32>} : memref<128xf32, #tpu.memory_space<vmem>>, vector<16xf32>,
      tpu.vector_store %arg25[%swap3A_382], %mul3A_381 {strides = array<i32>} : memref<128xf32, #tpu.memory_space<vmem>>, vector<16xf32>,
      %get3A_384 = arith.constant 96 : index
      %get3A_385 = tpu.vector_load %arg24[%get3A_384] {strides = array<i32>} : memref<128xf32, #tpu.memory_space<vmem>>, vector<16xf32>,
      %get3A_386 = arith.constant 96 : index
      %get3A_387 = tpu.vector_load %arg22[%get3A_386] {strides = array<i32>} : memref<128xf32, #tpu.memory_space<vmem>>, vector<16xf32>,
      %mul3A_388 = arith.mulf %get3A_385, %get3A_387 : vector<16xf32>
      %swap3A_389 = arith.constant 96 : index
      %swap3A_390 = tpu.vector_load %arg25[%swap3A_389] {strides = array<i32>} : memref<128xf32, #tpu.memory_space<vmem>>, vector<16xf32>,
      tpu.vector_store %arg25[%swap3A_389], %mul3A_388 {strides = array<i32>} : memref<128xf32, #tpu.memory_space<vmem>>, vector<16xf32>,
      %get3A_391 = arith.constant 112 : index
      %get3A_392 = tpu.vector_load %arg24[%get3A_391] {strides = array<i32>} : memref<128xf32, #tpu.memory_space<vmem>>, vector<16xf32>,
      %get3A_393 = arith.constant 112 : index
      %get3A_394 = tpu.vector_load %arg22[%get3A_393] {strides = array<i32>} : memref<128xf32, #tpu.memory_space<vmem>>, vector<16xf32>,
      %mul3A_395 = arith.mulf %get3A_392, %get3A_394 : vector<16xf32>
      %swap3A_396 = arith.constant 112 : index
      %swap3A_397 = tpu.vector_load %arg25[%swap3A_396] {strides = array<i32>} : memref<128xf32, #tpu.memory_space<vmem>>, vector<16xf32>,
      tpu.vector_store %arg25[%swap3A_396], %mul3A_395 {strides = array<i32>} : memref<128xf32, #tpu.memory_space<vmem>>, vector<16xf32>,
      "tpu.region"() ({
        %run_scoped3A = tpu.sem_alloc : memref<!tpu.dma_semaphore, #tpu.memory_space<semaphore_mem>>
        %dma_start3A_398 = tpu.memref_slice %arg11[%add3A_310] : memref<4096xf32, #tpu.memory_space<hbm>> -> memref<128xf32, #tpu.memory_space<hbm>>
        %dma_start3A_399 = tpu.memref_slice %arg11[%add3A_310] : memref<4096xf32, #tpu.memory_space<hbm>> -> memref<128xf32, #tpu.memory_space<hbm>>
        tpu.enqueue_dma source(%arg25 : memref<128xf32, #tpu.memory_space<vmem>>) target(%dma_start3A_399 : memref<128xf32, #tpu.memory_space<hbm>>) target_semaphore(%run_scoped3A : memref<!tpu.dma_semaphore, #tpu.memory_space<semaphore_mem>>)
        %dma_wait3A = tpu.memref_slice %arg11[%add3A_310] : memref<4096xf32, #tpu.memory_space<hbm>> -> memref<128xf32, #tpu.memory_space<hbm>>
        %dma_wait3A_400 = tpu.memref_slice %arg11[%add3A_310] : memref<4096xf32, #tpu.memory_space<hbm>> -> memref<128xf32, #tpu.memory_space<hbm>>
        tpu.wait_dma2 semaphore(%run_scoped3A : memref<!tpu.dma_semaphore, #tpu.memory_space<semaphore_mem>>) src(%arg25 : memref<128xf32, #tpu.memory_space<vmem>>) dst(%dma_wait3A_400 : memref<128xf32, #tpu.memory_space<hbm>>)
        tpu.yield
      }) : () -> ()
    } else {
    }
    %mul3A_315 = arith.constant 256 : i32
    %mul3A_316 = arith.muli %arg1, %mul3A_315 : i32
    %add3A_317 = arith.constant 128 : i32
    %add3A_318 = arith.addi %mul3A_316, %add3A_317 : i32
    "tpu.region"() ({
      %run_scoped3A = tpu.sem_alloc : memref<!tpu.dma_semaphore, #tpu.memory_space<semaphore_mem>>
      %dma_start3A_342 = tpu.memref_slice %arg5[%add3A_318] : memref<4096xi32, #tpu.memory_space<hbm>> -> memref<128xi32, #tpu.memory_space<hbm>>
      %dma_start3A_343 = tpu.memref_slice %arg5[%add3A_318] : memref<4096xi32, #tpu.memory_space<hbm>> -> memref<128xi32, #tpu.memory_space<hbm>>
      tpu.enqueue_dma source(%dma_start3A_343 : memref<128xi32, #tpu.memory_space<hbm>>) target(%arg21 : memref<128xi32, #tpu.memory_space<vmem>>) target_semaphore(%run_scoped3A : memref<!tpu.dma_semaphore, #tpu.memory_space<semaphore_mem>>)
      %dma_wait3A = tpu.memref_slice %arg5[%add3A_318] : memref<4096xi32, #tpu.memory_space<hbm>> -> memref<128xi32, #tpu.memory_space<hbm>>
      %dma_wait3A_344 = tpu.memref_slice %arg5[%add3A_318] : memref<4096xi32, #tpu.memory_space<hbm>> -> memref<128xi32, #tpu.memory_space<hbm>>
      tpu.wait_dma2 semaphore(%run_scoped3A : memref<!tpu.dma_semaphore, #tpu.memory_space<semaphore_mem>>) src(%dma_wait3A_344 : memref<128xi32, #tpu.memory_space<hbm>>) dst(%arg21 : memref<128xi32, #tpu.memory_space<vmem>>)
      tpu.yield
    }) : () -> ()
    "tpu.region"() ({
      %run_scoped3A = tpu.sem_alloc : memref<!tpu.dma_semaphore, #tpu.memory_space<semaphore_mem>>
      %dma_start3A_342 = arith.constant 0 : i32
      %dma_start3A_343 = tpu.memref_slice %arg26[%dma_start3A_342] : memref<100352xf32, #tpu.memory_space<vmem_shared>> -> memref<100352xf32, #tpu.memory_space<vmem_shared>>
      tpu.enqueue_indirect_dma source(%dma_start3A_343 : memref<100352xf32, #tpu.memory_space<vmem_shared>>) target(%arg23 : memref<128xf32, #tpu.memory_space<vmem>>) offsets(%arg21 : memref<128xi32, #tpu.memory_space<vmem>>) semaphore(%run_scoped3A : memref<!tpu.dma_semaphore, #tpu.memory_space<semaphore_mem>>)
      %dma_wait3A = arith.constant 0 : i32
      %dma_wait3A_344 = tpu.memref_slice %arg26[%dma_wait3A] : memref<100352xf32, #tpu.memory_space<vmem_shared>> -> memref<100352xf32, #tpu.memory_space<vmem_shared>>
      tpu.wait_indirect_dma semaphore(%run_scoped3A : memref<!tpu.dma_semaphore, #tpu.memory_space<semaphore_mem>>) src(%dma_wait3A_344 : memref<100352xf32, #tpu.memory_space<vmem_shared>>) dst(%arg23 : memref<128xf32, #tpu.memory_space<vmem>>)
      tpu.yield
    }) : () -> ()
    "tpu.region"() ({
      %run_scoped3A = tpu.sem_alloc : memref<!tpu.dma_semaphore, #tpu.memory_space<semaphore_mem>>
      %dma_start3A_342 = tpu.memref_slice %arg9[%arg0, %add3A_318] : memref<2x4096xf32, #tpu.memory_space<hbm>> -> memref<1x128xf32, #tpu.memory_space<hbm>>
      %dma_start3A_343 = tpu.memref_squeeze %dma_start3A_342 : memref<1x128xf32, #tpu.memory_space<hbm>> -> memref<128xf32, #tpu.memory_space<hbm>>
      %dma_start3A_344 = tpu.memref_slice %arg9[%arg0, %add3A_318] : memref<2x4096xf32, #tpu.memory_space<hbm>> -> memref<1x128xf32, #tpu.memory_space<hbm>>
      %dma_start3A_345 = tpu.memref_squeeze %dma_start3A_344 : memref<1x128xf32, #tpu.memory_space<hbm>> -> memref<128xf32, #tpu.memory_space<hbm>>
      tpu.enqueue_dma source(%arg23 : memref<128xf32, #tpu.memory_space<vmem>>) target(%dma_start3A_345 : memref<128xf32, #tpu.memory_space<hbm>>) target_semaphore(%run_scoped3A : memref<!tpu.dma_semaphore, #tpu.memory_space<semaphore_mem>>)
      %dma_wait3A = tpu.memref_slice %arg9[%arg0, %add3A_318] : memref<2x4096xf32, #tpu.memory_space<hbm>> -> memref<1x128xf32, #tpu.memory_space<hbm>>
      %dma_wait3A_346 = tpu.memref_squeeze %dma_wait3A : memref<1x128xf32, #tpu.memory_space<hbm>> -> memref<128xf32, #tpu.memory_space<hbm>>
      %dma_wait3A_347 = tpu.memref_slice %arg9[%arg0, %add3A_318] : memref<2x4096xf32, #tpu.memory_space<hbm>> -> memref<1x128xf32, #tpu.memory_space<hbm>>
      %dma_wait3A_348 = tpu.memref_squeeze %dma_wait3A_347 : memref<1x128xf32, #tpu.memory_space<hbm>> -> memref<128xf32, #tpu.memory_space<hbm>>
      tpu.wait_dma2 semaphore(%run_scoped3A : memref<!tpu.dma_semaphore, #tpu.memory_space<semaphore_mem>>) src(%arg23 : memref<128xf32, #tpu.memory_space<vmem>>) dst(%dma_wait3A_348 : memref<128xf32, #tpu.memory_space<hbm>>)
      tpu.yield
    }) : () -> ()
    %eq3A_319 = arith.constant 0 : i32
    %eq3A_320 = arith.cmpi eq, %arg0, %eq3A_319 : i32
    %convert_element_type3A_321 = arith.extui %eq3A_320 : i1 to i32
    %cond3A_322 = arith.constant 0 : i32
    %cond3A_323 = arith.cmpi ne, %convert_element_type3A_321, %cond3A_322 : i32
    scf.if %cond3A_323 {
      "tpu.region"() ({
        %run_scoped3A = tpu.sem_alloc : memref<!tpu.dma_semaphore, #tpu.memory_space<semaphore_mem>>
        %dma_start3A_398 = arith.constant 0 : i32
        %dma_start3A_399 = tpu.memref_slice %arg4[%dma_start3A_398] : memref<100000xf32, #tpu.memory_space<hbm>> -> memref<100000xf32, #tpu.memory_space<hbm>>
        tpu.enqueue_indirect_dma source(%dma_start3A_399 : memref<100000xf32, #tpu.memory_space<hbm>>) target(%arg22 : memref<128xf32, #tpu.memory_space<vmem>>) offsets(%arg21 : memref<128xi32, #tpu.memory_space<vmem>>) semaphore(%run_scoped3A : memref<!tpu.dma_semaphore, #tpu.memory_space<semaphore_mem>>)
        %dma_wait3A = arith.constant 0 : i32
        %dma_wait3A_400 = tpu.memref_slice %arg4[%dma_wait3A] : memref<100000xf32, #tpu.memory_space<hbm>> -> memref<100000xf32, #tpu.memory_space<hbm>>
        tpu.wait_indirect_dma semaphore(%run_scoped3A : memref<!tpu.dma_semaphore, #tpu.memory_space<semaphore_mem>>) src(%dma_wait3A_400 : memref<100000xf32, #tpu.memory_space<hbm>>) dst(%arg22 : memref<128xf32, #tpu.memory_space<vmem>>)
        tpu.yield
      }) : () -> ()
      "tpu.region"() ({
        %run_scoped3A = tpu.sem_alloc : memref<!tpu.dma_semaphore, #tpu.memory_space<semaphore_mem>>
        %dma_start3A_398 = arith.constant 0 : i32
        %dma_start3A_399 = tpu.memref_slice %arg3[%dma_start3A_398] : memref<100000xf32, #tpu.memory_space<hbm>> -> memref<100000xf32, #tpu.memory_space<hbm>>
        tpu.enqueue_indirect_dma source(%dma_start3A_399 : memref<100000xf32, #tpu.memory_space<hbm>>) target(%arg24 : memref<128xf32, #tpu.memory_space<vmem>>) offsets(%arg21 : memref<128xi32, #tpu.memory_space<vmem>>) semaphore(%run_scoped3A : memref<!tpu.dma_semaphore, #tpu.memory_space<semaphore_mem>>)
        %dma_wait3A = arith.constant 0 : i32
        %dma_wait3A_400 = tpu.memref_slice %arg3[%dma_wait3A] : memref<100000xf32, #tpu.memory_space<hbm>> -> memref<100000xf32, #tpu.memory_space<hbm>>
        tpu.wait_indirect_dma semaphore(%run_scoped3A : memref<!tpu.dma_semaphore, #tpu.memory_space<semaphore_mem>>) src(%dma_wait3A_400 : memref<100000xf32, #tpu.memory_space<hbm>>) dst(%arg24 : memref<128xf32, #tpu.memory_space<vmem>>)
        tpu.yield
      }) : () -> ()
      %get3A_342 = arith.constant 0 : index
      %get3A_343 = tpu.vector_load %arg24[%get3A_342] {strides = array<i32>} : memref<128xf32, #tpu.memory_space<vmem>>, vector<16xf32>,
      %get3A_344 = arith.constant 0 : index
      %get3A_345 = tpu.vector_load %arg22[%get3A_344] {strides = array<i32>} : memref<128xf32, #tpu.memory_space<vmem>>, vector<16xf32>,
      %mul3A_346 = arith.mulf %get3A_343, %get3A_345 : vector<16xf32>
      %swap3A_347 = arith.constant 0 : index
      %swap3A_348 = tpu.vector_load %arg25[%swap3A_347] {strides = array<i32>} : memref<128xf32, #tpu.memory_space<vmem>>, vector<16xf32>,
      tpu.vector_store %arg25[%swap3A_347], %mul3A_346 {strides = array<i32>} : memref<128xf32, #tpu.memory_space<vmem>>, vector<16xf32>,
      %get3A_349 = arith.constant 16 : index
      %get3A_350 = tpu.vector_load %arg24[%get3A_349] {strides = array<i32>} : memref<128xf32, #tpu.memory_space<vmem>>, vector<16xf32>,
      %get3A_351 = arith.constant 16 : index
      %get3A_352 = tpu.vector_load %arg22[%get3A_351] {strides = array<i32>} : memref<128xf32, #tpu.memory_space<vmem>>, vector<16xf32>,
      %mul3A_353 = arith.mulf %get3A_350, %get3A_352 : vector<16xf32>
      %swap3A_354 = arith.constant 16 : index
      %swap3A_355 = tpu.vector_load %arg25[%swap3A_354] {strides = array<i32>} : memref<128xf32, #tpu.memory_space<vmem>>, vector<16xf32>,
      tpu.vector_store %arg25[%swap3A_354], %mul3A_353 {strides = array<i32>} : memref<128xf32, #tpu.memory_space<vmem>>, vector<16xf32>,
      %get3A_356 = arith.constant 32 : index
      %get3A_357 = tpu.vector_load %arg24[%get3A_356] {strides = array<i32>} : memref<128xf32, #tpu.memory_space<vmem>>, vector<16xf32>,
      %get3A_358 = arith.constant 32 : index
      %get3A_359 = tpu.vector_load %arg22[%get3A_358] {strides = array<i32>} : memref<128xf32, #tpu.memory_space<vmem>>, vector<16xf32>,
      %mul3A_360 = arith.mulf %get3A_357, %get3A_359 : vector<16xf32>
      %swap3A_361 = arith.constant 32 : index
      %swap3A_362 = tpu.vector_load %arg25[%swap3A_361] {strides = array<i32>} : memref<128xf32, #tpu.memory_space<vmem>>, vector<16xf32>,
      tpu.vector_store %arg25[%swap3A_361], %mul3A_360 {strides = array<i32>} : memref<128xf32, #tpu.memory_space<vmem>>, vector<16xf32>,
      %get3A_363 = arith.constant 48 : index
      %get3A_364 = tpu.vector_load %arg24[%get3A_363] {strides = array<i32>} : memref<128xf32, #tpu.memory_space<vmem>>, vector<16xf32>,
      %get3A_365 = arith.constant 48 : index
      %get3A_366 = tpu.vector_load %arg22[%get3A_365] {strides = array<i32>} : memref<128xf32, #tpu.memory_space<vmem>>, vector<16xf32>,
      %mul3A_367 = arith.mulf %get3A_364, %get3A_366 : vector<16xf32>
      %swap3A_368 = arith.constant 48 : index
      %swap3A_369 = tpu.vector_load %arg25[%swap3A_368] {strides = array<i32>} : memref<128xf32, #tpu.memory_space<vmem>>, vector<16xf32>,
      tpu.vector_store %arg25[%swap3A_368], %mul3A_367 {strides = array<i32>} : memref<128xf32, #tpu.memory_space<vmem>>, vector<16xf32>,
      %get3A_370 = arith.constant 64 : index
      %get3A_371 = tpu.vector_load %arg24[%get3A_370] {strides = array<i32>} : memref<128xf32, #tpu.memory_space<vmem>>, vector<16xf32>,
      %get3A_372 = arith.constant 64 : index
      %get3A_373 = tpu.vector_load %arg22[%get3A_372] {strides = array<i32>} : memref<128xf32, #tpu.memory_space<vmem>>, vector<16xf32>,
      %mul3A_374 = arith.mulf %get3A_371, %get3A_373 : vector<16xf32>
      %swap3A_375 = arith.constant 64 : index
      %swap3A_376 = tpu.vector_load %arg25[%swap3A_375] {strides = array<i32>} : memref<128xf32, #tpu.memory_space<vmem>>, vector<16xf32>,
      tpu.vector_store %arg25[%swap3A_375], %mul3A_374 {strides = array<i32>} : memref<128xf32, #tpu.memory_space<vmem>>, vector<16xf32>,
      %get3A_377 = arith.constant 80 : index
      %get3A_378 = tpu.vector_load %arg24[%get3A_377] {strides = array<i32>} : memref<128xf32, #tpu.memory_space<vmem>>, vector<16xf32>,
      %get3A_379 = arith.constant 80 : index
      %get3A_380 = tpu.vector_load %arg22[%get3A_379] {strides = array<i32>} : memref<128xf32, #tpu.memory_space<vmem>>, vector<16xf32>,
      %mul3A_381 = arith.mulf %get3A_378, %get3A_380 : vector<16xf32>
      %swap3A_382 = arith.constant 80 : index
      %swap3A_383 = tpu.vector_load %arg25[%swap3A_382] {strides = array<i32>} : memref<128xf32, #tpu.memory_space<vmem>>, vector<16xf32>,
      tpu.vector_store %arg25[%swap3A_382], %mul3A_381 {strides = array<i32>} : memref<128xf32, #tpu.memory_space<vmem>>, vector<16xf32>,
      %get3A_384 = arith.constant 96 : index
      %get3A_385 = tpu.vector_load %arg24[%get3A_384] {strides = array<i32>} : memref<128xf32, #tpu.memory_space<vmem>>, vector<16xf32>,
      %get3A_386 = arith.constant 96 : index
      %get3A_387 = tpu.vector_load %arg22[%get3A_386] {strides = array<i32>} : memref<128xf32, #tpu.memory_space<vmem>>, vector<16xf32>,
      %mul3A_388 = arith.mulf %get3A_385, %get3A_387 : vector<16xf32>
      %swap3A_389 = arith.constant 96 : index
      %swap3A_390 = tpu.vector_load %arg25[%swap3A_389] {strides = array<i32>} : memref<128xf32, #tpu.memory_space<vmem>>, vector<16xf32>,
      tpu.vector_store %arg25[%swap3A_389], %mul3A_388 {strides = array<i32>} : memref<128xf32, #tpu.memory_space<vmem>>, vector<16xf32>,
      %get3A_391 = arith.constant 112 : index
      %get3A_392 = tpu.vector_load %arg24[%get3A_391] {strides = array<i32>} : memref<128xf32, #tpu.memory_space<vmem>>, vector<16xf32>,
      %get3A_393 = arith.constant 112 : index
      %get3A_394 = tpu.vector_load %arg22[%get3A_393] {strides = array<i32>} : memref<128xf32, #tpu.memory_space<vmem>>, vector<16xf32>,
      %mul3A_395 = arith.mulf %get3A_392, %get3A_394 : vector<16xf32>
      %swap3A_396 = arith.constant 112 : index
      %swap3A_397 = tpu.vector_load %arg25[%swap3A_396] {strides = array<i32>} : memref<128xf32, #tpu.memory_space<vmem>>, vector<16xf32>,
      tpu.vector_store %arg25[%swap3A_396], %mul3A_395 {strides = array<i32>} : memref<128xf32, #tpu.memory_space<vmem>>, vector<16xf32>,
      "tpu.region"() ({
        %run_scoped3A = tpu.sem_alloc : memref<!tpu.dma_semaphore, #tpu.memory_space<semaphore_mem>>
        %dma_start3A_398 = tpu.memref_slice %arg11[%add3A_318] : memref<4096xf32, #tpu.memory_space<hbm>> -> memref<128xf32, #tpu.memory_space<hbm>>
        %dma_start3A_399 = tpu.memref_slice %arg11[%add3A_318] : memref<4096xf32, #tpu.memory_space<hbm>> -> memref<128xf32, #tpu.memory_space<hbm>>
        tpu.enqueue_dma source(%arg25 : memref<128xf32, #tpu.memory_space<vmem>>) target(%dma_start3A_399 : memref<128xf32, #tpu.memory_space<hbm>>) target_semaphore(%run_scoped3A : memref<!tpu.dma_semaphore, #tpu.memory_space<semaphore_mem>>)
        %dma_wait3A = tpu.memref_slice %arg11[%add3A_318] : memref<4096xf32, #tpu.memory_space<hbm>> -> memref<128xf32, #tpu.memory_space<hbm>>
        %dma_wait3A_400 = tpu.memref_slice %arg11[%add3A_318] : memref<4096xf32, #tpu.memory_space<hbm>> -> memref<128xf32, #tpu.memory_space<hbm>>
        tpu.wait_dma2 semaphore(%run_scoped3A : memref<!tpu.dma_semaphore, #tpu.memory_space<semaphore_mem>>) src(%arg25 : memref<128xf32, #tpu.memory_space<vmem>>) dst(%dma_wait3A_400 : memref<128xf32, #tpu.memory_space<hbm>>)
        tpu.yield
      }) : () -> ()
    } else {
    }
    %mul3A_324 = arith.constant 256 : i32
    %mul3A_325 = arith.muli %arg1, %mul3A_324 : i32
    %add3A_326 = arith.constant 0 : i32
    %add3A_327 = arith.addi %mul3A_325, %add3A_326 : i32
    "tpu.region"() ({
      %run_scoped3A = tpu.sem_alloc : memref<!tpu.dma_semaphore, #tpu.memory_space<semaphore_mem>>
      %dma_start3A_342 = tpu.memref_slice %arg6[%add3A_327] : memref<4096xi32, #tpu.memory_space<hbm>> -> memref<128xi32, #tpu.memory_space<hbm>>
      %dma_start3A_343 = tpu.memref_slice %arg6[%add3A_327] : memref<4096xi32, #tpu.memory_space<hbm>> -> memref<128xi32, #tpu.memory_space<hbm>>
      tpu.enqueue_dma source(%dma_start3A_343 : memref<128xi32, #tpu.memory_space<hbm>>) target(%arg21 : memref<128xi32, #tpu.memory_space<vmem>>) target_semaphore(%run_scoped3A : memref<!tpu.dma_semaphore, #tpu.memory_space<semaphore_mem>>)
      %dma_wait3A = tpu.memref_slice %arg6[%add3A_327] : memref<4096xi32, #tpu.memory_space<hbm>> -> memref<128xi32, #tpu.memory_space<hbm>>
      %dma_wait3A_344 = tpu.memref_slice %arg6[%add3A_327] : memref<4096xi32, #tpu.memory_space<hbm>> -> memref<128xi32, #tpu.memory_space<hbm>>
      tpu.wait_dma2 semaphore(%run_scoped3A : memref<!tpu.dma_semaphore, #tpu.memory_space<semaphore_mem>>) src(%dma_wait3A_344 : memref<128xi32, #tpu.memory_space<hbm>>) dst(%arg21 : memref<128xi32, #tpu.memory_space<vmem>>)
      tpu.yield
    }) : () -> ()
    "tpu.region"() ({
      %run_scoped3A = tpu.sem_alloc : memref<!tpu.dma_semaphore, #tpu.memory_space<semaphore_mem>>
      %dma_start3A_342 = arith.constant 0 : i32
      %dma_start3A_343 = tpu.memref_slice %arg26[%dma_start3A_342] : memref<100352xf32, #tpu.memory_space<vmem_shared>> -> memref<100352xf32, #tpu.memory_space<vmem_shared>>
      tpu.enqueue_indirect_dma source(%dma_start3A_343 : memref<100352xf32, #tpu.memory_space<vmem_shared>>) target(%arg23 : memref<128xf32, #tpu.memory_space<vmem>>) offsets(%arg21 : memref<128xi32, #tpu.memory_space<vmem>>) semaphore(%run_scoped3A : memref<!tpu.dma_semaphore, #tpu.memory_space<semaphore_mem>>)
      %dma_wait3A = arith.constant 0 : i32
      %dma_wait3A_344 = tpu.memref_slice %arg26[%dma_wait3A] : memref<100352xf32, #tpu.memory_space<vmem_shared>> -> memref<100352xf32, #tpu.memory_space<vmem_shared>>
      tpu.wait_indirect_dma semaphore(%run_scoped3A : memref<!tpu.dma_semaphore, #tpu.memory_space<semaphore_mem>>) src(%dma_wait3A_344 : memref<100352xf32, #tpu.memory_space<vmem_shared>>) dst(%arg23 : memref<128xf32, #tpu.memory_space<vmem>>)
      tpu.yield
    }) : () -> ()
    "tpu.region"() ({
      %run_scoped3A = tpu.sem_alloc : memref<!tpu.dma_semaphore, #tpu.memory_space<semaphore_mem>>
      %dma_start3A_342 = tpu.memref_slice %arg10[%arg0, %add3A_327] : memref<2x4096xf32, #tpu.memory_space<hbm>> -> memref<1x128xf32, #tpu.memory_space<hbm>>
      %dma_start3A_343 = tpu.memref_squeeze %dma_start3A_342 : memref<1x128xf32, #tpu.memory_space<hbm>> -> memref<128xf32, #tpu.memory_space<hbm>>
      %dma_start3A_344 = tpu.memref_slice %arg10[%arg0, %add3A_327] : memref<2x4096xf32, #tpu.memory_space<hbm>> -> memref<1x128xf32, #tpu.memory_space<hbm>>
      %dma_start3A_345 = tpu.memref_squeeze %dma_start3A_344 : memref<1x128xf32, #tpu.memory_space<hbm>> -> memref<128xf32, #tpu.memory_space<hbm>>
      tpu.enqueue_dma source(%arg23 : memref<128xf32, #tpu.memory_space<vmem>>) target(%dma_start3A_345 : memref<128xf32, #tpu.memory_space<hbm>>) target_semaphore(%run_scoped3A : memref<!tpu.dma_semaphore, #tpu.memory_space<semaphore_mem>>)
      %dma_wait3A = tpu.memref_slice %arg10[%arg0, %add3A_327] : memref<2x4096xf32, #tpu.memory_space<hbm>> -> memref<1x128xf32, #tpu.memory_space<hbm>>
      %dma_wait3A_346 = tpu.memref_squeeze %dma_wait3A : memref<1x128xf32, #tpu.memory_space<hbm>> -> memref<128xf32, #tpu.memory_space<hbm>>
      %dma_wait3A_347 = tpu.memref_slice %arg10[%arg0, %add3A_327] : memref<2x4096xf32, #tpu.memory_space<hbm>> -> memref<1x128xf32, #tpu.memory_space<hbm>>
      %dma_wait3A_348 = tpu.memref_squeeze %dma_wait3A_347 : memref<1x128xf32, #tpu.memory_space<hbm>> -> memref<128xf32, #tpu.memory_space<hbm>>
      tpu.wait_dma2 semaphore(%run_scoped3A : memref<!tpu.dma_semaphore, #tpu.memory_space<semaphore_mem>>) src(%arg23 : memref<128xf32, #tpu.memory_space<vmem>>) dst(%dma_wait3A_348 : memref<128xf32, #tpu.memory_space<hbm>>)
      tpu.yield
    }) : () -> ()
    %eq3A_328 = arith.constant 0 : i32
    %eq3A_329 = arith.cmpi eq, %arg0, %eq3A_328 : i32
    %convert_element_type3A_330 = arith.extui %eq3A_329 : i1 to i32
    %cond3A_331 = arith.constant 0 : i32
    %cond3A_332 = arith.cmpi ne, %convert_element_type3A_330, %cond3A_331 : i32
    scf.if %cond3A_332 {
      "tpu.region"() ({
        %run_scoped3A = tpu.sem_alloc : memref<!tpu.dma_semaphore, #tpu.memory_space<semaphore_mem>>
        %dma_start3A_398 = arith.constant 0 : i32
        %dma_start3A_399 = tpu.memref_slice %arg4[%dma_start3A_398] : memref<100000xf32, #tpu.memory_space<hbm>> -> memref<100000xf32, #tpu.memory_space<hbm>>
        tpu.enqueue_indirect_dma source(%dma_start3A_399 : memref<100000xf32, #tpu.memory_space<hbm>>) target(%arg22 : memref<128xf32, #tpu.memory_space<vmem>>) offsets(%arg21 : memref<128xi32, #tpu.memory_space<vmem>>) semaphore(%run_scoped3A : memref<!tpu.dma_semaphore, #tpu.memory_space<semaphore_mem>>)
        %dma_wait3A = arith.constant 0 : i32
        %dma_wait3A_400 = tpu.memref_slice %arg4[%dma_wait3A] : memref<100000xf32, #tpu.memory_space<hbm>> -> memref<100000xf32, #tpu.memory_space<hbm>>
        tpu.wait_indirect_dma semaphore(%run_scoped3A : memref<!tpu.dma_semaphore, #tpu.memory_space<semaphore_mem>>) src(%dma_wait3A_400 : memref<100000xf32, #tpu.memory_space<hbm>>) dst(%arg22 : memref<128xf32, #tpu.memory_space<vmem>>)
        tpu.yield
      }) : () -> ()
      "tpu.region"() ({
        %run_scoped3A = tpu.sem_alloc : memref<!tpu.dma_semaphore, #tpu.memory_space<semaphore_mem>>
        %dma_start3A_398 = arith.constant 0 : i32
        %dma_start3A_399 = tpu.memref_slice %arg3[%dma_start3A_398] : memref<100000xf32, #tpu.memory_space<hbm>> -> memref<100000xf32, #tpu.memory_space<hbm>>
        tpu.enqueue_indirect_dma source(%dma_start3A_399 : memref<100000xf32, #tpu.memory_space<hbm>>) target(%arg24 : memref<128xf32, #tpu.memory_space<vmem>>) offsets(%arg21 : memref<128xi32, #tpu.memory_space<vmem>>) semaphore(%run_scoped3A : memref<!tpu.dma_semaphore, #tpu.memory_space<semaphore_mem>>)
        %dma_wait3A = arith.constant 0 : i32
        %dma_wait3A_400 = tpu.memref_slice %arg3[%dma_wait3A] : memref<100000xf32, #tpu.memory_space<hbm>> -> memref<100000xf32, #tpu.memory_space<hbm>>
        tpu.wait_indirect_dma semaphore(%run_scoped3A : memref<!tpu.dma_semaphore, #tpu.memory_space<semaphore_mem>>) src(%dma_wait3A_400 : memref<100000xf32, #tpu.memory_space<hbm>>) dst(%arg24 : memref<128xf32, #tpu.memory_space<vmem>>)
        tpu.yield
      }) : () -> ()
      %get3A_342 = arith.constant 0 : index
      %get3A_343 = tpu.vector_load %arg24[%get3A_342] {strides = array<i32>} : memref<128xf32, #tpu.memory_space<vmem>>, vector<16xf32>,
      %get3A_344 = arith.constant 0 : index
      %get3A_345 = tpu.vector_load %arg22[%get3A_344] {strides = array<i32>} : memref<128xf32, #tpu.memory_space<vmem>>, vector<16xf32>,
      %mul3A_346 = arith.mulf %get3A_343, %get3A_345 : vector<16xf32>
      %swap3A_347 = arith.constant 0 : index
      %swap3A_348 = tpu.vector_load %arg25[%swap3A_347] {strides = array<i32>} : memref<128xf32, #tpu.memory_space<vmem>>, vector<16xf32>,
      tpu.vector_store %arg25[%swap3A_347], %mul3A_346 {strides = array<i32>} : memref<128xf32, #tpu.memory_space<vmem>>, vector<16xf32>,
      %get3A_349 = arith.constant 16 : index
      %get3A_350 = tpu.vector_load %arg24[%get3A_349] {strides = array<i32>} : memref<128xf32, #tpu.memory_space<vmem>>, vector<16xf32>,
      %get3A_351 = arith.constant 16 : index
      %get3A_352 = tpu.vector_load %arg22[%get3A_351] {strides = array<i32>} : memref<128xf32, #tpu.memory_space<vmem>>, vector<16xf32>,
      %mul3A_353 = arith.mulf %get3A_350, %get3A_352 : vector<16xf32>
      %swap3A_354 = arith.constant 16 : index
      %swap3A_355 = tpu.vector_load %arg25[%swap3A_354] {strides = array<i32>} : memref<128xf32, #tpu.memory_space<vmem>>, vector<16xf32>,
      tpu.vector_store %arg25[%swap3A_354], %mul3A_353 {strides = array<i32>} : memref<128xf32, #tpu.memory_space<vmem>>, vector<16xf32>,
      %get3A_356 = arith.constant 32 : index
      %get3A_357 = tpu.vector_load %arg24[%get3A_356] {strides = array<i32>} : memref<128xf32, #tpu.memory_space<vmem>>, vector<16xf32>,
      %get3A_358 = arith.constant 32 : index
      %get3A_359 = tpu.vector_load %arg22[%get3A_358] {strides = array<i32>} : memref<128xf32, #tpu.memory_space<vmem>>, vector<16xf32>,
      %mul3A_360 = arith.mulf %get3A_357, %get3A_359 : vector<16xf32>
      %swap3A_361 = arith.constant 32 : index
      %swap3A_362 = tpu.vector_load %arg25[%swap3A_361] {strides = array<i32>} : memref<128xf32, #tpu.memory_space<vmem>>, vector<16xf32>,
      tpu.vector_store %arg25[%swap3A_361], %mul3A_360 {strides = array<i32>} : memref<128xf32, #tpu.memory_space<vmem>>, vector<16xf32>,
      %get3A_363 = arith.constant 48 : index
      %get3A_364 = tpu.vector_load %arg24[%get3A_363] {strides = array<i32>} : memref<128xf32, #tpu.memory_space<vmem>>, vector<16xf32>,
      %get3A_365 = arith.constant 48 : index
      %get3A_366 = tpu.vector_load %arg22[%get3A_365] {strides = array<i32>} : memref<128xf32, #tpu.memory_space<vmem>>, vector<16xf32>,
      %mul3A_367 = arith.mulf %get3A_364, %get3A_366 : vector<16xf32>
      %swap3A_368 = arith.constant 48 : index
      %swap3A_369 = tpu.vector_load %arg25[%swap3A_368] {strides = array<i32>} : memref<128xf32, #tpu.memory_space<vmem>>, vector<16xf32>,
      tpu.vector_store %arg25[%swap3A_368], %mul3A_367 {strides = array<i32>} : memref<128xf32, #tpu.memory_space<vmem>>, vector<16xf32>,
      %get3A_370 = arith.constant 64 : index
      %get3A_371 = tpu.vector_load %arg24[%get3A_370] {strides = array<i32>} : memref<128xf32, #tpu.memory_space<vmem>>, vector<16xf32>,
      %get3A_372 = arith.constant 64 : index
      %get3A_373 = tpu.vector_load %arg22[%get3A_372] {strides = array<i32>} : memref<128xf32, #tpu.memory_space<vmem>>, vector<16xf32>,
      %mul3A_374 = arith.mulf %get3A_371, %get3A_373 : vector<16xf32>
      %swap3A_375 = arith.constant 64 : index
      %swap3A_376 = tpu.vector_load %arg25[%swap3A_375] {strides = array<i32>} : memref<128xf32, #tpu.memory_space<vmem>>, vector<16xf32>,
      tpu.vector_store %arg25[%swap3A_375], %mul3A_374 {strides = array<i32>} : memref<128xf32, #tpu.memory_space<vmem>>, vector<16xf32>,
      %get3A_377 = arith.constant 80 : index
      %get3A_378 = tpu.vector_load %arg24[%get3A_377] {strides = array<i32>} : memref<128xf32, #tpu.memory_space<vmem>>, vector<16xf32>,
      %get3A_379 = arith.constant 80 : index
      %get3A_380 = tpu.vector_load %arg22[%get3A_379] {strides = array<i32>} : memref<128xf32, #tpu.memory_space<vmem>>, vector<16xf32>,
      %mul3A_381 = arith.mulf %get3A_378, %get3A_380 : vector<16xf32>
      %swap3A_382 = arith.constant 80 : index
      %swap3A_383 = tpu.vector_load %arg25[%swap3A_382] {strides = array<i32>} : memref<128xf32, #tpu.memory_space<vmem>>, vector<16xf32>,
      tpu.vector_store %arg25[%swap3A_382], %mul3A_381 {strides = array<i32>} : memref<128xf32, #tpu.memory_space<vmem>>, vector<16xf32>,
      %get3A_384 = arith.constant 96 : index
      %get3A_385 = tpu.vector_load %arg24[%get3A_384] {strides = array<i32>} : memref<128xf32, #tpu.memory_space<vmem>>, vector<16xf32>,
      %get3A_386 = arith.constant 96 : index
      %get3A_387 = tpu.vector_load %arg22[%get3A_386] {strides = array<i32>} : memref<128xf32, #tpu.memory_space<vmem>>, vector<16xf32>,
      %mul3A_388 = arith.mulf %get3A_385, %get3A_387 : vector<16xf32>
      %swap3A_389 = arith.constant 96 : index
      %swap3A_390 = tpu.vector_load %arg25[%swap3A_389] {strides = array<i32>} : memref<128xf32, #tpu.memory_space<vmem>>, vector<16xf32>,
      tpu.vector_store %arg25[%swap3A_389], %mul3A_388 {strides = array<i32>} : memref<128xf32, #tpu.memory_space<vmem>>, vector<16xf32>,
      %get3A_391 = arith.constant 112 : index
      %get3A_392 = tpu.vector_load %arg24[%get3A_391] {strides = array<i32>} : memref<128xf32, #tpu.memory_space<vmem>>, vector<16xf32>,
      %get3A_393 = arith.constant 112 : index
      %get3A_394 = tpu.vector_load %arg22[%get3A_393] {strides = array<i32>} : memref<128xf32, #tpu.memory_space<vmem>>, vector<16xf32>,
      %mul3A_395 = arith.mulf %get3A_392, %get3A_394 : vector<16xf32>
      %swap3A_396 = arith.constant 112 : index
      %swap3A_397 = tpu.vector_load %arg25[%swap3A_396] {strides = array<i32>} : memref<128xf32, #tpu.memory_space<vmem>>, vector<16xf32>,
      tpu.vector_store %arg25[%swap3A_396], %mul3A_395 {strides = array<i32>} : memref<128xf32, #tpu.memory_space<vmem>>, vector<16xf32>,
      "tpu.region"() ({
        %run_scoped3A = tpu.sem_alloc : memref<!tpu.dma_semaphore, #tpu.memory_space<semaphore_mem>>
        %dma_start3A_398 = tpu.memref_slice %arg12[%add3A_327] : memref<4096xf32, #tpu.memory_space<hbm>> -> memref<128xf32, #tpu.memory_space<hbm>>
        %dma_start3A_399 = tpu.memref_slice %arg12[%add3A_327] : memref<4096xf32, #tpu.memory_space<hbm>> -> memref<128xf32, #tpu.memory_space<hbm>>
        tpu.enqueue_dma source(%arg25 : memref<128xf32, #tpu.memory_space<vmem>>) target(%dma_start3A_399 : memref<128xf32, #tpu.memory_space<hbm>>) target_semaphore(%run_scoped3A : memref<!tpu.dma_semaphore, #tpu.memory_space<semaphore_mem>>)
        %dma_wait3A = tpu.memref_slice %arg12[%add3A_327] : memref<4096xf32, #tpu.memory_space<hbm>> -> memref<128xf32, #tpu.memory_space<hbm>>
        %dma_wait3A_400 = tpu.memref_slice %arg12[%add3A_327] : memref<4096xf32, #tpu.memory_space<hbm>> -> memref<128xf32, #tpu.memory_space<hbm>>
        tpu.wait_dma2 semaphore(%run_scoped3A : memref<!tpu.dma_semaphore, #tpu.memory_space<semaphore_mem>>) src(%arg25 : memref<128xf32, #tpu.memory_space<vmem>>) dst(%dma_wait3A_400 : memref<128xf32, #tpu.memory_space<hbm>>)
        tpu.yield
      }) : () -> ()
    } else {
    }
    %mul3A_333 = arith.constant 256 : i32
    %mul3A_334 = arith.muli %arg1, %mul3A_333 : i32
    %add3A_335 = arith.constant 128 : i32
    %add3A_336 = arith.addi %mul3A_334, %add3A_335 : i32
    "tpu.region"() ({
      %run_scoped3A = tpu.sem_alloc : memref<!tpu.dma_semaphore, #tpu.memory_space<semaphore_mem>>
      %dma_start3A_342 = tpu.memref_slice %arg6[%add3A_336] : memref<4096xi32, #tpu.memory_space<hbm>> -> memref<128xi32, #tpu.memory_space<hbm>>
      %dma_start3A_343 = tpu.memref_slice %arg6[%add3A_336] : memref<4096xi32, #tpu.memory_space<hbm>> -> memref<128xi32, #tpu.memory_space<hbm>>
      tpu.enqueue_dma source(%dma_start3A_343 : memref<128xi32, #tpu.memory_space<hbm>>) target(%arg21 : memref<128xi32, #tpu.memory_space<vmem>>) target_semaphore(%run_scoped3A : memref<!tpu.dma_semaphore, #tpu.memory_space<semaphore_mem>>)
      %dma_wait3A = tpu.memref_slice %arg6[%add3A_336] : memref<4096xi32, #tpu.memory_space<hbm>> -> memref<128xi32, #tpu.memory_space<hbm>>
      %dma_wait3A_344 = tpu.memref_slice %arg6[%add3A_336] : memref<4096xi32, #tpu.memory_space<hbm>> -> memref<128xi32, #tpu.memory_space<hbm>>
      tpu.wait_dma2 semaphore(%run_scoped3A : memref<!tpu.dma_semaphore, #tpu.memory_space<semaphore_mem>>) src(%dma_wait3A_344 : memref<128xi32, #tpu.memory_space<hbm>>) dst(%arg21 : memref<128xi32, #tpu.memory_space<vmem>>)
      tpu.yield
    }) : () -> ()
    "tpu.region"() ({
      %run_scoped3A = tpu.sem_alloc : memref<!tpu.dma_semaphore, #tpu.memory_space<semaphore_mem>>
      %dma_start3A_342 = arith.constant 0 : i32
      %dma_start3A_343 = tpu.memref_slice %arg26[%dma_start3A_342] : memref<100352xf32, #tpu.memory_space<vmem_shared>> -> memref<100352xf32, #tpu.memory_space<vmem_shared>>
      tpu.enqueue_indirect_dma source(%dma_start3A_343 : memref<100352xf32, #tpu.memory_space<vmem_shared>>) target(%arg23 : memref<128xf32, #tpu.memory_space<vmem>>) offsets(%arg21 : memref<128xi32, #tpu.memory_space<vmem>>) semaphore(%run_scoped3A : memref<!tpu.dma_semaphore, #tpu.memory_space<semaphore_mem>>)
      %dma_wait3A = arith.constant 0 : i32
      %dma_wait3A_344 = tpu.memref_slice %arg26[%dma_wait3A] : memref<100352xf32, #tpu.memory_space<vmem_shared>> -> memref<100352xf32, #tpu.memory_space<vmem_shared>>
      tpu.wait_indirect_dma semaphore(%run_scoped3A : memref<!tpu.dma_semaphore, #tpu.memory_space<semaphore_mem>>) src(%dma_wait3A_344 : memref<100352xf32, #tpu.memory_space<vmem_shared>>) dst(%arg23 : memref<128xf32, #tpu.memory_space<vmem>>)
      tpu.yield
    }) : () -> ()
    "tpu.region"() ({
      %run_scoped3A = tpu.sem_alloc : memref<!tpu.dma_semaphore, #tpu.memory_space<semaphore_mem>>
      %dma_start3A_342 = tpu.memref_slice %arg10[%arg0, %add3A_336] : memref<2x4096xf32, #tpu.memory_space<hbm>> -> memref<1x128xf32, #tpu.memory_space<hbm>>
      %dma_start3A_343 = tpu.memref_squeeze %dma_start3A_342 : memref<1x128xf32, #tpu.memory_space<hbm>> -> memref<128xf32, #tpu.memory_space<hbm>>
      %dma_start3A_344 = tpu.memref_slice %arg10[%arg0, %add3A_336] : memref<2x4096xf32, #tpu.memory_space<hbm>> -> memref<1x128xf32, #tpu.memory_space<hbm>>
      %dma_start3A_345 = tpu.memref_squeeze %dma_start3A_344 : memref<1x128xf32, #tpu.memory_space<hbm>> -> memref<128xf32, #tpu.memory_space<hbm>>
      tpu.enqueue_dma source(%arg23 : memref<128xf32, #tpu.memory_space<vmem>>) target(%dma_start3A_345 : memref<128xf32, #tpu.memory_space<hbm>>) target_semaphore(%run_scoped3A : memref<!tpu.dma_semaphore, #tpu.memory_space<semaphore_mem>>)
      %dma_wait3A = tpu.memref_slice %arg10[%arg0, %add3A_336] : memref<2x4096xf32, #tpu.memory_space<hbm>> -> memref<1x128xf32, #tpu.memory_space<hbm>>
      %dma_wait3A_346 = tpu.memref_squeeze %dma_wait3A : memref<1x128xf32, #tpu.memory_space<hbm>> -> memref<128xf32, #tpu.memory_space<hbm>>
      %dma_wait3A_347 = tpu.memref_slice %arg10[%arg0, %add3A_336] : memref<2x4096xf32, #tpu.memory_space<hbm>> -> memref<1x128xf32, #tpu.memory_space<hbm>>
      %dma_wait3A_348 = tpu.memref_squeeze %dma_wait3A_347 : memref<1x128xf32, #tpu.memory_space<hbm>> -> memref<128xf32, #tpu.memory_space<hbm>>
      tpu.wait_dma2 semaphore(%run_scoped3A : memref<!tpu.dma_semaphore, #tpu.memory_space<semaphore_mem>>) src(%arg23 : memref<128xf32, #tpu.memory_space<vmem>>) dst(%dma_wait3A_348 : memref<128xf32, #tpu.memory_space<hbm>>)
      tpu.yield
    }) : () -> ()
    %eq3A_337 = arith.constant 0 : i32
    %eq3A_338 = arith.cmpi eq, %arg0, %eq3A_337 : i32
    %convert_element_type3A_339 = arith.extui %eq3A_338 : i1 to i32
    %cond3A_340 = arith.constant 0 : i32
    %cond3A_341 = arith.cmpi ne, %convert_element_type3A_339, %cond3A_340 : i32
    scf.if %cond3A_341 {
      "tpu.region"() ({
        %run_scoped3A = tpu.sem_alloc : memref<!tpu.dma_semaphore, #tpu.memory_space<semaphore_mem>>
        %dma_start3A_398 = arith.constant 0 : i32
        %dma_start3A_399 = tpu.memref_slice %arg4[%dma_start3A_398] : memref<100000xf32, #tpu.memory_space<hbm>> -> memref<100000xf32, #tpu.memory_space<hbm>>
        tpu.enqueue_indirect_dma source(%dma_start3A_399 : memref<100000xf32, #tpu.memory_space<hbm>>) target(%arg22 : memref<128xf32, #tpu.memory_space<vmem>>) offsets(%arg21 : memref<128xi32, #tpu.memory_space<vmem>>) semaphore(%run_scoped3A : memref<!tpu.dma_semaphore, #tpu.memory_space<semaphore_mem>>)
        %dma_wait3A = arith.constant 0 : i32
        %dma_wait3A_400 = tpu.memref_slice %arg4[%dma_wait3A] : memref<100000xf32, #tpu.memory_space<hbm>> -> memref<100000xf32, #tpu.memory_space<hbm>>
        tpu.wait_indirect_dma semaphore(%run_scoped3A : memref<!tpu.dma_semaphore, #tpu.memory_space<semaphore_mem>>) src(%dma_wait3A_400 : memref<100000xf32, #tpu.memory_space<hbm>>) dst(%arg22 : memref<128xf32, #tpu.memory_space<vmem>>)
        tpu.yield
      }) : () -> ()
      "tpu.region"() ({
        %run_scoped3A = tpu.sem_alloc : memref<!tpu.dma_semaphore, #tpu.memory_space<semaphore_mem>>
        %dma_start3A_398 = arith.constant 0 : i32
        %dma_start3A_399 = tpu.memref_slice %arg3[%dma_start3A_398] : memref<100000xf32, #tpu.memory_space<hbm>> -> memref<100000xf32, #tpu.memory_space<hbm>>
        tpu.enqueue_indirect_dma source(%dma_start3A_399 : memref<100000xf32, #tpu.memory_space<hbm>>) target(%arg24 : memref<128xf32, #tpu.memory_space<vmem>>) offsets(%arg21 : memref<128xi32, #tpu.memory_space<vmem>>) semaphore(%run_scoped3A : memref<!tpu.dma_semaphore, #tpu.memory_space<semaphore_mem>>)
        %dma_wait3A = arith.constant 0 : i32
        %dma_wait3A_400 = tpu.memref_slice %arg3[%dma_wait3A] : memref<100000xf32, #tpu.memory_space<hbm>> -> memref<100000xf32, #tpu.memory_space<hbm>>
        tpu.wait_indirect_dma semaphore(%run_scoped3A : memref<!tpu.dma_semaphore, #tpu.memory_space<semaphore_mem>>) src(%dma_wait3A_400 : memref<100000xf32, #tpu.memory_space<hbm>>) dst(%arg24 : memref<128xf32, #tpu.memory_space<vmem>>)
        tpu.yield
      }) : () -> ()
      %get3A_342 = arith.constant 0 : index
      %get3A_343 = tpu.vector_load %arg24[%get3A_342] {strides = array<i32>} : memref<128xf32, #tpu.memory_space<vmem>>, vector<16xf32>,
      %get3A_344 = arith.constant 0 : index
      %get3A_345 = tpu.vector_load %arg22[%get3A_344] {strides = array<i32>} : memref<128xf32, #tpu.memory_space<vmem>>, vector<16xf32>,
      %mul3A_346 = arith.mulf %get3A_343, %get3A_345 : vector<16xf32>
      %swap3A_347 = arith.constant 0 : index
      %swap3A_348 = tpu.vector_load %arg25[%swap3A_347] {strides = array<i32>} : memref<128xf32, #tpu.memory_space<vmem>>, vector<16xf32>,
      tpu.vector_store %arg25[%swap3A_347], %mul3A_346 {strides = array<i32>} : memref<128xf32, #tpu.memory_space<vmem>>, vector<16xf32>,
      %get3A_349 = arith.constant 16 : index
      %get3A_350 = tpu.vector_load %arg24[%get3A_349] {strides = array<i32>} : memref<128xf32, #tpu.memory_space<vmem>>, vector<16xf32>,
      %get3A_351 = arith.constant 16 : index
      %get3A_352 = tpu.vector_load %arg22[%get3A_351] {strides = array<i32>} : memref<128xf32, #tpu.memory_space<vmem>>, vector<16xf32>,
      %mul3A_353 = arith.mulf %get3A_350, %get3A_352 : vector<16xf32>
      %swap3A_354 = arith.constant 16 : index
      %swap3A_355 = tpu.vector_load %arg25[%swap3A_354] {strides = array<i32>} : memref<128xf32, #tpu.memory_space<vmem>>, vector<16xf32>,
      tpu.vector_store %arg25[%swap3A_354], %mul3A_353 {strides = array<i32>} : memref<128xf32, #tpu.memory_space<vmem>>, vector<16xf32>,
      %get3A_356 = arith.constant 32 : index
      %get3A_357 = tpu.vector_load %arg24[%get3A_356] {strides = array<i32>} : memref<128xf32, #tpu.memory_space<vmem>>, vector<16xf32>,
      %get3A_358 = arith.constant 32 : index
      %get3A_359 = tpu.vector_load %arg22[%get3A_358] {strides = array<i32>} : memref<128xf32, #tpu.memory_space<vmem>>, vector<16xf32>,
      %mul3A_360 = arith.mulf %get3A_357, %get3A_359 : vector<16xf32>
      %swap3A_361 = arith.constant 32 : index
      %swap3A_362 = tpu.vector_load %arg25[%swap3A_361] {strides = array<i32>} : memref<128xf32, #tpu.memory_space<vmem>>, vector<16xf32>,
      tpu.vector_store %arg25[%swap3A_361], %mul3A_360 {strides = array<i32>} : memref<128xf32, #tpu.memory_space<vmem>>, vector<16xf32>,
      %get3A_363 = arith.constant 48 : index
      %get3A_364 = tpu.vector_load %arg24[%get3A_363] {strides = array<i32>} : memref<128xf32, #tpu.memory_space<vmem>>, vector<16xf32>,
      %get3A_365 = arith.constant 48 : index
      %get3A_366 = tpu.vector_load %arg22[%get3A_365] {strides = array<i32>} : memref<128xf32, #tpu.memory_space<vmem>>, vector<16xf32>,
      %mul3A_367 = arith.mulf %get3A_364, %get3A_366 : vector<16xf32>
      %swap3A_368 = arith.constant 48 : index
      %swap3A_369 = tpu.vector_load %arg25[%swap3A_368] {strides = array<i32>} : memref<128xf32, #tpu.memory_space<vmem>>, vector<16xf32>,
      tpu.vector_store %arg25[%swap3A_368], %mul3A_367 {strides = array<i32>} : memref<128xf32, #tpu.memory_space<vmem>>, vector<16xf32>,
      %get3A_370 = arith.constant 64 : index
      %get3A_371 = tpu.vector_load %arg24[%get3A_370] {strides = array<i32>} : memref<128xf32, #tpu.memory_space<vmem>>, vector<16xf32>,
      %get3A_372 = arith.constant 64 : index
      %get3A_373 = tpu.vector_load %arg22[%get3A_372] {strides = array<i32>} : memref<128xf32, #tpu.memory_space<vmem>>, vector<16xf32>,
      %mul3A_374 = arith.mulf %get3A_371, %get3A_373 : vector<16xf32>
      %swap3A_375 = arith.constant 64 : index
      %swap3A_376 = tpu.vector_load %arg25[%swap3A_375] {strides = array<i32>} : memref<128xf32, #tpu.memory_space<vmem>>, vector<16xf32>,
      tpu.vector_store %arg25[%swap3A_375], %mul3A_374 {strides = array<i32>} : memref<128xf32, #tpu.memory_space<vmem>>, vector<16xf32>,
      %get3A_377 = arith.constant 80 : index
      %get3A_378 = tpu.vector_load %arg24[%get3A_377] {strides = array<i32>} : memref<128xf32, #tpu.memory_space<vmem>>, vector<16xf32>,
      %get3A_379 = arith.constant 80 : index
      %get3A_380 = tpu.vector_load %arg22[%get3A_379] {strides = array<i32>} : memref<128xf32, #tpu.memory_space<vmem>>, vector<16xf32>,
      %mul3A_381 = arith.mulf %get3A_378, %get3A_380 : vector<16xf32>
      %swap3A_382 = arith.constant 80 : index
      %swap3A_383 = tpu.vector_load %arg25[%swap3A_382] {strides = array<i32>} : memref<128xf32, #tpu.memory_space<vmem>>, vector<16xf32>,
      tpu.vector_store %arg25[%swap3A_382], %mul3A_381 {strides = array<i32>} : memref<128xf32, #tpu.memory_space<vmem>>, vector<16xf32>,
      %get3A_384 = arith.constant 96 : index
      %get3A_385 = tpu.vector_load %arg24[%get3A_384] {strides = array<i32>} : memref<128xf32, #tpu.memory_space<vmem>>, vector<16xf32>,
      %get3A_386 = arith.constant 96 : index
      %get3A_387 = tpu.vector_load %arg22[%get3A_386] {strides = array<i32>} : memref<128xf32, #tpu.memory_space<vmem>>, vector<16xf32>,
      %mul3A_388 = arith.mulf %get3A_385, %get3A_387 : vector<16xf32>
      %swap3A_389 = arith.constant 96 : index
      %swap3A_390 = tpu.vector_load %arg25[%swap3A_389] {strides = array<i32>} : memref<128xf32, #tpu.memory_space<vmem>>, vector<16xf32>,
      tpu.vector_store %arg25[%swap3A_389], %mul3A_388 {strides = array<i32>} : memref<128xf32, #tpu.memory_space<vmem>>, vector<16xf32>,
      %get3A_391 = arith.constant 112 : index
      %get3A_392 = tpu.vector_load %arg24[%get3A_391] {strides = array<i32>} : memref<128xf32, #tpu.memory_space<vmem>>, vector<16xf32>,
      %get3A_393 = arith.constant 112 : index
      %get3A_394 = tpu.vector_load %arg22[%get3A_393] {strides = array<i32>} : memref<128xf32, #tpu.memory_space<vmem>>, vector<16xf32>,
      %mul3A_395 = arith.mulf %get3A_392, %get3A_394 : vector<16xf32>
      %swap3A_396 = arith.constant 112 : index
      %swap3A_397 = tpu.vector_load %arg25[%swap3A_396] {strides = array<i32>} : memref<128xf32, #tpu.memory_space<vmem>>, vector<16xf32>,
      tpu.vector_store %arg25[%swap3A_396], %mul3A_395 {strides = array<i32>} : memref<128xf32, #tpu.memory_space<vmem>>, vector<16xf32>,
      "tpu.region"() ({
        %run_scoped3A = tpu.sem_alloc : memref<!tpu.dma_semaphore, #tpu.memory_space<semaphore_mem>>
        %dma_start3A_398 = tpu.memref_slice %arg12[%add3A_336] : memref<4096xf32, #tpu.memory_space<hbm>> -> memref<128xf32, #tpu.memory_space<hbm>>
        %dma_start3A_399 = tpu.memref_slice %arg12[%add3A_336] : memref<4096xf32, #tpu.memory_space<hbm>> -> memref<128xf32, #tpu.memory_space<hbm>>
        tpu.enqueue_dma source(%arg25 : memref<128xf32, #tpu.memory_space<vmem>>) target(%dma_start3A_399 : memref<128xf32, #tpu.memory_space<hbm>>) target_semaphore(%run_scoped3A : memref<!tpu.dma_semaphore, #tpu.memory_space<semaphore_mem>>)
        %dma_wait3A = tpu.memref_slice %arg12[%add3A_336] : memref<4096xf32, #tpu.memory_space<hbm>> -> memref<128xf32, #tpu.memory_space<hbm>>
        %dma_wait3A_400 = tpu.memref_slice %arg12[%add3A_336] : memref<4096xf32, #tpu.memory_space<hbm>> -> memref<128xf32, #tpu.memory_space<hbm>>
        tpu.wait_dma2 semaphore(%run_scoped3A : memref<!tpu.dma_semaphore, #tpu.memory_space<semaphore_mem>>) src(%arg25 : memref<128xf32, #tpu.memory_space<vmem>>) dst(%dma_wait3A_400 : memref<128xf32, #tpu.memory_space<hbm>>)
        tpu.yield
      }) : () -> ()
    } else {
    }
    return
  }
}

</mosaic_0001>

<sc_bundles>
// kernel: kernel.3.cloned.1.call-start
scs
__scs_entry_jumppad:
0x0: {  	(pc) =	sbr.rel $0x88, $3  }
0x1: {  	(tag) =	ssettag $0x0;
	lr =	simm.s32 $0x1  }
0x2: {  	[smem:$0x3F9A] =	sst lr;
	_ =	strace $0xD0000000  }
0x3: {  	_ = 	snop  }
0x4: {  	_ = 	snop  }
0x5: {  	_ = 	snop  }
0x6: {  	_ = 	snop  }
0x7: {  	_ = 	snop  }
__scs_overlays_trampoline_lowered:
0x8: {  	[smem:$0x3FA9] =	sst s0  }
0x9: {  	[smem:$0x3FAA] =	sst s1  }
0xa: {  	[smem:$0x3FAB] =	sst s2  }
0xb: {  	[smem:$0x3FAC] =	sst s3  }
0xc: {  	[smem:$0x3FAD] =	sst s4  }
0xd: {  	[smem:$0x3FAE] =	sst s5  }
0xe: {  	[smem:$0x3FAF] =	sst s6  }
0xf: {  	[smem:$0x3FB0] =	sst s7  }
0x10: {  	[smem:$0x3FB1] =	sst s8  }
0x11: {  	[smem:$0x3FB2] =	sst s9;
	s0 =	simm.s32 @!p0 $0x0  }
0x12: {  	s1 =	sld [smem:$0x3F98];
	s0 =	simm.s32 @p0 $0x1  }
0x13: {  	[smem:$0x3FB3] =	sst s0;
	s0 =	simm.s32 @!p1 $0x0  }
0x14: {  	s2 =	sld [smem:$0x3F97];
	s0 =	simm.s32 @p1 $0x1  }
0x15: {  	[smem:$0x3FB4] =	sst s0;
	s0 =	simm.s32 @!p2 $0x0  }
0x16: {  	s3 =	sld [smem:$0x3FDB];
	s0 =	simm.s32 @p2 $0x1  }
0x17: {  	s4 =	simm.s32 $0x1BF5;
	[smem:$0x3FB6] =	sst s0  }
0x18: {  	s0 =	sld [smem:$0x3F99];
	_ =	swait.ge [sflag:s4], $0x0  }
0x19: {  	s7 =	sld [smem:$0x3F9A]  }
0x1a: {  	s8 =	sadd.s32 $0xFFFFE003, lr  }
0x1b: {  	s9 =	sadd.s32 $0xFFFFFEF7, lr;
	s5 =	simm.s32 $0xFFFFFFFF;
	p2 =	slt.u32 s8, $0xFFFFF086  }
0x1c: {  	p1 =	slt.u32 s9, $0xF7A;
	s5 =	simm.s32 @!p2 $0x0  }
0x1d: {  	s5 =	simm.s32 @p1 $0x1;
	p0 =	seq.s32 s7, s2  }
0x1e: {  	s7 =	smul.u32 @!p0 $0xF7A, s2;
	p2 =	seq.s32 @!p0 s5, $0x0  }
0x1f: {  	s9 =	smul.u32 $0xF7A, s1;
	s8 =	simm.s32 @!p0 $0x1BF5;
	p2 =	por !p2, p0  }
0x20: {  	[sflag:s8] =	ssyncset.s32 @!p0 $0xFFFFF086;
	s6 =	sadd.s32 @!p0 s3, s7;
	s7 =	simm.s32 @!p0 $0x108  }
0x21: {  	s3 =	sadd.s32 s3, s9;
	s6 =	sadd.s32 @!p0 $0x88, s6;
	s7 =	simm.s32 @p2 $0x1082  }
0x22: {  	[simem:s7], [sflag:s8] =	dma.local @!p0 [hbm:s6], $0xF7A  }
0x23: {  	s9 =	sor.u32 $0xD0000000, s2;
	s6 =	simm.s32 $0x108;
	_ =	swait.ge @!p0 [sflag:s8], $0x0  }
0x24: {  	s3 =	sadd.s32 $0x88, s3;
	s6 =	simm.s32 @!p1 $0x1082;
	[sflag:s4] =	ssyncset.s32 $0xFFFFF086  }
0x25: {  	[simem:s6], [sflag:s4] =	dma.local [hbm:s3], $0xF7A  }
0x26: {  	[smem:$0x3F9A] =	sst s1;
	(tag) =	ssettag s2;
	_ =	strace s9  }
0x27: {  	s1 =	sld [smem:$0x3FAA]  }
0x28: {  	s2 =	sld [smem:$0x3FAB]  }
0x29: {  	s4 =	sld [smem:$0x3FAD]  }
0x2a: {  	p0 =	seq.s32 s5, $0x0;
	s5 =	sld [smem:$0x3FAE]  }
0x2b: {  	s6 =	sld [smem:$0x3FAF]  }
0x2c: {  	s7 =	sld [smem:$0x3FB0]  }
0x2d: {  	s3 =	simm.s32 $0x108;
	s8 =	sld [smem:$0x3FB1]  }
0x2e: {  	s3 =	simm.s32 @!p0 $0x1082;
	s9 =	sld [smem:$0x3FB2]  }
0x2f: {  	lr =	sadd.s32 s0, s3;
	s0 =	sld [smem:$0x3FA9]  }
0x30: {  	s3 =	sld [smem:$0x3FAC]  }
0x31: {  	[smem:$0x3FB5] =	sst s10  }
0x32: {  	s10 =	sld [smem:$0x3FB3];
	_ =	sdelay $0x3  }
0x33: {  	p0 =	seq.s32 s10, $0x1;
	s10 =	sld [smem:$0x3FB5];
	_ =	sdelay $0x3  }
0x34: {  	[smem:$0x3FB5] =	sst s10  }
0x35: {  	s10 =	sld [smem:$0x3FB4];
	_ =	sdelay $0x3  }
0x36: {  	p1 =	seq.s32 s10, $0x1;
	s10 =	sld [smem:$0x3FB5];
	_ =	sdelay $0x3  }
0x37: {  	[smem:$0x3FB5] =	sst s10  }
0x38: {  	s10 =	sld [smem:$0x3FB6]  }
0x39: {  	_ = 	snop;
	(pc) =	sbr.ind lr, $3  }
0x3a: {  	_ = 	snop  }
0x3b: {  	_ = 	snop  }
0x3c: {  	p2 =	seq.s32 s10, $0x1;
	s10 =	sld [smem:$0x3FB5]  }
0x3d: {  	_ =	shalt  }
0x3e: {  	_ =	shalt  }
0x3f: {  	_ =	shalt  }
0x40: {  	_ =	shalt  }
0x41: {  	_ =	shalt  }
0x42: {  	_ =	shalt  }
0x43: {  	_ =	shalt  }
0x44: {  	_ =	shalt  }
0x45: {  	_ =	shalt  }
0x46: {  	_ =	shalt  }
0x47: {  	_ =	shalt  }
0x48: {  	_ =	shalt  }
0x49: {  	_ =	shalt  }
0x4a: {  	_ =	shalt  }
0x4b: {  	_ =	shalt  }
0x4c: {  	_ =	shalt  }
0x4d: {  	_ =	shalt  }
0x4e: {  	_ =	shalt  }
0x4f: {  	_ =	shalt  }
0x50: {  	_ =	shalt  }
0x51: {  	_ =	shalt  }
0x52: {  	_ =	shalt  }
0x53: {  	_ =	shalt  }
0x54: {  	_ =	shalt  }
0x55: {  	_ =	shalt  }
0x56: {  	_ =	shalt  }
0x57: {  	_ =	shalt  }
0x58: {  	_ =	shalt  }
0x59: {  	_ =	shalt  }
0x5a: {  	_ =	shalt  }
0x5b: {  	_ =	shalt  }
0x5c: {  	_ =	shalt  }
0x5d: {  	_ =	shalt  }
0x5e: {  	_ =	shalt  }
0x5f: {  	_ =	shalt  }
0x60: {  	_ =	shalt  }
0x61: {  	_ =	shalt  }
0x62: {  	_ =	shalt  }
0x63: {  	_ =	shalt  }
0x64: {  	_ =	shalt  }
0x65: {  	_ =	shalt  }
0x66: {  	_ =	shalt  }
0x67: {  	_ =	shalt  }
0x68: {  	_ =	shalt  }
0x69: {  	_ =	shalt  }
0x6a: {  	_ =	shalt  }
0x6b: {  	_ =	shalt  }
0x6c: {  	_ =	shalt  }
0x6d: {  	_ =	shalt  }
0x6e: {  	_ =	shalt  }
0x6f: {  	_ =	shalt  }
0x70: {  	_ =	shalt  }
0x71: {  	_ =	shalt  }
0x72: {  	_ =	shalt  }
0x73: {  	_ =	shalt  }
0x74: {  	_ =	shalt  }
0x75: {  	_ =	shalt  }
0x76: {  	_ =	shalt  }
0x77: {  	_ =	shalt  }
0x78: {  	_ =	shalt  }
0x79: {  	_ =	shalt  }
0x7a: {  	_ =	shalt  }
0x7b: {  	_ =	shalt  }
0x7c: {  	_ =	shalt  }
0x7d: {  	_ =	shalt  }
0x7e: {  	_ =	shalt  }
0x7f: {  	_ =	shalt  }
0x80: {  	_ =	shalt  }
0x81: {  	_ =	shalt  }
0x82: {  	_ =	shalt  }
0x83: {  	_ =	shalt  }
0x84: {  	_ =	shalt  }
0x85: {  	_ =	shalt  }
0x86: {  	_ =	shalt  }
0x87: {  	_ =	shalt  }
.Lfunc_end0:
.L_simem_size_0:
called_computation_lowered:
.L_overlay_start_0:
0x88: {  	s2 =	sld [smem:$0x3FD9]  }
0x89: {  	s3 =	sld [smem:$0x3FFE];
	_ =	sdelay $0x1  }
0x8a: {  	s1 =	srdreg.scid  }
0x8b: {  	s0 =	sand.u32 $0x1, s1  }
0x8c: {  	s17 =	sshll.u32 s0, $0xA;
	s2 =	sadd.s32 s3, s2  }
0x8d: {  	s2 =	sadd.s32 s2, s17  }
0x8e: {  	[smem:$0x3FC1] =	sst s2  }
0x8f: {  	_ = 	snop  }
0x90: {  	s2 =	sld [smem:$0x3FC7]  }
0x91: {  	s18 =	sld [smem:$0x3FC6]  }
0x92: {  	s4 =	sld [smem:$0x3FC5]  }
0x93: {  	s5 =	sld [smem:$0x3FD0];
	(tm) =	ssettm $0x1  }
0x94: {  	s6 =	sld [smem:$0x3FFB];
	_ =	sdelay $0x3  }
0x95: {  	_ =	strace s6  }
0x96: {  	s6 =	sld [smem:$0x3FFC];
	_ =	sdelay $0x3  }
0x97: {  	_ =	strace s6  }
0x98: {  	s6 =	sld [smem:$0x3FFD];
	_ =	sdelay $0x3  }
0x99: {  	_ =	strace s6  }
0x9a: {  	_ =	strace $0x8FFFFFFF  }
0x9b: {  	s19 =	sld [smem:$0x3FDB];
	_ =	sdelay $0x1  }
0x9c: {  	s7 =	simm.s32 $_scs_section_size  }
0x9d: {  	s8 =	simm.s32 $_size__tile_overlayer_lowered;
	s9 =	simm.s32 $_tile_overlayer_lowered  }
0x9e: {  	s22 =	simm.s32 $0x1BFF;
	s21 =	sshll.u32 s9, $0x1;
	s6 =	sadd.s32 s7, s19  }
0x9f: {  	s10 =	simm.s32 $0x0;
	s20 =	sshll.u32 s8, $0x1;
	s8 =	sadd.s32 s21, s6  }
0xa0: {  	[timem:s10], [sflag:s22] =	dma.local [hbm:s8], s20  }
0xa1: {  	_ =	swait.ge [sflag:s22], s20  }
0xa2: {  	s7 =	ssub.s32 $0x0, s20;
	[sflag:s22] =	ssyncset.done $0x0  }
0xa3: {  	[sflag:s22] =	ssyncadd.s32 s7;
	_ =	sdelay $0x1  }
0xa4: {  	s23 =	simm.s32 $0x1B8B  }
0xa5: {  	_ =	swait.ge [sflag:s23], $0x1  }
0xa6: {  	[sflag:s23] =	ssyncset.done $0x0  }
0xa7: {  	s25 =	simm.s32 $0x1B8E;
	s24 =	sld [smem:$0x3FFE];
	[sflag:s23] =	ssyncadd.s32 $0xFFFFFFFF  }
0xa8: {  	s26 =	simm.s32 $execute0_lowered;
	[smem:$0x3FD2] =	sst s25  }
0xa9: {  	s8 =	sshll.u32 s26, $0x1;
	_ =	strace $0x80000046;
	[dreg:$0x1] =	wrdreg $0xFFFFFFFF  }
0xaa: {  	s28 =	simm.s32 $_size_execute0_lowered;
	s6 =	sadd.s32 s6, s8;
	[dreg:$0x0] =	wrdreg $0x0  }
0xab: {  	s8 =	sshll.u32 s28, $0x1;
	[dreg:$0x2] =	wrdreg s6  }
0xac: {  	[dreg:$0x3] =	wrdreg s8  }
0xad: {  	[dreg:$0x4] =	wrdreg $0xC0  }
0xae: {  	_ =	task [dreg:s10], $0x5FFFF  }
0xaf: {  	[dreg:$0x1] =	wrdreg $0xFFFFFFFF  }
0xb0: {  	[dreg:$0x0] =	wrdreg $0x60  }
0xb1: {  	[dreg:$0x2] =	wrdreg s2  }
0xb2: {  	[dreg:$0x3] =	wrdreg s24  }
0xb3: {  	[dreg:$0x4] =	wrdreg s18  }
0xb4: {  	[dreg:$0x5] =	wrdreg s4  }
0xb5: {  	[dreg:$0x6] =	wrdreg s5  }
0xb6: {  	[dreg:$0x7] =	wrdreg $0x1E2800  }
0xb7: {  	[dreg:$0x8] =	wrdreg $0x9  }
0xb8: {  	_ =	task.clear_ibuf [dreg:s10], $0x9FFFF;
	_ =	strace $0x90000046  }
0xb9: {  	s29 =	simm.s32 $0x9;
	_ =	strace $0x80000048  }
0xba: {  	_ =	swait.ge [sflag:s29], $0x1  }
0xbb: {  	[sflag:s29] =	ssyncadd.s32 $0xFFFFFFFF  }
0xbc: {  	_ =	strace $0x90000048  }
0xbd: {  	_ =	sfence  }
0xbe: {  	s30 =	sld [smem:$0x0];
	_ =	sdelay $0x2  }
0xbf: {  	s31 =	sshll.u32 s1, $0xD;
	s1 =	sshrl.u32 s1, $0x2  }
0xc0: {  	s3 =	sand.u32 $0x4000, s31;
	s1 =	sadd.s32 s1, s30  }
0xc1: {  	s0 =	sor.u32 s3, s0;
	s1 =	sshll.u32 s1, $0x11  }
0xc2: {  	s0 =	sor.u32 s1, s0  }
0xc3: {  	s0 =	sadd.s32 $0x8F2B, s0  }
0xc4: {  	[sflag:s0] =	ssyncadd.remote.s32 $0x1  }
0xc5: {  	_ =	sfence.sel $0xFFFF  }
0xc6: {  	[dreg:$0x0] =	wrdreg $0xFFFFFFFF;
	(pc) =	sbr.abs _section_cstart, $3  }
0xc7: {  	[dreg:$0x1] =	wrdreg $0xFFFFFFFF  }
0xc8: {  	_ =	task.clear_ibuf [dreg:s10], $0x2FFFF;
	_ =	strace $0x9FFFFFFF  }
0xc9: {  	(tm) =	ssettm $0x7FFFFFFF  }
tec
execute0_lowered:
.L_overlay_start_1:
0x0: {  	(tag) =	ssettag $0x1  }
0x1: {  	s0 =	rddreg [dreg:$0x0]  }
0x2: {  	s2 =	rddreg [dreg:$0x1]  }
0x3: {  	s19 =	rddreg [dreg:$0x2]  }
0x4: {  	s20 =	rddreg [dreg:$0x3]  }
0x5: {  	s1 =	rddreg [dreg:$0x4];
	s18 =	stileid.u32  }
0x6: {  	s6 =	rddreg [dreg:$0x5];
	s7 =	simm.s32 $0x0;
	s4 =	srdreg.scid  }
0x7: {  	s3 =	smul.u32 $0x1880, s18;
	[smem:$0x7FF] =	sst s7;
	s4 =	sand.u32 $0x1, s4  }
0x8: {  	s10 =	sadd.s32 $0xC800, s2;
	s12 =	sadd.s32 $0xCC00, s2;
	s14 =	sadd.s32 $0xD000, s2  }
0x9: {  	s16 =	sshll.u32 s18, $0x9;
	s17 =	sshllo.u32 s18, $0x1;
	s29 =	sshll.u32 s18, $0x5  }
0xa: {  	_ =	strace $0x80000047;
	s8 =	ssub.s32 $0x2, s4;
	s24 =	sshll.u32 s4, $0x4  }
0xb: {  	s15 =	sshll.u32 s4, $0x7;
	s28 =	sshll.u32 s17, $0x8;
	s17 =	sshll.u32 s17, $0x4  }
0xc: {  	s22 =	sadd.s32 s20, s29;
	s23 =	sadd.s32 s14, s29;
	s5 =	sshrl.u32 s3, $0x3  }
0xd: {  	s9 =	sshrl.u32 s8, $0x1;
	s13 =	sor.u32 s18, s24;
	[dreg:$0x11] =	wrdreg s22  }
0xe: {  	s26 =	sor.u32 s15, s16;
	s18 =	sadd.s32 s1, s29;
	[dreg:$0x12] =	wrdreg s23  }
0xf: {  	s15 =	sor.u32 s15, s28;
	s21 =	sadd.s32 s1, s17;
	[dreg:$0xf] =	wrdreg s18  }
0x10: {  	s24 =	sadd.s32 s14, s17;
	s5 =	sadd.s32 s5, s2;
	[dreg:$0x10] =	wrdreg s21  }
0x11: {  	s25 =	sshll.u32 s13, $0x9;
	[dreg:$0x13] =	wrdreg s24;
	s5 =	sadd.s32 $0x9600, s5  }
0x12: {  	s15 =	sshrl.u32 s15, $0x3;
	s11 =	sadd.s32 s0, s25;
	[dreg:$0x7] =	wrdreg s5  }
0x13: {  	s8 =	ssub.s32 s8, s9;
	s31 =	sadd.s32 s10, s15;
	[dreg:$0x8] =	wrdreg s11  }
0x14: {  	s3 =	sadd.s32 s3, s6;
	s28 =	smax.u32 s8, $0x1;
	[dreg:$0xb] =	wrdreg s31  }
0x15: {  	s5 =	sshrl.u32 s26, $0x3;
	s26 =	sadd.s32 s20, s17;
	[dreg:$0x16] =	wrdreg s28  }
0x16: {  	s11 =	sadd.s32 $0x10, s0;
	s31 =	sadd.s32 $0x6400, s2;
	[dreg:$0x15] =	wrdreg s26  }
0x17: {  	p0 =	slt.u32 s13, $0x15;
	s0 =	sadd.s32 s25, s11;
	[dreg:$0x19] =	wrdreg s31  }
0x18: {  	s9 =	simm.s32 $0x62;
	s30 =	sadd.s32 s10, s5;
	[dreg:$0x9] =	wrdreg s0  }
0x19: {  	s13 =	sshll.u32 s13, $0xC;
	s10 =	sadd.s32 s12, s5;
	[dreg:$0xa] =	wrdreg s30  }
0x1a: {  	s9 =	simm.s32 @!p0 $0x61;
	s12 =	sadd.s32 s12, s15;
	[dreg:$0xc] =	wrdreg s10  }
.Ltmp0:
0x1b: {  	s15 =	sadd.s32 s19, s29;
	[dreg:$0xd] =	wrdreg s12;
	(pc) =	sbr.rel .LBB2_1-.Ltmp0, $4  }
0x1c: {  	p0 =	sne.s32 s4, $0x0;
	s25 =	sadd.s32 s19, s17;
	[dreg:$0xe] =	wrdreg s15  }
0x1d: {  	s8 =	simm.s32 $0x19F00;
	s29 =	sshrl.u32 s3, $0x3;
	[dreg:$0x14] =	wrdreg s25  }
0x1e: {  	v0 =	vimm.s32 $0x1;
	s4 =	simm.s32 $0x80;
	[dreg:$0x17] =	wrdreg s29;
	s30 =	sadd.s32 $0x3200, s2  }
0x1f: {  	v1 =	vlaneseq.u32;
	v2 =	vimm.s32 $0x0;
	v3 =	vimm.s32 $0x186A0;
	s19 =	simm.s32 $0x0;
	s12 =	simm.s32 $0x1C;
	[dreg:$0x18] =	wrdreg s30  }
.LBB2_33:
0x20: {  	[bflag:$0x0] =	sbarrier.arrive $0xFFFF  }
0x21: {  	s8 =	simm.s32 $0x1E000;
	s0 =	rddreg [dreg:$0xe]  }
0x22: {  	[tilespmem:s8], [sflag:$0x1C] =	stream.linear.gather [hbm4b:s0+s7], $0x80, $0x38;
	[tilespmem:$0x1FB00] =	vst v63  }
0x23: {  	_ =	swait.ge [sflag:s12], $0x80  }
0x24: {  	[sflag:s12] =	ssyncset.done $0x0  }
0x25: {  	s10 =	simm.s32 $0x1E100;
	[sflag:s12] =	ssyncadd.s32 $0xFFFFFF80  }
0x26: {  	[tilespmem:s10], [sflag:$0x1C] =	stream.indirect.gather [spmem:s6], $0x1, s8, s4, $0xb8;
	[tilespmem:$0x1FB00] =	vst v63  }
0x27: {  	_ =	swait.ge [sflag:s12], $0x80  }
0x28: {  	[sflag:s12] =	ssyncset.done $0x0  }
0x29: {  	s23 =	rddreg [dreg:$0xa];
	[sflag:s12] =	ssyncadd.s32 $0xFFFFFF80  }
0x2a: {  	[hbm4b:s23+s7] =	stream.linear.scatter [tilespmem:s10], [sflag:$0x1C], $0x80, $0x38;
	[tilespmem:$0x1FB00] =	vst v63  }
0x2b: {  	s5 =	simm.s32 @!p0 $0x80;
	_ =	swait.ge [sflag:s12], $0x80  }
0x2c: {  	s14 =	simm.s32 @!p0 $0x1E000;
	s15 =	simm.s32 @!p0 $0x1E080;
	[sflag:s12] =	ssyncset.done $0x0  }
0x2d: {  	s3 =	simm.s32 @!p0 $0x1C;
	s1 =	rddreg [dreg:$0x18];
	[sflag:s12] =	ssyncadd.s32 $0xFFFFFF80  }
0x2e: {  	[tilespmem:s15], [sflag:$0x1C] =	stream.indirect.gather @!p0 [hbm4b:s1+s5], $0x1, s14, s5, $0xb8;
	[tilespmem:$0x1FB00] =	vst v63  }
0x2f: {  	_ =	swait.ge @!p0 [sflag:s3], $0x80  }
0x30: {  	[sflag:s3] =	ssyncset.done @!p0 $0x0  }
0x31: {  	s16 =	simm.s32 @!p0 $0x1E180;
	[sflag:s3] =	ssyncadd.s32 @!p0 $0xFFFFFF80  }
0x32: {  	[tilespmem:s16], [sflag:$0x1C] =	stream.indirect.gather @!p0 [hbm4b:s2+s5], $0x1, s14, s5, $0xb8;
	[tilespmem:$0x1FB00] =	vst v63  }
0x33: {  	_ =	swait.ge @!p0 [sflag:s3], $0x80  }
0x34: {  	[sflag:s3] =	ssyncset.done @!p0 $0x0  }
0x35: {  	[sflag:s3] =	ssyncadd.s32 @!p0 $0xFFFFFF80  }
0x36: {  	v4 =	vld @!p0 [tilespmem:$0x1E180]  }
0x37: {  	v5 =	vld @!p0 [tilespmem:$0x1E080]  }
0x38: {  	v6 =	vld @!p0 [tilespmem:$0x1E190]  }
0x39: {  	v7 =	vld @!p0 [tilespmem:$0x1E090]  }
0x3a: {  	v8 =	vld @!p0 [tilespmem:$0x1E1A0]  }
0x3b: {  	v9 =	vld @!p0 [tilespmem:$0x1E0A0]  }
0x3c: {  	v10 =	vld @!p0 [tilespmem:$0x1E1B0]  }
0x3d: {  	v11 =	vld @!p0 [tilespmem:$0x1E0B0]  }
0x3e: {  	v12 =	vld @!p0 [tilespmem:$0x1E1C0]  }
0x3f: {  	v13 =	vld @!p0 [tilespmem:$0x1E0C0]  }
0x40: {  	v14 =	vld @!p0 [tilespmem:$0x1E1D0]  }
0x41: {  	v15 =	vld @!p0 [tilespmem:$0x1E0D0]  }
0x42: {  	v16 =	vld @!p0 [tilespmem:$0x1E1E0]  }
0x43: {  	v4 =	vmul.f32 @!p0 v5, v4;
	v5 =	vld @!p0 [tilespmem:$0x1E0E0]  }
0x44: {  	v6 =	vmul.f32 @!p0 v7, v6;
	v7 =	vld @!p0 [tilespmem:$0x1E1F0]  }
0x45: {  	[tilespmem:$0x1E200] =	vst @!p0 v4;
	v4 =	vmul.f32 @!p0 v9, v8;
	v8 =	vld @!p0 [tilespmem:$0x1E0F0]  }
0x46: {  	[tilespmem:$0x1E210] =	vst @!p0 v6;
	v6 =	vmul.f32 @!p0 v11, v10  }
0x47: {  	[tilespmem:$0x1E220] =	vst @!p0 v4;
	v4 =	vmul.f32 @!p0 v13, v12  }
0x48: {  	[tilespmem:$0x1E230] =	vst @!p0 v6;
	v6 =	vmul.f32 @!p0 v15, v14  }
0x49: {  	[tilespmem:$0x1E240] =	vst @!p0 v4;
	v4 =	vmul.f32 @!p0 v5, v16  }
0x4a: {  	[tilespmem:$0x1E250] =	vst @!p0 v6;
	v5 =	vmul.f32 @!p0 v8, v7  }
0x4b: {  	[tilespmem:$0x1E260] =	vst @!p0 v4  }
0x4c: {  	s17 =	simm.s32 @!p0 $0x0;
	s18 =	simm.s32 @!p0 $0x1E200;
	s0 =	rddreg [dreg:$0xf];
	[tilespmem:$0x1E270] =	vst @!p0 v5  }
0x4d: {  	[hbm4b:s0+s17] =	stream.linear.scatter @!p0 [tilespmem:s18], [sflag:$0x1C], $0x80, $0x38;
	[tilespmem:$0x1FB00] =	vst v63  }
0x4e: {  	_ =	swait.ge @!p0 [sflag:s3], $0x80  }
0x4f: {  	[sflag:s3] =	ssyncset.done @!p0 $0x0  }
0x50: {  	s24 =	rddreg [dreg:$0x14];
	[sflag:s3] =	ssyncadd.s32 @!p0 $0xFFFFFF80  }
0x51: {  	[tilespmem:s8], [sflag:$0x1C] =	stream.linear.gather [hbm4b:s24+s7], $0x80, $0x38;
	[tilespmem:$0x1FB00] =	vst v63  }
0x52: {  	_ =	swait.ge [sflag:s12], $0x80  }
0x53: {  	[sflag:s12] =	ssyncset.done $0x0  }
0x54: {  	[sflag:s12] =	ssyncadd.s32 $0xFFFFFF80  }
0x55: {  	[tilespmem:s10], [sflag:$0x1C] =	stream.indirect.gather [spmem:s6], $0x1, s8, s4, $0xb8;
	[tilespmem:$0x1FB00] =	vst v63  }
0x56: {  	_ =	swait.ge [sflag:s12], $0x80  }
0x57: {  	[sflag:s12] =	ssyncset.done $0x0  }
0x58: {  	s25 =	rddreg [dreg:$0xb];
	[sflag:s12] =	ssyncadd.s32 $0xFFFFFF80  }
0x59: {  	[hbm4b:s25+s7] =	stream.linear.scatter [tilespmem:s10], [sflag:$0x1C], $0x80, $0x38;
	[tilespmem:$0x1FB00] =	vst v63  }
0x5a: {  	_ =	swait.ge [sflag:s12], $0x80  }
0x5b: {  	[sflag:s12] =	ssyncset.done $0x0  }
0x5c: {  	[sflag:s12] =	ssyncadd.s32 $0xFFFFFF80  }
0x5d: {  	[tilespmem:s15], [sflag:$0x1C] =	stream.indirect.gather @!p0 [hbm4b:s1+s5], $0x1, s14, s5, $0xb8;
	[tilespmem:$0x1FB00] =	vst v63  }
0x5e: {  	_ =	swait.ge @!p0 [sflag:s3], $0x80  }
0x5f: {  	[sflag:s3] =	ssyncset.done @!p0 $0x0  }
0x60: {  	[sflag:s3] =	ssyncadd.s32 @!p0 $0xFFFFFF80  }
0x61: {  	[tilespmem:s16], [sflag:$0x1C] =	stream.indirect.gather @!p0 [hbm4b:s2+s5], $0x1, s14, s5, $0xb8;
	[tilespmem:$0x1FB00] =	vst v63  }
0x62: {  	_ =	swait.ge @!p0 [sflag:s3], $0x80  }
0x63: {  	[sflag:s3] =	ssyncset.done @!p0 $0x0  }
0x64: {  	[sflag:s3] =	ssyncadd.s32 @!p0 $0xFFFFFF80  }
0x65: {  	v4 =	vld @!p0 [tilespmem:$0x1E180]  }
0x66: {  	v5 =	vld @!p0 [tilespmem:$0x1E080]  }
0x67: {  	v6 =	vld @!p0 [tilespmem:$0x1E190]  }
0x68: {  	v7 =	vld @!p0 [tilespmem:$0x1E090]  }
0x69: {  	v8 =	vld @!p0 [tilespmem:$0x1E1A0]  }
0x6a: {  	v9 =	vld @!p0 [tilespmem:$0x1E0A0]  }
0x6b: {  	v10 =	vld @!p0 [tilespmem:$0x1E1B0]  }
0x6c: {  	v11 =	vld @!p0 [tilespmem:$0x1E0B0]  }
0x6d: {  	v12 =	vld @!p0 [tilespmem:$0x1E1C0]  }
0x6e: {  	v13 =	vld @!p0 [tilespmem:$0x1E0C0]  }
0x6f: {  	v14 =	vld @!p0 [tilespmem:$0x1E1D0]  }
0x70: {  	v15 =	vld @!p0 [tilespmem:$0x1E0D0]  }
0x71: {  	v16 =	vld @!p0 [tilespmem:$0x1E1E0]  }
0x72: {  	v4 =	vmul.f32 @!p0 v5, v4;
	v5 =	vld @!p0 [tilespmem:$0x1E0E0]  }
0x73: {  	v6 =	vmul.f32 @!p0 v7, v6;
	v7 =	vld @!p0 [tilespmem:$0x1E1F0]  }
0x74: {  	[tilespmem:$0x1E200] =	vst @!p0 v4;
	v4 =	vmul.f32 @!p0 v9, v8;
	v8 =	vld @!p0 [tilespmem:$0x1E0F0]  }
0x75: {  	[tilespmem:$0x1E210] =	vst @!p0 v6;
	v6 =	vmul.f32 @!p0 v11, v10  }
0x76: {  	[tilespmem:$0x1E220] =	vst @!p0 v4;
	v4 =	vmul.f32 @!p0 v13, v12  }
0x77: {  	[tilespmem:$0x1E230] =	vst @!p0 v6;
	v6 =	vmul.f32 @!p0 v15, v14  }
0x78: {  	[tilespmem:$0x1E240] =	vst @!p0 v4;
	v4 =	vmul.f32 @!p0 v5, v16  }
0x79: {  	[tilespmem:$0x1E250] =	vst @!p0 v6;
	v5 =	vmul.f32 @!p0 v8, v7  }
0x7a: {  	[tilespmem:$0x1E260] =	vst @!p0 v4  }
0x7b: {  	s0 =	rddreg [dreg:$0x10];
	[tilespmem:$0x1E270] =	vst @!p0 v5  }
0x7c: {  	[hbm4b:s0+s17] =	stream.linear.scatter @!p0 [tilespmem:s18], [sflag:$0x1C], $0x80, $0x38;
	[tilespmem:$0x1FB00] =	vst v63  }
0x7d: {  	_ =	swait.ge @!p0 [sflag:s3], $0x80  }
0x7e: {  	[sflag:s3] =	ssyncset.done @!p0 $0x0  }
0x7f: {  	s26 =	rddreg [dreg:$0x11];
	[sflag:s3] =	ssyncadd.s32 @!p0 $0xFFFFFF80  }
0x80: {  	[tilespmem:s8], [sflag:$0x1C] =	stream.linear.gather [hbm4b:s26+s7], $0x80, $0x38;
	[tilespmem:$0x1FB00] =	vst v63  }
0x81: {  	_ =	swait.ge [sflag:s12], $0x80  }
0x82: {  	[sflag:s12] =	ssyncset.done $0x0  }
0x83: {  	[sflag:s12] =	ssyncadd.s32 $0xFFFFFF80  }
0x84: {  	[tilespmem:s10], [sflag:$0x1C] =	stream.indirect.gather [spmem:s6], $0x1, s8, s4, $0xb8;
	[tilespmem:$0x1FB00] =	vst v63  }
0x85: {  	_ =	swait.ge [sflag:s12], $0x80  }
0x86: {  	[sflag:s12] =	ssyncset.done $0x0  }
0x87: {  	s28 =	rddreg [dreg:$0xc];
	[sflag:s12] =	ssyncadd.s32 $0xFFFFFF80  }
0x88: {  	[hbm4b:s28+s7] =	stream.linear.scatter [tilespmem:s10], [sflag:$0x1C], $0x80, $0x38;
	[tilespmem:$0x1FB00] =	vst v63  }
0x89: {  	_ =	swait.ge [sflag:s12], $0x80  }
0x8a: {  	[sflag:s12] =	ssyncset.done $0x0  }
0x8b: {  	[sflag:s12] =	ssyncadd.s32 $0xFFFFFF80  }
0x8c: {  	[tilespmem:s15], [sflag:$0x1C] =	stream.indirect.gather @!p0 [hbm4b:s1+s5], $0x1, s14, s5, $0xb8;
	[tilespmem:$0x1FB00] =	vst v63  }
0x8d: {  	_ =	swait.ge @!p0 [sflag:s3], $0x80  }
0x8e: {  	[sflag:s3] =	ssyncset.done @!p0 $0x0  }
0x8f: {  	[sflag:s3] =	ssyncadd.s32 @!p0 $0xFFFFFF80  }
0x90: {  	[tilespmem:s16], [sflag:$0x1C] =	stream.indirect.gather @!p0 [hbm4b:s2+s5], $0x1, s14, s5, $0xb8;
	[tilespmem:$0x1FB00] =	vst v63  }
0x91: {  	_ =	swait.ge @!p0 [sflag:s3], $0x80  }
0x92: {  	[sflag:s3] =	ssyncset.done @!p0 $0x0  }
0x93: {  	[sflag:s3] =	ssyncadd.s32 @!p0 $0xFFFFFF80  }
0x94: {  	v4 =	vld @!p0 [tilespmem:$0x1E180]  }
0x95: {  	v5 =	vld @!p0 [tilespmem:$0x1E080]  }
0x96: {  	v6 =	vld @!p0 [tilespmem:$0x1E190]  }
0x97: {  	v7 =	vld @!p0 [tilespmem:$0x1E090]  }
0x98: {  	v8 =	vld @!p0 [tilespmem:$0x1E1A0]  }
0x99: {  	v9 =	vld @!p0 [tilespmem:$0x1E0A0]  }
0x9a: {  	v10 =	vld @!p0 [tilespmem:$0x1E1B0]  }
0x9b: {  	v11 =	vld @!p0 [tilespmem:$0x1E0B0]  }
0x9c: {  	v12 =	vld @!p0 [tilespmem:$0x1E1C0]  }
0x9d: {  	v13 =	vld @!p0 [tilespmem:$0x1E0C0]  }
0x9e: {  	v14 =	vld @!p0 [tilespmem:$0x1E1D0]  }
0x9f: {  	v15 =	vld @!p0 [tilespmem:$0x1E0D0]  }
0xa0: {  	v16 =	vld @!p0 [tilespmem:$0x1E1E0]  }
0xa1: {  	v4 =	vmul.f32 @!p0 v5, v4;
	v5 =	vld @!p0 [tilespmem:$0x1E0E0]  }
0xa2: {  	v6 =	vmul.f32 @!p0 v7, v6;
	v7 =	vld @!p0 [tilespmem:$0x1E1F0]  }
0xa3: {  	[tilespmem:$0x1E200] =	vst @!p0 v4;
	v4 =	vmul.f32 @!p0 v9, v8;
	v8 =	vld @!p0 [tilespmem:$0x1E0F0]  }
0xa4: {  	[tilespmem:$0x1E210] =	vst @!p0 v6;
	v6 =	vmul.f32 @!p0 v11, v10  }
0xa5: {  	[tilespmem:$0x1E220] =	vst @!p0 v4;
	v4 =	vmul.f32 @!p0 v13, v12  }
0xa6: {  	[tilespmem:$0x1E230] =	vst @!p0 v6;
	v6 =	vmul.f32 @!p0 v15, v14  }
0xa7: {  	[tilespmem:$0x1E240] =	vst @!p0 v4;
	v4 =	vmul.f32 @!p0 v5, v16  }
0xa8: {  	[tilespmem:$0x1E250] =	vst @!p0 v6;
	v5 =	vmul.f32 @!p0 v8, v7  }
0xa9: {  	[tilespmem:$0x1E260] =	vst @!p0 v4  }
0xaa: {  	s0 =	rddreg [dreg:$0x12];
	[tilespmem:$0x1E270] =	vst @!p0 v5  }
0xab: {  	[hbm4b:s0+s17] =	stream.linear.scatter @!p0 [tilespmem:s18], [sflag:$0x1C], $0x80, $0x38;
	[tilespmem:$0x1FB00] =	vst v63  }
0xac: {  	_ =	swait.ge @!p0 [sflag:s3], $0x80  }
0xad: {  	[sflag:s3] =	ssyncset.done @!p0 $0x0  }
0xae: {  	s29 =	rddreg [dreg:$0x15];
	[sflag:s3] =	ssyncadd.s32 @!p0 $0xFFFFFF80  }
0xaf: {  	[tilespmem:s8], [sflag:$0x1C] =	stream.linear.gather [hbm4b:s29+s7], $0x80, $0x38;
	[tilespmem:$0x1FB00] =	vst v63  }
0xb0: {  	_ =	swait.ge [sflag:s12], $0x80  }
0xb1: {  	[sflag:s12] =	ssyncset.done $0x0  }
0xb2: {  	[sflag:s12] =	ssyncadd.s32 $0xFFFFFF80  }
0xb3: {  	[tilespmem:s10], [sflag:$0x1C] =	stream.indirect.gather [spmem:s6], $0x1, s8, s4, $0xb8;
	[tilespmem:$0x1FB00] =	vst v63  }
0xb4: {  	_ =	swait.ge [sflag:s12], $0x80  }
0xb5: {  	[sflag:s12] =	ssyncset.done $0x0  }
0xb6: {  	s30 =	rddreg [dreg:$0xd];
	[sflag:s12] =	ssyncadd.s32 $0xFFFFFF80  }
0xb7: {  	[hbm4b:s30+s7] =	stream.linear.scatter [tilespmem:s10], [sflag:$0x1C], $0x80, $0x38;
	[tilespmem:$0x1FB00] =	vst v63  }
0xb8: {  	_ =	swait.ge [sflag:s12], $0x80  }
0xb9: {  	[sflag:s12] =	ssyncset.done $0x0  }
0xba: {  	[sflag:s12] =	ssyncadd.s32 $0xFFFFFF80  }
0xbb: {  	[tilespmem:s15], [sflag:$0x1C] =	stream.indirect.gather @!p0 [hbm4b:s1+s5], $0x1, s14, s5, $0xb8;
	[tilespmem:$0x1FB00] =	vst v63  }
0xbc: {  	_ =	swait.ge @!p0 [sflag:s3], $0x80  }
0xbd: {  	[sflag:s3] =	ssyncset.done @!p0 $0x0  }
0xbe: {  	[sflag:s3] =	ssyncadd.s32 @!p0 $0xFFFFFF80  }
0xbf: {  	[tilespmem:s16], [sflag:$0x1C] =	stream.indirect.gather @!p0 [hbm4b:s2+s5], $0x1, s14, s5, $0xb8;
	[tilespmem:$0x1FB00] =	vst v63  }
0xc0: {  	_ =	swait.ge @!p0 [sflag:s3], $0x80  }
0xc1: {  	[sflag:s3] =	ssyncset.done @!p0 $0x0  }
0xc2: {  	[sflag:s3] =	ssyncadd.s32 @!p0 $0xFFFFFF80  }
0xc3: {  	v4 =	vld @!p0 [tilespmem:$0x1E180]  }
0xc4: {  	v5 =	vld @!p0 [tilespmem:$0x1E080]  }
0xc5: {  	v6 =	vld @!p0 [tilespmem:$0x1E190]  }
0xc6: {  	v7 =	vld @!p0 [tilespmem:$0x1E090]  }
0xc7: {  	v8 =	vld @!p0 [tilespmem:$0x1E1A0]  }
0xc8: {  	v9 =	vld @!p0 [tilespmem:$0x1E0A0]  }
0xc9: {  	v10 =	vld @!p0 [tilespmem:$0x1E1B0]  }
0xca: {  	v11 =	vld @!p0 [tilespmem:$0x1E0B0]  }
0xcb: {  	v12 =	vld @!p0 [tilespmem:$0x1E1C0]  }
0xcc: {  	v13 =	vld @!p0 [tilespmem:$0x1E0C0]  }
0xcd: {  	v14 =	vld @!p0 [tilespmem:$0x1E1D0]  }
0xce: {  	v15 =	vld @!p0 [tilespmem:$0x1E0D0]  }
0xcf: {  	v16 =	vld @!p0 [tilespmem:$0x1E1E0]  }
0xd0: {  	v4 =	vmul.f32 @!p0 v5, v4;
	v5 =	vld @!p0 [tilespmem:$0x1E0E0]  }
0xd1: {  	v6 =	vmul.f32 @!p0 v7, v6;
	v7 =	vld @!p0 [tilespmem:$0x1E1F0]  }
0xd2: {  	[tilespmem:$0x1E200] =	vst @!p0 v4;
	v4 =	vmul.f32 @!p0 v9, v8;
	v8 =	vld @!p0 [tilespmem:$0x1E0F0]  }
0xd3: {  	[tilespmem:$0x1E210] =	vst @!p0 v6;
	v6 =	vmul.f32 @!p0 v11, v10  }
0xd4: {  	[tilespmem:$0x1E220] =	vst @!p0 v4;
	v4 =	vmul.f32 @!p0 v13, v12  }
0xd5: {  	[tilespmem:$0x1E230] =	vst @!p0 v6;
	v6 =	vmul.f32 @!p0 v15, v14  }
0xd6: {  	[tilespmem:$0x1E240] =	vst @!p0 v4;
	v4 =	vmul.f32 @!p0 v5, v16  }
0xd7: {  	[tilespmem:$0x1E250] =	vst @!p0 v6;
	v5 =	vmul.f32 @!p0 v8, v7  }
0xd8: {  	[tilespmem:$0x1E260] =	vst @!p0 v4  }
0xd9: {  	s0 =	rddreg [dreg:$0x13];
	[tilespmem:$0x1E270] =	vst @!p0 v5  }
0xda: {  	[hbm4b:s0+s17] =	stream.linear.scatter @!p0 [tilespmem:s18], [sflag:$0x1C], $0x80, $0x38;
	[tilespmem:$0x1FB00] =	vst v63  }
0xdb: {  	_ =	swait.ge @!p0 [sflag:s3], $0x80  }
0xdc: {  	s19 =	sadd.s32 $0x1, s19;
	s31 =	rddreg [dreg:$0x16]  }
0xdd: {  	p1 =	sne.s32 s19, s31  }
.Ltmp1:
0xde: {  	_ = 	snop;
	(pc) =	sbr.rel @!p1 .LBB2_34-.Ltmp1, $3  }
0xdf: {  	_ =	sdelay $0x1  }
0xe0: {  	[sflag:s3] =	ssyncset.done @!p0 $0x0  }
0xe1: {  	s8 =	simm.s32 $0x19F00;
	[sflag:s3] =	ssyncadd.s32 @!p0 $0xFFFFFF80  }
.LBB2_1:
0xe2: {  	[dreg:$0x1a] =	wrdreg s19  }
0xe3: {  	s0 =	rddreg [dreg:$0x19]  }
0xe4: {  	[tilespmem:s7], [sflag:$0x1C] =	stream.linear.gather [hbm4b:s0+s7], $0x18700, $0x38;
	[tilespmem:$0x1FB00] =	vst v63  }
0xe5: {  	_ =	swait.ge [sflag:s12], $0x18700  }
0xe6: {  	[sflag:s12] =	ssyncset.done $0x0  }
0xe7: {  	[sflag:s12] =	ssyncadd.s32 $0xFFFE7900  }
0xe8: {  	s1 =	simm.s32 $0x18700;
	s30 =	rddreg [dreg:$0x2]  }
0xe9: {  	[tilespmem:s1], [sflag:$0x1C] =	stream.linear.gather [hbm4b:s30+s7], $0x1000, $0x38;
	[tilespmem:$0x1FB00] =	vst v63  }
0xea: {  	_ =	swait.ge [sflag:s12], $0x1000  }
0xeb: {  	[sflag:s12] =	ssyncset.done $0x0  }
0xec: {  	[sflag:s12] =	ssyncadd.s32 $0xFFFFF000  }
0xed: {  	s31 =	rddreg [dreg:$0x3]  }
0xee: {  	[tilespmem:s8], [sflag:$0x1C] =	stream.linear.gather [hbm4b:s31+s7], $0x1000, $0x38;
	[tilespmem:$0x1FB00] =	vst v63  }
0xef: {  	_ =	swait.ge [sflag:s12], $0x1000  }
0xf0: {  	[sflag:s12] =	ssyncset.done $0x0  }
0xf1: {  	s3 =	simm.s32 $0x0;
	s1 =	simm.s32 $0x40;
	[sflag:s12] =	ssyncadd.s32 $0xFFFFF000  }
.LBB2_2:
0xf2: {  	p1 =	sne.s32 s1, $0x3FC0;
	v4 =	vld [tilespmem:s3+$0x18700];
	_ =	sdelay $0x7  }
0xf3: {  	[tilespmem:v4+s7+$0x0] =	vst.idx.msk $0xffff, v0  }
0xf4: {  	v4 =	vld [tilespmem:s3+$0x19F00];
	_ =	sdelay $0x3  }
.Ltmp2:
0xf5: {  	(pc) =	sbr.rel @p1 .LBB2_2-.Ltmp2, $2  }
0xf6: {  	_ =	sdelay $0x2  }
0xf7: {  	s3 =	sshra.s32 s1, $0x2;
	s1 =	sadd.s32 $0x40, s1;
	[tilespmem:v4+s7+$0x0] =	vst.idx.msk $0xffff, v0  }
0xf8: {  	v4 =	vld [tilespmem:s3+$0x18700];
	_ =	sdelay $0x7  }
0xf9: {  	[tilespmem:v4+s7+$0x0] =	vst.idx.msk $0xffff, v0  }
0xfa: {  	v4 =	vld [tilespmem:s3+$0x19F00];
	_ =	sdelay $0x5  }
0xfb: {  	s0 =	stileid.u32  }
0xfc: {  	s26 =	rddreg [dreg:$0x7];
	s1 =	sshll.u32 s0, $0x6  }
0xfd: {  	s28 =	rddreg [dreg:$0x17];
	s1 =	sor.u32 $0x1C1C, s1;
	[tilespmem:v4+s7+$0x0] =	vst.idx.msk $0xffff, v0  }
0xfe: {  	[spmem:s28], [sflag:s1] =	dma.local [hbm:s26], $0x310  }
0xff: {  	_ =	swait.ge [sflag:s12], $0x310  }
0x100: {  	[sflag:s12] =	ssyncset.done $0x0  }
0x101: {  	s5 =	simm.s32 $0x18700;
	[sflag:s12] =	ssyncadd.s32 $0xFFFFFCF0  }
.Ltmp3:
0x102: {  	s30 =	simm.s32 $0x100;
	[bflag:$0x0] =	sbarrier.arrive $0xFFFF;
	(pc) =	sbr.rel .LBB2_4-.Ltmp3, $4  }
0x103: {  	s14 =	simm.s32 $0x0;
	s20 =	simm.s32 $0x19FF0;
	s29 =	rddreg [dreg:$0x8]  }
0x104: {  	[tilespmem:s5], [sflag:$0x1] =	stream.strided.gather [hbm4b:s29+s4], $0x800, s30, s4, $0x38;
	[tilespmem:$0x1FB00] =	vst v63  }
0x105: {  	s17 =	simm.s32 $0x0;
	s16 =	simm.s32 $0x0;
	s31 =	rddreg [dreg:$0x9]  }
0x106: {  	[tilespmem:s8], [sflag:$0x1] =	stream.strided.gather [hbm4b:s31+s4], $0x800, s30, s4, $0x38;
	[tilespmem:$0x1FB00] =	vst v63  }
.LBB2_35:
0x107: {  	s0 =	sshll.u32 s17, $0x7  }
0x108: {  	s17 =	ssub.s32 s3, s0  }
.LBB2_20:
0x109: {  	p1 =	sne.s32 s16, s9  }
.Ltmp4:
0x10a: {  	_ = 	snop;
	(pc) =	sbr.rel @!p1 .LBB2_21-.Ltmp4, $2  }
0x10b: {  	_ =	sdelay $0x2  }
0x10c: {  	s5 =	sadd.s32 $0x800, s5;
	s20 =	sadd.s32 $0x800, s20  }
.LBB2_4:
0x10d: {  	s1 =	smulhi.u32 $0xAAAAAAAB, s16;
	_ =	sdelay $0x1  }
0x10e: {  	s1 =	sshrl.u32 s1, $0x1  }
0x10f: {  	s3 =	smul.u32 $0x3, s1;
	_ =	sdelay $0x1  }
0x110: {  	s3 =	ssub.s32 s16, s3;
	s16 =	sadd.s32 $0x1, s16  }
0x111: {  	s3 =	sadd.s32 $0x1, s3;
	p1 =	sge.u32 s16, s9  }
0x112: {  	_ =	swait.ge [sflag:s3], $0x800;
	s15 =	smulhi.u32 @!p1 $0xAAAAAAAB, s16  }
0x113: {  	[sflag:s3] =	ssyncset.done $0x0  }
0x114: {  	s1 =	smul.u32 $0xFFFFA000, s1;
	[sflag:s3] =	ssyncadd.s32 $0xFFFFF800;
	s15 =	sshrl.u32 @!p1 s15, $0x1  }
0x115: {  	_ =	swait.ge [sflag:s3], $0x800;
	s15 =	smul.u32 @!p1 $0x3, s15  }
0x116: {  	s1 =	sshra.s32 s1, $0x2;
	[sflag:s3] =	ssyncset.done $0x0  }
0x117: {  	[sflag:s3] =	ssyncadd.s32 $0xFFFFF800;
	s3 =	ssub.s32 @!p1 s16, s15;
	s15 =	sshll.u32 @!p1 s16, $0x11  }
0x118: {  	s21 =	simm.s32 @!p1 $0x80;
	s22 =	simm.s32 @!p1 $0x100;
	s15 =	sor.u32 @!p1 s13, s15  }
0x119: {  	v17 =	vmov s1;
	s18 =	sshll.u32 @!p1 s3, $0xB;
	s0 =	rddreg [dreg:$0x0];
	s15 =	sshrl.u32 @!p1 s15, $0x3  }
0x11a: {  	s3 =	sadd.s32 @!p1 $0x1, s3;
	s19 =	sor.u32 @!p1 $0x18700, s18;
	s1 =	sadd.s32 @!p1 s0, s15  }
0x11b: {  	[tilespmem:s19], [sflag:s3] =	stream.strided.gather @!p1 [hbm4b:s1+s21], $0x800, s22, s21, $0x38;
	[tilespmem:$0x1FB00] =	vst v63  }
0x11c: {  	s15 =	sadd.s32 @!p1 s15, s11;
	s1 =	sadd.s32 @!p1 $0x19F00, s18  }
0x11d: {  	[tilespmem:s1], [sflag:s3] =	stream.strided.gather @!p1 [hbm4b:s15+s21], $0x800, s22, s21, $0x38;
	[tilespmem:$0x1FB00] =	vst v63  }
0x11e: {  	v20 =	vld.idx.msk [tilespmem:v17+s5+$0x0 ss:$0x1], $0xffff  }
0x11f: {  	v12 =	vld.idx.msk [tilespmem:v17+s20+$0x0 ss:$0x1], $0xffff  }
0x120: {  	v13 =	vld.idx.msk [tilespmem:v17+s20+$0xFFFFFFF0 ss:$0x1], $0xffff  }
0x121: {  	v14 =	vld.idx.msk [tilespmem:v17+s20+$0xFFFFFFE0 ss:$0x1], $0xffff  }
0x122: {  	v15 =	vld.idx.msk [tilespmem:v17+s20+$0xFFFFFFD0 ss:$0x1], $0xffff  }
0x123: {  	v16 =	vld.idx.msk [tilespmem:v17+s20+$0xFFFFFFC0 ss:$0x1], $0xffff  }
0x124: {  	v11 =	vld.idx.msk [tilespmem:v17+s20+$0xFFFFFFB0 ss:$0x1], $0xffff  }
0x125: {  	v9 =	vld.idx.msk [tilespmem:v17+s20+$0xFFFFFFA0 ss:$0x1], $0xffff  }
0x126: {  	v10 =	vld.idx.msk [tilespmem:v17+s20+$0xFFFFFF90 ss:$0x1], $0xffff  }
0x127: {  	v21 =	vld.idx.msk [tilespmem:v17+s20+$0xFFFFFF10 ss:$0x1], $0xffff  }
0x128: {  	v4 =	vld.idx.msk [tilespmem:v17+s20+$0xFFFFFF20 ss:$0x1], $0xffff  }
0x129: {  	v5 =	vld.idx.msk [tilespmem:v17+s20+$0xFFFFFF30 ss:$0x1], $0xffff  }
0x12a: {  	v6 =	vld.idx.msk [tilespmem:v17+s20+$0xFFFFFF40 ss:$0x1], $0xffff  }
0x12b: {  	v7 =	vld.idx.msk [tilespmem:v17+s20+$0xFFFFFF50 ss:$0x1], $0xffff  }
0x12c: {  	v8 =	vld.idx.msk [tilespmem:v17+s20+$0xFFFFFF60 ss:$0x1], $0xffff  }
0x12d: {  	v18 =	vld.idx.msk [tilespmem:v17+s20+$0xFFFFFF70 ss:$0x1], $0xffff  }
0x12e: {  	v19 =	vld.idx.msk [tilespmem:v17+s20+$0xFFFFFF80 ss:$0x1], $0xffff  }
0x12f: {  	v22 =	vld.idx.msk [tilespmem:v21+s7+$0x0], $0xffff  }
0x130: {  	v23 =	vld.idx.msk [tilespmem:v4+s7+$0x0], $0xffff  }
0x131: {  	v24 =	vld.idx.msk [tilespmem:v5+s7+$0x0], $0xffff  }
0x132: {  	v25 =	vld.idx.msk [tilespmem:v6+s7+$0x0], $0xffff  }
0x133: {  	v26 =	vld.idx.msk [tilespmem:v7+s7+$0x0], $0xffff  }
0x134: {  	v27 =	vld.idx.msk [tilespmem:v8+s7+$0x0], $0xffff  }
0x135: {  	v28 =	vld.idx.msk [tilespmem:v18+s7+$0x0], $0xffff;
	vm8 =	vgt.s32 v22, $0x0  }
0x136: {  	v29 =	vld.idx.msk [tilespmem:v19+s7+$0x0], $0xffff;
	vm0 =	vgt.s32 v23, $0x0;
	v22 =	vmpcnt.ones.xlane vm8  }
0x137: {  	v30 =	vld.idx.msk [tilespmem:v10+s7+$0x0], $0xffff;
	vm1 =	vgt.s32 v24, $0x0;
	v23 =	vmpcnt.ones.xlane vm0  }
0x138: {  	v31 =	vld.idx.msk [tilespmem:v9+s7+$0x0], $0xffff;
	vm2 =	vgt.s32 v25, $0x0;
	v24 =	vmpcnt.ones.xlane vm1;
	[tilespmem:s17+$0x1B700] =	vst.msk vm8, v20;
	(v2sf) =	vpush v22, $0x0  }
0x139: {  	vm3 =	vgt.s32 v26, $0x0;
	v25 =	vmpcnt.ones.xlane vm2;
	[tilespmem:s17+$0x1BF80] =	vst.msk vm8, v21;
	v21 =	vld.idx.msk [tilespmem:v12+s7+$0x0], $0xffff;
	(v2sf) =	vpush v23, $0x0  }
0x13a: {  	vm4 =	vgt.s32 v27, $0x0;
	v26 =	vmpcnt.ones.xlane vm3;
	v22 =	vld.idx.msk [tilespmem:v11+s7+$0x0], $0xffff;
	(v2sf) =	vpush v24, $0x0  }
0x13b: {  	vm5 =	vgt.s32 v28, $0x0;
	v28 =	vmpcnt.ones.xlane vm4;
	v23 =	vld.idx.msk [tilespmem:v16+s7+$0x0], $0xffff;
	(v2sf) =	vpush v25, $0x0  }
0x13c: {  	vm6 =	vgt.s32 v29, $0x0;
	v29 =	vmpcnt.ones.xlane vm5;
	v24 =	vld.idx.msk [tilespmem:v15+s7+$0x0], $0xffff;
	(v2sf) =	vpush v26, $0x0  }
0x13d: {  	s18 =	simm.s32 $0x0;
	vm7 =	vgt.s32 v30, $0x0;
	v27 =	vmpcnt.ones.xlane vm6;
	v25 =	vld.idx.msk [tilespmem:v14+s7+$0x0], $0xffff;
	(v2sf) =	vpush v28, $0x0  }
0x13e: {  	s19 =	sadd.s32 $0x100, s5;
	s3 =	smov.u32 s5;
	s15 =	smov.u32 s20;
	vm8 =	vgt.s32 v31, $0x0;
	v26 =	vld.idx.msk [tilespmem:v13+s7+$0x0], $0xffff;
	v28 =	vmpcnt.ones.xlane vm7;
	(v2sf) =	vpush v29, $0x0  }
.LBB2_5:
0x13f: {  	v20 =	vld.idx.msk [tilespmem:v17+s19+$0x0 ss:$0x1], $0xffff;
	v29 =	vmpcnt.ones.xlane vm8;
	vm9 =	vgt.s32 v22, $0x0;
	(v2sf) =	vpush v27, $0x0  }
0x140: {  	vm10 =	vgt.s32 v23, $0x0;
	v22 =	vld.idx.msk [tilespmem:v17+s3+$0x10 ss:$0x1], $0xffff;
	v27 =	vmpcnt.ones.xlane vm9;
	(v2sf) =	vpush v28, $0x0  }
0x141: {  	v28 =	vmpcnt.ones.xlane vm10;
	vm11 =	vgt.s32 v24, $0x0;
	v23 =	vld.idx.msk [tilespmem:v17+s3+$0x20 ss:$0x1], $0xffff;
	(v2sf) =	vpush v29, $0x0  }
0x142: {  	v29 =	vmpcnt.ones.xlane vm11;
	vm12 =	vgt.s32 v25, $0x0;
	v24 =	vld.idx.msk [tilespmem:v17+s3+$0x30 ss:$0x1], $0xffff;
	(v2sf) =	vpush v27, $0x0  }
0x143: {  	v27 =	vmpcnt.ones.xlane vm12;
	vm13 =	vgt.s32 v26, $0x0;
	v25 =	vld.idx.msk [tilespmem:v17+s3+$0x40 ss:$0x1], $0xffff;
	(v2sf) =	vpush v28, $0x0  }
0x144: {  	v28 =	vmpcnt.ones.xlane vm13;
	vm14 =	vgt.s32 v21, $0x0;
	v26 =	vld.idx.msk [tilespmem:v17+s3+$0x50 ss:$0x1], $0xffff;
	(v2sf) =	vpush v29, $0x0  }
0x145: {  	v29 =	vmpcnt.ones.xlane vm14;
	v21 =	vld.idx.msk [tilespmem:v17+s3+$0x60 ss:$0x1], $0xffff;
	(v2sf) =	vpush v27, $0x0  }
0x146: {  	v27 =	vld.idx.msk [tilespmem:v17+s3+$0x70 ss:$0x1], $0xffff;
	(v2sf) =	vpush v28, $0x0  }
0x147: {  	v28 =	vld.idx.msk [tilespmem:v17+s3+$0x80 ss:$0x1], $0xffff;
	s1 =	spop (v2sf);
	(v2sf) =	vpush v29, $0x0  }
0x148: {  	s21 =	sadd.s32 s17, s1;
	v29 =	vld.idx.msk [tilespmem:v17+s3+$0x90 ss:$0x1], $0xffff;
	s1 =	spop (v2sf)  }
0x149: {  	[tilespmem:s21+$0x1B700] =	vst.msk vm0, v22;
	s22 =	sadd.s32 s21, s1;
	v22 =	vld.idx.msk [tilespmem:v17+s3+$0xA0 ss:$0x1], $0xffff;
	s1 =	spop (v2sf)  }
0x14a: {  	[tilespmem:s22+$0x1B700] =	vst.msk vm1, v23;
	s23 =	sadd.s32 s22, s1;
	v23 =	vld.idx.msk [tilespmem:v17+s3+$0xB0 ss:$0x1], $0xffff;
	s1 =	spop (v2sf)  }
0x14b: {  	[tilespmem:s23+$0x1B700] =	vst.msk vm2, v24;
	s24 =	sadd.s32 s23, s1;
	v24 =	vld.idx.msk [tilespmem:v17+s3+$0xC0 ss:$0x1], $0xffff;
	s1 =	spop (v2sf)  }
0x14c: {  	[tilespmem:s24+$0x1B700] =	vst.msk vm3, v25;
	s25 =	sadd.s32 s24, s1;
	v25 =	vld.idx.msk [tilespmem:v17+s3+$0xD0 ss:$0x1], $0xffff;
	s1 =	spop (v2sf)  }
0x14d: {  	[tilespmem:s25+$0x1B700] =	vst.msk vm4, v26;
	s26 =	sadd.s32 s25, s1;
	v26 =	vld.idx.msk [tilespmem:v17+s3+$0xE0 ss:$0x1], $0xffff;
	s1 =	spop (v2sf)  }
0x14e: {  	s15 =	sadd.s32 $0x100, s15;
	[tilespmem:s26+$0x1B700] =	vst.msk vm5, v21;
	s28 =	sadd.s32 s26, s1;
	v21 =	vld.idx.msk [tilespmem:v17+s3+$0xF0 ss:$0x1], $0xffff;
	s1 =	spop (v2sf)  }
0x14f: {  	s3 =	smov.u32 s19;
	v30 =	vld.idx.msk [tilespmem:v17+s15+$0x0 ss:$0x1], $0xffff;
	[tilespmem:s28+$0x1B700] =	vst.msk vm6, v27;
	s30 =	sadd.s32 s28, s1;
	s1 =	spop (v2sf)  }
0x150: {  	v27 =	vld.idx.msk [tilespmem:v17+s15+$0xFFFFFFF0 ss:$0x1], $0xffff;
	[tilespmem:s30+$0x1B700] =	vst.msk vm7, v28;
	s1 =	sadd.s32 s30, s1;
	s17 =	spop (v2sf)  }
0x151: {  	v28 =	vld.idx.msk [tilespmem:v17+s15+$0xFFFFFFE0 ss:$0x1], $0xffff;
	[tilespmem:s1+$0x1B700] =	vst.msk vm8, v29;
	s29 =	sadd.s32 s1, s17;
	s17 =	spop (v2sf)  }
0x152: {  	v29 =	vld.idx.msk [tilespmem:v17+s15+$0xFFFFFFD0 ss:$0x1], $0xffff;
	[tilespmem:s29+$0x1B700] =	vst.msk vm9, v22;
	s8 =	sadd.s32 s29, s17;
	s17 =	spop (v2sf)  }
0x153: {  	v22 =	vld.idx.msk [tilespmem:v17+s15+$0xFFFFFFC0 ss:$0x1], $0xffff;
	[tilespmem:s8+$0x1B700] =	vst.msk vm10, v23;
	s10 =	sadd.s32 s8, s17;
	s17 =	spop (v2sf)  }
0x154: {  	v23 =	vld.idx.msk [tilespmem:v17+s15+$0xFFFFFFB0 ss:$0x1], $0xffff;
	[tilespmem:s10+$0x1B700] =	vst.msk vm11, v24;
	s12 =	sadd.s32 s10, s17;
	s17 =	spop (v2sf)  }
0x155: {  	v24 =	vld.idx.msk [tilespmem:v17+s15+$0xFFFFFFA0 ss:$0x1], $0xffff;
	[tilespmem:s12+$0x1B700] =	vst.msk vm12, v25;
	s0 =	sadd.s32 s12, s17;
	s17 =	spop (v2sf)  }
0x156: {  	v25 =	vld.idx.msk [tilespmem:v17+s15+$0xFFFFFF90 ss:$0x1], $0xffff;
	[tilespmem:s0+$0x1B700] =	vst.msk vm13, v26;
	s31 =	sadd.s32 s0, s17;
	s17 =	spop (v2sf)  }
0x157: {  	s18 =	sadd.s32 $0x10, s18;
	v26 =	vld.idx.msk [tilespmem:v17+s15+$0xFFFFFF10 ss:$0x1], $0xffff;
	[tilespmem:s31+$0x1B700] =	vst.msk vm14, v21;
	s17 =	sadd.s32 s31, s17  }
0x158: {  	p1 =	slt.u32 s18, $0x70;
	v21 =	vld.idx.msk [tilespmem:v17+s15+$0xFFFFFF20 ss:$0x1], $0xffff;
	[tilespmem:s31+$0x1BF80] =	vst.msk vm14, v12;
	v12 =	vmov v30  }
0x159: {  	v30 =	vld.idx.msk [tilespmem:v17+s15+$0xFFFFFF30 ss:$0x1], $0xffff;
	[tilespmem:s0+$0x1BF80] =	vst.msk vm13, v13;
	v13 =	vmov v27  }
0x15a: {  	v27 =	vld.idx.msk [tilespmem:v17+s15+$0xFFFFFF40 ss:$0x1], $0xffff;
	[tilespmem:s12+$0x1BF80] =	vst.msk vm12, v14;
	v14 =	vmov v28  }
0x15b: {  	v28 =	vld.idx.msk [tilespmem:v17+s15+$0xFFFFFF50 ss:$0x1], $0xffff;
	[tilespmem:s10+$0x1BF80] =	vst.msk vm11, v15;
	v15 =	vmov v29  }
0x15c: {  	v29 =	vld.idx.msk [tilespmem:v17+s15+$0xFFFFFF60 ss:$0x1], $0xffff;
	[tilespmem:s8+$0x1BF80] =	vst.msk vm10, v16;
	v16 =	vmov v22  }
0x15d: {  	v22 =	vld.idx.msk [tilespmem:v17+s15+$0xFFFFFF70 ss:$0x1], $0xffff;
	[tilespmem:s29+$0x1BF80] =	vst.msk vm9, v11;
	v11 =	vmov v23  }
0x15e: {  	v23 =	vld.idx.msk [tilespmem:v17+s15+$0xFFFFFF80 ss:$0x1], $0xffff;
	[tilespmem:s1+$0x1BF80] =	vst.msk vm8, v9;
	v9 =	vmov v24  }
0x15f: {  	v24 =	vld.idx.msk [tilespmem:v26+s7+$0x0], $0xffff;
	[tilespmem:s30+$0x1BF80] =	vst.msk vm7, v10;
	v10 =	vmov v25  }
0x160: {  	v25 =	vld.idx.msk [tilespmem:v21+s7+$0x0], $0xffff;
	[tilespmem:s28+$0x1BF80] =	vst.msk vm6, v19  }
0x161: {  	v31 =	vld.idx.msk [tilespmem:v30+s7+$0x0], $0xffff;
	[tilespmem:s26+$0x1BF80] =	vst.msk vm5, v18  }
0x162: {  	v32 =	vld.idx.msk [tilespmem:v27+s7+$0x0], $0xffff;
	[tilespmem:s25+$0x1BF80] =	vst.msk vm4, v8;
	v8 =	vmov v29  }
0x163: {  	v18 =	vmov v22;
	v33 =	vld.idx.msk [tilespmem:v28+s7+$0x0], $0xffff;
	[tilespmem:s24+$0x1BF80] =	vst.msk vm3, v7;
	v7 =	vmov v28  }
0x164: {  	v19 =	vmov v23;
	v28 =	vld.idx.msk [tilespmem:v29+s7+$0x0], $0xffff;
	[tilespmem:s23+$0x1BF80] =	vst.msk vm2, v6;
	v6 =	vmov v27  }
0x165: {  	vm2 =	vgt.s32 v24, $0x0;
	v24 =	vld.idx.msk [tilespmem:v22+s7+$0x0], $0xffff;
	[tilespmem:s22+$0x1BF80] =	vst.msk vm1, v5;
	v5 =	vmov v30  }
0x166: {  	v22 =	vmpcnt.ones.xlane vm2;
	v27 =	vld.idx.msk [tilespmem:v23+s7+$0x0], $0xffff;
	[tilespmem:s21+$0x1BF80] =	vst.msk vm0, v4;
	vm0 =	vgt.s32 v25, $0x0;
	v4 =	vmov v21  }
0x167: {  	vm1 =	vgt.s32 v31, $0x0;
	[tilespmem:s17+$0x1B700] =	vst.msk vm2, v20;
	v20 =	vmpcnt.ones.xlane vm0;
	v21 =	vld.idx.msk [tilespmem:v10+s7+$0x0], $0xffff  }
0x168: {  	v25 =	vmpcnt.ones.xlane vm1;
	[tilespmem:s17+$0x1BF80] =	vst.msk vm2, v26;
	vm2 =	vgt.s32 v32, $0x0;
	v29 =	vld.idx.msk [tilespmem:v9+s7+$0x0], $0xffff;
	(v2sf) =	vpush v22, $0x0  }
0x169: {  	vm3 =	vgt.s32 v33, $0x0;
	v26 =	vmpcnt.ones.xlane vm2;
	v22 =	vld.idx.msk [tilespmem:v11+s7+$0x0], $0xffff;
	(v2sf) =	vpush v20, $0x0  }
.Ltmp5:
0x16a: {  	v20 =	vmpcnt.ones.xlane vm3;
	vm4 =	vgt.s32 v28, $0x0;
	v23 =	vld.idx.msk [tilespmem:v16+s7+$0x0], $0xffff;
	(v2sf) =	vpush v25, $0x0;
	(pc) =	sbr.rel @p1 .LBB2_5-.Ltmp5, $4  }
0x16b: {  	v28 =	vmpcnt.ones.xlane vm4;
	vm5 =	vgt.s32 v24, $0x0;
	v24 =	vld.idx.msk [tilespmem:v15+s7+$0x0], $0xffff;
	(v2sf) =	vpush v26, $0x0  }
0x16c: {  	v30 =	vmpcnt.ones.xlane vm5;
	vm6 =	vgt.s32 v27, $0x0;
	v25 =	vld.idx.msk [tilespmem:v14+s7+$0x0], $0xffff;
	(v2sf) =	vpush v20, $0x0  }
0x16d: {  	v27 =	vmpcnt.ones.xlane vm6;
	vm7 =	vgt.s32 v21, $0x0;
	v26 =	vld.idx.msk [tilespmem:v13+s7+$0x0], $0xffff;
	(v2sf) =	vpush v28, $0x0  }
0x16e: {  	s19 =	sadd.s32 $0x100, s19;
	v28 =	vmpcnt.ones.xlane vm7;
	vm8 =	vgt.s32 v29, $0x0;
	v21 =	vld.idx.msk [tilespmem:v12+s7+$0x0], $0xffff;
	(v2sf) =	vpush v30, $0x0  }
0x16f: {  	_ =	sdelay $0x2  }
0x170: {  	v20 =	vmpcnt.ones.xlane vm8;
	vm9 =	vgt.s32 v22, $0x0;
	(v2sf) =	vpush v27, $0x0  }
0x171: {  	vm10 =	vgt.s32 v23, $0x0;
	v22 =	vmpcnt.ones.xlane vm9;
	(v2sf) =	vpush v28, $0x0  }
0x172: {  	v48 =	vld.idx.msk [tilespmem:v17+s3+$0x10 ss:$0x1], $0xffff;
	v23 =	vmpcnt.ones.xlane vm10;
	vm11 =	vgt.s32 v24, $0x0;
	(v2sf) =	vpush v20, $0x0  }
0x173: {  	v50 =	vld.idx.msk [tilespmem:v17+s3+$0x20 ss:$0x1], $0xffff;
	v46 =	vmpcnt.ones.xlane vm11;
	vm12 =	vgt.s32 v25, $0x0;
	(v2sf) =	vpush v22, $0x0  }
0x174: {  	v47 =	vmpcnt.ones.xlane vm12;
	vm13 =	vgt.s32 v26, $0x0;
	(v2sf) =	vpush v23, $0x0  }
0x175: {  	v51 =	vld.idx.msk [tilespmem:v17+s3+$0x30 ss:$0x1], $0xffff;
	v49 =	vmpcnt.ones.xlane vm13;
	vm14 =	vgt.s32 v21, $0x0;
	(v2sf) =	vpush v46, $0x0;
	s0 =	spop (v2sf)  }
0x176: {  	v21 =	vmpcnt.ones.xlane vm14;
	(v2sf) =	vpush v47, $0x0;
	s18 =	sadd.s32 s17, s0;
	s26 =	spop (v2sf)  }
0x177: {  	v52 =	vld.idx.msk [tilespmem:v17+s3+$0x40 ss:$0x1], $0xffff;
	(v2sf) =	vpush v49, $0x0;
	[tilespmem:s18+$0x1B700] =	vst.msk vm0, v48;
	s19 =	sadd.s32 s18, s26  }
0x178: {  	(v2sf) =	vpush v21, $0x0;
	s28 =	spop (v2sf);
	[tilespmem:s19+$0x1B700] =	vst.msk vm1, v50  }
0x179: {  	v53 =	vld.idx.msk [tilespmem:v17+s3+$0x50 ss:$0x1], $0xffff;
	s17 =	sadd.s32 s19, s28;
	[tilespmem:s18+$0x1BF80] =	vst.msk vm0, v4  }
0x17a: {  	s29 =	spop (v2sf);
	[tilespmem:s17+$0x1B700] =	vst.msk vm2, v51  }
0x17b: {  	v54 =	vld.idx.msk [tilespmem:v17+s3+$0x60 ss:$0x1], $0xffff;
	s15 =	sadd.s32 s17, s29;
	[tilespmem:s19+$0x1BF80] =	vst.msk vm1, v5  }
0x17c: {  	s30 =	spop (v2sf);
	[tilespmem:s15+$0x1B700] =	vst.msk vm3, v52  }
0x17d: {  	v55 =	vld.idx.msk [tilespmem:v17+s3+$0x70 ss:$0x1], $0xffff;
	s0 =	sadd.s32 s15, s30;
	s1 =	spop (v2sf);
	[tilespmem:s17+$0x1BF80] =	vst.msk vm2, v6  }
0x17e: {  	[tilespmem:s0+$0x1B700] =	vst.msk vm4, v53;
	s1 =	sadd.s32 s0, s1;
	s8 =	spop (v2sf)  }
0x17f: {  	v56 =	vld.idx.msk [tilespmem:v17+s3+$0x80 ss:$0x1], $0xffff;
	[tilespmem:s15+$0x1BF80] =	vst.msk vm3, v7;
	s8 =	sadd.s32 s1, s8;
	s10 =	spop (v2sf)  }
0x180: {  	[tilespmem:s1+$0x1B700] =	vst.msk vm5, v54;
	s10 =	sadd.s32 s8, s10;
	s12 =	spop (v2sf)  }
0x181: {  	v57 =	vld.idx.msk [tilespmem:v17+s3+$0x90 ss:$0x1], $0xffff;
	[tilespmem:s0+$0x1BF80] =	vst.msk vm4, v8;
	s12 =	sadd.s32 s10, s12;
	s21 =	spop (v2sf)  }
0x182: {  	[tilespmem:s8+$0x1B700] =	vst.msk vm6, v55;
	s21 =	sadd.s32 s12, s21;
	s22 =	spop (v2sf)  }
0x183: {  	v58 =	vld.idx.msk [tilespmem:v17+s3+$0xA0 ss:$0x1], $0xffff;
	[tilespmem:s1+$0x1BF80] =	vst.msk vm5, v18;
	s31 =	sadd.s32 s21, s22;
	s25 =	spop (v2sf)  }
0x184: {  	v59 =	vld.idx.msk [tilespmem:v17+s3+$0xB0 ss:$0x1], $0xffff;
	[tilespmem:s10+$0x1B700] =	vst.msk vm7, v56;
	s22 =	sadd.s32 s31, s25;
	s23 =	spop (v2sf)  }
0x185: {  	v60 =	vld.idx.msk [tilespmem:v17+s3+$0xC0 ss:$0x1], $0xffff;
	[tilespmem:s8+$0x1BF80] =	vst.msk vm6, v19;
	s23 =	sadd.s32 s22, s23;
	s24 =	spop (v2sf)  }
0x186: {  	v61 =	vld.idx.msk [tilespmem:v17+s3+$0xD0 ss:$0x1], $0xffff;
	[tilespmem:s12+$0x1B700] =	vst.msk vm8, v57;
	s24 =	sadd.s32 s23, s24;
	s25 =	spop (v2sf)  }
0x187: {  	v62 =	vld.idx.msk [tilespmem:v17+s3+$0xE0 ss:$0x1], $0xffff;
	[tilespmem:s10+$0x1BF80] =	vst.msk vm7, v10;
	s25 =	sadd.s32 s24, s25;
	s26 =	spop (v2sf)  }
0x188: {  	v63 =	vld.idx.msk [tilespmem:v17+s3+$0xF0 ss:$0x1], $0xffff;
	[tilespmem:s21+$0x1B700] =	vst.msk vm9, v58;
	s3 =	sadd.s32 s25, s26  }
0x189: {  	[tilespmem:s12+$0x1BF80] =	vst.msk vm8, v9;
	s28 =	sand.u32 $0x7F, s3  }
0x18a: {  	[tilespmem:s31+$0x1B700] =	vst.msk vm10, v59;
	s29 =	sshra.s32 s3, $0x1F;
	p1 =	slt.s32 s3, $0x1;
	p2 =	sne.s32 s28, $0x0  }
0x18b: {  	[tilespmem:s21+$0x1BF80] =	vst.msk vm9, v11;
	s30 =	sshrl.u32 s29, $0x19;
	p1 =	por !p1, !p2  }
0x18c: {  	s1 =	simm.s32 $0x1;
	[tilespmem:s31+$0x1BF80] =	vst.msk vm10, v16;
	s31 =	sadd.s32 s30, s3;
	p1 =	por !p1, !p1  }
0x18d: {  	[tilespmem:s22+$0x1B700] =	vst.msk vm11, v60;
	s15 =	sshra.s32 s31, $0x7;
	s1 =	simm.s32 @!p1 $0x0  }
0x18e: {  	[tilespmem:s23+$0x1B700] =	vst.msk vm12, v61;
	s17 =	ssub.s32 s15, s1  }
0x18f: {  	[tilespmem:s22+$0x1BF80] =	vst.msk vm11, v15;
	p2 =	slt.s32 s17, $0x1  }
.Ltmp6:
0x190: {  	[tilespmem:s24+$0x1B700] =	vst.msk vm13, v62;
	(pc) =	sbr.rel @p2 .LBB2_35-.Ltmp6, $4  }
0x191: {  	[tilespmem:s23+$0x1BF80] =	vst.msk vm12, v14  }
0x192: {  	[tilespmem:s25+$0x1B700] =	vst.msk vm14, v63  }
0x193: {  	[tilespmem:s24+$0x1BF80] =	vst.msk vm13, v13  }
0x194: {  	[tilespmem:s25+$0x1BF80] =	vst.msk vm14, v12  }
.Ltmp7:
0x195: {  	s0 =	sshll.u32 s14, $0x2;
	(pc) =	sbr.rel .LBB2_8-.Ltmp7, $4  }
0x196: {  	s18 =	simm.s32 $0xFFFFFFFF;
	s1 =	sshll.u32 s14, $0x9;
	s21 =	sadd.s32 $0xFFFFFFFA, s14  }
0x197: {  	s25 =	simm.s32 $0x0;
	s26 =	smov.u32 s17;
	s0 =	sshra.s32 s0, $0x2  }
0x198: {  	s18 =	simm.s32 @!p1 $0x0;
	s31 =	sshra.s32 s1, $0x2;
	s19 =	sadd.s32 $0xFFFFFFFE, s0  }
0x199: {  	s22 =	sadd.s32 $0xA, s0;
	s23 =	sadd.s32 $0x1D500, s31;
	s24 =	sadd.s32 $0x1CD00, s31  }
.LBB2_9:
0x19a: {  	s0 =	sadd.s32 $0x10, s28  }
0x19b: {  	_ =	swait.ge [sflag:s0], $0x80  }
0x19c: {  	[sflag:s0] =	ssyncset.done $0x0  }
0x19d: {  	[sflag:s0] =	ssyncadd.s32 $0xFFFFFF80  }
.LBB2_11:
0x19e: {  	s0 =	smulhi.u32 $0xAAAAAAAB, s21;
	_ =	sdelay $0x1  }
0x19f: {  	s0 =	sshrl.u32 s0, $0x3  }
0x1a0: {  	s1 =	smul.u32 $0xFFFFFFD0, s0  }
0x1a1: {  	s0 =	smul.u32 $0xFFFFE800, s0  }
0x1a2: {  	s1 =	sshra.s32 s1, $0x2  }
0x1a3: {  	s0 =	sshra.s32 s0, $0x2;
	s8 =	sadd.s32 s1, s19  }
0x1a4: {  	s31 =	sshra.s32 s25, $0x2;
	s10 =	sadd.s32 s0, s23;
	_ =	swait.ge [sflag:s8], $0x80  }
0x1a5: {  	s0 =	sadd.s32 s0, s24;
	s1 =	sadd.s32 s1, s22;
	[sflag:s8] =	ssyncset.done $0x0  }
0x1a6: {  	s10 =	sadd.s32 s31, s10;
	s0 =	sadd.s32 s31, s0;
	[sflag:s8] =	ssyncadd.s32 $0xFFFFFF80  }
0x1a7: {  	[spmem:s6] =	stream.indirect.scatter.add.f32 [tilespmem:s10], [sflag:s1], $0x1, s0, s4, $0xb8;
	[tilespmem:$0x1FB00] =	vst v63  }
.LBB2_12:
0x1a8: {  	s0 =	sshra.s32 s25, $0x2  }
0x1a9: {  	v4 =	vld [tilespmem:s0+$0x1B700];
	_ =	sdelay $0x3  }
0x1aa: {  	s1 =	sshll.u32 s28, $0x7  }
0x1ab: {  	[tilespmem:s1+$0x1C800] =	vst v4  }
0x1ac: {  	v4 =	vld [tilespmem:s0+$0x1BF80];
	_ =	sdelay $0x4  }
0x1ad: {  	[tilespmem:s1+$0x1D000] =	vst v4  }
0x1ae: {  	v4 =	vld [tilespmem:s0+$0x1B710];
	_ =	sdelay $0x4  }
0x1af: {  	[tilespmem:s1+$0x1C810] =	vst v4  }
0x1b0: {  	v4 =	vld [tilespmem:s0+$0x1BF90];
	_ =	sdelay $0x4  }
0x1b1: {  	[tilespmem:s1+$0x1D010] =	vst v4  }
0x1b2: {  	v4 =	vld [tilespmem:s0+$0x1B720];
	_ =	sdelay $0x4  }
0x1b3: {  	[tilespmem:s1+$0x1C820] =	vst v4  }
0x1b4: {  	v4 =	vld [tilespmem:s0+$0x1BFA0];
	_ =	sdelay $0x4  }
0x1b5: {  	[tilespmem:s1+$0x1D020] =	vst v4  }
0x1b6: {  	v4 =	vld [tilespmem:s0+$0x1B730];
	_ =	sdelay $0x4  }
0x1b7: {  	[tilespmem:s1+$0x1C830] =	vst v4  }
0x1b8: {  	v4 =	vld [tilespmem:s0+$0x1BFB0];
	_ =	sdelay $0x4  }
0x1b9: {  	[tilespmem:s1+$0x1D030] =	vst v4  }
0x1ba: {  	v4 =	vld [tilespmem:s0+$0x1B740];
	_ =	sdelay $0x4  }
0x1bb: {  	[tilespmem:s1+$0x1C840] =	vst v4  }
0x1bc: {  	v4 =	vld [tilespmem:s0+$0x1BFC0];
	_ =	sdelay $0x4  }
0x1bd: {  	[tilespmem:s1+$0x1D040] =	vst v4  }
0x1be: {  	v4 =	vld [tilespmem:s0+$0x1B750];
	_ =	sdelay $0x4  }
0x1bf: {  	[tilespmem:s1+$0x1C850] =	vst v4  }
0x1c0: {  	v4 =	vld [tilespmem:s0+$0x1BFD0];
	_ =	sdelay $0x4  }
0x1c1: {  	[tilespmem:s1+$0x1D050] =	vst v4  }
0x1c2: {  	v4 =	vld [tilespmem:s0+$0x1B760];
	_ =	sdelay $0x4  }
0x1c3: {  	[tilespmem:s1+$0x1C860] =	vst v4  }
0x1c4: {  	v4 =	vld [tilespmem:s0+$0x1BFE0];
	_ =	sdelay $0x4  }
0x1c5: {  	[tilespmem:s1+$0x1D060] =	vst v4  }
0x1c6: {  	v4 =	vld [tilespmem:s0+$0x1B770];
	_ =	sdelay $0x4  }
0x1c7: {  	[tilespmem:s1+$0x1C870] =	vst v4  }
0x1c8: {  	s26 =	sadd.s32 $0xFFFFFFFF, s26;
	v4 =	vld [tilespmem:s0+$0x1BFF0]  }
0x1c9: {  	p1 =	sne.s32 s26, $0x0  }
.Ltmp8:
0x1ca: {  	_ = 	snop;
	(pc) =	sbr.rel @!p1 .LBB2_13-.Ltmp8, $4  }
0x1cb: {  	s8 =	sadd.s32 $0x4, s28;
	s14 =	sadd.s32 $0x1, s14  }
0x1cc: {  	s19 =	sadd.s32 $0x1, s19;
	s21 =	sadd.s32 $0x1, s21;
	s22 =	sadd.s32 $0x1, s22  }
0x1cd: {  	s25 =	sadd.s32 $0x200, s25;
	s31 =	sadd.s32 $0x1C800, s1;
	[tilespmem:s1+$0x1D070] =	vst v4;
	s1 =	sadd.s32 $0x1D800, s1  }
0x1ce: {  	[tilespmem:s1], [sflag:s8] =	stream.indirect.gather [hbm4b:s2+s4], $0x1, s31, s4, $0xb8;
	[tilespmem:$0x1FB00] =	vst v63  }
.LBB2_8:
0x1cf: {  	s0 =	smulhi.u32 $0x2AAAAAAB, s14;
	s1 =	sshra.s32 s14, $0x1F  }
0x1d0: {  	s1 =	smul.u32 $0x2AAAAAAB, s1;
	_ =	sdelay $0x1  }
0x1d1: {  	p1 =	slt.s32 s14, $0xC;
	s0 =	sadd.s32 s1, s0  }
.Ltmp9:
0x1d2: {  	s1 =	sshrl.u32 s0, $0x1F;
	s0 =	sshrl.u32 s0, $0x1;
	(pc) =	sbr.rel @!p1 .LBB2_9-.Ltmp9, $3  }
0x1d3: {  	s0 =	sadd.s32 s1, s0  }
0x1d4: {  	s0 =	smul.u32 $0xC, s0;
	_ =	sdelay $0x1  }
0x1d5: {  	s28 =	ssub.s32 s14, s0  }
0x1d6: {  	p1 =	slt.s32 s14, $0x6  }
.Ltmp10:
0x1d7: {  	_ = 	snop;
	(pc) =	sbr.rel @p1 .LBB2_12-.Ltmp10, $4  }
.Ltmp11:
0x1d8: {  	_ = 	snop;
	(pc) =	sbr.rel @!p1 .LBB2_11-.Ltmp11, $4  }
0x1d9: {  	_ = 	snop  }
0x1da: {  	_ = 	snop  }
0x1db: {  	_ = 	snop  }
0x1dc: {  	_ = 	snop  }
.LBB2_13:
0x1dd: {  	s0 =	sshll.u32 s17, $0x7  }
0x1de: {  	s17 =	ssub.s32 s3, s0  }
0x1df: {  	s0 =	sadd.s32 $0xF, s17  }
0x1e0: {  	s1 =	sand.u32 $0xF, s0  }
0x1e1: {  	s31 =	sshra.s32 s0, $0x1F;
	p2 =	slt.s32 s0, $0x1;
	p1 =	sne.s32 s1, $0x0  }
0x1e2: {  	s1 =	sshrl.u32 s31, $0x1C;
	p1 =	por !p2, !p1  }
0x1e3: {  	s0 =	sadd.s32 s1, s0;
	s1 =	simm.s32 $0x1;
	p1 =	por !p1, !p1  }
0x1e4: {  	s0 =	sshra.s32 s0, $0x4;
	s1 =	simm.s32 @!p1 $0x0  }
0x1e5: {  	s19 =	ssub.s32 s0, s1  }
0x1e6: {  	p1 =	slt.s32 s19, $0x1  }
.Ltmp12:
0x1e7: {  	_ = 	snop;
	(pc) =	sbr.rel @p1 .LBB2_20-.Ltmp12, $1  }
0x1e8: {  	_ =	sdelay $0x3  }
0x1e9: {  	p2 =	sne.s32 s19, $0x1  }
.Ltmp13:
0x1ea: {  	_ = 	snop;
	(pc) =	sbr.rel @!p2 .LBB2_15-.Ltmp13, $4  }
0x1eb: {  	_ = 	snop  }
0x1ec: {  	s0 =	sshll.u32 s15, $0x7;
	s1 =	sshll.u32 s18, $0x7;
	s15 =	simm.s32 $0x1B700  }
0x1ed: {  	s3 =	simm.s32 $0x1BF80;
	s19 =	sadd.s32 $0xFFFFFFFF, s19;
	s18 =	sadd.s32 s1, s0  }
0x1ee: {  	p1 =	por $0x0, $0x0;
	s1 =	simm.s32 $0x0;
	s23 =	sadd.s32 $0x0, s18  }
0x1ef: {  	s0 =	sand.u32 $0xFFFFFF80, s23;
	s1 =	sand.u32 $0x70, s1  }
0x1f0: {  	s0 =	sor.u32 s1, s0  }
0x1f1: {  	v4 =	vld [tilespmem:s0+$0x1B700];
	_ =	sdelay $0x3  }
0x1f2: {  	p2 =	sne.s32 s19, $0x1  }
.Ltmp14:
0x1f3: {  	[tilespmem:s15+$0x0] =	vst v4;
	(pc) =	sbr.rel @!p2 .LBB2_17-.Ltmp14, $3  }
0x1f4: {  	v4 =	vld [tilespmem:s0+$0x1BF80];
	_ =	sdelay $0x1  }
0x1f5: {  	s23 =	sadd.s32 $0x10, s18;
	s22 =	sadd.s32 $0xFFFFFFFF, s19;
	p1 =	por $0x1, $0x1  }
0x1f6: {  	s19 =	simm.s32 $0x1BF80;
	s21 =	simm.s32 $0x1B700;
	s1 =	simm.s32 $0x10  }
.LBB2_18:
0x1f7: {  	p2 =	sne.s32 s22, $0x1;
	s0 =	sand.u32 $0xFFFFFF80, s23;
	s8 =	sand.u32 $0x70, s1  }
0x1f8: {  	s0 =	sor.u32 s8, s0;
	[tilespmem:s19+$0x0] =	vst v4  }
0x1f9: {  	v4 =	vld [tilespmem:s0+$0x1B700];
	_ =	sdelay $0x3  }
0x1fa: {  	s21 =	sadd.s32 $0x10, s21  }
.Ltmp15:
0x1fb: {  	[tilespmem:s21+$0x0] =	vst v4;
	(pc) =	sbr.rel @p2 .LBB2_18-.Ltmp15, $3  }
0x1fc: {  	v4 =	vld [tilespmem:s0+$0x1BF80];
	_ =	sdelay $0x1  }
0x1fd: {  	s1 =	sadd.s32 $0x10, s1  }
0x1fe: {  	s22 =	sadd.s32 $0xFFFFFFFF, s22;
	s23 =	sadd.s32 s1, s18;
	s19 =	sadd.s32 $0x10, s19  }
.LBB2_19:
0x1ff: {  	s0 =	sand.u32 $0xFFFFFF80, s23;
	s1 =	sand.u32 $0x70, s1  }
0x200: {  	s0 =	sor.u32 s1, s0;
	[tilespmem:s19+$0x0] =	vst @p1 v4  }
0x201: {  	v4 =	vld [tilespmem:s0+$0x1B700];
	_ =	sdelay $0x2  }
0x202: {  	s1 =	sadd.s32 @p1 $0x10, s21  }
0x203: {  	s15 =	smov.u32 @p1 s1  }
0x204: {  	[tilespmem:s15+$0x0] =	vst v4  }
0x205: {  	v4 =	vld [tilespmem:s0+$0x1BF80]  }
.Ltmp16:
0x206: {  	_ = 	snop;
	(pc) =	sbr.rel .LBB2_20-.Ltmp16, $4  }
0x207: {  	_ = 	snop  }
0x208: {  	s0 =	sadd.s32 @p1 $0x10, s19  }
0x209: {  	s3 =	smov.u32 @p1 s0  }
0x20a: {  	[tilespmem:s3+$0x0] =	vst v4  }
.LBB2_15:
.Ltmp17:
0x20b: {  	(pc) =	sbr.rel .LBB2_19-.Ltmp17, $2  }
0x20c: {  	_ =	sdelay $0x2  }
0x20d: {  	s19 =	simm.s32 $0x1BF80;
	s21 =	simm.s32 $0x1B700  }
.LBB2_17:
.Ltmp18:
0x20e: {  	(pc) =	sbr.rel .LBB2_19-.Ltmp18, $2  }
0x20f: {  	_ =	sdelay $0x2  }
0x210: {  	s19 =	simm.s32 $0x1BF80;
	s21 =	simm.s32 $0x1B700  }
.LBB2_21:
0x211: {  	s0 =	sshra.s32 s17, $0x1F  }
0x212: {  	s0 =	sshrl.u32 s0, $0x1C  }
0x213: {  	s0 =	sadd.s32 s0, s17  }
0x214: {  	s0 =	sand.u32 $0xFFFFFFF0, s0  }
0x215: {  	[tilespmem:s0+$0x1B710] =	vst v2  }
0x216: {  	[tilespmem:s0+$0x1BF90] =	vst v3  }
0x217: {  	[tilespmem:s0+$0x1B720] =	vst v2  }
0x218: {  	[tilespmem:s0+$0x1BFA0] =	vst v3  }
0x219: {  	[tilespmem:s0+$0x1B730] =	vst v2  }
0x21a: {  	[tilespmem:s0+$0x1BFB0] =	vst v3  }
0x21b: {  	[tilespmem:s0+$0x1B740] =	vst v2  }
0x21c: {  	[tilespmem:s0+$0x1BFC0] =	vst v3  }
0x21d: {  	[tilespmem:s0+$0x1B750] =	vst v2  }
0x21e: {  	[tilespmem:s0+$0x1BFD0] =	vst v3  }
0x21f: {  	v4 =	vld [tilespmem:s0+$0x1B700];
	[tilespmem:s0+$0x1B760] =	vst v2  }
0x220: {  	v5 =	vld [tilespmem:s0+$0x1BF80];
	[tilespmem:s0+$0x1BFE0] =	vst v3  }
0x221: {  	p1 =	slt.s32 s17, $0x1;
	s1 =	ssub.s32 s17, s0;
	[tilespmem:s0+$0x1B770] =	vst v2  }
.Ltmp19:
0x222: {  	[tilespmem:s0+$0x1BFF0] =	vst v3;
	v6 =	vmov s1;
	(pc) =	sbr.rel @p1 .LBB2_22-.Ltmp19, $4  }
0x223: {  	[tilespmem:s0+$0x1B780] =	vst v2;
	vm0 =	vgt.s32 v6, v1  }
0x224: {  	[tilespmem:s0+$0x1C000] =	vst v3;
	v4 =	vnsel vm0, $0x0, v4  }
0x225: {  	[tilespmem:s0+$0x1B700] =	vst v4;
	v4 =	vnsel vm0, $0x186A0, v5  }
0x226: {  	[tilespmem:s0+$0x1BF80] =	vst v4  }
0x227: {  	s0 =	smulhi.u32 $0x2AAAAAAB, s14;
	s1 =	sshra.s32 s14, $0x1F  }
0x228: {  	s1 =	smul.u32 $0x2AAAAAAB, s1;
	_ =	sdelay $0x1  }
0x229: {  	p1 =	slt.s32 s14, $0xC;
	s0 =	sadd.s32 s1, s0  }
.Ltmp20:
0x22a: {  	s1 =	sshrl.u32 s0, $0x1F;
	s0 =	sshrl.u32 s0, $0x1;
	(pc) =	sbr.rel @p1 .LBB2_25-.Ltmp20, $3  }
0x22b: {  	s0 =	sadd.s32 s1, s0  }
0x22c: {  	s0 =	smul.u32 $0xC, s0;
	_ =	sdelay $0x1  }
0x22d: {  	s12 =	simm.s32 $0x1C;
	s3 =	ssub.s32 s14, s0  }
.Ltmp21:
0x22e: {  	(pc) =	sbr.rel .LBB2_26-.Ltmp21, $4  }
0x22f: {  	s0 =	sadd.s32 $0x10, s3  }
0x230: {  	_ =	swait.ge [sflag:s0], $0x80  }
0x231: {  	[sflag:s0] =	ssyncset.done $0x0  }
0x232: {  	[sflag:s0] =	ssyncadd.s32 $0xFFFFFF80  }
.LBB2_22:
.Ltmp22:
0x233: {  	(pc) =	sbr.rel .LBB2_28-.Ltmp22, $2  }
0x234: {  	_ =	sdelay $0x2  }
0x235: {  	s12 =	simm.s32 $0x1C  }
.LBB2_25:
0x236: {  	p1 =	slt.s32 s14, $0x6  }
.Ltmp23:
0x237: {  	_ = 	snop;
	(pc) =	sbr.rel @p1 .LBB2_27-.Ltmp23, $1  }
0x238: {  	_ =	sdelay $0x3  }
.LBB2_26:
0x239: {  	s0 =	sadd.s32 $0xFFFFFFFA, s14  }
0x23a: {  	s1 =	smulhi.u32 $0xAAAAAAAB, s0;
	_ =	sdelay $0x1  }
0x23b: {  	s1 =	sshrl.u32 s1, $0x3  }
0x23c: {  	s1 =	smul.u32 $0xC, s1;
	_ =	sdelay $0x1  }
0x23d: {  	s0 =	ssub.s32 s0, s1  }
0x23e: {  	s1 =	sadd.s32 $0x4, s0  }
0x23f: {  	_ =	swait.ge [sflag:s1], $0x80  }
0x240: {  	s31 =	sshll.u32 s0, $0x7;
	s0 =	sor.u32 $0x10, s0;
	[sflag:s1] =	ssyncset.done $0x0  }
0x241: {  	s5 =	sor.u32 $0x1D800, s31;
	[sflag:s1] =	ssyncadd.s32 $0xFFFFFF80;
	s1 =	sor.u32 $0x1D000, s31  }
0x242: {  	[spmem:s6] =	stream.indirect.scatter.add.f32 [tilespmem:s5], [sflag:s0], $0x1, s1, s4, $0xb8;
	[tilespmem:$0x1FB00] =	vst v63  }
.LBB2_27:
0x243: {  	v4 =	vld [tilespmem:$0x1B700];
	_ =	sdelay $0x3  }
0x244: {  	s0 =	sshll.u32 s3, $0x7  }
0x245: {  	[tilespmem:s0+$0x1C800] =	vst v4  }
0x246: {  	v4 =	vld [tilespmem:$0x1BF80];
	_ =	sdelay $0x4  }
0x247: {  	[tilespmem:s0+$0x1D000] =	vst v4  }
0x248: {  	v4 =	vld [tilespmem:$0x1B710];
	_ =	sdelay $0x4  }
0x249: {  	[tilespmem:s0+$0x1C810] =	vst v4  }
0x24a: {  	v4 =	vld [tilespmem:$0x1BF90];
	_ =	sdelay $0x4  }
0x24b: {  	[tilespmem:s0+$0x1D010] =	vst v4  }
0x24c: {  	v4 =	vld [tilespmem:$0x1B720];
	_ =	sdelay $0x4  }
0x24d: {  	[tilespmem:s0+$0x1C820] =	vst v4  }
0x24e: {  	v4 =	vld [tilespmem:$0x1BFA0];
	_ =	sdelay $0x4  }
0x24f: {  	[tilespmem:s0+$0x1D020] =	vst v4  }
0x250: {  	v4 =	vld [tilespmem:$0x1B730];
	_ =	sdelay $0x4  }
0x251: {  	[tilespmem:s0+$0x1C830] =	vst v4  }
0x252: {  	v4 =	vld [tilespmem:$0x1BFB0];
	_ =	sdelay $0x4  }
0x253: {  	[tilespmem:s0+$0x1D030] =	vst v4  }
0x254: {  	v4 =	vld [tilespmem:$0x1B740];
	_ =	sdelay $0x4  }
0x255: {  	[tilespmem:s0+$0x1C840] =	vst v4  }
0x256: {  	v4 =	vld [tilespmem:$0x1BFC0];
	_ =	sdelay $0x4  }
0x257: {  	[tilespmem:s0+$0x1D040] =	vst v4  }
0x258: {  	v4 =	vld [tilespmem:$0x1B750];
	_ =	sdelay $0x4  }
0x259: {  	[tilespmem:s0+$0x1C850] =	vst v4  }
0x25a: {  	v4 =	vld [tilespmem:$0x1BFD0];
	_ =	sdelay $0x4  }
0x25b: {  	[tilespmem:s0+$0x1D050] =	vst v4  }
0x25c: {  	v4 =	vld [tilespmem:$0x1B760];
	_ =	sdelay $0x4  }
0x25d: {  	[tilespmem:s0+$0x1C860] =	vst v4  }
0x25e: {  	v4 =	vld [tilespmem:$0x1BFE0];
	_ =	sdelay $0x4  }
0x25f: {  	[tilespmem:s0+$0x1D060] =	vst v4  }
0x260: {  	v4 =	vld [tilespmem:$0x1B770];
	_ =	sdelay $0x4  }
0x261: {  	[tilespmem:s0+$0x1C870] =	vst v4  }
0x262: {  	v4 =	vld [tilespmem:$0x1BFF0];
	_ =	sdelay $0x3  }
0x263: {  	s31 =	sadd.s32 $0x4, s3  }
0x264: {  	s14 =	sadd.s32 $0x1, s14;
	s1 =	sadd.s32 $0x1C800, s0;
	[tilespmem:s0+$0x1D070] =	vst v4;
	s0 =	sadd.s32 $0x1D800, s0  }
0x265: {  	[tilespmem:s0], [sflag:s31] =	stream.indirect.gather [hbm4b:s2+s4], $0x1, s1, s4, $0xb8;
	[tilespmem:$0x1FB00] =	vst v63  }
.LBB2_28:
0x266: {  	p2 =	slt.s32 s14, $0x6  }
0x267: {  	s0 =	sadd.s32 @!p2 $0xFFFFFFFA, s14  }
0x268: {  	s1 =	smulhi.u32 @!p2 $0xAAAAAAAB, s0;
	_ =	sdelay $0x1  }
0x269: {  	s1 =	sshrl.u32 @!p2 s1, $0x3  }
0x26a: {  	s26 =	sadd.s32 $0x1, s14;
	s1 =	smul.u32 @!p2 $0xC, s1  }
0x26b: {  	p1 =	slt.s32 s26, $0x6  }
0x26c: {  	s0 =	ssub.s32 @!p2 s0, s1;
	s1 =	sadd.s32 @!p1 $0xFFFFFFFB, s14  }
0x26d: {  	s3 =	sadd.s32 @!p2 $0x4, s0;
	s5 =	smulhi.u32 @!p1 $0xAAAAAAAB, s1  }
0x26e: {  	_ =	swait.ge @!p2 [sflag:s3], $0x80  }
0x26f: {  	s10 =	simm.s32 @!p2 $0x80;
	[sflag:s3] =	ssyncset.done @!p2 $0x0;
	s5 =	sshrl.u32 @!p1 s5, $0x3  }
0x270: {  	[sflag:s3] =	ssyncadd.s32 @!p2 $0xFFFFFF80;
	s3 =	sshll.u32 @!p2 s0, $0x7;
	s0 =	sor.u32 @!p2 $0x10, s0  }
0x271: {  	s5 =	smul.u32 @!p1 $0xC, s5;
	s8 =	sor.u32 @!p2 $0x1D800, s3;
	s3 =	sor.u32 @!p2 $0x1D000, s3  }
0x272: {  	[spmem:s6] =	stream.indirect.scatter.add.f32 @!p2 [tilespmem:s8], [sflag:s0], $0x1, s3, s10, $0xb8;
	[tilespmem:$0x1FB00] =	vst v63  }
0x273: {  	s28 =	sadd.s32 $0x2, s14;
	s0 =	ssub.s32 @!p1 s1, s5  }
0x274: {  	p2 =	slt.s32 s28, $0x6;
	s3 =	sadd.s32 @!p1 $0x4, s0  }
0x275: {  	s1 =	sadd.s32 @!p2 $0xFFFFFFFC, s14;
	_ =	swait.ge @!p1 [sflag:s3], $0x80  }
0x276: {  	s5 =	smulhi.u32 @!p2 $0xAAAAAAAB, s1;
	[sflag:s3] =	ssyncset.done @!p1 $0x0  }
0x277: {  	s29 =	sadd.s32 $0x3, s14;
	s10 =	simm.s32 @!p1 $0x80;
	[sflag:s3] =	ssyncadd.s32 @!p1 $0xFFFFFF80  }
0x278: {  	s3 =	sshll.u32 @!p1 s0, $0x7;
	s5 =	sshrl.u32 @!p2 s5, $0x3;
	s0 =	sor.u32 @!p1 $0x10, s0  }
0x279: {  	s8 =	sor.u32 @!p1 $0x1D800, s3;
	s3 =	sor.u32 @!p1 $0x1D000, s3;
	s5 =	smul.u32 @!p2 $0xC, s5  }
0x27a: {  	[spmem:s6] =	stream.indirect.scatter.add.f32 @!p1 [tilespmem:s8], [sflag:s0], $0x1, s3, s10, $0xb8;
	[tilespmem:$0x1FB00] =	vst v63  }
0x27b: {  	p1 =	slt.s32 s29, $0x6  }
0x27c: {  	s0 =	ssub.s32 @!p2 s1, s5;
	s1 =	sadd.s32 @!p1 $0xFFFFFFFD, s14  }
0x27d: {  	s3 =	sadd.s32 @!p2 $0x4, s0;
	s5 =	smulhi.u32 @!p1 $0xAAAAAAAB, s1  }
0x27e: {  	_ =	swait.ge @!p2 [sflag:s3], $0x80  }
0x27f: {  	s10 =	simm.s32 @!p2 $0x80;
	[sflag:s3] =	ssyncset.done @!p2 $0x0;
	s5 =	sshrl.u32 @!p1 s5, $0x3  }
0x280: {  	[sflag:s3] =	ssyncadd.s32 @!p2 $0xFFFFFF80;
	s3 =	sshll.u32 @!p2 s0, $0x7;
	s0 =	sor.u32 @!p2 $0x10, s0  }
0x281: {  	s5 =	smul.u32 @!p1 $0xC, s5;
	s8 =	sor.u32 @!p2 $0x1D800, s3;
	s3 =	sor.u32 @!p2 $0x1D000, s3  }
0x282: {  	[spmem:s6] =	stream.indirect.scatter.add.f32 @!p2 [tilespmem:s8], [sflag:s0], $0x1, s3, s10, $0xb8;
	[tilespmem:$0x1FB00] =	vst v63  }
0x283: {  	s30 =	sadd.s32 $0x4, s14;
	s0 =	ssub.s32 @!p1 s1, s5  }
0x284: {  	p2 =	slt.s32 s30, $0x6;
	s3 =	sadd.s32 @!p1 $0x4, s0  }
0x285: {  	s1 =	sadd.s32 @!p2 $0xFFFFFFFE, s14;
	_ =	swait.ge @!p1 [sflag:s3], $0x80  }
0x286: {  	s5 =	smulhi.u32 @!p2 $0xAAAAAAAB, s1;
	[sflag:s3] =	ssyncset.done @!p1 $0x0  }
0x287: {  	s31 =	sadd.s32 $0x5, s14;
	s10 =	simm.s32 @!p1 $0x80;
	[sflag:s3] =	ssyncadd.s32 @!p1 $0xFFFFFF80  }
0x288: {  	s3 =	sshll.u32 @!p1 s0, $0x7;
	s5 =	sshrl.u32 @!p2 s5, $0x3;
	s0 =	sor.u32 @!p1 $0x10, s0  }
0x289: {  	s8 =	sor.u32 @!p1 $0x1D800, s3;
	s3 =	sor.u32 @!p1 $0x1D000, s3;
	s5 =	smul.u32 @!p2 $0xC, s5  }
0x28a: {  	[spmem:s6] =	stream.indirect.scatter.add.f32 @!p1 [tilespmem:s8], [sflag:s0], $0x1, s3, s10, $0xb8;
	[tilespmem:$0x1FB00] =	vst v63  }
0x28b: {  	p1 =	slt.s32 s31, $0x6;
	s0 =	ssub.s32 @!p2 s1, s5  }
.Ltmp24:
0x28c: {  	s1 =	sadd.s32 @!p2 $0x4, s0;
	(pc) =	sbr.rel @p1 .LBB2_30-.Ltmp24, $4  }
0x28d: {  	s5 =	simm.s32 @!p2 $0x80;
	_ =	swait.ge @!p2 [sflag:s1], $0x80  }
0x28e: {  	s3 =	sshll.u32 @!p2 s0, $0x7;
	s0 =	sor.u32 @!p2 $0x10, s0;
	[sflag:s1] =	ssyncset.done @!p2 $0x0  }
0x28f: {  	[sflag:s1] =	ssyncadd.s32 @!p2 $0xFFFFFF80;
	s1 =	sor.u32 @!p2 $0x1D800, s3;
	s3 =	sor.u32 @!p2 $0x1D000, s3  }
0x290: {  	[spmem:s6] =	stream.indirect.scatter.add.f32 @!p2 [tilespmem:s1], [sflag:s0], $0x1, s3, s5, $0xb8;
	[tilespmem:$0x1FB00] =	vst v63  }
0x291: {  	s0 =	sadd.s32 $0xFFFFFFFF, s14  }
0x292: {  	s1 =	smulhi.u32 $0xAAAAAAAB, s0;
	_ =	sdelay $0x1  }
0x293: {  	s1 =	sshrl.u32 s1, $0x3  }
0x294: {  	s1 =	smul.u32 $0xC, s1;
	_ =	sdelay $0x1  }
0x295: {  	s0 =	ssub.s32 s0, s1  }
.Ltmp25:
0x296: {  	s1 =	sadd.s32 $0x4, s0;
	(pc) =	sbr.rel .LBB2_31-.Ltmp25, $4  }
0x297: {  	s31 =	sshll.u32 s0, $0x7;
	_ =	swait.ge [sflag:s1], $0x80  }
0x298: {  	s0 =	sor.u32 $0x10, s0;
	s3 =	sor.u32 $0x1D800, s31;
	[sflag:s1] =	ssyncset.done $0x0  }
0x299: {  	s19 =	rddreg [dreg:$0x1a];
	[sflag:s1] =	ssyncadd.s32 $0xFFFFFF80;
	s1 =	sor.u32 $0x1D000, s31  }
0x29a: {  	[spmem:s6] =	stream.indirect.scatter.add.f32 [tilespmem:s3], [sflag:s0], $0x1, s1, s4, $0xb8;
	[tilespmem:$0x1FB00] =	vst v63  }
.LBB2_30:
0x29b: {  	p1 =	slt.s32 s14, $0x1  }
.Ltmp26:
0x29c: {  	_ = 	snop;
	(pc) =	sbr.rel @p1 .LBB2_33-.Ltmp26, $2  }
0x29d: {  	_ =	sdelay $0x2  }
0x29e: {  	s19 =	rddreg [dreg:$0x1a]  }
.LBB2_31:
0x29f: {  	s0 =	simm.s32 $0x10  }
0x2a0: {  	_ =	swait.ge [sflag:s0], $0x80  }
0x2a1: {  	p1 =	slt.u32 s14, $0x2;
	[sflag:s0] =	ssyncset.done $0x0  }
0x2a2: {  	[sflag:s0] =	ssyncadd.s32 $0xFFFFFF80;
	s0 =	simm.s32 @!p1 $0x11  }
0x2a3: {  	p2 =	seq.s32 @!p1 s14, $0x2;
	_ =	swait.ge @!p1 [sflag:s0], $0x80  }
0x2a4: {  	p2 =	por p1, p2;
	[sflag:s0] =	ssyncset.done @!p1 $0x0  }
0x2a5: {  	[sflag:s0] =	ssyncadd.s32 @!p1 $0xFFFFFF80;
	s0 =	simm.s32 @!p2 $0x12  }
0x2a6: {  	p1 =	slt.u32 @!p2 s14, $0x4;
	_ =	swait.ge @!p2 [sflag:s0], $0x80  }
0x2a7: {  	p1 =	por p2, p1;
	[sflag:s0] =	ssyncset.done @!p2 $0x0  }
0x2a8: {  	[sflag:s0] =	ssyncadd.s32 @!p2 $0xFFFFFF80;
	s0 =	simm.s32 @!p1 $0x13  }
0x2a9: {  	p2 =	seq.s32 @!p1 s14, $0x4;
	_ =	swait.ge @!p1 [sflag:s0], $0x80  }
0x2aa: {  	p2 =	por p1, p2;
	[sflag:s0] =	ssyncset.done @!p1 $0x0  }
0x2ab: {  	[sflag:s0] =	ssyncadd.s32 @!p1 $0xFFFFFF80;
	s0 =	simm.s32 @!p2 $0x14  }
0x2ac: {  	p1 =	slt.s32 @!p2 s14, $0x6;
	_ =	swait.ge @!p2 [sflag:s0], $0x80  }
0x2ad: {  	p1 =	por p2, p1;
	[sflag:s0] =	ssyncset.done @!p2 $0x0  }
0x2ae: {  	[sflag:s0] =	ssyncadd.s32 @!p2 $0xFFFFFF80;
	p2 =	seq.s32 @!p1 s14, $0x6  }
0x2af: {  	p2 =	por p1, p2  }
.Ltmp27:
0x2b0: {  	_ = 	snop;
	(pc) =	sbr.rel @p2 .LBB2_33-.Ltmp27, $4  }
0x2b1: {  	s0 =	simm.s32 @!p1 $0x15  }
0x2b2: {  	_ =	swait.ge @!p1 [sflag:s0], $0x80  }
0x2b3: {  	[sflag:s0] =	ssyncset.done @!p1 $0x0  }
0x2b4: {  	[sflag:s0] =	ssyncadd.s32 @!p1 $0xFFFFFF80  }
0x2b5: {  	p1 =	slt.u32 s14, $0x8  }
0x2b6: {  	s0 =	simm.s32 $0x16;
	p4 =	seq.s32 @!p1 s14, $0x8  }
0x2b7: {  	_ =	swait.ge [sflag:s0], $0x80;
	p3 =	por p4, p1  }
0x2b8: {  	[sflag:s0] =	ssyncset.done $0x0;
	p2 =	slt.u32 @!p3 s14, $0xA  }
0x2b9: {  	[sflag:s0] =	ssyncadd.s32 $0xFFFFFF80;
	s1 =	simm.s32 @!p2 $0x0  }
0x2ba: {  	s0 =	simm.s32 @!p1 $0x17;
	p5 =	por @!p1 p2, p4;
	s1 =	simm.s32 @p2 $0x1  }
0x2bb: {  	p5 =	por p5, p1;
	[smem:$0x7FC] =	sst s1;
	s1 =	simm.s32 @!p4 $0x0  }
0x2bc: {  	p6 =	seq.s32 @!p5 s14, $0xA;
	_ =	swait.ge @!p1 [sflag:s0], $0x80;
	s1 =	simm.s32 @p4 $0x1  }
0x2bd: {  	[smem:$0x7FD] =	sst s1;
	s1 =	simm.s32 @!p6 $0x0  }
0x2be: {  	[sflag:s0] =	ssyncset.done @!p1 $0x0;
	s1 =	simm.s32 @p6 $0x1  }
0x2bf: {  	[sflag:s0] =	ssyncadd.s32 @!p1 $0xFFFFFF80;
	s0 =	simm.s32 @!p3 $0x18;
	[smem:$0x7FB] =	sst s1  }
0x2c0: {  	_ =	swait.ge @!p3 [sflag:s0], $0x80  }
0x2c1: {  	[sflag:s0] =	ssyncset.done @!p3 $0x0  }
0x2c2: {  	p2 =	por @!p3 p6, p2;
	[sflag:s0] =	ssyncadd.s32 @!p3 $0xFFFFFF80;
	s0 =	simm.s32 @!p5 $0x19  }
0x2c3: {  	p2 =	por @!p1 p2, p4;
	_ =	swait.ge @!p5 [sflag:s0], $0x80  }
0x2c4: {  	p2 =	por p2, p1;
	[sflag:s0] =	ssyncset.done @!p5 $0x0  }
0x2c5: {  	s29 =	sld [smem:$0x7FB];
	[sflag:s0] =	ssyncadd.s32 @!p5 $0xFFFFFF80;
	s0 =	simm.s32 @!p2 $0x1A  }
0x2c6: {  	s30 =	sld [smem:$0x7FC];
	_ =	swait.ge @!p2 [sflag:s0], $0x80  }
0x2c7: {  	s31 =	sld [smem:$0x7FD]  }
0x2c8: {  	p6 =	slt.u32 @!p2 s14, $0xC;
	p4 =	seq.s32 s29, $0x1  }
0x2c9: {  	p6 =	por @!p5 p6, p4;
	p5 =	seq.s32 s30, $0x1  }
0x2ca: {  	p3 =	por @!p3 p6, p5;
	p4 =	seq.s32 s31, $0x1  }
0x2cb: {  	p3 =	por @!p1 p3, p4  }
.Ltmp28:
0x2cc: {  	[sflag:s0] =	ssyncset.done @!p2 $0x0;
	p1 =	por p3, p1;
	(pc) =	sbr.rel .LBB2_33-.Ltmp28, $4  }
0x2cd: {  	[sflag:s0] =	ssyncadd.s32 @!p2 $0xFFFFFF80;
	s0 =	simm.s32 @!p1 $0x1B  }
0x2ce: {  	_ =	swait.ge @!p1 [sflag:s0], $0x80  }
0x2cf: {  	[sflag:s0] =	ssyncset.done @!p1 $0x0  }
0x2d0: {  	[sflag:s0] =	ssyncadd.s32 @!p1 $0xFFFFFF80  }
.LBB2_34:
0x2d1: {  	_ =	sfence.sel $0x180000  }
0x2d2: {  	[bflag:$0x0] =	sbarrier.arrive $0xFFFF  }
0x2d3: {  	_ =	strace $0x90000047  }
0x2d4: {  	s0 =	stileid.u32;
	[bflag:$0x2] =	sbarrier.arrive $0xFFFF  }
0x2d5: {  	p0 =	sne.s32 s0, $0x0;
	s0 =	rddreg [dreg:$0x6]  }
0x2d6: {  	s0 =	sadd.s32 @!p0 $0x100000, s0  }
0x2d7: {  	[sflag:s0] =	ssyncadd.tile.s32 @!p0 $0x1;
	_ =	shalt  }
.Lfunc_end2:
_tile_overlayer_lowered:
.L_overlay_start_2:
0x2d8: {  	(tag) =	ssettag $0x2  }
0x2d9: {  	s0 =	rddreg [dreg:$0x0];
	s2 =	stileid.u32  }
0x2da: {  	s1 =	rddreg [dreg:$0x1];
	p0 =	sne.s32 s2, $0x0  }
0x2db: {  	s3 =	rddreg [dreg:$0x2];
	[bflag:$0x3] =	sbarrier.arrive $0xFFFF;
	s2 =	simm.s32 @!p0 $0x1C1C  }
0x2dc: {  	[timem:s3], [sflag:s2] =	dma.local @!p0 [hbm:s0], s1  }
0x2dd: {  	s0 =	simm.s32 @!p0 $0x1C  }
0x2de: {  	_ =	swait.ge @!p0 [sflag:s0], s1  }
0x2df: {  	s1 =	ssub.s32 @!p0 $0x0, s1;
	[sflag:s0] =	ssyncset.done @!p0 $0x0  }
0x2e0: {  	[sflag:s0] =	ssyncadd.s32 @!p0 s1  }
0x2e1: {  	[bflag:$0x3] =	sbarrier.arrive $0xFFFF  }
0x2e2: {  	_ =	shalt  }

</sc_bundles>
